<compile_context>
chip_gen: v7x
topology: tpu7x:2x2x1
jax: 0.10.2.dev20260603
libtpu: 0.0.44.dev20260713+nightly
codegen_flags: <defaults>
</compile_context>

<pallas_src>
import functools
import math

import jax
import jax.numpy as jnp
from jax import lax
from jax.experimental import pallas as pl
from jax.experimental.pallas import tpu as pltpu
from jax.experimental.pallas import tpu_sc as plsc

_N = 10000
_E = 160000
_F = 128
_HID = 128
_GF = 16
_NC = 10
_B = 64
_K = 4
_BN_INV = 1.0 / math.sqrt(1.0 + 1e-5)
_GN_EPS = 1e-5

_R = 256
_NPAD = 10240
_NBLK = _NPAD // _R
_BE = 2000
_BN = 1000
_INF = jnp.inf


def _onehot(batf, n):
    io = lax.broadcasted_iota(jnp.int32, (n, 128), 1).astype(jnp.float32)
    return jnp.where(batf == io, 1.0, 0.0)


def _bounds_body(batf_ref, lo_ref, hi_ref):
    batf = batf_ref[...]
    oh = _onehot(batf, _NPAD)
    ones_col = jnp.ones((_NPAD, 1), jnp.float32)
    cnt_col = lax.dot_general(oh, ones_col, (((0,), (0,)), ((), ())))
    li = lax.broadcasted_iota(jnp.int32, (128, 128), 0)
    lj = lax.broadcasted_iota(jnp.int32, (128, 128), 1)
    lower = jnp.where(li < lj, 1.0, 0.0)
    starts_col = lax.dot_general(lower, cnt_col, (((0,), (0,)), ((), ())))
    ends_col = starts_col + cnt_col
    rio = lax.broadcasted_iota(jnp.int32, (_NBLK, _NPAD), 1)
    bio = lax.broadcasted_iota(jnp.int32, (_NBLK, _NPAD), 0)
    sel_first = jnp.where(rio == bio * _R, 1.0, 0.0)
    sel_last = jnp.where(rio == bio * _R + (_R - 1), 1.0, 0.0)
    b_first = lax.dot_general(sel_first, batf, (((1,), (0,)), ((), ())))
    b_last = lax.dot_general(sel_last, batf, (((1,), (0,)), ((), ())))
    oh_f = _onehot(b_first, _NBLK)
    oh_l = _onehot(b_last, _NBLK)
    lo = lax.dot_general(oh_f, starts_col, (((1,), (0,)), ((), ())))
    hi = lax.dot_general(oh_l, ends_col, (((1,), (0,)), ((), ())))
    lo_ref[...] = lo.astype(jnp.int32)
    hi_ref[...] = hi.astype(jnp.int32)


def _block_bounds(batf_pad):
    return pl.pallas_call(
        _bounds_body,
        out_shape=[jax.ShapeDtypeStruct((_NBLK, 1), jnp.int32),
                   jax.ShapeDtypeStruct((_NBLK, 1), jnp.int32)],
    )(batf_pad)


def _gn_math(t, batf, w, b, ms):
    oh = _onehot(batf, _N)
    ones_col = jnp.ones((_N, 1), jnp.float32)
    cnt_col = lax.dot_general(oh, ones_col, (((0,), (0,)), ((), ())))
    cnt_col = jnp.maximum(cnt_col, 1.0)
    seg_sum = lax.dot_general(oh, t, (((0,), (0,)), ((), ())))
    mean = seg_sum / cnt_col
    mean_b = jnp.dot(oh, mean)
    out = t - mean_b * ms
    var_sum = lax.dot_general(oh, out * out, (((0,), (0,)), ((), ())))
    std = jnp.sqrt(var_sum / cnt_col + _GN_EPS)
    std_b = jnp.dot(oh, std)
    return w * out / std_b + b


def _gn_plain_body(t_ref, batf_ref, w_ref, b_ref, ms_ref, o_ref):
    o_ref[...] = _gn_math(t_ref[...], batf_ref[...], w_ref[...], b_ref[...],
                          ms_ref[...])


def _gn_plain(t, batf, p):
    return pl.pallas_call(
        _gn_plain_body,
        out_shape=jax.ShapeDtypeStruct((_N, _HID), jnp.float32),
    )(t, batf, p['w'].reshape(1, -1), p['b'].reshape(1, -1),
      p['ms'].reshape(1, -1))


def _gn_conv_body(agg_ref, xp_ref, wst_ref, bs_ref, batf_ref, w_ref, b_ref,
                  ms_ref, o_ref):
    agg = agg_ref[...]
    agg = jnp.where(agg == -_INF, 0.0, agg)
    short = (jnp.dot(xp_ref[...], wst_ref[...]) + bs_ref[...]) * _BN_INV
    o_ref[...] = _gn_math(agg + short, batf_ref[...], w_ref[...], b_ref[...],
                          ms_ref[...])


def _gn_conv(agg, xprev, cp, batf, gp):
    return pl.pallas_call(
        _gn_conv_body,
        out_shape=jax.ShapeDtypeStruct((_N, _HID), jnp.float32),
    )(agg, xprev, cp['Ws'].T, cp['bs'].reshape(1, -1), batf,
      gp['w'].reshape(1, -1), gp['b'].reshape(1, -1), gp['ms'].reshape(1, -1))


def _gather_rows(table, idx):
    m = idx.shape[0]
    d = table.shape[1]
    w = 128
    mesh = plsc.VectorSubcoreMesh(core_axis_name="core",
                                  subcore_axis_name="subcore")

    @functools.partial(
        pl.kernel,
        out_type=jax.ShapeDtypeStruct((m, d), table.dtype),
        mesh=mesh)
    def k(x_hbm, i_hbm, o_hbm):
        def body(i_vmem, o_vmem):
            pltpu.sync_copy(x_hbm.at[i_vmem.at[0]], o_vmem)

        pltpu.emit_pipeline(
            body,
            grid=(m // w,),
            in_specs=[pl.BlockSpec((1, w), index_map=lambda i: (0, i))],
            out_specs=[pl.BlockSpec((w, d), index_map=lambda i: (i, 0))],
            core_axis_name=('core', 'subcore'),
            dimension_semantics=(pltpu.PARALLEL,),
        )(i_hbm, o_hbm)

    return k(table, idx.reshape(1, m))


def _mlp23(h, w2, b2, w3, b3):
    h = jnp.maximum(jnp.dot(h, w2) + b2, 0.0) * _BN_INV
    h = jnp.maximum(jnp.dot(h, w3) + b3, 0.0) * _BN_INV
    return h


def _pre1_body(x_ref, wa_ref, wb_ref, zab_ref):
    x = x_ref[...]
    zab_ref[0:_N, :] = jnp.dot(x, wa_ref[...])
    zab_ref[_N:2 * _N, :] = jnp.dot(x, wb_ref[...])


def _pre1(x, cp):
    w1 = cp['W1']
    wa = (w1[:, :_F] - w1[:, _F:]).T
    wb = w1[:, _F:].T
    return pl.pallas_call(
        _pre1_body,
        out_shape=jax.ShapeDtypeStruct((2 * _N, _HID), jnp.float32),
    )(x, wa, wb)


def _edge_mlp_body(zi_ref, zj_ref, b1_ref, w2_ref, b2_ref, w3_ref,
                   b3_ref, msg_ref):
    h = jnp.maximum(zi_ref[...] + zj_ref[...] + b1_ref[...], 0.0) * _BN_INV
    msg_ref[...] = _mlp23(h, w2_ref[...], b2_ref[...], w3_ref[...], b3_ref[...])


def _edge_mlp(g, cp):
    nblk = _E // _BE
    return pl.pallas_call(
        _edge_mlp_body,
        grid=(nblk,),
        in_specs=[pl.BlockSpec((_BE, _HID), lambda i: (i, 0)),
                  pl.BlockSpec((_BE, _HID), lambda i: (i + _E // _BE, 0)),
                  pl.BlockSpec((1, _HID), lambda i: (0, 0)),
                  pl.BlockSpec((_HID, _HID), lambda i: (0, 0)),
                  pl.BlockSpec((1, _HID), lambda i: (0, 0)),
                  pl.BlockSpec((_HID, _HID), lambda i: (0, 0)),
                  pl.BlockSpec((1, _HID), lambda i: (0, 0))],
        out_specs=pl.BlockSpec((_BE, _HID), lambda i: (i, 0)),
        out_shape=jax.ShapeDtypeStruct((_E, _HID), jnp.float32),
    )(g, g, cp['b1'].reshape(1, -1), cp['W2'].T,
      cp['b2'].reshape(1, -1), cp['W3'].T, cp['b3'].reshape(1, -1))


def _segmax_body(dst_ref, msg_ref, out_ref):
    i = pl.program_id(0)

    @pl.when(i == 0)
    def _():
        out_ref[...] = jnp.full((_N, _HID), -_INF, jnp.float32)

    def eb(e, carry):
        e0 = 4 * e
        ds = [dst_ref[0, 0, e0 + j] for j in range(4)]
        ms = [msg_ref[pl.ds(e0 + j, 1), :] for j in range(4)]
        rs = [out_ref[pl.ds(ds[j], 1), :] for j in range(4)]
        for k in range(4):
            acc = rs[k]
            for j in range(k):
                acc = jnp.where(ds[j] == ds[k], jnp.maximum(acc, ms[j]), acc)
            out_ref[pl.ds(ds[k], 1), :] = jnp.maximum(acc, ms[k])
        return carry

    lax.fori_loop(0, _BE // 4, eb, 0)


def _segmax(msg, dst3d):
    nblk = _E // _BE
    return pl.pallas_call(
        _segmax_body,
        grid=(nblk,),
        in_specs=[pl.BlockSpec((1, 1, _BE), lambda i: (i, 0, 0),
                               memory_space=pltpu.SMEM),
                  pl.BlockSpec((_BE, _HID), lambda i: (i, 0))],
        out_specs=pl.BlockSpec((_N, _HID), lambda i: (0, 0)),
        out_shape=jax.ShapeDtypeStruct((_N, _HID), jnp.float32),
    )(dst3d, msg)


def _knn_body(lo_ref, hi_ref, xr_ref, batr_ref, xpad_ref, bat2d_ref, nbr_ref):
    i = pl.program_id(0)
    xr = xr_ref[...]
    batr = batr_ref[...]
    rid = i * _R + lax.broadcasted_iota(jnp.int32, (_R, 1), 0)
    sq_r = jnp.sum(xr * xr, axis=1, keepdims=True)
    aug_r = jnp.concatenate([-2.0 * xr, jnp.ones((_R, 1), jnp.float32)], axis=1)

    lo = lo_ref[i, 0]
    hi = hi_ref[i, 0]
    cb0 = lo // _R
    cb1 = (hi + _R - 1) // _R

    colio = lax.broadcasted_iota(jnp.int32, (_R, _R), 1)
    cio8 = lax.broadcasted_iota(jnp.int32, (_R, 2 * _K), 1)

    def chunk(cb, carry):
        td, ti = carry
        c0 = cb * _R
        xc = xpad_ref[pl.ds(c0, _R), :]
        batc = bat2d_ref[pl.ds(cb, 1), :]
        sq_c = jnp.sum(xc * xc, axis=1, keepdims=True)
        aug_c = jnp.concatenate([xc, sq_c], axis=1)
        d = sq_r + lax.dot_general(aug_r, aug_c, (((1,), (1,)), ((), ())))
        d = jnp.where(batr != batc, _INF, d)
        cid = c0 + lax.broadcasted_iota(jnp.int32, (1, _R), 1)
        d = jnp.where(rid == cid, _INF, d)
        nd, ni = [], []
        for _ in range(_K):
            m = jnp.min(d, axis=1, keepdims=True)
            am = jnp.min(jnp.where(d == m, colio, 2 ** 30), axis=1,
                         keepdims=True)
            nd.append(m)
            ni.append(am + c0)
            d = jnp.where(colio == am, _INF, d)
        cd = jnp.concatenate([td] + nd, axis=1)
        ci = jnp.concatenate([ti] + ni, axis=1)
        ntd, nti = [], []
        for _ in range(_K):
            m = jnp.min(cd, axis=1, keepdims=True)
            pos = jnp.min(jnp.where(cd == m, cio8, 2 ** 30), axis=1,
                          keepdims=True)
            idx = jnp.sum(jnp.where(cio8 == pos, ci, 0), axis=1, keepdims=True)
            ntd.append(m)
            nti.append(idx)
            cd = jnp.where(cio8 == pos, _INF, cd)
        return (jnp.concatenate(ntd, axis=1), jnp.concatenate(nti, axis=1))

    td0 = jnp.full((_R, _K), _INF, jnp.float32)
    ti0 = jnp.zeros((_R, _K), jnp.int32)
    _, ti = lax.fori_loop(cb0, cb1, chunk, (td0, ti0))
    nbr_ref[...] = ti


def _knn(xpad, batf_pad, bat2d, lo, hi):
    return pl.pallas_call(
        _knn_body,
        grid=(_NBLK,),
        in_specs=[pl.BlockSpec((_NBLK, 1), lambda i: (0, 0),
                               memory_space=pltpu.SMEM),
                  pl.BlockSpec((_NBLK, 1), lambda i: (0, 0),
                               memory_space=pltpu.SMEM),
                  pl.BlockSpec((_R, _F), lambda i: (i, 0)),
                  pl.BlockSpec((_R, 1), lambda i: (i, 0)),
                  pl.BlockSpec((_NPAD, _F), lambda i: (0, 0)),
                  pl.BlockSpec((_NBLK, _R), lambda i: (0, 0))],
        out_specs=pl.BlockSpec((_R, _K), lambda i: (i, 0)),
        out_shape=jax.ShapeDtypeStruct((_NPAD, _K), jnp.int32),
    )(lo, hi, xpad, batf_pad, xpad, bat2d)


def _knn_conv_body(x_ref, za_ref, zj_ref, b1_ref, w2_ref, b2_ref, w3_ref,
                   b3_ref, wst_ref, bs_ref, o_ref):
    xi = x_ref[...]
    za = za_ref[...]
    zj = zj_ref[...]
    za4 = jnp.reshape(
        jnp.broadcast_to(za[:, None, :], (_BN, _K, _HID)), (_BN * _K, _HID))
    h = jnp.maximum(za4 + zj + b1_ref[...], 0.0) * _BN_INV
    h = _mlp23(h, w2_ref[...], b2_ref[...], w3_ref[...], b3_ref[...])
    agg = jnp.max(jnp.reshape(h, (_BN, _K, _HID)), axis=1)
    short = (jnp.dot(xi, wst_ref[...]) + bs_ref[...]) * _BN_INV
    o_ref[...] = agg + short


def _knn_conv(x, zab, zj, cp):
    nblk = _N // _BN
    return pl.pallas_call(
        _knn_conv_body,
        grid=(nblk,),
        in_specs=[pl.BlockSpec((_BN, _F), lambda i: (i, 0)),
                  pl.BlockSpec((_BN, _HID), lambda i: (i, 0)),
                  pl.BlockSpec((_K * _BN, _HID), lambda i: (i, 0)),
                  pl.BlockSpec((1, _HID), lambda i: (0, 0)),
                  pl.BlockSpec((_HID, _HID), lambda i: (0, 0)),
                  pl.BlockSpec((1, _HID), lambda i: (0, 0)),
                  pl.BlockSpec((_HID, _HID), lambda i: (0, 0)),
                  pl.BlockSpec((1, _HID), lambda i: (0, 0)),
                  pl.BlockSpec((_HID, _HID), lambda i: (0, 0)),
                  pl.BlockSpec((1, _HID), lambda i: (0, 0))],
        out_specs=pl.BlockSpec((_BN, _HID), lambda i: (i, 0)),
        out_shape=jax.ShapeDtypeStruct((_N, _HID), jnp.float32),
    )(x, zab, zj, cp['b1'].reshape(1, -1), cp['W2'].T,
      cp['b2'].reshape(1, -1), cp['W3'].T, cp['b3'].reshape(1, -1),
      cp['Ws'].T, cp['bs'].reshape(1, -1))


def _head_body(c1_ref, c2_ref, c3_ref, batf_ref, gi_ref, w1_ref, b1_ref,
               w2_ref, b2_ref, wo_ref, bo_ref, o_ref):
    xs = c1_ref[...] + c2_ref[...] + c3_ref[...]
    batf = batf_ref[...]
    oh = _onehot(batf, _N)
    ones_col = jnp.ones((_N, 1), jnp.float32)
    cnt_col = jnp.maximum(
        lax.dot_general(oh, ones_col, (((0,), (0,)), ((), ()))), 1.0)
    pooled = lax.dot_general(oh, xs, (((0,), (0,)), ((), ()))) / cnt_col
    h = jnp.concatenate([pooled[0:_B, :], gi_ref[...]], axis=1) * _BN_INV
    h = jnp.maximum(jnp.dot(h, w1_ref[...]) + b1_ref[...], 0.0) * _BN_INV
    h = jnp.maximum(jnp.dot(h, w2_ref[...]) + b2_ref[...], 0.0) * _BN_INV
    o_ref[...] = jnp.dot(h, wo_ref[...]) + bo_ref[...]


def _head(c1, c2, c3, batf, gi, params):
    return pl.pallas_call(
        _head_body,
        out_shape=jax.ShapeDtypeStruct((_B, _NC), jnp.float32),
    )(c1, c2, c3, batf, gi, params['dense1']['W'].T,
      params['dense1']['b'].reshape(1, -1), params['dense2']['W'].T,
      params['dense2']['b'].reshape(1, -1), params['out']['W'].T,
      params['out']['b'].reshape(1, -1))


def _dyn_knn_layer(x, cp, batf_pad, bat2d, lo, hi):
    xpad = jnp.pad(x, ((0, _NPAD - _N), (0, 0)))
    nbr = _knn(xpad, batf_pad, bat2d, lo, hi)
    zab = _pre1(x, cp)
    flat = nbr[:_N].reshape(-1) + _N
    flat = jnp.concatenate([flat, jnp.zeros((64,), jnp.int32)])
    zj = _gather_rows(zab, flat)
    return _knn_conv(x, zab, zj[:_K * _N], cp)


def kernel(x, edge_index, graph_input, batch, params):
    batch = batch.astype(jnp.int32)
    edge_index = edge_index.astype(jnp.int32)
    batf = batch.astype(jnp.float32).reshape(_N, 1)
    batch_pad = jnp.concatenate(
        [batch, jnp.full((_NPAD - _N,), _B, jnp.int32)])
    batf_pad = batch_pad.astype(jnp.float32).reshape(_NPAD, 1)
    bat2d = batch_pad.astype(jnp.float32).reshape(_NBLK, _R)
    lo, hi = _block_bounds(batf_pad)

    x0 = _gn_plain(x, batf, params['gn0'])

    dst = edge_index[1]
    src = edge_index[0]
    zab0 = _pre1(x0, params['c1'])
    g = _gather_rows(zab0, jnp.concatenate([dst, src + _N]))
    msg = _edge_mlp(g, params['c1'])
    agg = _segmax(msg, dst.reshape(_E // _BE, 1, _BE))
    c1 = _gn_conv(agg, x0, params['c1'], batf, params['gn1'])

    conv2 = _dyn_knn_layer(c1, params['c2'], batf_pad, bat2d, lo, hi)
    c2 = _gn_plain(conv2, batf, params['gn2'])
    conv3 = _dyn_knn_layer(c2, params['c3'], batf_pad, bat2d, lo, hi)
    c3 = _gn_plain(conv3, batf, params['gn3'])

    return _head(c1, c2, c3, batf, graph_input, params)

# --- scband reference (transcript-rebuilt; emitter-appended) ---
"""Pipeline reference for scband-particle-net-v2-19825569038775 (READ-ONLY COPY).

The authoritative reference and input builder live on the scoring server;
editing this copy changes nothing except your own understanding.
"""

import jax, jax.numpy as jnp
import numpy as np

N = 10000
E = 160000
F_IN = 128
HID = 128
GF = 16
NC = 10
B = 64
K = 4
BN_EPS = 1e-5
GN_EPS = 1e-5


def _lin(key, o, i):
    k1, k2 = jax.random.split(key)
    W = jax.random.normal(k1, (o, i), jnp.float32) * 0.05
    b = jax.random.normal(k2, (o,), jnp.float32) * 0.05
    return W, b


def _conv_params(key, cin, hid):
    ks = jax.random.split(key, 4)
    W1, b1 = _lin(ks[0], hid, 2 * cin)
    W2, b2 = _lin(ks[1], hid, hid)
    W3, b3 = _lin(ks[2], hid, hid)
    Ws, bs = _lin(ks[3], hid, cin)
    return {'W1': W1, 'b1': b1, 'W2': W2, 'b2': b2, 'W3': W3, 'b3': b3, 'Ws': Ws, 'bs': bs}


def _gn_params(d):
    return {'w': jnp.ones((d,), jnp.float32), 'b': jnp.zeros((d,), jnp.float32), 'ms': jnp.ones((d,), jnp.float32)}


def setup_inputs(seed: int = 0):
    key = jax.random.key(seed)
    ks = jax.random.split(key, 12)
    x = jax.random.normal(ks[0], (N, F_IN), jnp.float32)
    edge_index = jax.random.randint(ks[1], (2, E), 0, N)
    batch = jnp.sort(jax.random.randint(ks[2], (N,), 0, B))
    graph_input = jax.random.normal(ks[3], (B, GF), jnp.float32)
    d1W, d1b = _lin(ks[7], HID, HID + GF)
    d2W, d2b = _lin(ks[8], HID, HID)
    oW, ob = _lin(ks[9], NC, HID)
    params = {
        'gn0': _gn_params(F_IN),
        'gn1': _gn_params(HID),
        'gn2': _gn_params(HID),
        'gn3': _gn_params(HID),
        'c1': _conv_params(ks[4], F_IN, HID),
        'c2': _conv_params(ks[5], HID, HID),
        'c3': _conv_params(ks[6], HID, HID),
        'dense1': {'W': d1W, 'b': d1b},
        'dense2': {'W': d2W, 'b': d2b},
        'out': {'W': oW, 'b': ob},
    }
    return {'x': x, 'edge_index': edge_index, 'graph_input': graph_input, 'batch': batch, 'params': params}


def bn_eval(t):
    # BatchNorm1d in eval with default running stats (mean=0, var=1, gamma=1, beta=0)
    return t / jnp.sqrt(1.0 + BN_EPS)


def graph_norm(t, batch, p):
    cnt = jnp.maximum(jax.ops.segment_sum(jnp.ones((t.shape[0],), jnp.float32), batch, B), 1.0)
    mean = jax.ops.segment_sum(t, batch, B) / cnt[:, None]
    out = t - mean[batch] * p['ms']
    var = jax.ops.segment_sum(out * out, batch, B) / cnt[:, None]
    std = jnp.sqrt(var + GN_EPS)
    return p['w'] * out / std[batch] + p['b']


def mlp(t, p):
    h = bn_eval(jax.nn.relu(t @ p['W1'].T + p['b1']))
    h = bn_eval(jax.nn.relu(h @ p['W2'].T + p['b2']))
    h = bn_eval(jax.nn.relu(h @ p['W3'].T + p['b3']))
    return h


def edge_conv(xx, ei, p):
    src = ei[0]
    dst = ei[1]
    xi = xx[dst]
    xj = xx[src]
    msg = mlp(jnp.concatenate([xi, xj - xi], axis=1), p)
    agg = jax.ops.segment_max(msg, dst, N)
    agg = jnp.where(jnp.isfinite(agg), agg, 0.0)
    return agg


def knn_graph(xx, batch):
    xx = jax.lax.stop_gradient(xx)
    sq = jnp.sum(xx * xx, axis=1)
    d = sq[:, None] + sq[None, :] - 2.0 * (xx @ xx.T)
    d = jnp.where(batch[:, None] != batch[None, :], jnp.inf, d)
    idx = jnp.arange(N)
    d = d.at[idx, idx].set(jnp.inf)
    _, nbr = jax.lax.top_k(-d, K)
    dst = jnp.repeat(jnp.arange(N), K)
    src = nbr.reshape(-1)
    return jnp.stack([src, dst])


def dyn_conv(xx, ei, p, batch):
    if ei is None:
        ei = knn_graph(xx, batch)
    out = edge_conv(xx, ei, p)
    out = out + bn_eval(xx @ p['Ws'].T + p['bs'])
    return out


def reference(x, edge_index, graph_input, batch, params):
    x0 = graph_norm(x, batch, params['gn0'])
    c1 = dyn_conv(x0, edge_index, params['c1'], batch)
    c1 = graph_norm(c1, batch, params['gn1'])
    c2 = dyn_conv(c1, None, params['c2'], batch)
    c2 = graph_norm(c2, batch, params['gn2'])
    c3 = dyn_conv(c2, None, params['c3'], batch)
    c3 = graph_norm(c3, batch, params['gn3'])
    xs = c1 + c2 + c3
    cnt = jnp.maximum(jax.ops.segment_sum(jnp.ones((N,), jnp.float32), batch, B), 1.0)
    pooled = jax.ops.segment_sum(xs, batch, B) / cnt[:, None]
    h = jnp.concatenate([pooled, graph_input], axis=1)
    h = bn_eval(h)
    h = bn_eval(jax.nn.relu(h @ params['dense1']['W'].T + params['dense1']['b']))
    h = bn_eval(jax.nn.relu(h @ params['dense2']['W'].T + params['dense2']['b']))
    h = h @ params['out']['W'].T + params['out']['b']
    return h

if __name__ == "__main__":
    import jax
    _d = setup_inputs()
    print(jax.jit(kernel)(*tuple(_d.values())))

</pallas_src>

<mosaic_0001>
#map = affine_map<(d0, d1) -> (0, 0)>
module attributes {stable_mosaic.version = 14 : i64} {
  func.func @k(%arg0: i32, %arg1: i32, %arg2: memref<20000x128xf32, #tpu.memory_space<hbm>>, %arg3: memref<1x40064xi32, #tpu.memory_space<hbm>>, %arg4: memref<40064x128xf32, #tpu.memory_space<hbm>>) attributes {dimension_semantics = [#tpu.dimension_semantics<core_parallel>, #tpu.dimension_semantics<subcore_parallel>], iteration_bounds = array<i64: 2, 16>, scalar_prefetch = 0 : i64, scratch_operands = 0 : i64, tpu.core_type = #tpu.core_type<sc_vector_subcore>, window_params = [{transform_indices = #map}, {transform_indices = #map}, {transform_indices = #map}]} {
    %mul3A = arith.constant 1 : i32
    %mul3A_0 = arith.muli %arg1, %mul3A : i32
    %add3A = arith.constant 0 : i32
    %add3A_1 = arith.addi %add3A, %mul3A_0 : i32
    %mul3A_2 = arith.constant 16 : i32
    %mul3A_3 = arith.muli %arg0, %mul3A_2 : i32
    %add3A_4 = arith.addi %add3A_1, %mul3A_3 : i32
    %lt3A = arith.constant 25 : i32
    %lt3A_5 = arith.cmpi slt, %add3A_4, %lt3A : i32
    %jit3A = arith.constant 10 : i32
    %jit3A_6 = arith.constant 9 : i32
    %select_n3A = arith.select %lt3A_5, %jit3A, %jit3A_6 : i32
    %lt3A_7 = arith.constant 25 : i32
    %lt3A_8 = arith.cmpi slt, %add3A_4, %lt3A_7 : i32
    %mul3A_9 = arith.muli %add3A_4, %select_n3A : i32
    %mul3A_10 = arith.constant 9 : i32
    %mul3A_11 = arith.muli %add3A_4, %mul3A_10 : i32
    %add3A_12 = arith.constant 25 : i32
    %add3A_13 = arith.addi %mul3A_11, %add3A_12 : i32
    %select_n3A_14 = arith.select %lt3A_8, %mul3A_9, %add3A_13 : i32
    %mul3A_15 = arith.constant 1 : i32
    %mul3A_16 = arith.muli %mul3A_15, %select_n3A : i32
    "tpu.region"() ({
      %run_scoped3A = memref.alloca() : memref<2x1x128xi32, #tpu.memory_space<vmem>>
      %run_scoped3A_17 = tpu.sem_alloc : memref<2x!tpu.dma_semaphore, #tpu.memory_space<semaphore_mem>>
      %run_scoped3A_18 = memref.alloca() : memref<2x128x128xf32, #tpu.memory_space<vmem>>
      %run_scoped3A_19 = tpu.sem_alloc : memref<2x!tpu.dma_semaphore, #tpu.memory_space<semaphore_mem>>
      %gt3A = arith.constant 0 : i32
      %gt3A_20 = arith.cmpi sgt, %mul3A_16, %gt3A : i32
      %convert_element_type3A = arith.extui %gt3A_20 : i1 to i32
      %cond3A = arith.constant 0 : i32
      %cond3A_21 = arith.cmpi ne, %convert_element_type3A, %cond3A : i32
      scf.if %cond3A_21 {
        %mul3A_22 = arith.constant 1 : i32
        %mul3A_23 = arith.muli %mul3A_22, %select_n3A : i32
        %sub3A = arith.constant 1 : i32
        %sub3A_24 = arith.subi %mul3A_23, %sub3A : i32
        %eq3A = arith.constant 0 : i32
        %eq3A_25 = arith.cmpi eq, %sub3A_24, %eq3A : i32
        %add3A_26 = arith.constant 0 : i32
        %add3A_27 = arith.addi %add3A_26, %select_n3A_14 : i32
        %select_n3A_28 = arith.constant true
        %select_n3A_29 = arith.constant 0 : i32
        %select_n3A_30 = arith.constant -1 : i32
        %select_n3A_31 = arith.select %select_n3A_28, %select_n3A_30, %select_n3A_29 : i32
        %eq3A_32 = arith.constant -1 : i32
        %eq3A_33 = arith.cmpi eq, %select_n3A_31, %eq3A_32 : i32
        %sub3A_34 = arith.constant 1 : i32
        %sub3A_35 = arith.subi %select_n3A, %sub3A_34 : i32
        %select_n3A_36 = arith.select %eq3A_33, %sub3A_35, %select_n3A_31 : i32
        %add3A_37 = arith.addi %select_n3A_36, %select_n3A_14 : i32
        %select_n3A_38 = arith.constant true
        %select_n3A_39 = arith.constant 0 : i32
        %select_n3A_40 = arith.constant 1 : i32
        %select_n3A_41 = arith.select %select_n3A_38, %select_n3A_40, %select_n3A_39 : i32
        %eq3A_42 = arith.cmpi eq, %select_n3A_41, %select_n3A : i32
        %select_n3A_43 = arith.constant 0 : i32
        %select_n3A_44 = arith.select %eq3A_42, %select_n3A_43, %select_n3A_41 : i32
        %add3A_45 = arith.addi %select_n3A_44, %select_n3A_14 : i32
        %add3A_46 = arith.constant 1 : i32
        %add3A_47 = arith.addi %select_n3A_44, %add3A_46 : i32
        %select_n3A_48 = arith.constant true
        %select_n3A_49 = arith.select %select_n3A_48, %add3A_47, %select_n3A_44 : i32
        %eq3A_50 = arith.cmpi eq, %select_n3A_49, %select_n3A : i32
        %select_n3A_51 = arith.constant 0 : i32
        %select_n3A_52 = arith.select %eq3A_50, %select_n3A_51, %select_n3A_49 : i32
        %add3A_53 = arith.addi %select_n3A_52, %select_n3A_14 : i32
        "tpu.trace_start"() <{level = 10 : i32, message = "ep_initialize_0"}> : () -> ()
        %rem3A = arith.constant 0 : i32
        %rem3A_54 = arith.constant 2 : i32
        %rem3A_55 = arith.remui %rem3A, %rem3A_54 : i32
        %mul3A_56 = arith.constant 128 : i32
        %mul3A_57 = arith.muli %mul3A_56, %add3A_27 : i32
        %dma_start3A = arith.constant 0 : i32
        %dma_start3A_58 = arith.constant 0 : i32
        %dma_start3A_59 = tpu.memref_slice %run_scoped3A[%rem3A_55, %dma_start3A, %dma_start3A_58] : memref<2x1x128xi32, #tpu.memory_space<vmem>> -> memref<1x1x128xi32, #tpu.memory_space<vmem>>
        %dma_start3A_60 = tpu.memref_squeeze %dma_start3A_59 : memref<1x1x128xi32, #tpu.memory_space<vmem>> -> memref<1x128xi32, #tpu.memory_space<vmem>>
        %dma_start3A_61 = arith.constant 0 : i32
        %dma_start3A_62 = tpu.memref_slice %arg3[%dma_start3A_61, %mul3A_57] : memref<1x40064xi32, #tpu.memory_space<hbm>> -> memref<1x128xi32, #tpu.memory_space<hbm>>
        %dma_start3A_63 = tpu.memref_slice %run_scoped3A_17[%rem3A_55] : memref<2x!tpu.dma_semaphore, #tpu.memory_space<semaphore_mem>> -> memref<1x!tpu.dma_semaphore, #tpu.memory_space<semaphore_mem>>
        %dma_start3A_64 = tpu.memref_squeeze %dma_start3A_63 : memref<1x!tpu.dma_semaphore, #tpu.memory_space<semaphore_mem>> -> memref<!tpu.dma_semaphore, #tpu.memory_space<semaphore_mem>>
        %dma_start3A_65 = arith.constant 0 : i32
        %dma_start3A_66 = arith.constant 0 : i32
        %dma_start3A_67 = tpu.memref_slice %run_scoped3A[%rem3A_55, %dma_start3A_65, %dma_start3A_66] : memref<2x1x128xi32, #tpu.memory_space<vmem>> -> memref<1x1x128xi32, #tpu.memory_space<vmem>>
        %dma_start3A_68 = tpu.memref_squeeze %dma_start3A_67 : memref<1x1x128xi32, #tpu.memory_space<vmem>> -> memref<1x128xi32, #tpu.memory_space<vmem>>
        %dma_start3A_69 = arith.constant 0 : i32
        %dma_start3A_70 = tpu.memref_slice %arg3[%dma_start3A_69, %mul3A_57] : memref<1x40064xi32, #tpu.memory_space<hbm>> -> memref<1x128xi32, #tpu.memory_space<hbm>>
        tpu.enqueue_dma source(%dma_start3A_70 : memref<1x128xi32, #tpu.memory_space<hbm>>) target(%dma_start3A_68 : memref<1x128xi32, #tpu.memory_space<vmem>>) target_semaphore(%dma_start3A_64 : memref<!tpu.dma_semaphore, #tpu.memory_space<semaphore_mem>>)
        %add3A_71 = arith.constant 0 : i32
        %add3A_72 = arith.constant 1 : i32
        %add3A_73 = arith.addi %add3A_71, %add3A_72 : i32
        %select_n3A_74 = arith.constant true
        %select_n3A_75 = arith.constant 0 : i32
        %select_n3A_76 = arith.select %select_n3A_74, %add3A_73, %select_n3A_75 : i32
        %while3A = arith.constant 0 : i32
        %while3A_77 = arith.constant 0 : i32
        %while3A_78 = arith.constant 0 : i32
        %while3A_79 = arith.constant 0 : i32
        %while3A_80 = arith.constant 0 : i32
        "tpu.trace_stop"() : () -> ()
        %while3A_81 = arith.subi %mul3A_16, %while3A : i32
        %while3A_82 = arith.addi %while3A, %while3A_81 : i32
        %while3A_83 = arith.constant 1 : i32
        %while3A_84 = arith.divsi %while3A_81, %while3A_83 : i32
        %while3A_85 = arith.muli %while3A_84, %while3A_83 : i32
        %while3A_86 = arith.addi %while3A, %while3A_85 : i32
        %while3A_87 = arith.constant 1 : i32
        %while3A_88:5 = scf.for %while3A_142 = %while3A to %while3A_86 step %while3A_87 iter_args(%while3A_143 = %select_n3A_76, %while3A_144 = %while3A_77, %while3A_145 = %while3A_78, %while3A_146 = %while3A_79, %while3A_147 = %while3A_80) -> (i32, i32, i32, i32, i32)  : i32 {
          %mul3A_148 = arith.constant 1 : i32
          %mul3A_149 = arith.muli %mul3A_148, %select_n3A : i32
          %eq3A_150 = arith.constant 0 : i32
          %eq3A_151 = arith.cmpi eq, %while3A_142, %eq3A_150 : i32
          %sub3A_152 = arith.constant 1 : i32
          %sub3A_153 = arith.subi %mul3A_149, %sub3A_152 : i32
          %eq3A_154 = arith.cmpi eq, %while3A_142, %sub3A_153 : i32
          %add3A_155 = arith.addi %while3A_147, %select_n3A_14 : i32
          %sub3A_156 = arith.constant 1 : i32
          %sub3A_157 = arith.subi %while3A_147, %sub3A_156 : i32
          %select_n3A_158 = arith.constant true
          %select_n3A_159 = arith.select %select_n3A_158, %sub3A_157, %while3A_147 : i32
          %eq3A_160 = arith.constant -1 : i32
          %eq3A_161 = arith.cmpi eq, %select_n3A_159, %eq3A_160 : i32
          %sub3A_162 = arith.constant 1 : i32
          %sub3A_163 = arith.subi %select_n3A, %sub3A_162 : i32
          %select_n3A_164 = arith.select %eq3A_161, %sub3A_163, %select_n3A_159 : i32
          %add3A_165 = arith.addi %select_n3A_164, %select_n3A_14 : i32
          %add3A_166 = arith.constant 1 : i32
          %add3A_167 = arith.addi %while3A_147, %add3A_166 : i32
          %select_n3A_168 = arith.constant true
          %select_n3A_169 = arith.select %select_n3A_168, %add3A_167, %while3A_147 : i32
          %eq3A_170 = arith.cmpi eq, %select_n3A_169, %select_n3A : i32
          %select_n3A_171 = arith.constant 0 : i32
          %select_n3A_172 = arith.select %eq3A_170, %select_n3A_171, %select_n3A_169 : i32
          %add3A_173 = arith.addi %select_n3A_172, %select_n3A_14 : i32
          %add3A_174 = arith.constant 1 : i32
          %add3A_175 = arith.addi %select_n3A_172, %add3A_174 : i32
          %select_n3A_176 = arith.constant true
          %select_n3A_177 = arith.select %select_n3A_176, %add3A_175, %select_n3A_172 : i32
          %eq3A_178 = arith.cmpi eq, %select_n3A_177, %select_n3A : i32
          %select_n3A_179 = arith.constant 0 : i32
          %select_n3A_180 = arith.select %eq3A_178, %select_n3A_179, %select_n3A_177 : i32
          %add3A_181 = arith.addi %select_n3A_180, %select_n3A_14 : i32
          %ne3A = arith.cmpi ne, %add3A_155, %add3A_173 : i32
          %or3A = arith.constant false
          %or3A_182 = arith.ori %or3A, %ne3A : i1
          %sub3A_183 = arith.constant 2 : i32
          %sub3A_184 = arith.subi %mul3A_149, %sub3A_183 : i32
          %add3A_185 = arith.constant 1 : i32
          %add3A_186 = arith.addi %sub3A_184, %add3A_185 : i32
          %ge3A = arith.cmpi sge, %while3A_142, %add3A_186 : i32
          %not3A = arith.constant true
          %not3A_187 = arith.xori %ge3A, %not3A : i1
          %and3A = arith.andi %or3A_182, %not3A_187 : i1
          %convert_element_type3A_188 = arith.extui %and3A : i1 to i32
          %cond3A_189 = arith.constant 0 : i32
          %cond3A_190 = arith.cmpi ne, %convert_element_type3A_188, %cond3A_189 : i32
          scf.if %cond3A_190 {
            "tpu.trace_start"() <{level = 10 : i32, message = "ep_copy_in"}> : () -> ()
            %rem3A_294 = arith.constant 2 : i32
            %rem3A_295 = arith.remui %while3A_143, %rem3A_294 : i32
            %mul3A_296 = arith.constant 128 : i32
            %mul3A_297 = arith.muli %mul3A_296, %add3A_173 : i32
            %dma_start3A_298 = arith.constant 0 : i32
            %dma_start3A_299 = arith.constant 0 : i32
            %dma_start3A_300 = tpu.memref_slice %run_scoped3A[%rem3A_295, %dma_start3A_298, %dma_start3A_299] : memref<2x1x128xi32, #tpu.memory_space<vmem>> -> memref<1x1x128xi32, #tpu.memory_space<vmem>>
            %dma_start3A_301 = tpu.memref_squeeze %dma_start3A_300 : memref<1x1x128xi32, #tpu.memory_space<vmem>> -> memref<1x128xi32, #tpu.memory_space<vmem>>
            %dma_start3A_302 = arith.constant 0 : i32
            %dma_start3A_303 = tpu.memref_slice %arg3[%dma_start3A_302, %mul3A_297] : memref<1x40064xi32, #tpu.memory_space<hbm>> -> memref<1x128xi32, #tpu.memory_space<hbm>>
            %dma_start3A_304 = tpu.memref_slice %run_scoped3A_17[%rem3A_295] : memref<2x!tpu.dma_semaphore, #tpu.memory_space<semaphore_mem>> -> memref<1x!tpu.dma_semaphore, #tpu.memory_space<semaphore_mem>>
            %dma_start3A_305 = tpu.memref_squeeze %dma_start3A_304 : memref<1x!tpu.dma_semaphore, #tpu.memory_space<semaphore_mem>> -> memref<!tpu.dma_semaphore, #tpu.memory_space<semaphore_mem>>
            %dma_start3A_306 = arith.constant 0 : i32
            %dma_start3A_307 = arith.constant 0 : i32
            %dma_start3A_308 = tpu.memref_slice %run_scoped3A[%rem3A_295, %dma_start3A_306, %dma_start3A_307] : memref<2x1x128xi32, #tpu.memory_space<vmem>> -> memref<1x1x128xi32, #tpu.memory_space<vmem>>
            %dma_start3A_309 = tpu.memref_squeeze %dma_start3A_308 : memref<1x1x128xi32, #tpu.memory_space<vmem>> -> memref<1x128xi32, #tpu.memory_space<vmem>>
            %dma_start3A_310 = arith.constant 0 : i32
            %dma_start3A_311 = tpu.memref_slice %arg3[%dma_start3A_310, %mul3A_297] : memref<1x40064xi32, #tpu.memory_space<hbm>> -> memref<1x128xi32, #tpu.memory_space<hbm>>
            tpu.enqueue_dma source(%dma_start3A_311 : memref<1x128xi32, #tpu.memory_space<hbm>>) target(%dma_start3A_309 : memref<1x128xi32, #tpu.memory_space<vmem>>) target_semaphore(%dma_start3A_305 : memref<!tpu.dma_semaphore, #tpu.memory_space<semaphore_mem>>)
            "tpu.trace_stop"() : () -> ()
          } else {
          }
          %and3A_191 = arith.constant true
          %and3A_192 = arith.andi %and3A, %and3A_191 : i1
          %add3A_193 = arith.constant 1 : i32
          %add3A_194 = arith.addi %while3A_143, %add3A_193 : i32
          %select_n3A_195 = arith.select %and3A_192, %add3A_194, %while3A_143 : i32
          %ne3A_196 = arith.cmpi ne, %add3A_155, %add3A_173 : i32
          %or3A_197 = arith.constant false
          %or3A_198 = arith.ori %or3A_197, %ne3A_196 : i1
          %or3A_199 = arith.constant false
          %or3A_200 = arith.ori %or3A_198, %or3A_199 : i1
          %sub3A_201 = arith.constant 2 : i32
          %sub3A_202 = arith.subi %mul3A_149, %sub3A_201 : i32
          %add3A_203 = arith.constant 1 : i32
          %add3A_204 = arith.addi %sub3A_202, %add3A_203 : i32
          %ge3A_205 = arith.cmpi sge, %while3A_142, %add3A_204 : i32
          %not3A_206 = arith.constant true
          %not3A_207 = arith.xori %ge3A_205, %not3A_206 : i1
          %and3A_208 = arith.andi %or3A_200, %not3A_207 : i1
          %ne3A_209 = arith.cmpi ne, %add3A_155, %add3A_165 : i32
          %or3A_210 = arith.constant false
          %or3A_211 = arith.ori %or3A_210, %ne3A_209 : i1
          %or3A_212 = arith.ori %or3A_211, %eq3A_151 : i1
          %convert_element_type3A_213 = arith.extui %or3A_212 : i1 to i32
          %cond3A_214 = arith.constant 0 : i32
          %cond3A_215 = arith.cmpi ne, %convert_element_type3A_213, %cond3A_214 : i32
          scf.if %cond3A_215 {
            "tpu.trace_start"() <{level = 10 : i32, message = "ep_wait_in"}> : () -> ()
            %mul3A_294 = arith.constant 128 : i32
            %mul3A_295 = arith.muli %mul3A_294, %add3A_155 : i32
            %rem3A_296 = arith.constant 2 : i32
            %rem3A_297 = arith.remui %while3A_144, %rem3A_296 : i32
            %dma_wait3A = arith.constant 0 : i32
            %dma_wait3A_298 = arith.constant 0 : i32
            %dma_wait3A_299 = tpu.memref_slice %run_scoped3A[%rem3A_297, %dma_wait3A, %dma_wait3A_298] : memref<2x1x128xi32, #tpu.memory_space<vmem>> -> memref<1x1x128xi32, #tpu.memory_space<vmem>>
            %dma_wait3A_300 = tpu.memref_squeeze %dma_wait3A_299 : memref<1x1x128xi32, #tpu.memory_space<vmem>> -> memref<1x128xi32, #tpu.memory_space<vmem>>
            %dma_wait3A_301 = arith.constant 0 : i32
            %dma_wait3A_302 = tpu.memref_slice %arg3[%dma_wait3A_301, %mul3A_295] : memref<1x40064xi32, #tpu.memory_space<hbm>> -> memref<1x128xi32, #tpu.memory_space<hbm>>
            %dma_wait3A_303 = tpu.memref_slice %run_scoped3A_17[%rem3A_297] : memref<2x!tpu.dma_semaphore, #tpu.memory_space<semaphore_mem>> -> memref<1x!tpu.dma_semaphore, #tpu.memory_space<semaphore_mem>>
            %dma_wait3A_304 = tpu.memref_squeeze %dma_wait3A_303 : memref<1x!tpu.dma_semaphore, #tpu.memory_space<semaphore_mem>> -> memref<!tpu.dma_semaphore, #tpu.memory_space<semaphore_mem>>
            %dma_wait3A_305 = arith.constant 0 : i32
            %dma_wait3A_306 = arith.constant 0 : i32
            %dma_wait3A_307 = tpu.memref_slice %run_scoped3A[%rem3A_297, %dma_wait3A_305, %dma_wait3A_306] : memref<2x1x128xi32, #tpu.memory_space<vmem>> -> memref<1x1x128xi32, #tpu.memory_space<vmem>>
            %dma_wait3A_308 = tpu.memref_squeeze %dma_wait3A_307 : memref<1x1x128xi32, #tpu.memory_space<vmem>> -> memref<1x128xi32, #tpu.memory_space<vmem>>
            %dma_wait3A_309 = arith.constant 0 : i32
            %dma_wait3A_310 = tpu.memref_slice %arg3[%dma_wait3A_309, %mul3A_295] : memref<1x40064xi32, #tpu.memory_space<hbm>> -> memref<1x128xi32, #tpu.memory_space<hbm>>
            tpu.wait_dma2 semaphore(%dma_wait3A_304 : memref<!tpu.dma_semaphore, #tpu.memory_space<semaphore_mem>>) src(%dma_wait3A_310 : memref<1x128xi32, #tpu.memory_space<hbm>>) dst(%dma_wait3A_308 : memref<1x128xi32, #tpu.memory_space<vmem>>)
            "tpu.trace_stop"() : () -> ()
          } else {
          }
          %ne3A_216 = arith.cmpi ne, %add3A_155, %add3A_165 : i32
          %or3A_217 = arith.constant false
          %or3A_218 = arith.ori %or3A_217, %ne3A_216 : i1
          %or3A_219 = arith.constant false
          %or3A_220 = arith.ori %or3A_218, %or3A_219 : i1
          %or3A_221 = arith.ori %or3A_220, %eq3A_151 : i1
          %convert_element_type3A_222 = arith.extui %or3A_221 : i1 to i32
          %cond3A_223 = arith.constant 0 : i32
          %cond3A_224 = arith.cmpi ne, %convert_element_type3A_222, %cond3A_223 : i32
          scf.if %cond3A_224 {
          } else {
          }
          %rem3A_225 = arith.constant 2 : i32
          %rem3A_226 = arith.remui %while3A_144, %rem3A_225 : i32
          %rem3A_227 = arith.constant 2 : i32
          %rem3A_228 = arith.remui %while3A_145, %rem3A_227 : i32
          %run_scoped3A_229 = arith.constant 0 : i32
          "tpu.trace_start"() <{level = 10 : i32, message = "ep_run_kernel"}> : () -> ()
          "tpu.region"() ({
            %run_scoped3A_294 = tpu.sem_alloc : memref<!tpu.dma_semaphore, #tpu.memory_space<semaphore_mem>>
            %dma_start3A_295 = arith.constant 0 : i32
            %dma_start3A_296 = arith.constant 0 : i32
            %dma_start3A_297 = tpu.memref_slice %run_scoped3A_18[%rem3A_228, %dma_start3A_295, %dma_start3A_296] : memref<2x128x128xf32, #tpu.memory_space<vmem>> -> memref<1x128x128xf32, #tpu.memory_space<vmem>>
            %dma_start3A_298 = tpu.memref_squeeze %dma_start3A_297 : memref<1x128x128xf32, #tpu.memory_space<vmem>> -> memref<128x128xf32, #tpu.memory_space<vmem>>
            %dma_start3A_299 = arith.constant 0 : i32
            %dma_start3A_300 = arith.constant 0 : i32
            %dma_start3A_301 = tpu.memref_slice %run_scoped3A[%rem3A_226, %dma_start3A_299, %dma_start3A_300] : memref<2x1x128xi32, #tpu.memory_space<vmem>> -> memref<1x1x128xi32, #tpu.memory_space<vmem>>
            %dma_start3A_302 = tpu.memref_squeeze %dma_start3A_301 : memref<1x1x128xi32, #tpu.memory_space<vmem>> -> memref<1x128xi32, #tpu.memory_space<vmem>>
            %dma_start3A_303 = arith.constant 0 : i32
            %dma_start3A_304 = tpu.memref_slice %dma_start3A_302[%run_scoped3A_229, %dma_start3A_303] : memref<1x128xi32, #tpu.memory_space<vmem>> -> memref<1x128xi32, #tpu.memory_space<vmem>>
            %dma_start3A_305 = tpu.memref_squeeze %dma_start3A_304 : memref<1x128xi32, #tpu.memory_space<vmem>> -> memref<128xi32, #tpu.memory_space<vmem>>
            %dma_start3A_306 = arith.constant 0 : i32
            %dma_start3A_307 = arith.constant 0 : i32
            %dma_start3A_308 = tpu.memref_slice %arg2[%dma_start3A_306, %dma_start3A_307] : memref<20000x128xf32, #tpu.memory_space<hbm>> -> memref<20000x128xf32, #tpu.memory_space<hbm>>
            tpu.enqueue_indirect_dma source(%dma_start3A_308 : memref<20000x128xf32, #tpu.memory_space<hbm>>) target(%dma_start3A_298 : memref<128x128xf32, #tpu.memory_space<vmem>>) offsets(%dma_start3A_305 : memref<128xi32, #tpu.memory_space<vmem>>) semaphore(%run_scoped3A_294 : memref<!tpu.dma_semaphore, #tpu.memory_space<semaphore_mem>>)
            %dma_wait3A = arith.constant 0 : i32
            %dma_wait3A_309 = arith.constant 0 : i32
            %dma_wait3A_310 = tpu.memref_slice %run_scoped3A_18[%rem3A_228, %dma_wait3A, %dma_wait3A_309] : memref<2x128x128xf32, #tpu.memory_space<vmem>> -> memref<1x128x128xf32, #tpu.memory_space<vmem>>
            %dma_wait3A_311 = tpu.memref_squeeze %dma_wait3A_310 : memref<1x128x128xf32, #tpu.memory_space<vmem>> -> memref<128x128xf32, #tpu.memory_space<vmem>>
            %dma_wait3A_312 = arith.constant 0 : i32
            %dma_wait3A_313 = arith.constant 0 : i32
            %dma_wait3A_314 = tpu.memref_slice %run_scoped3A[%rem3A_226, %dma_wait3A_312, %dma_wait3A_313] : memref<2x1x128xi32, #tpu.memory_space<vmem>> -> memref<1x1x128xi32, #tpu.memory_space<vmem>>
            %dma_wait3A_315 = tpu.memref_squeeze %dma_wait3A_314 : memref<1x1x128xi32, #tpu.memory_space<vmem>> -> memref<1x128xi32, #tpu.memory_space<vmem>>
            %dma_wait3A_316 = arith.constant 0 : i32
            %dma_wait3A_317 = tpu.memref_slice %dma_wait3A_315[%run_scoped3A_229, %dma_wait3A_316] : memref<1x128xi32, #tpu.memory_space<vmem>> -> memref<1x128xi32, #tpu.memory_space<vmem>>
            %dma_wait3A_318 = tpu.memref_squeeze %dma_wait3A_317 : memref<1x128xi32, #tpu.memory_space<vmem>> -> memref<128xi32, #tpu.memory_space<vmem>>
            %dma_wait3A_319 = arith.constant 0 : i32
            %dma_wait3A_320 = arith.constant 0 : i32
            %dma_wait3A_321 = tpu.memref_slice %arg2[%dma_wait3A_319, %dma_wait3A_320] : memref<20000x128xf32, #tpu.memory_space<hbm>> -> memref<20000x128xf32, #tpu.memory_space<hbm>>
            tpu.wait_indirect_dma semaphore(%run_scoped3A_294 : memref<!tpu.dma_semaphore, #tpu.memory_space<semaphore_mem>>) src(%dma_wait3A_321 : memref<20000x128xf32, #tpu.memory_space<hbm>>) dst(%dma_wait3A_311 : memref<128x128xf32, #tpu.memory_space<vmem>>)
            tpu.yield
          }) : () -> ()
          "tpu.trace_stop"() : () -> ()
          %ne3A_230 = arith.cmpi ne, %add3A_155, %add3A_173 : i32
          %or3A_231 = arith.constant false
          %or3A_232 = arith.ori %or3A_231, %ne3A_230 : i1
          %or3A_233 = arith.ori %or3A_232, %eq3A_154 : i1
          %convert_element_type3A_234 = arith.extui %or3A_233 : i1 to i32
          %cond3A_235 = arith.constant 0 : i32
          %cond3A_236 = arith.cmpi ne, %convert_element_type3A_234, %cond3A_235 : i32
          scf.if %cond3A_236 {
          } else {
          }
          %and3A_237 = arith.constant false
          %and3A_238 = arith.andi %or3A_233, %and3A_237 : i1
          %ne3A_239 = arith.cmpi ne, %add3A_155, %add3A_173 : i32
          %or3A_240 = arith.constant false
          %or3A_241 = arith.ori %or3A_240, %ne3A_239 : i1
          %or3A_242 = arith.constant false
          %or3A_243 = arith.ori %or3A_241, %or3A_242 : i1
          %or3A_244 = arith.ori %or3A_243, %eq3A_154 : i1
          %convert_element_type3A_245 = arith.extui %or3A_244 : i1 to i32
          %cond3A_246 = arith.constant 0 : i32
          %cond3A_247 = arith.cmpi ne, %convert_element_type3A_245, %cond3A_246 : i32
          scf.if %cond3A_247 {
            "tpu.trace_start"() <{level = 10 : i32, message = "ep_copy_out"}> : () -> ()
            %rem3A_294 = arith.constant 2 : i32
            %rem3A_295 = arith.remui %while3A_145, %rem3A_294 : i32
            %mul3A_296 = arith.constant 128 : i32
            %mul3A_297 = arith.muli %mul3A_296, %add3A_155 : i32
            %dma_start3A_298 = arith.constant 0 : i32
            %dma_start3A_299 = arith.constant 0 : i32
            %dma_start3A_300 = tpu.memref_slice %run_scoped3A_18[%rem3A_295, %dma_start3A_298, %dma_start3A_299] : memref<2x128x128xf32, #tpu.memory_space<vmem>> -> memref<1x128x128xf32, #tpu.memory_space<vmem>>
            %dma_start3A_301 = tpu.memref_squeeze %dma_start3A_300 : memref<1x128x128xf32, #tpu.memory_space<vmem>> -> memref<128x128xf32, #tpu.memory_space<vmem>>
            %dma_start3A_302 = arith.constant 0 : i32
            %dma_start3A_303 = tpu.memref_slice %arg4[%mul3A_297, %dma_start3A_302] : memref<40064x128xf32, #tpu.memory_space<hbm>> -> memref<128x128xf32, #tpu.memory_space<hbm>>
            %dma_start3A_304 = tpu.memref_slice %run_scoped3A_19[%rem3A_295] : memref<2x!tpu.dma_semaphore, #tpu.memory_space<semaphore_mem>> -> memref<1x!tpu.dma_semaphore, #tpu.memory_space<semaphore_mem>>
            %dma_start3A_305 = tpu.memref_squeeze %dma_start3A_304 : memref<1x!tpu.dma_semaphore, #tpu.memory_space<semaphore_mem>> -> memref<!tpu.dma_semaphore, #tpu.memory_space<semaphore_mem>>
            %dma_start3A_306 = arith.constant 0 : i32
            %dma_start3A_307 = tpu.memref_slice %arg4[%mul3A_297, %dma_start3A_306] : memref<40064x128xf32, #tpu.memory_space<hbm>> -> memref<128x128xf32, #tpu.memory_space<hbm>>
            %dma_start3A_308 = arith.constant 0 : i32
            %dma_start3A_309 = arith.constant 0 : i32
            %dma_start3A_310 = tpu.memref_slice %run_scoped3A_18[%rem3A_295, %dma_start3A_308, %dma_start3A_309] : memref<2x128x128xf32, #tpu.memory_space<vmem>> -> memref<1x128x128xf32, #tpu.memory_space<vmem>>
            %dma_start3A_311 = tpu.memref_squeeze %dma_start3A_310 : memref<1x128x128xf32, #tpu.memory_space<vmem>> -> memref<128x128xf32, #tpu.memory_space<vmem>>
            tpu.enqueue_dma source(%dma_start3A_311 : memref<128x128xf32, #tpu.memory_space<vmem>>) target(%dma_start3A_307 : memref<128x128xf32, #tpu.memory_space<hbm>>) target_semaphore(%dma_start3A_305 : memref<!tpu.dma_semaphore, #tpu.memory_space<semaphore_mem>>)
            "tpu.trace_stop"() : () -> ()
          } else {
          }
          %and3A_248 = arith.constant true
          %and3A_249 = arith.andi %or3A_244, %and3A_248 : i1
          %add3A_250 = arith.constant 1 : i32
          %add3A_251 = arith.addi %while3A_145, %add3A_250 : i32
          %select_n3A_252 = arith.select %and3A_249, %add3A_251, %while3A_145 : i32
          %ne3A_253 = arith.cmpi ne, %add3A_155, %add3A_165 : i32
          %or3A_254 = arith.constant false
          %or3A_255 = arith.ori %or3A_254, %ne3A_253 : i1
          %not3A_256 = arith.constant true
          %not3A_257 = arith.xori %eq3A_151, %not3A_256 : i1
          %and3A_258 = arith.andi %or3A_255, %not3A_257 : i1
          %convert_element_type3A_259 = arith.extui %and3A_258 : i1 to i32
          %cond3A_260 = arith.constant 0 : i32
          %cond3A_261 = arith.cmpi ne, %convert_element_type3A_259, %cond3A_260 : i32
          scf.if %cond3A_261 {
          } else {
          }
          %and3A_262 = arith.constant false
          %and3A_263 = arith.andi %and3A_258, %and3A_262 : i1
          %ne3A_264 = arith.cmpi ne, %add3A_155, %add3A_165 : i32
          %or3A_265 = arith.constant false
          %or3A_266 = arith.ori %or3A_265, %ne3A_264 : i1
          %or3A_267 = arith.constant false
          %or3A_268 = arith.ori %or3A_266, %or3A_267 : i1
          %not3A_269 = arith.constant true
          %not3A_270 = arith.xori %eq3A_151, %not3A_269 : i1
          %and3A_271 = arith.andi %or3A_268, %not3A_270 : i1
          %convert_element_type3A_272 = arith.extui %and3A_271 : i1 to i32
          %cond3A_273 = arith.constant 0 : i32
          %cond3A_274 = arith.cmpi ne, %convert_element_type3A_272, %cond3A_273 : i32
          scf.if %cond3A_274 {
            "tpu.trace_start"() <{level = 10 : i32, message = "ep_wait_out"}> : () -> ()
            %rem3A_294 = arith.constant 2 : i32
            %rem3A_295 = arith.remui %while3A_146, %rem3A_294 : i32
            %mul3A_296 = arith.constant 128 : i32
            %mul3A_297 = arith.muli %mul3A_296, %add3A_165 : i32
            %dma_wait3A = arith.constant 0 : i32
            %dma_wait3A_298 = arith.constant 0 : i32
            %dma_wait3A_299 = tpu.memref_slice %run_scoped3A_18[%rem3A_295, %dma_wait3A, %dma_wait3A_298] : memref<2x128x128xf32, #tpu.memory_space<vmem>> -> memref<1x128x128xf32, #tpu.memory_space<vmem>>
            %dma_wait3A_300 = tpu.memref_squeeze %dma_wait3A_299 : memref<1x128x128xf32, #tpu.memory_space<vmem>> -> memref<128x128xf32, #tpu.memory_space<vmem>>
            %dma_wait3A_301 = arith.constant 0 : i32
            %dma_wait3A_302 = tpu.memref_slice %arg4[%mul3A_297, %dma_wait3A_301] : memref<40064x128xf32, #tpu.memory_space<hbm>> -> memref<128x128xf32, #tpu.memory_space<hbm>>
            %dma_wait3A_303 = tpu.memref_slice %run_scoped3A_19[%rem3A_295] : memref<2x!tpu.dma_semaphore, #tpu.memory_space<semaphore_mem>> -> memref<1x!tpu.dma_semaphore, #tpu.memory_space<semaphore_mem>>
            %dma_wait3A_304 = tpu.memref_squeeze %dma_wait3A_303 : memref<1x!tpu.dma_semaphore, #tpu.memory_space<semaphore_mem>> -> memref<!tpu.dma_semaphore, #tpu.memory_space<semaphore_mem>>
            %dma_wait3A_305 = arith.constant 0 : i32
            %dma_wait3A_306 = tpu.memref_slice %arg4[%mul3A_297, %dma_wait3A_305] : memref<40064x128xf32, #tpu.memory_space<hbm>> -> memref<128x128xf32, #tpu.memory_space<hbm>>
            %dma_wait3A_307 = arith.constant 0 : i32
            %dma_wait3A_308 = arith.constant 0 : i32
            %dma_wait3A_309 = tpu.memref_slice %run_scoped3A_18[%rem3A_295, %dma_wait3A_307, %dma_wait3A_308] : memref<2x128x128xf32, #tpu.memory_space<vmem>> -> memref<1x128x128xf32, #tpu.memory_space<vmem>>
            %dma_wait3A_310 = tpu.memref_squeeze %dma_wait3A_309 : memref<1x128x128xf32, #tpu.memory_space<vmem>> -> memref<128x128xf32, #tpu.memory_space<vmem>>
            tpu.wait_dma2 semaphore(%dma_wait3A_304 : memref<!tpu.dma_semaphore, #tpu.memory_space<semaphore_mem>>) src(%dma_wait3A_310 : memref<128x128xf32, #tpu.memory_space<vmem>>) dst(%dma_wait3A_306 : memref<128x128xf32, #tpu.memory_space<hbm>>)
            "tpu.trace_stop"() : () -> ()
          } else {
          }
          %and3A_275 = arith.constant true
          %and3A_276 = arith.andi %and3A_271, %and3A_275 : i1
          %add3A_277 = arith.constant 1 : i32
          %add3A_278 = arith.addi %while3A_146, %add3A_277 : i32
          %select_n3A_279 = arith.select %and3A_276, %add3A_278, %while3A_146 : i32
          %ne3A_280 = arith.cmpi ne, %add3A_155, %add3A_173 : i32
          %or3A_281 = arith.constant false
          %or3A_282 = arith.ori %or3A_281, %ne3A_280 : i1
          %or3A_283 = arith.ori %or3A_282, %eq3A_154 : i1
          %add3A_284 = arith.constant 1 : i32
          %add3A_285 = arith.addi %while3A_144, %add3A_284 : i32
          %select_n3A_286 = arith.select %or3A_283, %add3A_285, %while3A_144 : i32
          %add3A_287 = arith.constant 1 : i32
          %add3A_288 = arith.addi %while3A_147, %add3A_287 : i32
          %select_n3A_289 = arith.constant true
          %select_n3A_290 = arith.select %select_n3A_289, %add3A_288, %while3A_147 : i32
          %eq3A_291 = arith.cmpi eq, %select_n3A_290, %select_n3A : i32
          %select_n3A_292 = arith.constant 0 : i32
          %select_n3A_293 = arith.select %eq3A_291, %select_n3A_292, %select_n3A_290 : i32
          scf.yield %select_n3A_195, %select_n3A_286, %select_n3A_252, %select_n3A_279, %select_n3A_293 : i32, i32, i32, i32, i32
        }
        %while3A_89 = arith.constant 1 : i32
        %while3A_90:5 = scf.for %while3A_142 = %while3A_86 to %while3A_82 step %while3A_89 iter_args(%while3A_143 = %while3A_88#0, %while3A_144 = %while3A_88#1, %while3A_145 = %while3A_88#2, %while3A_146 = %while3A_88#3, %while3A_147 = %while3A_88#4) -> (i32, i32, i32, i32, i32)  : i32 {
          %mul3A_148 = arith.constant 1 : i32
          %mul3A_149 = arith.muli %mul3A_148, %select_n3A : i32
          %eq3A_150 = arith.constant 0 : i32
          %eq3A_151 = arith.cmpi eq, %while3A_142, %eq3A_150 : i32
          %sub3A_152 = arith.constant 1 : i32
          %sub3A_153 = arith.subi %mul3A_149, %sub3A_152 : i32
          %eq3A_154 = arith.cmpi eq, %while3A_142, %sub3A_153 : i32
          %add3A_155 = arith.addi %while3A_147, %select_n3A_14 : i32
          %sub3A_156 = arith.constant 1 : i32
          %sub3A_157 = arith.subi %while3A_147, %sub3A_156 : i32
          %select_n3A_158 = arith.constant true
          %select_n3A_159 = arith.select %select_n3A_158, %sub3A_157, %while3A_147 : i32
          %eq3A_160 = arith.constant -1 : i32
          %eq3A_161 = arith.cmpi eq, %select_n3A_159, %eq3A_160 : i32
          %sub3A_162 = arith.constant 1 : i32
          %sub3A_163 = arith.subi %select_n3A, %sub3A_162 : i32
          %select_n3A_164 = arith.select %eq3A_161, %sub3A_163, %select_n3A_159 : i32
          %add3A_165 = arith.addi %select_n3A_164, %select_n3A_14 : i32
          %add3A_166 = arith.constant 1 : i32
          %add3A_167 = arith.addi %while3A_147, %add3A_166 : i32
          %select_n3A_168 = arith.constant true
          %select_n3A_169 = arith.select %select_n3A_168, %add3A_167, %while3A_147 : i32
          %eq3A_170 = arith.cmpi eq, %select_n3A_169, %select_n3A : i32
          %select_n3A_171 = arith.constant 0 : i32
          %select_n3A_172 = arith.select %eq3A_170, %select_n3A_171, %select_n3A_169 : i32
          %add3A_173 = arith.addi %select_n3A_172, %select_n3A_14 : i32
          %add3A_174 = arith.constant 1 : i32
          %add3A_175 = arith.addi %select_n3A_172, %add3A_174 : i32
          %select_n3A_176 = arith.constant true
          %select_n3A_177 = arith.select %select_n3A_176, %add3A_175, %select_n3A_172 : i32
          %eq3A_178 = arith.cmpi eq, %select_n3A_177, %select_n3A : i32
          %select_n3A_179 = arith.constant 0 : i32
          %select_n3A_180 = arith.select %eq3A_178, %select_n3A_179, %select_n3A_177 : i32
          %add3A_181 = arith.addi %select_n3A_180, %select_n3A_14 : i32
          %ne3A = arith.cmpi ne, %add3A_155, %add3A_173 : i32
          %or3A = arith.constant false
          %or3A_182 = arith.ori %or3A, %ne3A : i1
          %sub3A_183 = arith.constant 2 : i32
          %sub3A_184 = arith.subi %mul3A_149, %sub3A_183 : i32
          %add3A_185 = arith.constant 1 : i32
          %add3A_186 = arith.addi %sub3A_184, %add3A_185 : i32
          %ge3A = arith.cmpi sge, %while3A_142, %add3A_186 : i32
          %not3A = arith.constant true
          %not3A_187 = arith.xori %ge3A, %not3A : i1
          %and3A = arith.andi %or3A_182, %not3A_187 : i1
          %convert_element_type3A_188 = arith.extui %and3A : i1 to i32
          %cond3A_189 = arith.constant 0 : i32
          %cond3A_190 = arith.cmpi ne, %convert_element_type3A_188, %cond3A_189 : i32
          scf.if %cond3A_190 {
            "tpu.trace_start"() <{level = 10 : i32, message = "ep_copy_in"}> : () -> ()
            %rem3A_294 = arith.constant 2 : i32
            %rem3A_295 = arith.remui %while3A_143, %rem3A_294 : i32
            %mul3A_296 = arith.constant 128 : i32
            %mul3A_297 = arith.muli %mul3A_296, %add3A_173 : i32
            %dma_start3A_298 = arith.constant 0 : i32
            %dma_start3A_299 = arith.constant 0 : i32
            %dma_start3A_300 = tpu.memref_slice %run_scoped3A[%rem3A_295, %dma_start3A_298, %dma_start3A_299] : memref<2x1x128xi32, #tpu.memory_space<vmem>> -> memref<1x1x128xi32, #tpu.memory_space<vmem>>
            %dma_start3A_301 = tpu.memref_squeeze %dma_start3A_300 : memref<1x1x128xi32, #tpu.memory_space<vmem>> -> memref<1x128xi32, #tpu.memory_space<vmem>>
            %dma_start3A_302 = arith.constant 0 : i32
            %dma_start3A_303 = tpu.memref_slice %arg3[%dma_start3A_302, %mul3A_297] : memref<1x40064xi32, #tpu.memory_space<hbm>> -> memref<1x128xi32, #tpu.memory_space<hbm>>
            %dma_start3A_304 = tpu.memref_slice %run_scoped3A_17[%rem3A_295] : memref<2x!tpu.dma_semaphore, #tpu.memory_space<semaphore_mem>> -> memref<1x!tpu.dma_semaphore, #tpu.memory_space<semaphore_mem>>
            %dma_start3A_305 = tpu.memref_squeeze %dma_start3A_304 : memref<1x!tpu.dma_semaphore, #tpu.memory_space<semaphore_mem>> -> memref<!tpu.dma_semaphore, #tpu.memory_space<semaphore_mem>>
            %dma_start3A_306 = arith.constant 0 : i32
            %dma_start3A_307 = arith.constant 0 : i32
            %dma_start3A_308 = tpu.memref_slice %run_scoped3A[%rem3A_295, %dma_start3A_306, %dma_start3A_307] : memref<2x1x128xi32, #tpu.memory_space<vmem>> -> memref<1x1x128xi32, #tpu.memory_space<vmem>>
            %dma_start3A_309 = tpu.memref_squeeze %dma_start3A_308 : memref<1x1x128xi32, #tpu.memory_space<vmem>> -> memref<1x128xi32, #tpu.memory_space<vmem>>
            %dma_start3A_310 = arith.constant 0 : i32
            %dma_start3A_311 = tpu.memref_slice %arg3[%dma_start3A_310, %mul3A_297] : memref<1x40064xi32, #tpu.memory_space<hbm>> -> memref<1x128xi32, #tpu.memory_space<hbm>>
            tpu.enqueue_dma source(%dma_start3A_311 : memref<1x128xi32, #tpu.memory_space<hbm>>) target(%dma_start3A_309 : memref<1x128xi32, #tpu.memory_space<vmem>>) target_semaphore(%dma_start3A_305 : memref<!tpu.dma_semaphore, #tpu.memory_space<semaphore_mem>>)
            "tpu.trace_stop"() : () -> ()
          } else {
          }
          %and3A_191 = arith.constant true
          %and3A_192 = arith.andi %and3A, %and3A_191 : i1
          %add3A_193 = arith.constant 1 : i32
          %add3A_194 = arith.addi %while3A_143, %add3A_193 : i32
          %select_n3A_195 = arith.select %and3A_192, %add3A_194, %while3A_143 : i32
          %ne3A_196 = arith.cmpi ne, %add3A_155, %add3A_173 : i32
          %or3A_197 = arith.constant false
          %or3A_198 = arith.ori %or3A_197, %ne3A_196 : i1
          %or3A_199 = arith.constant false
          %or3A_200 = arith.ori %or3A_198, %or3A_199 : i1
          %sub3A_201 = arith.constant 2 : i32
          %sub3A_202 = arith.subi %mul3A_149, %sub3A_201 : i32
          %add3A_203 = arith.constant 1 : i32
          %add3A_204 = arith.addi %sub3A_202, %add3A_203 : i32
          %ge3A_205 = arith.cmpi sge, %while3A_142, %add3A_204 : i32
          %not3A_206 = arith.constant true
          %not3A_207 = arith.xori %ge3A_205, %not3A_206 : i1
          %and3A_208 = arith.andi %or3A_200, %not3A_207 : i1
          %ne3A_209 = arith.cmpi ne, %add3A_155, %add3A_165 : i32
          %or3A_210 = arith.constant false
          %or3A_211 = arith.ori %or3A_210, %ne3A_209 : i1
          %or3A_212 = arith.ori %or3A_211, %eq3A_151 : i1
          %convert_element_type3A_213 = arith.extui %or3A_212 : i1 to i32
          %cond3A_214 = arith.constant 0 : i32
          %cond3A_215 = arith.cmpi ne, %convert_element_type3A_213, %cond3A_214 : i32
          scf.if %cond3A_215 {
            "tpu.trace_start"() <{level = 10 : i32, message = "ep_wait_in"}> : () -> ()
            %mul3A_294 = arith.constant 128 : i32
            %mul3A_295 = arith.muli %mul3A_294, %add3A_155 : i32
            %rem3A_296 = arith.constant 2 : i32
            %rem3A_297 = arith.remui %while3A_144, %rem3A_296 : i32
            %dma_wait3A = arith.constant 0 : i32
            %dma_wait3A_298 = arith.constant 0 : i32
            %dma_wait3A_299 = tpu.memref_slice %run_scoped3A[%rem3A_297, %dma_wait3A, %dma_wait3A_298] : memref<2x1x128xi32, #tpu.memory_space<vmem>> -> memref<1x1x128xi32, #tpu.memory_space<vmem>>
            %dma_wait3A_300 = tpu.memref_squeeze %dma_wait3A_299 : memref<1x1x128xi32, #tpu.memory_space<vmem>> -> memref<1x128xi32, #tpu.memory_space<vmem>>
            %dma_wait3A_301 = arith.constant 0 : i32
            %dma_wait3A_302 = tpu.memref_slice %arg3[%dma_wait3A_301, %mul3A_295] : memref<1x40064xi32, #tpu.memory_space<hbm>> -> memref<1x128xi32, #tpu.memory_space<hbm>>
            %dma_wait3A_303 = tpu.memref_slice %run_scoped3A_17[%rem3A_297] : memref<2x!tpu.dma_semaphore, #tpu.memory_space<semaphore_mem>> -> memref<1x!tpu.dma_semaphore, #tpu.memory_space<semaphore_mem>>
            %dma_wait3A_304 = tpu.memref_squeeze %dma_wait3A_303 : memref<1x!tpu.dma_semaphore, #tpu.memory_space<semaphore_mem>> -> memref<!tpu.dma_semaphore, #tpu.memory_space<semaphore_mem>>
            %dma_wait3A_305 = arith.constant 0 : i32
            %dma_wait3A_306 = arith.constant 0 : i32
            %dma_wait3A_307 = tpu.memref_slice %run_scoped3A[%rem3A_297, %dma_wait3A_305, %dma_wait3A_306] : memref<2x1x128xi32, #tpu.memory_space<vmem>> -> memref<1x1x128xi32, #tpu.memory_space<vmem>>
            %dma_wait3A_308 = tpu.memref_squeeze %dma_wait3A_307 : memref<1x1x128xi32, #tpu.memory_space<vmem>> -> memref<1x128xi32, #tpu.memory_space<vmem>>
            %dma_wait3A_309 = arith.constant 0 : i32
            %dma_wait3A_310 = tpu.memref_slice %arg3[%dma_wait3A_309, %mul3A_295] : memref<1x40064xi32, #tpu.memory_space<hbm>> -> memref<1x128xi32, #tpu.memory_space<hbm>>
            tpu.wait_dma2 semaphore(%dma_wait3A_304 : memref<!tpu.dma_semaphore, #tpu.memory_space<semaphore_mem>>) src(%dma_wait3A_310 : memref<1x128xi32, #tpu.memory_space<hbm>>) dst(%dma_wait3A_308 : memref<1x128xi32, #tpu.memory_space<vmem>>)
            "tpu.trace_stop"() : () -> ()
          } else {
          }
          %ne3A_216 = arith.cmpi ne, %add3A_155, %add3A_165 : i32
          %or3A_217 = arith.constant false
          %or3A_218 = arith.ori %or3A_217, %ne3A_216 : i1
          %or3A_219 = arith.constant false
          %or3A_220 = arith.ori %or3A_218, %or3A_219 : i1
          %or3A_221 = arith.ori %or3A_220, %eq3A_151 : i1
          %convert_element_type3A_222 = arith.extui %or3A_221 : i1 to i32
          %cond3A_223 = arith.constant 0 : i32
          %cond3A_224 = arith.cmpi ne, %convert_element_type3A_222, %cond3A_223 : i32
          scf.if %cond3A_224 {
          } else {
          }
          %rem3A_225 = arith.constant 2 : i32
          %rem3A_226 = arith.remui %while3A_144, %rem3A_225 : i32
          %rem3A_227 = arith.constant 2 : i32
          %rem3A_228 = arith.remui %while3A_145, %rem3A_227 : i32
          %run_scoped3A_229 = arith.constant 0 : i32
          "tpu.trace_start"() <{level = 10 : i32, message = "ep_run_kernel"}> : () -> ()
          "tpu.region"() ({
            %run_scoped3A_294 = tpu.sem_alloc : memref<!tpu.dma_semaphore, #tpu.memory_space<semaphore_mem>>
            %dma_start3A_295 = arith.constant 0 : i32
            %dma_start3A_296 = arith.constant 0 : i32
            %dma_start3A_297 = tpu.memref_slice %run_scoped3A_18[%rem3A_228, %dma_start3A_295, %dma_start3A_296] : memref<2x128x128xf32, #tpu.memory_space<vmem>> -> memref<1x128x128xf32, #tpu.memory_space<vmem>>
            %dma_start3A_298 = tpu.memref_squeeze %dma_start3A_297 : memref<1x128x128xf32, #tpu.memory_space<vmem>> -> memref<128x128xf32, #tpu.memory_space<vmem>>
            %dma_start3A_299 = arith.constant 0 : i32
            %dma_start3A_300 = arith.constant 0 : i32
            %dma_start3A_301 = tpu.memref_slice %run_scoped3A[%rem3A_226, %dma_start3A_299, %dma_start3A_300] : memref<2x1x128xi32, #tpu.memory_space<vmem>> -> memref<1x1x128xi32, #tpu.memory_space<vmem>>
            %dma_start3A_302 = tpu.memref_squeeze %dma_start3A_301 : memref<1x1x128xi32, #tpu.memory_space<vmem>> -> memref<1x128xi32, #tpu.memory_space<vmem>>
            %dma_start3A_303 = arith.constant 0 : i32
            %dma_start3A_304 = tpu.memref_slice %dma_start3A_302[%run_scoped3A_229, %dma_start3A_303] : memref<1x128xi32, #tpu.memory_space<vmem>> -> memref<1x128xi32, #tpu.memory_space<vmem>>
            %dma_start3A_305 = tpu.memref_squeeze %dma_start3A_304 : memref<1x128xi32, #tpu.memory_space<vmem>> -> memref<128xi32, #tpu.memory_space<vmem>>
            %dma_start3A_306 = arith.constant 0 : i32
            %dma_start3A_307 = arith.constant 0 : i32
            %dma_start3A_308 = tpu.memref_slice %arg2[%dma_start3A_306, %dma_start3A_307] : memref<20000x128xf32, #tpu.memory_space<hbm>> -> memref<20000x128xf32, #tpu.memory_space<hbm>>
            tpu.enqueue_indirect_dma source(%dma_start3A_308 : memref<20000x128xf32, #tpu.memory_space<hbm>>) target(%dma_start3A_298 : memref<128x128xf32, #tpu.memory_space<vmem>>) offsets(%dma_start3A_305 : memref<128xi32, #tpu.memory_space<vmem>>) semaphore(%run_scoped3A_294 : memref<!tpu.dma_semaphore, #tpu.memory_space<semaphore_mem>>)
            %dma_wait3A = arith.constant 0 : i32
            %dma_wait3A_309 = arith.constant 0 : i32
            %dma_wait3A_310 = tpu.memref_slice %run_scoped3A_18[%rem3A_228, %dma_wait3A, %dma_wait3A_309] : memref<2x128x128xf32, #tpu.memory_space<vmem>> -> memref<1x128x128xf32, #tpu.memory_space<vmem>>
            %dma_wait3A_311 = tpu.memref_squeeze %dma_wait3A_310 : memref<1x128x128xf32, #tpu.memory_space<vmem>> -> memref<128x128xf32, #tpu.memory_space<vmem>>
            %dma_wait3A_312 = arith.constant 0 : i32
            %dma_wait3A_313 = arith.constant 0 : i32
            %dma_wait3A_314 = tpu.memref_slice %run_scoped3A[%rem3A_226, %dma_wait3A_312, %dma_wait3A_313] : memref<2x1x128xi32, #tpu.memory_space<vmem>> -> memref<1x1x128xi32, #tpu.memory_space<vmem>>
            %dma_wait3A_315 = tpu.memref_squeeze %dma_wait3A_314 : memref<1x1x128xi32, #tpu.memory_space<vmem>> -> memref<1x128xi32, #tpu.memory_space<vmem>>
            %dma_wait3A_316 = arith.constant 0 : i32
            %dma_wait3A_317 = tpu.memref_slice %dma_wait3A_315[%run_scoped3A_229, %dma_wait3A_316] : memref<1x128xi32, #tpu.memory_space<vmem>> -> memref<1x128xi32, #tpu.memory_space<vmem>>
            %dma_wait3A_318 = tpu.memref_squeeze %dma_wait3A_317 : memref<1x128xi32, #tpu.memory_space<vmem>> -> memref<128xi32, #tpu.memory_space<vmem>>
            %dma_wait3A_319 = arith.constant 0 : i32
            %dma_wait3A_320 = arith.constant 0 : i32
            %dma_wait3A_321 = tpu.memref_slice %arg2[%dma_wait3A_319, %dma_wait3A_320] : memref<20000x128xf32, #tpu.memory_space<hbm>> -> memref<20000x128xf32, #tpu.memory_space<hbm>>
            tpu.wait_indirect_dma semaphore(%run_scoped3A_294 : memref<!tpu.dma_semaphore, #tpu.memory_space<semaphore_mem>>) src(%dma_wait3A_321 : memref<20000x128xf32, #tpu.memory_space<hbm>>) dst(%dma_wait3A_311 : memref<128x128xf32, #tpu.memory_space<vmem>>)
            tpu.yield
          }) : () -> ()
          "tpu.trace_stop"() : () -> ()
          %ne3A_230 = arith.cmpi ne, %add3A_155, %add3A_173 : i32
          %or3A_231 = arith.constant false
          %or3A_232 = arith.ori %or3A_231, %ne3A_230 : i1
          %or3A_233 = arith.ori %or3A_232, %eq3A_154 : i1
          %convert_element_type3A_234 = arith.extui %or3A_233 : i1 to i32
          %cond3A_235 = arith.constant 0 : i32
          %cond3A_236 = arith.cmpi ne, %convert_element_type3A_234, %cond3A_235 : i32
          scf.if %cond3A_236 {
          } else {
          }
          %and3A_237 = arith.constant false
          %and3A_238 = arith.andi %or3A_233, %and3A_237 : i1
          %ne3A_239 = arith.cmpi ne, %add3A_155, %add3A_173 : i32
          %or3A_240 = arith.constant false
          %or3A_241 = arith.ori %or3A_240, %ne3A_239 : i1
          %or3A_242 = arith.constant false
          %or3A_243 = arith.ori %or3A_241, %or3A_242 : i1
          %or3A_244 = arith.ori %or3A_243, %eq3A_154 : i1
          %convert_element_type3A_245 = arith.extui %or3A_244 : i1 to i32
          %cond3A_246 = arith.constant 0 : i32
          %cond3A_247 = arith.cmpi ne, %convert_element_type3A_245, %cond3A_246 : i32
          scf.if %cond3A_247 {
            "tpu.trace_start"() <{level = 10 : i32, message = "ep_copy_out"}> : () -> ()
            %rem3A_294 = arith.constant 2 : i32
            %rem3A_295 = arith.remui %while3A_145, %rem3A_294 : i32
            %mul3A_296 = arith.constant 128 : i32
            %mul3A_297 = arith.muli %mul3A_296, %add3A_155 : i32
            %dma_start3A_298 = arith.constant 0 : i32
            %dma_start3A_299 = arith.constant 0 : i32
            %dma_start3A_300 = tpu.memref_slice %run_scoped3A_18[%rem3A_295, %dma_start3A_298, %dma_start3A_299] : memref<2x128x128xf32, #tpu.memory_space<vmem>> -> memref<1x128x128xf32, #tpu.memory_space<vmem>>
            %dma_start3A_301 = tpu.memref_squeeze %dma_start3A_300 : memref<1x128x128xf32, #tpu.memory_space<vmem>> -> memref<128x128xf32, #tpu.memory_space<vmem>>
            %dma_start3A_302 = arith.constant 0 : i32
            %dma_start3A_303 = tpu.memref_slice %arg4[%mul3A_297, %dma_start3A_302] : memref<40064x128xf32, #tpu.memory_space<hbm>> -> memref<128x128xf32, #tpu.memory_space<hbm>>
            %dma_start3A_304 = tpu.memref_slice %run_scoped3A_19[%rem3A_295] : memref<2x!tpu.dma_semaphore, #tpu.memory_space<semaphore_mem>> -> memref<1x!tpu.dma_semaphore, #tpu.memory_space<semaphore_mem>>
            %dma_start3A_305 = tpu.memref_squeeze %dma_start3A_304 : memref<1x!tpu.dma_semaphore, #tpu.memory_space<semaphore_mem>> -> memref<!tpu.dma_semaphore, #tpu.memory_space<semaphore_mem>>
            %dma_start3A_306 = arith.constant 0 : i32
            %dma_start3A_307 = tpu.memref_slice %arg4[%mul3A_297, %dma_start3A_306] : memref<40064x128xf32, #tpu.memory_space<hbm>> -> memref<128x128xf32, #tpu.memory_space<hbm>>
            %dma_start3A_308 = arith.constant 0 : i32
            %dma_start3A_309 = arith.constant 0 : i32
            %dma_start3A_310 = tpu.memref_slice %run_scoped3A_18[%rem3A_295, %dma_start3A_308, %dma_start3A_309] : memref<2x128x128xf32, #tpu.memory_space<vmem>> -> memref<1x128x128xf32, #tpu.memory_space<vmem>>
            %dma_start3A_311 = tpu.memref_squeeze %dma_start3A_310 : memref<1x128x128xf32, #tpu.memory_space<vmem>> -> memref<128x128xf32, #tpu.memory_space<vmem>>
            tpu.enqueue_dma source(%dma_start3A_311 : memref<128x128xf32, #tpu.memory_space<vmem>>) target(%dma_start3A_307 : memref<128x128xf32, #tpu.memory_space<hbm>>) target_semaphore(%dma_start3A_305 : memref<!tpu.dma_semaphore, #tpu.memory_space<semaphore_mem>>)
            "tpu.trace_stop"() : () -> ()
          } else {
          }
          %and3A_248 = arith.constant true
          %and3A_249 = arith.andi %or3A_244, %and3A_248 : i1
          %add3A_250 = arith.constant 1 : i32
          %add3A_251 = arith.addi %while3A_145, %add3A_250 : i32
          %select_n3A_252 = arith.select %and3A_249, %add3A_251, %while3A_145 : i32
          %ne3A_253 = arith.cmpi ne, %add3A_155, %add3A_165 : i32
          %or3A_254 = arith.constant false
          %or3A_255 = arith.ori %or3A_254, %ne3A_253 : i1
          %not3A_256 = arith.constant true
          %not3A_257 = arith.xori %eq3A_151, %not3A_256 : i1
          %and3A_258 = arith.andi %or3A_255, %not3A_257 : i1
          %convert_element_type3A_259 = arith.extui %and3A_258 : i1 to i32
          %cond3A_260 = arith.constant 0 : i32
          %cond3A_261 = arith.cmpi ne, %convert_element_type3A_259, %cond3A_260 : i32
          scf.if %cond3A_261 {
          } else {
          }
          %and3A_262 = arith.constant false
          %and3A_263 = arith.andi %and3A_258, %and3A_262 : i1
          %ne3A_264 = arith.cmpi ne, %add3A_155, %add3A_165 : i32
          %or3A_265 = arith.constant false
          %or3A_266 = arith.ori %or3A_265, %ne3A_264 : i1
          %or3A_267 = arith.constant false
          %or3A_268 = arith.ori %or3A_266, %or3A_267 : i1
          %not3A_269 = arith.constant true
          %not3A_270 = arith.xori %eq3A_151, %not3A_269 : i1
          %and3A_271 = arith.andi %or3A_268, %not3A_270 : i1
          %convert_element_type3A_272 = arith.extui %and3A_271 : i1 to i32
          %cond3A_273 = arith.constant 0 : i32
          %cond3A_274 = arith.cmpi ne, %convert_element_type3A_272, %cond3A_273 : i32
          scf.if %cond3A_274 {
            "tpu.trace_start"() <{level = 10 : i32, message = "ep_wait_out"}> : () -> ()
            %rem3A_294 = arith.constant 2 : i32
            %rem3A_295 = arith.remui %while3A_146, %rem3A_294 : i32
            %mul3A_296 = arith.constant 128 : i32
            %mul3A_297 = arith.muli %mul3A_296, %add3A_165 : i32
            %dma_wait3A = arith.constant 0 : i32
            %dma_wait3A_298 = arith.constant 0 : i32
            %dma_wait3A_299 = tpu.memref_slice %run_scoped3A_18[%rem3A_295, %dma_wait3A, %dma_wait3A_298] : memref<2x128x128xf32, #tpu.memory_space<vmem>> -> memref<1x128x128xf32, #tpu.memory_space<vmem>>
            %dma_wait3A_300 = tpu.memref_squeeze %dma_wait3A_299 : memref<1x128x128xf32, #tpu.memory_space<vmem>> -> memref<128x128xf32, #tpu.memory_space<vmem>>
            %dma_wait3A_301 = arith.constant 0 : i32
            %dma_wait3A_302 = tpu.memref_slice %arg4[%mul3A_297, %dma_wait3A_301] : memref<40064x128xf32, #tpu.memory_space<hbm>> -> memref<128x128xf32, #tpu.memory_space<hbm>>
            %dma_wait3A_303 = tpu.memref_slice %run_scoped3A_19[%rem3A_295] : memref<2x!tpu.dma_semaphore, #tpu.memory_space<semaphore_mem>> -> memref<1x!tpu.dma_semaphore, #tpu.memory_space<semaphore_mem>>
            %dma_wait3A_304 = tpu.memref_squeeze %dma_wait3A_303 : memref<1x!tpu.dma_semaphore, #tpu.memory_space<semaphore_mem>> -> memref<!tpu.dma_semaphore, #tpu.memory_space<semaphore_mem>>
            %dma_wait3A_305 = arith.constant 0 : i32
            %dma_wait3A_306 = tpu.memref_slice %arg4[%mul3A_297, %dma_wait3A_305] : memref<40064x128xf32, #tpu.memory_space<hbm>> -> memref<128x128xf32, #tpu.memory_space<hbm>>
            %dma_wait3A_307 = arith.constant 0 : i32
            %dma_wait3A_308 = arith.constant 0 : i32
            %dma_wait3A_309 = tpu.memref_slice %run_scoped3A_18[%rem3A_295, %dma_wait3A_307, %dma_wait3A_308] : memref<2x128x128xf32, #tpu.memory_space<vmem>> -> memref<1x128x128xf32, #tpu.memory_space<vmem>>
            %dma_wait3A_310 = tpu.memref_squeeze %dma_wait3A_309 : memref<1x128x128xf32, #tpu.memory_space<vmem>> -> memref<128x128xf32, #tpu.memory_space<vmem>>
            tpu.wait_dma2 semaphore(%dma_wait3A_304 : memref<!tpu.dma_semaphore, #tpu.memory_space<semaphore_mem>>) src(%dma_wait3A_310 : memref<128x128xf32, #tpu.memory_space<vmem>>) dst(%dma_wait3A_306 : memref<128x128xf32, #tpu.memory_space<hbm>>)
            "tpu.trace_stop"() : () -> ()
          } else {
          }
          %and3A_275 = arith.constant true
          %and3A_276 = arith.andi %and3A_271, %and3A_275 : i1
          %add3A_277 = arith.constant 1 : i32
          %add3A_278 = arith.addi %while3A_146, %add3A_277 : i32
          %select_n3A_279 = arith.select %and3A_276, %add3A_278, %while3A_146 : i32
          %ne3A_280 = arith.cmpi ne, %add3A_155, %add3A_173 : i32
          %or3A_281 = arith.constant false
          %or3A_282 = arith.ori %or3A_281, %ne3A_280 : i1
          %or3A_283 = arith.ori %or3A_282, %eq3A_154 : i1
          %add3A_284 = arith.constant 1 : i32
          %add3A_285 = arith.addi %while3A_144, %add3A_284 : i32
          %select_n3A_286 = arith.select %or3A_283, %add3A_285, %while3A_144 : i32
          %add3A_287 = arith.constant 1 : i32
          %add3A_288 = arith.addi %while3A_147, %add3A_287 : i32
          %select_n3A_289 = arith.constant true
          %select_n3A_290 = arith.select %select_n3A_289, %add3A_288, %while3A_147 : i32
          %eq3A_291 = arith.cmpi eq, %select_n3A_290, %select_n3A : i32
          %select_n3A_292 = arith.constant 0 : i32
          %select_n3A_293 = arith.select %eq3A_291, %select_n3A_292, %select_n3A_290 : i32
          scf.yield %select_n3A_195, %select_n3A_286, %select_n3A_252, %select_n3A_279, %select_n3A_293 : i32, i32, i32, i32, i32
        }
        %sub3A_91 = arith.constant 1 : i32
        %sub3A_92 = arith.subi %while3A_90#4, %sub3A_91 : i32
        %select_n3A_93 = arith.constant true
        %select_n3A_94 = arith.select %select_n3A_93, %sub3A_92, %while3A_90#4 : i32
        %eq3A_95 = arith.constant -1 : i32
        %eq3A_96 = arith.cmpi eq, %select_n3A_94, %eq3A_95 : i32
        %sub3A_97 = arith.constant 1 : i32
        %sub3A_98 = arith.subi %select_n3A, %sub3A_97 : i32
        %select_n3A_99 = arith.select %eq3A_96, %sub3A_98, %select_n3A_94 : i32
        %sub3A_100 = arith.constant 1 : i32
        %sub3A_101 = arith.subi %mul3A_16, %sub3A_100 : i32
        %mul3A_102 = arith.constant 1 : i32
        %mul3A_103 = arith.muli %mul3A_102, %select_n3A : i32
        %eq3A_104 = arith.constant 0 : i32
        %eq3A_105 = arith.cmpi eq, %sub3A_101, %eq3A_104 : i32
        %sub3A_106 = arith.constant 1 : i32
        %sub3A_107 = arith.subi %mul3A_103, %sub3A_106 : i32
        %eq3A_108 = arith.cmpi eq, %sub3A_101, %sub3A_107 : i32
        %add3A_109 = arith.addi %select_n3A_99, %select_n3A_14 : i32
        %sub3A_110 = arith.constant 1 : i32
        %sub3A_111 = arith.subi %select_n3A_99, %sub3A_110 : i32
        %select_n3A_112 = arith.constant true
        %select_n3A_113 = arith.select %select_n3A_112, %sub3A_111, %select_n3A_99 : i32
        %eq3A_114 = arith.constant -1 : i32
        %eq3A_115 = arith.cmpi eq, %select_n3A_113, %eq3A_114 : i32
        %sub3A_116 = arith.constant 1 : i32
        %sub3A_117 = arith.subi %select_n3A, %sub3A_116 : i32
        %select_n3A_118 = arith.select %eq3A_115, %sub3A_117, %select_n3A_113 : i32
        %add3A_119 = arith.addi %select_n3A_118, %select_n3A_14 : i32
        %add3A_120 = arith.constant 1 : i32
        %add3A_121 = arith.addi %select_n3A_99, %add3A_120 : i32
        %select_n3A_122 = arith.constant true
        %select_n3A_123 = arith.select %select_n3A_122, %add3A_121, %select_n3A_99 : i32
        %eq3A_124 = arith.cmpi eq, %select_n3A_123, %select_n3A : i32
        %select_n3A_125 = arith.constant 0 : i32
        %select_n3A_126 = arith.select %eq3A_124, %select_n3A_125, %select_n3A_123 : i32
        %add3A_127 = arith.addi %select_n3A_126, %select_n3A_14 : i32
        %add3A_128 = arith.constant 1 : i32
        %add3A_129 = arith.addi %select_n3A_126, %add3A_128 : i32
        %select_n3A_130 = arith.constant true
        %select_n3A_131 = arith.select %select_n3A_130, %add3A_129, %select_n3A_126 : i32
        %eq3A_132 = arith.cmpi eq, %select_n3A_131, %select_n3A : i32
        %select_n3A_133 = arith.constant 0 : i32
        %select_n3A_134 = arith.select %eq3A_132, %select_n3A_133, %select_n3A_131 : i32
        %add3A_135 = arith.addi %select_n3A_134, %select_n3A_14 : i32
        %convert_element_type3A_136 = arith.extui %eq3A_108 : i1 to i32
        %cond3A_137 = arith.constant 0 : i32
        %cond3A_138 = arith.cmpi ne, %convert_element_type3A_136, %cond3A_137 : i32
        scf.if %cond3A_138 {
        } else {
        }
        %convert_element_type3A_139 = arith.extui %eq3A_108 : i1 to i32
        %cond3A_140 = arith.constant 0 : i32
        %cond3A_141 = arith.cmpi ne, %convert_element_type3A_139, %cond3A_140 : i32
        scf.if %cond3A_141 {
          "tpu.trace_start"() <{level = 10 : i32, message = "ep_finalize"}> : () -> ()
          %rem3A_142 = arith.constant 2 : i32
          %rem3A_143 = arith.remui %while3A_90#3, %rem3A_142 : i32
          %mul3A_144 = arith.constant 128 : i32
          %mul3A_145 = arith.muli %mul3A_144, %add3A_109 : i32
          %dma_wait3A = arith.constant 0 : i32
          %dma_wait3A_146 = arith.constant 0 : i32
          %dma_wait3A_147 = tpu.memref_slice %run_scoped3A_18[%rem3A_143, %dma_wait3A, %dma_wait3A_146] : memref<2x128x128xf32, #tpu.memory_space<vmem>> -> memref<1x128x128xf32, #tpu.memory_space<vmem>>
          %dma_wait3A_148 = tpu.memref_squeeze %dma_wait3A_147 : memref<1x128x128xf32, #tpu.memory_space<vmem>> -> memref<128x128xf32, #tpu.memory_space<vmem>>
          %dma_wait3A_149 = arith.constant 0 : i32
          %dma_wait3A_150 = tpu.memref_slice %arg4[%mul3A_145, %dma_wait3A_149] : memref<40064x128xf32, #tpu.memory_space<hbm>> -> memref<128x128xf32, #tpu.memory_space<hbm>>
          %dma_wait3A_151 = tpu.memref_slice %run_scoped3A_19[%rem3A_143] : memref<2x!tpu.dma_semaphore, #tpu.memory_space<semaphore_mem>> -> memref<1x!tpu.dma_semaphore, #tpu.memory_space<semaphore_mem>>
          %dma_wait3A_152 = tpu.memref_squeeze %dma_wait3A_151 : memref<1x!tpu.dma_semaphore, #tpu.memory_space<semaphore_mem>> -> memref<!tpu.dma_semaphore, #tpu.memory_space<semaphore_mem>>
          %dma_wait3A_153 = arith.constant 0 : i32
          %dma_wait3A_154 = tpu.memref_slice %arg4[%mul3A_145, %dma_wait3A_153] : memref<40064x128xf32, #tpu.memory_space<hbm>> -> memref<128x128xf32, #tpu.memory_space<hbm>>
          %dma_wait3A_155 = arith.constant 0 : i32
          %dma_wait3A_156 = arith.constant 0 : i32
          %dma_wait3A_157 = tpu.memref_slice %run_scoped3A_18[%rem3A_143, %dma_wait3A_155, %dma_wait3A_156] : memref<2x128x128xf32, #tpu.memory_space<vmem>> -> memref<1x128x128xf32, #tpu.memory_space<vmem>>
          %dma_wait3A_158 = tpu.memref_squeeze %dma_wait3A_157 : memref<1x128x128xf32, #tpu.memory_space<vmem>> -> memref<128x128xf32, #tpu.memory_space<vmem>>
          tpu.wait_dma2 semaphore(%dma_wait3A_152 : memref<!tpu.dma_semaphore, #tpu.memory_space<semaphore_mem>>) src(%dma_wait3A_158 : memref<128x128xf32, #tpu.memory_space<vmem>>) dst(%dma_wait3A_154 : memref<128x128xf32, #tpu.memory_space<hbm>>)
          "tpu.trace_stop"() : () -> ()
        } else {
        }
      } else {
      }
      tpu.yield
    }) : () -> ()
    return
  }
}

#map = affine_map<(d0, d1) -> (0, 0)>
module attributes {stable_mosaic.version = 14 : i64} {
  func.func @k(%arg0: i32, %arg1: i32, %arg2: memref<20000x128xf32, #tpu.memory_space<hbm>>, %arg3: memref<1x320000xi32, #tpu.memory_space<hbm>>, %arg4: memref<320000x128xf32, #tpu.memory_space<hbm>>) attributes {dimension_semantics = [#tpu.dimension_semantics<core_parallel>, #tpu.dimension_semantics<subcore_parallel>], iteration_bounds = array<i64: 2, 16>, scalar_prefetch = 0 : i64, scratch_operands = 0 : i64, tpu.core_type = #tpu.core_type<sc_vector_subcore>, window_params = [{transform_indices = #map}, {transform_indices = #map}, {transform_indices = #map}]} {
    %mul3A = arith.constant 1 : i32
    %mul3A_0 = arith.muli %arg1, %mul3A : i32
    %add3A = arith.constant 0 : i32
    %add3A_1 = arith.addi %add3A, %mul3A_0 : i32
    %mul3A_2 = arith.constant 16 : i32
    %mul3A_3 = arith.muli %arg0, %mul3A_2 : i32
    %add3A_4 = arith.addi %add3A_1, %mul3A_3 : i32
    %lt3A = arith.constant 4 : i32
    %lt3A_5 = arith.cmpi slt, %add3A_4, %lt3A : i32
    %jit3A = arith.constant 79 : i32
    %jit3A_6 = arith.constant 78 : i32
    %select_n3A = arith.select %lt3A_5, %jit3A, %jit3A_6 : i32
    %lt3A_7 = arith.constant 4 : i32
    %lt3A_8 = arith.cmpi slt, %add3A_4, %lt3A_7 : i32
    %mul3A_9 = arith.muli %add3A_4, %select_n3A : i32
    %mul3A_10 = arith.constant 78 : i32
    %mul3A_11 = arith.muli %add3A_4, %mul3A_10 : i32
    %add3A_12 = arith.constant 4 : i32
    %add3A_13 = arith.addi %mul3A_11, %add3A_12 : i32
    %select_n3A_14 = arith.select %lt3A_8, %mul3A_9, %add3A_13 : i32
    %mul3A_15 = arith.constant 1 : i32
    %mul3A_16 = arith.muli %mul3A_15, %select_n3A : i32
    "tpu.region"() ({
      %run_scoped3A = memref.alloca() : memref<2x1x128xi32, #tpu.memory_space<vmem>>
      %run_scoped3A_17 = tpu.sem_alloc : memref<2x!tpu.dma_semaphore, #tpu.memory_space<semaphore_mem>>
      %run_scoped3A_18 = memref.alloca() : memref<2x128x128xf32, #tpu.memory_space<vmem>>
      %run_scoped3A_19 = tpu.sem_alloc : memref<2x!tpu.dma_semaphore, #tpu.memory_space<semaphore_mem>>
      %gt3A = arith.constant 0 : i32
      %gt3A_20 = arith.cmpi sgt, %mul3A_16, %gt3A : i32
      %convert_element_type3A = arith.extui %gt3A_20 : i1 to i32
      %cond3A = arith.constant 0 : i32
      %cond3A_21 = arith.cmpi ne, %convert_element_type3A, %cond3A : i32
      scf.if %cond3A_21 {
        %mul3A_22 = arith.constant 1 : i32
        %mul3A_23 = arith.muli %mul3A_22, %select_n3A : i32
        %sub3A = arith.constant 1 : i32
        %sub3A_24 = arith.subi %mul3A_23, %sub3A : i32
        %eq3A = arith.constant 0 : i32
        %eq3A_25 = arith.cmpi eq, %sub3A_24, %eq3A : i32
        %add3A_26 = arith.constant 0 : i32
        %add3A_27 = arith.addi %add3A_26, %select_n3A_14 : i32
        %select_n3A_28 = arith.constant true
        %select_n3A_29 = arith.constant 0 : i32
        %select_n3A_30 = arith.constant -1 : i32
        %select_n3A_31 = arith.select %select_n3A_28, %select_n3A_30, %select_n3A_29 : i32
        %eq3A_32 = arith.constant -1 : i32
        %eq3A_33 = arith.cmpi eq, %select_n3A_31, %eq3A_32 : i32
        %sub3A_34 = arith.constant 1 : i32
        %sub3A_35 = arith.subi %select_n3A, %sub3A_34 : i32
        %select_n3A_36 = arith.select %eq3A_33, %sub3A_35, %select_n3A_31 : i32
        %add3A_37 = arith.addi %select_n3A_36, %select_n3A_14 : i32
        %select_n3A_38 = arith.constant true
        %select_n3A_39 = arith.constant 0 : i32
        %select_n3A_40 = arith.constant 1 : i32
        %select_n3A_41 = arith.select %select_n3A_38, %select_n3A_40, %select_n3A_39 : i32
        %eq3A_42 = arith.cmpi eq, %select_n3A_41, %select_n3A : i32
        %select_n3A_43 = arith.constant 0 : i32
        %select_n3A_44 = arith.select %eq3A_42, %select_n3A_43, %select_n3A_41 : i32
        %add3A_45 = arith.addi %select_n3A_44, %select_n3A_14 : i32
        %add3A_46 = arith.constant 1 : i32
        %add3A_47 = arith.addi %select_n3A_44, %add3A_46 : i32
        %select_n3A_48 = arith.constant true
        %select_n3A_49 = arith.select %select_n3A_48, %add3A_47, %select_n3A_44 : i32
        %eq3A_50 = arith.cmpi eq, %select_n3A_49, %select_n3A : i32
        %select_n3A_51 = arith.constant 0 : i32
        %select_n3A_52 = arith.select %eq3A_50, %select_n3A_51, %select_n3A_49 : i32
        %add3A_53 = arith.addi %select_n3A_52, %select_n3A_14 : i32
        "tpu.trace_start"() <{level = 10 : i32, message = "ep_initialize_0"}> : () -> ()
        %rem3A = arith.constant 0 : i32
        %rem3A_54 = arith.constant 2 : i32
        %rem3A_55 = arith.remui %rem3A, %rem3A_54 : i32
        %mul3A_56 = arith.constant 128 : i32
        %mul3A_57 = arith.muli %mul3A_56, %add3A_27 : i32
        %dma_start3A = arith.constant 0 : i32
        %dma_start3A_58 = arith.constant 0 : i32
        %dma_start3A_59 = tpu.memref_slice %run_scoped3A[%rem3A_55, %dma_start3A, %dma_start3A_58] : memref<2x1x128xi32, #tpu.memory_space<vmem>> -> memref<1x1x128xi32, #tpu.memory_space<vmem>>
        %dma_start3A_60 = tpu.memref_squeeze %dma_start3A_59 : memref<1x1x128xi32, #tpu.memory_space<vmem>> -> memref<1x128xi32, #tpu.memory_space<vmem>>
        %dma_start3A_61 = arith.constant 0 : i32
        %dma_start3A_62 = tpu.memref_slice %arg3[%dma_start3A_61, %mul3A_57] : memref<1x320000xi32, #tpu.memory_space<hbm>> -> memref<1x128xi32, #tpu.memory_space<hbm>>
        %dma_start3A_63 = tpu.memref_slice %run_scoped3A_17[%rem3A_55] : memref<2x!tpu.dma_semaphore, #tpu.memory_space<semaphore_mem>> -> memref<1x!tpu.dma_semaphore, #tpu.memory_space<semaphore_mem>>
        %dma_start3A_64 = tpu.memref_squeeze %dma_start3A_63 : memref<1x!tpu.dma_semaphore, #tpu.memory_space<semaphore_mem>> -> memref<!tpu.dma_semaphore, #tpu.memory_space<semaphore_mem>>
        %dma_start3A_65 = arith.constant 0 : i32
        %dma_start3A_66 = arith.constant 0 : i32
        %dma_start3A_67 = tpu.memref_slice %run_scoped3A[%rem3A_55, %dma_start3A_65, %dma_start3A_66] : memref<2x1x128xi32, #tpu.memory_space<vmem>> -> memref<1x1x128xi32, #tpu.memory_space<vmem>>
        %dma_start3A_68 = tpu.memref_squeeze %dma_start3A_67 : memref<1x1x128xi32, #tpu.memory_space<vmem>> -> memref<1x128xi32, #tpu.memory_space<vmem>>
        %dma_start3A_69 = arith.constant 0 : i32
        %dma_start3A_70 = tpu.memref_slice %arg3[%dma_start3A_69, %mul3A_57] : memref<1x320000xi32, #tpu.memory_space<hbm>> -> memref<1x128xi32, #tpu.memory_space<hbm>>
        tpu.enqueue_dma source(%dma_start3A_70 : memref<1x128xi32, #tpu.memory_space<hbm>>) target(%dma_start3A_68 : memref<1x128xi32, #tpu.memory_space<vmem>>) target_semaphore(%dma_start3A_64 : memref<!tpu.dma_semaphore, #tpu.memory_space<semaphore_mem>>)
        %add3A_71 = arith.constant 0 : i32
        %add3A_72 = arith.constant 1 : i32
        %add3A_73 = arith.addi %add3A_71, %add3A_72 : i32
        %select_n3A_74 = arith.constant true
        %select_n3A_75 = arith.constant 0 : i32
        %select_n3A_76 = arith.select %select_n3A_74, %add3A_73, %select_n3A_75 : i32
        %while3A = arith.constant 0 : i32
        %while3A_77 = arith.constant 0 : i32
        %while3A_78 = arith.constant 0 : i32
        %while3A_79 = arith.constant 0 : i32
        %while3A_80 = arith.constant 0 : i32
        "tpu.trace_stop"() : () -> ()
        %while3A_81 = arith.subi %mul3A_16, %while3A : i32
        %while3A_82 = arith.addi %while3A, %while3A_81 : i32
        %while3A_83 = arith.constant 1 : i32
        %while3A_84 = arith.divsi %while3A_81, %while3A_83 : i32
        %while3A_85 = arith.muli %while3A_84, %while3A_83 : i32
        %while3A_86 = arith.addi %while3A, %while3A_85 : i32
        %while3A_87 = arith.constant 1 : i32
        %while3A_88:5 = scf.for %while3A_142 = %while3A to %while3A_86 step %while3A_87 iter_args(%while3A_143 = %select_n3A_76, %while3A_144 = %while3A_77, %while3A_145 = %while3A_78, %while3A_146 = %while3A_79, %while3A_147 = %while3A_80) -> (i32, i32, i32, i32, i32)  : i32 {
          %mul3A_148 = arith.constant 1 : i32
          %mul3A_149 = arith.muli %mul3A_148, %select_n3A : i32
          %eq3A_150 = arith.constant 0 : i32
          %eq3A_151 = arith.cmpi eq, %while3A_142, %eq3A_150 : i32
          %sub3A_152 = arith.constant 1 : i32
          %sub3A_153 = arith.subi %mul3A_149, %sub3A_152 : i32
          %eq3A_154 = arith.cmpi eq, %while3A_142, %sub3A_153 : i32
          %add3A_155 = arith.addi %while3A_147, %select_n3A_14 : i32
          %sub3A_156 = arith.constant 1 : i32
          %sub3A_157 = arith.subi %while3A_147, %sub3A_156 : i32
          %select_n3A_158 = arith.constant true
          %select_n3A_159 = arith.select %select_n3A_158, %sub3A_157, %while3A_147 : i32
          %eq3A_160 = arith.constant -1 : i32
          %eq3A_161 = arith.cmpi eq, %select_n3A_159, %eq3A_160 : i32
          %sub3A_162 = arith.constant 1 : i32
          %sub3A_163 = arith.subi %select_n3A, %sub3A_162 : i32
          %select_n3A_164 = arith.select %eq3A_161, %sub3A_163, %select_n3A_159 : i32
          %add3A_165 = arith.addi %select_n3A_164, %select_n3A_14 : i32
          %add3A_166 = arith.constant 1 : i32
          %add3A_167 = arith.addi %while3A_147, %add3A_166 : i32
          %select_n3A_168 = arith.constant true
          %select_n3A_169 = arith.select %select_n3A_168, %add3A_167, %while3A_147 : i32
          %eq3A_170 = arith.cmpi eq, %select_n3A_169, %select_n3A : i32
          %select_n3A_171 = arith.constant 0 : i32
          %select_n3A_172 = arith.select %eq3A_170, %select_n3A_171, %select_n3A_169 : i32
          %add3A_173 = arith.addi %select_n3A_172, %select_n3A_14 : i32
          %add3A_174 = arith.constant 1 : i32
          %add3A_175 = arith.addi %select_n3A_172, %add3A_174 : i32
          %select_n3A_176 = arith.constant true
          %select_n3A_177 = arith.select %select_n3A_176, %add3A_175, %select_n3A_172 : i32
          %eq3A_178 = arith.cmpi eq, %select_n3A_177, %select_n3A : i32
          %select_n3A_179 = arith.constant 0 : i32
          %select_n3A_180 = arith.select %eq3A_178, %select_n3A_179, %select_n3A_177 : i32
          %add3A_181 = arith.addi %select_n3A_180, %select_n3A_14 : i32
          %ne3A = arith.cmpi ne, %add3A_155, %add3A_173 : i32
          %or3A = arith.constant false
          %or3A_182 = arith.ori %or3A, %ne3A : i1
          %sub3A_183 = arith.constant 2 : i32
          %sub3A_184 = arith.subi %mul3A_149, %sub3A_183 : i32
          %add3A_185 = arith.constant 1 : i32
          %add3A_186 = arith.addi %sub3A_184, %add3A_185 : i32
          %ge3A = arith.cmpi sge, %while3A_142, %add3A_186 : i32
          %not3A = arith.constant true
          %not3A_187 = arith.xori %ge3A, %not3A : i1
          %and3A = arith.andi %or3A_182, %not3A_187 : i1
          %convert_element_type3A_188 = arith.extui %and3A : i1 to i32
          %cond3A_189 = arith.constant 0 : i32
          %cond3A_190 = arith.cmpi ne, %convert_element_type3A_188, %cond3A_189 : i32
          scf.if %cond3A_190 {
            "tpu.trace_start"() <{level = 10 : i32, message = "ep_copy_in"}> : () -> ()
            %rem3A_294 = arith.constant 2 : i32
            %rem3A_295 = arith.remui %while3A_143, %rem3A_294 : i32
            %mul3A_296 = arith.constant 128 : i32
            %mul3A_297 = arith.muli %mul3A_296, %add3A_173 : i32
            %dma_start3A_298 = arith.constant 0 : i32
            %dma_start3A_299 = arith.constant 0 : i32
            %dma_start3A_300 = tpu.memref_slice %run_scoped3A[%rem3A_295, %dma_start3A_298, %dma_start3A_299] : memref<2x1x128xi32, #tpu.memory_space<vmem>> -> memref<1x1x128xi32, #tpu.memory_space<vmem>>
            %dma_start3A_301 = tpu.memref_squeeze %dma_start3A_300 : memref<1x1x128xi32, #tpu.memory_space<vmem>> -> memref<1x128xi32, #tpu.memory_space<vmem>>
            %dma_start3A_302 = arith.constant 0 : i32
            %dma_start3A_303 = tpu.memref_slice %arg3[%dma_start3A_302, %mul3A_297] : memref<1x320000xi32, #tpu.memory_space<hbm>> -> memref<1x128xi32, #tpu.memory_space<hbm>>
            %dma_start3A_304 = tpu.memref_slice %run_scoped3A_17[%rem3A_295] : memref<2x!tpu.dma_semaphore, #tpu.memory_space<semaphore_mem>> -> memref<1x!tpu.dma_semaphore, #tpu.memory_space<semaphore_mem>>
            %dma_start3A_305 = tpu.memref_squeeze %dma_start3A_304 : memref<1x!tpu.dma_semaphore, #tpu.memory_space<semaphore_mem>> -> memref<!tpu.dma_semaphore, #tpu.memory_space<semaphore_mem>>
            %dma_start3A_306 = arith.constant 0 : i32
            %dma_start3A_307 = arith.constant 0 : i32
            %dma_start3A_308 = tpu.memref_slice %run_scoped3A[%rem3A_295, %dma_start3A_306, %dma_start3A_307] : memref<2x1x128xi32, #tpu.memory_space<vmem>> -> memref<1x1x128xi32, #tpu.memory_space<vmem>>
            %dma_start3A_309 = tpu.memref_squeeze %dma_start3A_308 : memref<1x1x128xi32, #tpu.memory_space<vmem>> -> memref<1x128xi32, #tpu.memory_space<vmem>>
            %dma_start3A_310 = arith.constant 0 : i32
            %dma_start3A_311 = tpu.memref_slice %arg3[%dma_start3A_310, %mul3A_297] : memref<1x320000xi32, #tpu.memory_space<hbm>> -> memref<1x128xi32, #tpu.memory_space<hbm>>
            tpu.enqueue_dma source(%dma_start3A_311 : memref<1x128xi32, #tpu.memory_space<hbm>>) target(%dma_start3A_309 : memref<1x128xi32, #tpu.memory_space<vmem>>) target_semaphore(%dma_start3A_305 : memref<!tpu.dma_semaphore, #tpu.memory_space<semaphore_mem>>)
            "tpu.trace_stop"() : () -> ()
          } else {
          }
          %and3A_191 = arith.constant true
          %and3A_192 = arith.andi %and3A, %and3A_191 : i1
          %add3A_193 = arith.constant 1 : i32
          %add3A_194 = arith.addi %while3A_143, %add3A_193 : i32
          %select_n3A_195 = arith.select %and3A_192, %add3A_194, %while3A_143 : i32
          %ne3A_196 = arith.cmpi ne, %add3A_155, %add3A_173 : i32
          %or3A_197 = arith.constant false
          %or3A_198 = arith.ori %or3A_197, %ne3A_196 : i1
          %or3A_199 = arith.constant false
          %or3A_200 = arith.ori %or3A_198, %or3A_199 : i1
          %sub3A_201 = arith.constant 2 : i32
          %sub3A_202 = arith.subi %mul3A_149, %sub3A_201 : i32
          %add3A_203 = arith.constant 1 : i32
          %add3A_204 = arith.addi %sub3A_202, %add3A_203 : i32
          %ge3A_205 = arith.cmpi sge, %while3A_142, %add3A_204 : i32
          %not3A_206 = arith.constant true
          %not3A_207 = arith.xori %ge3A_205, %not3A_206 : i1
          %and3A_208 = arith.andi %or3A_200, %not3A_207 : i1
          %ne3A_209 = arith.cmpi ne, %add3A_155, %add3A_165 : i32
          %or3A_210 = arith.constant false
          %or3A_211 = arith.ori %or3A_210, %ne3A_209 : i1
          %or3A_212 = arith.ori %or3A_211, %eq3A_151 : i1
          %convert_element_type3A_213 = arith.extui %or3A_212 : i1 to i32
          %cond3A_214 = arith.constant 0 : i32
          %cond3A_215 = arith.cmpi ne, %convert_element_type3A_213, %cond3A_214 : i32
          scf.if %cond3A_215 {
            "tpu.trace_start"() <{level = 10 : i32, message = "ep_wait_in"}> : () -> ()
            %mul3A_294 = arith.constant 128 : i32
            %mul3A_295 = arith.muli %mul3A_294, %add3A_155 : i32
            %rem3A_296 = arith.constant 2 : i32
            %rem3A_297 = arith.remui %while3A_144, %rem3A_296 : i32
            %dma_wait3A = arith.constant 0 : i32
            %dma_wait3A_298 = arith.constant 0 : i32
            %dma_wait3A_299 = tpu.memref_slice %run_scoped3A[%rem3A_297, %dma_wait3A, %dma_wait3A_298] : memref<2x1x128xi32, #tpu.memory_space<vmem>> -> memref<1x1x128xi32, #tpu.memory_space<vmem>>
            %dma_wait3A_300 = tpu.memref_squeeze %dma_wait3A_299 : memref<1x1x128xi32, #tpu.memory_space<vmem>> -> memref<1x128xi32, #tpu.memory_space<vmem>>
            %dma_wait3A_301 = arith.constant 0 : i32
            %dma_wait3A_302 = tpu.memref_slice %arg3[%dma_wait3A_301, %mul3A_295] : memref<1x320000xi32, #tpu.memory_space<hbm>> -> memref<1x128xi32, #tpu.memory_space<hbm>>
            %dma_wait3A_303 = tpu.memref_slice %run_scoped3A_17[%rem3A_297] : memref<2x!tpu.dma_semaphore, #tpu.memory_space<semaphore_mem>> -> memref<1x!tpu.dma_semaphore, #tpu.memory_space<semaphore_mem>>
            %dma_wait3A_304 = tpu.memref_squeeze %dma_wait3A_303 : memref<1x!tpu.dma_semaphore, #tpu.memory_space<semaphore_mem>> -> memref<!tpu.dma_semaphore, #tpu.memory_space<semaphore_mem>>
            %dma_wait3A_305 = arith.constant 0 : i32
            %dma_wait3A_306 = arith.constant 0 : i32
            %dma_wait3A_307 = tpu.memref_slice %run_scoped3A[%rem3A_297, %dma_wait3A_305, %dma_wait3A_306] : memref<2x1x128xi32, #tpu.memory_space<vmem>> -> memref<1x1x128xi32, #tpu.memory_space<vmem>>
            %dma_wait3A_308 = tpu.memref_squeeze %dma_wait3A_307 : memref<1x1x128xi32, #tpu.memory_space<vmem>> -> memref<1x128xi32, #tpu.memory_space<vmem>>
            %dma_wait3A_309 = arith.constant 0 : i32
            %dma_wait3A_310 = tpu.memref_slice %arg3[%dma_wait3A_309, %mul3A_295] : memref<1x320000xi32, #tpu.memory_space<hbm>> -> memref<1x128xi32, #tpu.memory_space<hbm>>
            tpu.wait_dma2 semaphore(%dma_wait3A_304 : memref<!tpu.dma_semaphore, #tpu.memory_space<semaphore_mem>>) src(%dma_wait3A_310 : memref<1x128xi32, #tpu.memory_space<hbm>>) dst(%dma_wait3A_308 : memref<1x128xi32, #tpu.memory_space<vmem>>)
            "tpu.trace_stop"() : () -> ()
          } else {
          }
          %ne3A_216 = arith.cmpi ne, %add3A_155, %add3A_165 : i32
          %or3A_217 = arith.constant false
          %or3A_218 = arith.ori %or3A_217, %ne3A_216 : i1
          %or3A_219 = arith.constant false
          %or3A_220 = arith.ori %or3A_218, %or3A_219 : i1
          %or3A_221 = arith.ori %or3A_220, %eq3A_151 : i1
          %convert_element_type3A_222 = arith.extui %or3A_221 : i1 to i32
          %cond3A_223 = arith.constant 0 : i32
          %cond3A_224 = arith.cmpi ne, %convert_element_type3A_222, %cond3A_223 : i32
          scf.if %cond3A_224 {
          } else {
          }
          %rem3A_225 = arith.constant 2 : i32
          %rem3A_226 = arith.remui %while3A_144, %rem3A_225 : i32
          %rem3A_227 = arith.constant 2 : i32
          %rem3A_228 = arith.remui %while3A_145, %rem3A_227 : i32
          %run_scoped3A_229 = arith.constant 0 : i32
          "tpu.trace_start"() <{level = 10 : i32, message = "ep_run_kernel"}> : () -> ()
          "tpu.region"() ({
            %run_scoped3A_294 = tpu.sem_alloc : memref<!tpu.dma_semaphore, #tpu.memory_space<semaphore_mem>>
            %dma_start3A_295 = arith.constant 0 : i32
            %dma_start3A_296 = arith.constant 0 : i32
            %dma_start3A_297 = tpu.memref_slice %run_scoped3A_18[%rem3A_228, %dma_start3A_295, %dma_start3A_296] : memref<2x128x128xf32, #tpu.memory_space<vmem>> -> memref<1x128x128xf32, #tpu.memory_space<vmem>>
            %dma_start3A_298 = tpu.memref_squeeze %dma_start3A_297 : memref<1x128x128xf32, #tpu.memory_space<vmem>> -> memref<128x128xf32, #tpu.memory_space<vmem>>
            %dma_start3A_299 = arith.constant 0 : i32
            %dma_start3A_300 = arith.constant 0 : i32
            %dma_start3A_301 = tpu.memref_slice %run_scoped3A[%rem3A_226, %dma_start3A_299, %dma_start3A_300] : memref<2x1x128xi32, #tpu.memory_space<vmem>> -> memref<1x1x128xi32, #tpu.memory_space<vmem>>
            %dma_start3A_302 = tpu.memref_squeeze %dma_start3A_301 : memref<1x1x128xi32, #tpu.memory_space<vmem>> -> memref<1x128xi32, #tpu.memory_space<vmem>>
            %dma_start3A_303 = arith.constant 0 : i32
            %dma_start3A_304 = tpu.memref_slice %dma_start3A_302[%run_scoped3A_229, %dma_start3A_303] : memref<1x128xi32, #tpu.memory_space<vmem>> -> memref<1x128xi32, #tpu.memory_space<vmem>>
            %dma_start3A_305 = tpu.memref_squeeze %dma_start3A_304 : memref<1x128xi32, #tpu.memory_space<vmem>> -> memref<128xi32, #tpu.memory_space<vmem>>
            %dma_start3A_306 = arith.constant 0 : i32
            %dma_start3A_307 = arith.constant 0 : i32
            %dma_start3A_308 = tpu.memref_slice %arg2[%dma_start3A_306, %dma_start3A_307] : memref<20000x128xf32, #tpu.memory_space<hbm>> -> memref<20000x128xf32, #tpu.memory_space<hbm>>
            tpu.enqueue_indirect_dma source(%dma_start3A_308 : memref<20000x128xf32, #tpu.memory_space<hbm>>) target(%dma_start3A_298 : memref<128x128xf32, #tpu.memory_space<vmem>>) offsets(%dma_start3A_305 : memref<128xi32, #tpu.memory_space<vmem>>) semaphore(%run_scoped3A_294 : memref<!tpu.dma_semaphore, #tpu.memory_space<semaphore_mem>>)
            %dma_wait3A = arith.constant 0 : i32
            %dma_wait3A_309 = arith.constant 0 : i32
            %dma_wait3A_310 = tpu.memref_slice %run_scoped3A_18[%rem3A_228, %dma_wait3A, %dma_wait3A_309] : memref<2x128x128xf32, #tpu.memory_space<vmem>> -> memref<1x128x128xf32, #tpu.memory_space<vmem>>
            %dma_wait3A_311 = tpu.memref_squeeze %dma_wait3A_310 : memref<1x128x128xf32, #tpu.memory_space<vmem>> -> memref<128x128xf32, #tpu.memory_space<vmem>>
            %dma_wait3A_312 = arith.constant 0 : i32
            %dma_wait3A_313 = arith.constant 0 : i32
            %dma_wait3A_314 = tpu.memref_slice %run_scoped3A[%rem3A_226, %dma_wait3A_312, %dma_wait3A_313] : memref<2x1x128xi32, #tpu.memory_space<vmem>> -> memref<1x1x128xi32, #tpu.memory_space<vmem>>
            %dma_wait3A_315 = tpu.memref_squeeze %dma_wait3A_314 : memref<1x1x128xi32, #tpu.memory_space<vmem>> -> memref<1x128xi32, #tpu.memory_space<vmem>>
            %dma_wait3A_316 = arith.constant 0 : i32
            %dma_wait3A_317 = tpu.memref_slice %dma_wait3A_315[%run_scoped3A_229, %dma_wait3A_316] : memref<1x128xi32, #tpu.memory_space<vmem>> -> memref<1x128xi32, #tpu.memory_space<vmem>>
            %dma_wait3A_318 = tpu.memref_squeeze %dma_wait3A_317 : memref<1x128xi32, #tpu.memory_space<vmem>> -> memref<128xi32, #tpu.memory_space<vmem>>
            %dma_wait3A_319 = arith.constant 0 : i32
            %dma_wait3A_320 = arith.constant 0 : i32
            %dma_wait3A_321 = tpu.memref_slice %arg2[%dma_wait3A_319, %dma_wait3A_320] : memref<20000x128xf32, #tpu.memory_space<hbm>> -> memref<20000x128xf32, #tpu.memory_space<hbm>>
            tpu.wait_indirect_dma semaphore(%run_scoped3A_294 : memref<!tpu.dma_semaphore, #tpu.memory_space<semaphore_mem>>) src(%dma_wait3A_321 : memref<20000x128xf32, #tpu.memory_space<hbm>>) dst(%dma_wait3A_311 : memref<128x128xf32, #tpu.memory_space<vmem>>)
            tpu.yield
          }) : () -> ()
          "tpu.trace_stop"() : () -> ()
          %ne3A_230 = arith.cmpi ne, %add3A_155, %add3A_173 : i32
          %or3A_231 = arith.constant false
          %or3A_232 = arith.ori %or3A_231, %ne3A_230 : i1
          %or3A_233 = arith.ori %or3A_232, %eq3A_154 : i1
          %convert_element_type3A_234 = arith.extui %or3A_233 : i1 to i32
          %cond3A_235 = arith.constant 0 : i32
          %cond3A_236 = arith.cmpi ne, %convert_element_type3A_234, %cond3A_235 : i32
          scf.if %cond3A_236 {
          } else {
          }
          %and3A_237 = arith.constant false
          %and3A_238 = arith.andi %or3A_233, %and3A_237 : i1
          %ne3A_239 = arith.cmpi ne, %add3A_155, %add3A_173 : i32
          %or3A_240 = arith.constant false
          %or3A_241 = arith.ori %or3A_240, %ne3A_239 : i1
          %or3A_242 = arith.constant false
          %or3A_243 = arith.ori %or3A_241, %or3A_242 : i1
          %or3A_244 = arith.ori %or3A_243, %eq3A_154 : i1
          %convert_element_type3A_245 = arith.extui %or3A_244 : i1 to i32
          %cond3A_246 = arith.constant 0 : i32
          %cond3A_247 = arith.cmpi ne, %convert_element_type3A_245, %cond3A_246 : i32
          scf.if %cond3A_247 {
            "tpu.trace_start"() <{level = 10 : i32, message = "ep_copy_out"}> : () -> ()
            %rem3A_294 = arith.constant 2 : i32
            %rem3A_295 = arith.remui %while3A_145, %rem3A_294 : i32
            %mul3A_296 = arith.constant 128 : i32
            %mul3A_297 = arith.muli %mul3A_296, %add3A_155 : i32
            %dma_start3A_298 = arith.constant 0 : i32
            %dma_start3A_299 = arith.constant 0 : i32
            %dma_start3A_300 = tpu.memref_slice %run_scoped3A_18[%rem3A_295, %dma_start3A_298, %dma_start3A_299] : memref<2x128x128xf32, #tpu.memory_space<vmem>> -> memref<1x128x128xf32, #tpu.memory_space<vmem>>
            %dma_start3A_301 = tpu.memref_squeeze %dma_start3A_300 : memref<1x128x128xf32, #tpu.memory_space<vmem>> -> memref<128x128xf32, #tpu.memory_space<vmem>>
            %dma_start3A_302 = arith.constant 0 : i32
            %dma_start3A_303 = tpu.memref_slice %arg4[%mul3A_297, %dma_start3A_302] : memref<320000x128xf32, #tpu.memory_space<hbm>> -> memref<128x128xf32, #tpu.memory_space<hbm>>
            %dma_start3A_304 = tpu.memref_slice %run_scoped3A_19[%rem3A_295] : memref<2x!tpu.dma_semaphore, #tpu.memory_space<semaphore_mem>> -> memref<1x!tpu.dma_semaphore, #tpu.memory_space<semaphore_mem>>
            %dma_start3A_305 = tpu.memref_squeeze %dma_start3A_304 : memref<1x!tpu.dma_semaphore, #tpu.memory_space<semaphore_mem>> -> memref<!tpu.dma_semaphore, #tpu.memory_space<semaphore_mem>>
            %dma_start3A_306 = arith.constant 0 : i32
            %dma_start3A_307 = tpu.memref_slice %arg4[%mul3A_297, %dma_start3A_306] : memref<320000x128xf32, #tpu.memory_space<hbm>> -> memref<128x128xf32, #tpu.memory_space<hbm>>
            %dma_start3A_308 = arith.constant 0 : i32
            %dma_start3A_309 = arith.constant 0 : i32
            %dma_start3A_310 = tpu.memref_slice %run_scoped3A_18[%rem3A_295, %dma_start3A_308, %dma_start3A_309] : memref<2x128x128xf32, #tpu.memory_space<vmem>> -> memref<1x128x128xf32, #tpu.memory_space<vmem>>
            %dma_start3A_311 = tpu.memref_squeeze %dma_start3A_310 : memref<1x128x128xf32, #tpu.memory_space<vmem>> -> memref<128x128xf32, #tpu.memory_space<vmem>>
            tpu.enqueue_dma source(%dma_start3A_311 : memref<128x128xf32, #tpu.memory_space<vmem>>) target(%dma_start3A_307 : memref<128x128xf32, #tpu.memory_space<hbm>>) target_semaphore(%dma_start3A_305 : memref<!tpu.dma_semaphore, #tpu.memory_space<semaphore_mem>>)
            "tpu.trace_stop"() : () -> ()
          } else {
          }
          %and3A_248 = arith.constant true
          %and3A_249 = arith.andi %or3A_244, %and3A_248 : i1
          %add3A_250 = arith.constant 1 : i32
          %add3A_251 = arith.addi %while3A_145, %add3A_250 : i32
          %select_n3A_252 = arith.select %and3A_249, %add3A_251, %while3A_145 : i32
          %ne3A_253 = arith.cmpi ne, %add3A_155, %add3A_165 : i32
          %or3A_254 = arith.constant false
          %or3A_255 = arith.ori %or3A_254, %ne3A_253 : i1
          %not3A_256 = arith.constant true
          %not3A_257 = arith.xori %eq3A_151, %not3A_256 : i1
          %and3A_258 = arith.andi %or3A_255, %not3A_257 : i1
          %convert_element_type3A_259 = arith.extui %and3A_258 : i1 to i32
          %cond3A_260 = arith.constant 0 : i32
          %cond3A_261 = arith.cmpi ne, %convert_element_type3A_259, %cond3A_260 : i32
          scf.if %cond3A_261 {
          } else {
          }
          %and3A_262 = arith.constant false
          %and3A_263 = arith.andi %and3A_258, %and3A_262 : i1
          %ne3A_264 = arith.cmpi ne, %add3A_155, %add3A_165 : i32
          %or3A_265 = arith.constant false
          %or3A_266 = arith.ori %or3A_265, %ne3A_264 : i1
          %or3A_267 = arith.constant false
          %or3A_268 = arith.ori %or3A_266, %or3A_267 : i1
          %not3A_269 = arith.constant true
          %not3A_270 = arith.xori %eq3A_151, %not3A_269 : i1
          %and3A_271 = arith.andi %or3A_268, %not3A_270 : i1
          %convert_element_type3A_272 = arith.extui %and3A_271 : i1 to i32
          %cond3A_273 = arith.constant 0 : i32
          %cond3A_274 = arith.cmpi ne, %convert_element_type3A_272, %cond3A_273 : i32
          scf.if %cond3A_274 {
            "tpu.trace_start"() <{level = 10 : i32, message = "ep_wait_out"}> : () -> ()
            %rem3A_294 = arith.constant 2 : i32
            %rem3A_295 = arith.remui %while3A_146, %rem3A_294 : i32
            %mul3A_296 = arith.constant 128 : i32
            %mul3A_297 = arith.muli %mul3A_296, %add3A_165 : i32
            %dma_wait3A = arith.constant 0 : i32
            %dma_wait3A_298 = arith.constant 0 : i32
            %dma_wait3A_299 = tpu.memref_slice %run_scoped3A_18[%rem3A_295, %dma_wait3A, %dma_wait3A_298] : memref<2x128x128xf32, #tpu.memory_space<vmem>> -> memref<1x128x128xf32, #tpu.memory_space<vmem>>
            %dma_wait3A_300 = tpu.memref_squeeze %dma_wait3A_299 : memref<1x128x128xf32, #tpu.memory_space<vmem>> -> memref<128x128xf32, #tpu.memory_space<vmem>>
            %dma_wait3A_301 = arith.constant 0 : i32
            %dma_wait3A_302 = tpu.memref_slice %arg4[%mul3A_297, %dma_wait3A_301] : memref<320000x128xf32, #tpu.memory_space<hbm>> -> memref<128x128xf32, #tpu.memory_space<hbm>>
            %dma_wait3A_303 = tpu.memref_slice %run_scoped3A_19[%rem3A_295] : memref<2x!tpu.dma_semaphore, #tpu.memory_space<semaphore_mem>> -> memref<1x!tpu.dma_semaphore, #tpu.memory_space<semaphore_mem>>
            %dma_wait3A_304 = tpu.memref_squeeze %dma_wait3A_303 : memref<1x!tpu.dma_semaphore, #tpu.memory_space<semaphore_mem>> -> memref<!tpu.dma_semaphore, #tpu.memory_space<semaphore_mem>>
            %dma_wait3A_305 = arith.constant 0 : i32
            %dma_wait3A_306 = tpu.memref_slice %arg4[%mul3A_297, %dma_wait3A_305] : memref<320000x128xf32, #tpu.memory_space<hbm>> -> memref<128x128xf32, #tpu.memory_space<hbm>>
            %dma_wait3A_307 = arith.constant 0 : i32
            %dma_wait3A_308 = arith.constant 0 : i32
            %dma_wait3A_309 = tpu.memref_slice %run_scoped3A_18[%rem3A_295, %dma_wait3A_307, %dma_wait3A_308] : memref<2x128x128xf32, #tpu.memory_space<vmem>> -> memref<1x128x128xf32, #tpu.memory_space<vmem>>
            %dma_wait3A_310 = tpu.memref_squeeze %dma_wait3A_309 : memref<1x128x128xf32, #tpu.memory_space<vmem>> -> memref<128x128xf32, #tpu.memory_space<vmem>>
            tpu.wait_dma2 semaphore(%dma_wait3A_304 : memref<!tpu.dma_semaphore, #tpu.memory_space<semaphore_mem>>) src(%dma_wait3A_310 : memref<128x128xf32, #tpu.memory_space<vmem>>) dst(%dma_wait3A_306 : memref<128x128xf32, #tpu.memory_space<hbm>>)
            "tpu.trace_stop"() : () -> ()
          } else {
          }
          %and3A_275 = arith.constant true
          %and3A_276 = arith.andi %and3A_271, %and3A_275 : i1
          %add3A_277 = arith.constant 1 : i32
          %add3A_278 = arith.addi %while3A_146, %add3A_277 : i32
          %select_n3A_279 = arith.select %and3A_276, %add3A_278, %while3A_146 : i32
          %ne3A_280 = arith.cmpi ne, %add3A_155, %add3A_173 : i32
          %or3A_281 = arith.constant false
          %or3A_282 = arith.ori %or3A_281, %ne3A_280 : i1
          %or3A_283 = arith.ori %or3A_282, %eq3A_154 : i1
          %add3A_284 = arith.constant 1 : i32
          %add3A_285 = arith.addi %while3A_144, %add3A_284 : i32
          %select_n3A_286 = arith.select %or3A_283, %add3A_285, %while3A_144 : i32
          %add3A_287 = arith.constant 1 : i32
          %add3A_288 = arith.addi %while3A_147, %add3A_287 : i32
          %select_n3A_289 = arith.constant true
          %select_n3A_290 = arith.select %select_n3A_289, %add3A_288, %while3A_147 : i32
          %eq3A_291 = arith.cmpi eq, %select_n3A_290, %select_n3A : i32
          %select_n3A_292 = arith.constant 0 : i32
          %select_n3A_293 = arith.select %eq3A_291, %select_n3A_292, %select_n3A_290 : i32
          scf.yield %select_n3A_195, %select_n3A_286, %select_n3A_252, %select_n3A_279, %select_n3A_293 : i32, i32, i32, i32, i32
        }
        %while3A_89 = arith.constant 1 : i32
        %while3A_90:5 = scf.for %while3A_142 = %while3A_86 to %while3A_82 step %while3A_89 iter_args(%while3A_143 = %while3A_88#0, %while3A_144 = %while3A_88#1, %while3A_145 = %while3A_88#2, %while3A_146 = %while3A_88#3, %while3A_147 = %while3A_88#4) -> (i32, i32, i32, i32, i32)  : i32 {
          %mul3A_148 = arith.constant 1 : i32
          %mul3A_149 = arith.muli %mul3A_148, %select_n3A : i32
          %eq3A_150 = arith.constant 0 : i32
          %eq3A_151 = arith.cmpi eq, %while3A_142, %eq3A_150 : i32
          %sub3A_152 = arith.constant 1 : i32
          %sub3A_153 = arith.subi %mul3A_149, %sub3A_152 : i32
          %eq3A_154 = arith.cmpi eq, %while3A_142, %sub3A_153 : i32
          %add3A_155 = arith.addi %while3A_147, %select_n3A_14 : i32
          %sub3A_156 = arith.constant 1 : i32
          %sub3A_157 = arith.subi %while3A_147, %sub3A_156 : i32
          %select_n3A_158 = arith.constant true
          %select_n3A_159 = arith.select %select_n3A_158, %sub3A_157, %while3A_147 : i32
          %eq3A_160 = arith.constant -1 : i32
          %eq3A_161 = arith.cmpi eq, %select_n3A_159, %eq3A_160 : i32
          %sub3A_162 = arith.constant 1 : i32
          %sub3A_163 = arith.subi %select_n3A, %sub3A_162 : i32
          %select_n3A_164 = arith.select %eq3A_161, %sub3A_163, %select_n3A_159 : i32
          %add3A_165 = arith.addi %select_n3A_164, %select_n3A_14 : i32
          %add3A_166 = arith.constant 1 : i32
          %add3A_167 = arith.addi %while3A_147, %add3A_166 : i32
          %select_n3A_168 = arith.constant true
          %select_n3A_169 = arith.select %select_n3A_168, %add3A_167, %while3A_147 : i32
          %eq3A_170 = arith.cmpi eq, %select_n3A_169, %select_n3A : i32
          %select_n3A_171 = arith.constant 0 : i32
          %select_n3A_172 = arith.select %eq3A_170, %select_n3A_171, %select_n3A_169 : i32
          %add3A_173 = arith.addi %select_n3A_172, %select_n3A_14 : i32
          %add3A_174 = arith.constant 1 : i32
          %add3A_175 = arith.addi %select_n3A_172, %add3A_174 : i32
          %select_n3A_176 = arith.constant true
          %select_n3A_177 = arith.select %select_n3A_176, %add3A_175, %select_n3A_172 : i32
          %eq3A_178 = arith.cmpi eq, %select_n3A_177, %select_n3A : i32
          %select_n3A_179 = arith.constant 0 : i32
          %select_n3A_180 = arith.select %eq3A_178, %select_n3A_179, %select_n3A_177 : i32
          %add3A_181 = arith.addi %select_n3A_180, %select_n3A_14 : i32
          %ne3A = arith.cmpi ne, %add3A_155, %add3A_173 : i32
          %or3A = arith.constant false
          %or3A_182 = arith.ori %or3A, %ne3A : i1
          %sub3A_183 = arith.constant 2 : i32
          %sub3A_184 = arith.subi %mul3A_149, %sub3A_183 : i32
          %add3A_185 = arith.constant 1 : i32
          %add3A_186 = arith.addi %sub3A_184, %add3A_185 : i32
          %ge3A = arith.cmpi sge, %while3A_142, %add3A_186 : i32
          %not3A = arith.constant true
          %not3A_187 = arith.xori %ge3A, %not3A : i1
          %and3A = arith.andi %or3A_182, %not3A_187 : i1
          %convert_element_type3A_188 = arith.extui %and3A : i1 to i32
          %cond3A_189 = arith.constant 0 : i32
          %cond3A_190 = arith.cmpi ne, %convert_element_type3A_188, %cond3A_189 : i32
          scf.if %cond3A_190 {
            "tpu.trace_start"() <{level = 10 : i32, message = "ep_copy_in"}> : () -> ()
            %rem3A_294 = arith.constant 2 : i32
            %rem3A_295 = arith.remui %while3A_143, %rem3A_294 : i32
            %mul3A_296 = arith.constant 128 : i32
            %mul3A_297 = arith.muli %mul3A_296, %add3A_173 : i32
            %dma_start3A_298 = arith.constant 0 : i32
            %dma_start3A_299 = arith.constant 0 : i32
            %dma_start3A_300 = tpu.memref_slice %run_scoped3A[%rem3A_295, %dma_start3A_298, %dma_start3A_299] : memref<2x1x128xi32, #tpu.memory_space<vmem>> -> memref<1x1x128xi32, #tpu.memory_space<vmem>>
            %dma_start3A_301 = tpu.memref_squeeze %dma_start3A_300 : memref<1x1x128xi32, #tpu.memory_space<vmem>> -> memref<1x128xi32, #tpu.memory_space<vmem>>
            %dma_start3A_302 = arith.constant 0 : i32
            %dma_start3A_303 = tpu.memref_slice %arg3[%dma_start3A_302, %mul3A_297] : memref<1x320000xi32, #tpu.memory_space<hbm>> -> memref<1x128xi32, #tpu.memory_space<hbm>>
            %dma_start3A_304 = tpu.memref_slice %run_scoped3A_17[%rem3A_295] : memref<2x!tpu.dma_semaphore, #tpu.memory_space<semaphore_mem>> -> memref<1x!tpu.dma_semaphore, #tpu.memory_space<semaphore_mem>>
            %dma_start3A_305 = tpu.memref_squeeze %dma_start3A_304 : memref<1x!tpu.dma_semaphore, #tpu.memory_space<semaphore_mem>> -> memref<!tpu.dma_semaphore, #tpu.memory_space<semaphore_mem>>
            %dma_start3A_306 = arith.constant 0 : i32
            %dma_start3A_307 = arith.constant 0 : i32
            %dma_start3A_308 = tpu.memref_slice %run_scoped3A[%rem3A_295, %dma_start3A_306, %dma_start3A_307] : memref<2x1x128xi32, #tpu.memory_space<vmem>> -> memref<1x1x128xi32, #tpu.memory_space<vmem>>
            %dma_start3A_309 = tpu.memref_squeeze %dma_start3A_308 : memref<1x1x128xi32, #tpu.memory_space<vmem>> -> memref<1x128xi32, #tpu.memory_space<vmem>>
            %dma_start3A_310 = arith.constant 0 : i32
            %dma_start3A_311 = tpu.memref_slice %arg3[%dma_start3A_310, %mul3A_297] : memref<1x320000xi32, #tpu.memory_space<hbm>> -> memref<1x128xi32, #tpu.memory_space<hbm>>
            tpu.enqueue_dma source(%dma_start3A_311 : memref<1x128xi32, #tpu.memory_space<hbm>>) target(%dma_start3A_309 : memref<1x128xi32, #tpu.memory_space<vmem>>) target_semaphore(%dma_start3A_305 : memref<!tpu.dma_semaphore, #tpu.memory_space<semaphore_mem>>)
            "tpu.trace_stop"() : () -> ()
          } else {
          }
          %and3A_191 = arith.constant true
          %and3A_192 = arith.andi %and3A, %and3A_191 : i1
          %add3A_193 = arith.constant 1 : i32
          %add3A_194 = arith.addi %while3A_143, %add3A_193 : i32
          %select_n3A_195 = arith.select %and3A_192, %add3A_194, %while3A_143 : i32
          %ne3A_196 = arith.cmpi ne, %add3A_155, %add3A_173 : i32
          %or3A_197 = arith.constant false
          %or3A_198 = arith.ori %or3A_197, %ne3A_196 : i1
          %or3A_199 = arith.constant false
          %or3A_200 = arith.ori %or3A_198, %or3A_199 : i1
          %sub3A_201 = arith.constant 2 : i32
          %sub3A_202 = arith.subi %mul3A_149, %sub3A_201 : i32
          %add3A_203 = arith.constant 1 : i32
          %add3A_204 = arith.addi %sub3A_202, %add3A_203 : i32
          %ge3A_205 = arith.cmpi sge, %while3A_142, %add3A_204 : i32
          %not3A_206 = arith.constant true
          %not3A_207 = arith.xori %ge3A_205, %not3A_206 : i1
          %and3A_208 = arith.andi %or3A_200, %not3A_207 : i1
          %ne3A_209 = arith.cmpi ne, %add3A_155, %add3A_165 : i32
          %or3A_210 = arith.constant false
          %or3A_211 = arith.ori %or3A_210, %ne3A_209 : i1
          %or3A_212 = arith.ori %or3A_211, %eq3A_151 : i1
          %convert_element_type3A_213 = arith.extui %or3A_212 : i1 to i32
          %cond3A_214 = arith.constant 0 : i32
          %cond3A_215 = arith.cmpi ne, %convert_element_type3A_213, %cond3A_214 : i32
          scf.if %cond3A_215 {
            "tpu.trace_start"() <{level = 10 : i32, message = "ep_wait_in"}> : () -> ()
            %mul3A_294 = arith.constant 128 : i32
            %mul3A_295 = arith.muli %mul3A_294, %add3A_155 : i32
            %rem3A_296 = arith.constant 2 : i32
            %rem3A_297 = arith.remui %while3A_144, %rem3A_296 : i32
            %dma_wait3A = arith.constant 0 : i32
            %dma_wait3A_298 = arith.constant 0 : i32
            %dma_wait3A_299 = tpu.memref_slice %run_scoped3A[%rem3A_297, %dma_wait3A, %dma_wait3A_298] : memref<2x1x128xi32, #tpu.memory_space<vmem>> -> memref<1x1x128xi32, #tpu.memory_space<vmem>>
            %dma_wait3A_300 = tpu.memref_squeeze %dma_wait3A_299 : memref<1x1x128xi32, #tpu.memory_space<vmem>> -> memref<1x128xi32, #tpu.memory_space<vmem>>
            %dma_wait3A_301 = arith.constant 0 : i32
            %dma_wait3A_302 = tpu.memref_slice %arg3[%dma_wait3A_301, %mul3A_295] : memref<1x320000xi32, #tpu.memory_space<hbm>> -> memref<1x128xi32, #tpu.memory_space<hbm>>
            %dma_wait3A_303 = tpu.memref_slice %run_scoped3A_17[%rem3A_297] : memref<2x!tpu.dma_semaphore, #tpu.memory_space<semaphore_mem>> -> memref<1x!tpu.dma_semaphore, #tpu.memory_space<semaphore_mem>>
            %dma_wait3A_304 = tpu.memref_squeeze %dma_wait3A_303 : memref<1x!tpu.dma_semaphore, #tpu.memory_space<semaphore_mem>> -> memref<!tpu.dma_semaphore, #tpu.memory_space<semaphore_mem>>
            %dma_wait3A_305 = arith.constant 0 : i32
            %dma_wait3A_306 = arith.constant 0 : i32
            %dma_wait3A_307 = tpu.memref_slice %run_scoped3A[%rem3A_297, %dma_wait3A_305, %dma_wait3A_306] : memref<2x1x128xi32, #tpu.memory_space<vmem>> -> memref<1x1x128xi32, #tpu.memory_space<vmem>>
            %dma_wait3A_308 = tpu.memref_squeeze %dma_wait3A_307 : memref<1x1x128xi32, #tpu.memory_space<vmem>> -> memref<1x128xi32, #tpu.memory_space<vmem>>
            %dma_wait3A_309 = arith.constant 0 : i32
            %dma_wait3A_310 = tpu.memref_slice %arg3[%dma_wait3A_309, %mul3A_295] : memref<1x320000xi32, #tpu.memory_space<hbm>> -> memref<1x128xi32, #tpu.memory_space<hbm>>
            tpu.wait_dma2 semaphore(%dma_wait3A_304 : memref<!tpu.dma_semaphore, #tpu.memory_space<semaphore_mem>>) src(%dma_wait3A_310 : memref<1x128xi32, #tpu.memory_space<hbm>>) dst(%dma_wait3A_308 : memref<1x128xi32, #tpu.memory_space<vmem>>)
            "tpu.trace_stop"() : () -> ()
          } else {
          }
          %ne3A_216 = arith.cmpi ne, %add3A_155, %add3A_165 : i32
          %or3A_217 = arith.constant false
          %or3A_218 = arith.ori %or3A_217, %ne3A_216 : i1
          %or3A_219 = arith.constant false
          %or3A_220 = arith.ori %or3A_218, %or3A_219 : i1
          %or3A_221 = arith.ori %or3A_220, %eq3A_151 : i1
          %convert_element_type3A_222 = arith.extui %or3A_221 : i1 to i32
          %cond3A_223 = arith.constant 0 : i32
          %cond3A_224 = arith.cmpi ne, %convert_element_type3A_222, %cond3A_223 : i32
          scf.if %cond3A_224 {
          } else {
          }
          %rem3A_225 = arith.constant 2 : i32
          %rem3A_226 = arith.remui %while3A_144, %rem3A_225 : i32
          %rem3A_227 = arith.constant 2 : i32
          %rem3A_228 = arith.remui %while3A_145, %rem3A_227 : i32
          %run_scoped3A_229 = arith.constant 0 : i32
          "tpu.trace_start"() <{level = 10 : i32, message = "ep_run_kernel"}> : () -> ()
          "tpu.region"() ({
            %run_scoped3A_294 = tpu.sem_alloc : memref<!tpu.dma_semaphore, #tpu.memory_space<semaphore_mem>>
            %dma_start3A_295 = arith.constant 0 : i32
            %dma_start3A_296 = arith.constant 0 : i32
            %dma_start3A_297 = tpu.memref_slice %run_scoped3A_18[%rem3A_228, %dma_start3A_295, %dma_start3A_296] : memref<2x128x128xf32, #tpu.memory_space<vmem>> -> memref<1x128x128xf32, #tpu.memory_space<vmem>>
            %dma_start3A_298 = tpu.memref_squeeze %dma_start3A_297 : memref<1x128x128xf32, #tpu.memory_space<vmem>> -> memref<128x128xf32, #tpu.memory_space<vmem>>
            %dma_start3A_299 = arith.constant 0 : i32
            %dma_start3A_300 = arith.constant 0 : i32
            %dma_start3A_301 = tpu.memref_slice %run_scoped3A[%rem3A_226, %dma_start3A_299, %dma_start3A_300] : memref<2x1x128xi32, #tpu.memory_space<vmem>> -> memref<1x1x128xi32, #tpu.memory_space<vmem>>
            %dma_start3A_302 = tpu.memref_squeeze %dma_start3A_301 : memref<1x1x128xi32, #tpu.memory_space<vmem>> -> memref<1x128xi32, #tpu.memory_space<vmem>>
            %dma_start3A_303 = arith.constant 0 : i32
            %dma_start3A_304 = tpu.memref_slice %dma_start3A_302[%run_scoped3A_229, %dma_start3A_303] : memref<1x128xi32, #tpu.memory_space<vmem>> -> memref<1x128xi32, #tpu.memory_space<vmem>>
            %dma_start3A_305 = tpu.memref_squeeze %dma_start3A_304 : memref<1x128xi32, #tpu.memory_space<vmem>> -> memref<128xi32, #tpu.memory_space<vmem>>
            %dma_start3A_306 = arith.constant 0 : i32
            %dma_start3A_307 = arith.constant 0 : i32
            %dma_start3A_308 = tpu.memref_slice %arg2[%dma_start3A_306, %dma_start3A_307] : memref<20000x128xf32, #tpu.memory_space<hbm>> -> memref<20000x128xf32, #tpu.memory_space<hbm>>
            tpu.enqueue_indirect_dma source(%dma_start3A_308 : memref<20000x128xf32, #tpu.memory_space<hbm>>) target(%dma_start3A_298 : memref<128x128xf32, #tpu.memory_space<vmem>>) offsets(%dma_start3A_305 : memref<128xi32, #tpu.memory_space<vmem>>) semaphore(%run_scoped3A_294 : memref<!tpu.dma_semaphore, #tpu.memory_space<semaphore_mem>>)
            %dma_wait3A = arith.constant 0 : i32
            %dma_wait3A_309 = arith.constant 0 : i32
            %dma_wait3A_310 = tpu.memref_slice %run_scoped3A_18[%rem3A_228, %dma_wait3A, %dma_wait3A_309] : memref<2x128x128xf32, #tpu.memory_space<vmem>> -> memref<1x128x128xf32, #tpu.memory_space<vmem>>
            %dma_wait3A_311 = tpu.memref_squeeze %dma_wait3A_310 : memref<1x128x128xf32, #tpu.memory_space<vmem>> -> memref<128x128xf32, #tpu.memory_space<vmem>>
            %dma_wait3A_312 = arith.constant 0 : i32
            %dma_wait3A_313 = arith.constant 0 : i32
            %dma_wait3A_314 = tpu.memref_slice %run_scoped3A[%rem3A_226, %dma_wait3A_312, %dma_wait3A_313] : memref<2x1x128xi32, #tpu.memory_space<vmem>> -> memref<1x1x128xi32, #tpu.memory_space<vmem>>
            %dma_wait3A_315 = tpu.memref_squeeze %dma_wait3A_314 : memref<1x1x128xi32, #tpu.memory_space<vmem>> -> memref<1x128xi32, #tpu.memory_space<vmem>>
            %dma_wait3A_316 = arith.constant 0 : i32
            %dma_wait3A_317 = tpu.memref_slice %dma_wait3A_315[%run_scoped3A_229, %dma_wait3A_316] : memref<1x128xi32, #tpu.memory_space<vmem>> -> memref<1x128xi32, #tpu.memory_space<vmem>>
            %dma_wait3A_318 = tpu.memref_squeeze %dma_wait3A_317 : memref<1x128xi32, #tpu.memory_space<vmem>> -> memref<128xi32, #tpu.memory_space<vmem>>
            %dma_wait3A_319 = arith.constant 0 : i32
            %dma_wait3A_320 = arith.constant 0 : i32
            %dma_wait3A_321 = tpu.memref_slice %arg2[%dma_wait3A_319, %dma_wait3A_320] : memref<20000x128xf32, #tpu.memory_space<hbm>> -> memref<20000x128xf32, #tpu.memory_space<hbm>>
            tpu.wait_indirect_dma semaphore(%run_scoped3A_294 : memref<!tpu.dma_semaphore, #tpu.memory_space<semaphore_mem>>) src(%dma_wait3A_321 : memref<20000x128xf32, #tpu.memory_space<hbm>>) dst(%dma_wait3A_311 : memref<128x128xf32, #tpu.memory_space<vmem>>)
            tpu.yield
          }) : () -> ()
          "tpu.trace_stop"() : () -> ()
          %ne3A_230 = arith.cmpi ne, %add3A_155, %add3A_173 : i32
          %or3A_231 = arith.constant false
          %or3A_232 = arith.ori %or3A_231, %ne3A_230 : i1
          %or3A_233 = arith.ori %or3A_232, %eq3A_154 : i1
          %convert_element_type3A_234 = arith.extui %or3A_233 : i1 to i32
          %cond3A_235 = arith.constant 0 : i32
          %cond3A_236 = arith.cmpi ne, %convert_element_type3A_234, %cond3A_235 : i32
          scf.if %cond3A_236 {
          } else {
          }
          %and3A_237 = arith.constant false
          %and3A_238 = arith.andi %or3A_233, %and3A_237 : i1
          %ne3A_239 = arith.cmpi ne, %add3A_155, %add3A_173 : i32
          %or3A_240 = arith.constant false
          %or3A_241 = arith.ori %or3A_240, %ne3A_239 : i1
          %or3A_242 = arith.constant false
          %or3A_243 = arith.ori %or3A_241, %or3A_242 : i1
          %or3A_244 = arith.ori %or3A_243, %eq3A_154 : i1
          %convert_element_type3A_245 = arith.extui %or3A_244 : i1 to i32
          %cond3A_246 = arith.constant 0 : i32
          %cond3A_247 = arith.cmpi ne, %convert_element_type3A_245, %cond3A_246 : i32
          scf.if %cond3A_247 {
            "tpu.trace_start"() <{level = 10 : i32, message = "ep_copy_out"}> : () -> ()
            %rem3A_294 = arith.constant 2 : i32
            %rem3A_295 = arith.remui %while3A_145, %rem3A_294 : i32
            %mul3A_296 = arith.constant 128 : i32
            %mul3A_297 = arith.muli %mul3A_296, %add3A_155 : i32
            %dma_start3A_298 = arith.constant 0 : i32
            %dma_start3A_299 = arith.constant 0 : i32
            %dma_start3A_300 = tpu.memref_slice %run_scoped3A_18[%rem3A_295, %dma_start3A_298, %dma_start3A_299] : memref<2x128x128xf32, #tpu.memory_space<vmem>> -> memref<1x128x128xf32, #tpu.memory_space<vmem>>
            %dma_start3A_301 = tpu.memref_squeeze %dma_start3A_300 : memref<1x128x128xf32, #tpu.memory_space<vmem>> -> memref<128x128xf32, #tpu.memory_space<vmem>>
            %dma_start3A_302 = arith.constant 0 : i32
            %dma_start3A_303 = tpu.memref_slice %arg4[%mul3A_297, %dma_start3A_302] : memref<320000x128xf32, #tpu.memory_space<hbm>> -> memref<128x128xf32, #tpu.memory_space<hbm>>
            %dma_start3A_304 = tpu.memref_slice %run_scoped3A_19[%rem3A_295] : memref<2x!tpu.dma_semaphore, #tpu.memory_space<semaphore_mem>> -> memref<1x!tpu.dma_semaphore, #tpu.memory_space<semaphore_mem>>
            %dma_start3A_305 = tpu.memref_squeeze %dma_start3A_304 : memref<1x!tpu.dma_semaphore, #tpu.memory_space<semaphore_mem>> -> memref<!tpu.dma_semaphore, #tpu.memory_space<semaphore_mem>>
            %dma_start3A_306 = arith.constant 0 : i32
            %dma_start3A_307 = tpu.memref_slice %arg4[%mul3A_297, %dma_start3A_306] : memref<320000x128xf32, #tpu.memory_space<hbm>> -> memref<128x128xf32, #tpu.memory_space<hbm>>
            %dma_start3A_308 = arith.constant 0 : i32
            %dma_start3A_309 = arith.constant 0 : i32
            %dma_start3A_310 = tpu.memref_slice %run_scoped3A_18[%rem3A_295, %dma_start3A_308, %dma_start3A_309] : memref<2x128x128xf32, #tpu.memory_space<vmem>> -> memref<1x128x128xf32, #tpu.memory_space<vmem>>
            %dma_start3A_311 = tpu.memref_squeeze %dma_start3A_310 : memref<1x128x128xf32, #tpu.memory_space<vmem>> -> memref<128x128xf32, #tpu.memory_space<vmem>>
            tpu.enqueue_dma source(%dma_start3A_311 : memref<128x128xf32, #tpu.memory_space<vmem>>) target(%dma_start3A_307 : memref<128x128xf32, #tpu.memory_space<hbm>>) target_semaphore(%dma_start3A_305 : memref<!tpu.dma_semaphore, #tpu.memory_space<semaphore_mem>>)
            "tpu.trace_stop"() : () -> ()
          } else {
          }
          %and3A_248 = arith.constant true
          %and3A_249 = arith.andi %or3A_244, %and3A_248 : i1
          %add3A_250 = arith.constant 1 : i32
          %add3A_251 = arith.addi %while3A_145, %add3A_250 : i32
          %select_n3A_252 = arith.select %and3A_249, %add3A_251, %while3A_145 : i32
          %ne3A_253 = arith.cmpi ne, %add3A_155, %add3A_165 : i32
          %or3A_254 = arith.constant false
          %or3A_255 = arith.ori %or3A_254, %ne3A_253 : i1
          %not3A_256 = arith.constant true
          %not3A_257 = arith.xori %eq3A_151, %not3A_256 : i1
          %and3A_258 = arith.andi %or3A_255, %not3A_257 : i1
          %convert_element_type3A_259 = arith.extui %and3A_258 : i1 to i32
          %cond3A_260 = arith.constant 0 : i32
          %cond3A_261 = arith.cmpi ne, %convert_element_type3A_259, %cond3A_260 : i32
          scf.if %cond3A_261 {
          } else {
          }
          %and3A_262 = arith.constant false
          %and3A_263 = arith.andi %and3A_258, %and3A_262 : i1
          %ne3A_264 = arith.cmpi ne, %add3A_155, %add3A_165 : i32
          %or3A_265 = arith.constant false
          %or3A_266 = arith.ori %or3A_265, %ne3A_264 : i1
          %or3A_267 = arith.constant false
          %or3A_268 = arith.ori %or3A_266, %or3A_267 : i1
          %not3A_269 = arith.constant true
          %not3A_270 = arith.xori %eq3A_151, %not3A_269 : i1
          %and3A_271 = arith.andi %or3A_268, %not3A_270 : i1
          %convert_element_type3A_272 = arith.extui %and3A_271 : i1 to i32
          %cond3A_273 = arith.constant 0 : i32
          %cond3A_274 = arith.cmpi ne, %convert_element_type3A_272, %cond3A_273 : i32
          scf.if %cond3A_274 {
            "tpu.trace_start"() <{level = 10 : i32, message = "ep_wait_out"}> : () -> ()
            %rem3A_294 = arith.constant 2 : i32
            %rem3A_295 = arith.remui %while3A_146, %rem3A_294 : i32
            %mul3A_296 = arith.constant 128 : i32
            %mul3A_297 = arith.muli %mul3A_296, %add3A_165 : i32
            %dma_wait3A = arith.constant 0 : i32
            %dma_wait3A_298 = arith.constant 0 : i32
            %dma_wait3A_299 = tpu.memref_slice %run_scoped3A_18[%rem3A_295, %dma_wait3A, %dma_wait3A_298] : memref<2x128x128xf32, #tpu.memory_space<vmem>> -> memref<1x128x128xf32, #tpu.memory_space<vmem>>
            %dma_wait3A_300 = tpu.memref_squeeze %dma_wait3A_299 : memref<1x128x128xf32, #tpu.memory_space<vmem>> -> memref<128x128xf32, #tpu.memory_space<vmem>>
            %dma_wait3A_301 = arith.constant 0 : i32
            %dma_wait3A_302 = tpu.memref_slice %arg4[%mul3A_297, %dma_wait3A_301] : memref<320000x128xf32, #tpu.memory_space<hbm>> -> memref<128x128xf32, #tpu.memory_space<hbm>>
            %dma_wait3A_303 = tpu.memref_slice %run_scoped3A_19[%rem3A_295] : memref<2x!tpu.dma_semaphore, #tpu.memory_space<semaphore_mem>> -> memref<1x!tpu.dma_semaphore, #tpu.memory_space<semaphore_mem>>
            %dma_wait3A_304 = tpu.memref_squeeze %dma_wait3A_303 : memref<1x!tpu.dma_semaphore, #tpu.memory_space<semaphore_mem>> -> memref<!tpu.dma_semaphore, #tpu.memory_space<semaphore_mem>>
            %dma_wait3A_305 = arith.constant 0 : i32
            %dma_wait3A_306 = tpu.memref_slice %arg4[%mul3A_297, %dma_wait3A_305] : memref<320000x128xf32, #tpu.memory_space<hbm>> -> memref<128x128xf32, #tpu.memory_space<hbm>>
            %dma_wait3A_307 = arith.constant 0 : i32
            %dma_wait3A_308 = arith.constant 0 : i32
            %dma_wait3A_309 = tpu.memref_slice %run_scoped3A_18[%rem3A_295, %dma_wait3A_307, %dma_wait3A_308] : memref<2x128x128xf32, #tpu.memory_space<vmem>> -> memref<1x128x128xf32, #tpu.memory_space<vmem>>
            %dma_wait3A_310 = tpu.memref_squeeze %dma_wait3A_309 : memref<1x128x128xf32, #tpu.memory_space<vmem>> -> memref<128x128xf32, #tpu.memory_space<vmem>>
            tpu.wait_dma2 semaphore(%dma_wait3A_304 : memref<!tpu.dma_semaphore, #tpu.memory_space<semaphore_mem>>) src(%dma_wait3A_310 : memref<128x128xf32, #tpu.memory_space<vmem>>) dst(%dma_wait3A_306 : memref<128x128xf32, #tpu.memory_space<hbm>>)
            "tpu.trace_stop"() : () -> ()
          } else {
          }
          %and3A_275 = arith.constant true
          %and3A_276 = arith.andi %and3A_271, %and3A_275 : i1
          %add3A_277 = arith.constant 1 : i32
          %add3A_278 = arith.addi %while3A_146, %add3A_277 : i32
          %select_n3A_279 = arith.select %and3A_276, %add3A_278, %while3A_146 : i32
          %ne3A_280 = arith.cmpi ne, %add3A_155, %add3A_173 : i32
          %or3A_281 = arith.constant false
          %or3A_282 = arith.ori %or3A_281, %ne3A_280 : i1
          %or3A_283 = arith.ori %or3A_282, %eq3A_154 : i1
          %add3A_284 = arith.constant 1 : i32
          %add3A_285 = arith.addi %while3A_144, %add3A_284 : i32
          %select_n3A_286 = arith.select %or3A_283, %add3A_285, %while3A_144 : i32
          %add3A_287 = arith.constant 1 : i32
          %add3A_288 = arith.addi %while3A_147, %add3A_287 : i32
          %select_n3A_289 = arith.constant true
          %select_n3A_290 = arith.select %select_n3A_289, %add3A_288, %while3A_147 : i32
          %eq3A_291 = arith.cmpi eq, %select_n3A_290, %select_n3A : i32
          %select_n3A_292 = arith.constant 0 : i32
          %select_n3A_293 = arith.select %eq3A_291, %select_n3A_292, %select_n3A_290 : i32
          scf.yield %select_n3A_195, %select_n3A_286, %select_n3A_252, %select_n3A_279, %select_n3A_293 : i32, i32, i32, i32, i32
        }
        %sub3A_91 = arith.constant 1 : i32
        %sub3A_92 = arith.subi %while3A_90#4, %sub3A_91 : i32
        %select_n3A_93 = arith.constant true
        %select_n3A_94 = arith.select %select_n3A_93, %sub3A_92, %while3A_90#4 : i32
        %eq3A_95 = arith.constant -1 : i32
        %eq3A_96 = arith.cmpi eq, %select_n3A_94, %eq3A_95 : i32
        %sub3A_97 = arith.constant 1 : i32
        %sub3A_98 = arith.subi %select_n3A, %sub3A_97 : i32
        %select_n3A_99 = arith.select %eq3A_96, %sub3A_98, %select_n3A_94 : i32
        %sub3A_100 = arith.constant 1 : i32
        %sub3A_101 = arith.subi %mul3A_16, %sub3A_100 : i32
        %mul3A_102 = arith.constant 1 : i32
        %mul3A_103 = arith.muli %mul3A_102, %select_n3A : i32
        %eq3A_104 = arith.constant 0 : i32
        %eq3A_105 = arith.cmpi eq, %sub3A_101, %eq3A_104 : i32
        %sub3A_106 = arith.constant 1 : i32
        %sub3A_107 = arith.subi %mul3A_103, %sub3A_106 : i32
        %eq3A_108 = arith.cmpi eq, %sub3A_101, %sub3A_107 : i32
        %add3A_109 = arith.addi %select_n3A_99, %select_n3A_14 : i32
        %sub3A_110 = arith.constant 1 : i32
        %sub3A_111 = arith.subi %select_n3A_99, %sub3A_110 : i32
        %select_n3A_112 = arith.constant true
        %select_n3A_113 = arith.select %select_n3A_112, %sub3A_111, %select_n3A_99 : i32
        %eq3A_114 = arith.constant -1 : i32
        %eq3A_115 = arith.cmpi eq, %select_n3A_113, %eq3A_114 : i32
        %sub3A_116 = arith.constant 1 : i32
        %sub3A_117 = arith.subi %select_n3A, %sub3A_116 : i32
        %select_n3A_118 = arith.select %eq3A_115, %sub3A_117, %select_n3A_113 : i32
        %add3A_119 = arith.addi %select_n3A_118, %select_n3A_14 : i32
        %add3A_120 = arith.constant 1 : i32
        %add3A_121 = arith.addi %select_n3A_99, %add3A_120 : i32
        %select_n3A_122 = arith.constant true
        %select_n3A_123 = arith.select %select_n3A_122, %add3A_121, %select_n3A_99 : i32
        %eq3A_124 = arith.cmpi eq, %select_n3A_123, %select_n3A : i32
        %select_n3A_125 = arith.constant 0 : i32
        %select_n3A_126 = arith.select %eq3A_124, %select_n3A_125, %select_n3A_123 : i32
        %add3A_127 = arith.addi %select_n3A_126, %select_n3A_14 : i32
        %add3A_128 = arith.constant 1 : i32
        %add3A_129 = arith.addi %select_n3A_126, %add3A_128 : i32
        %select_n3A_130 = arith.constant true
        %select_n3A_131 = arith.select %select_n3A_130, %add3A_129, %select_n3A_126 : i32
        %eq3A_132 = arith.cmpi eq, %select_n3A_131, %select_n3A : i32
        %select_n3A_133 = arith.constant 0 : i32
        %select_n3A_134 = arith.select %eq3A_132, %select_n3A_133, %select_n3A_131 : i32
        %add3A_135 = arith.addi %select_n3A_134, %select_n3A_14 : i32
        %convert_element_type3A_136 = arith.extui %eq3A_108 : i1 to i32
        %cond3A_137 = arith.constant 0 : i32
        %cond3A_138 = arith.cmpi ne, %convert_element_type3A_136, %cond3A_137 : i32
        scf.if %cond3A_138 {
        } else {
        }
        %convert_element_type3A_139 = arith.extui %eq3A_108 : i1 to i32
        %cond3A_140 = arith.constant 0 : i32
        %cond3A_141 = arith.cmpi ne, %convert_element_type3A_139, %cond3A_140 : i32
        scf.if %cond3A_141 {
          "tpu.trace_start"() <{level = 10 : i32, message = "ep_finalize"}> : () -> ()
          %rem3A_142 = arith.constant 2 : i32
          %rem3A_143 = arith.remui %while3A_90#3, %rem3A_142 : i32
          %mul3A_144 = arith.constant 128 : i32
          %mul3A_145 = arith.muli %mul3A_144, %add3A_109 : i32
          %dma_wait3A = arith.constant 0 : i32
          %dma_wait3A_146 = arith.constant 0 : i32
          %dma_wait3A_147 = tpu.memref_slice %run_scoped3A_18[%rem3A_143, %dma_wait3A, %dma_wait3A_146] : memref<2x128x128xf32, #tpu.memory_space<vmem>> -> memref<1x128x128xf32, #tpu.memory_space<vmem>>
          %dma_wait3A_148 = tpu.memref_squeeze %dma_wait3A_147 : memref<1x128x128xf32, #tpu.memory_space<vmem>> -> memref<128x128xf32, #tpu.memory_space<vmem>>
          %dma_wait3A_149 = arith.constant 0 : i32
          %dma_wait3A_150 = tpu.memref_slice %arg4[%mul3A_145, %dma_wait3A_149] : memref<320000x128xf32, #tpu.memory_space<hbm>> -> memref<128x128xf32, #tpu.memory_space<hbm>>
          %dma_wait3A_151 = tpu.memref_slice %run_scoped3A_19[%rem3A_143] : memref<2x!tpu.dma_semaphore, #tpu.memory_space<semaphore_mem>> -> memref<1x!tpu.dma_semaphore, #tpu.memory_space<semaphore_mem>>
          %dma_wait3A_152 = tpu.memref_squeeze %dma_wait3A_151 : memref<1x!tpu.dma_semaphore, #tpu.memory_space<semaphore_mem>> -> memref<!tpu.dma_semaphore, #tpu.memory_space<semaphore_mem>>
          %dma_wait3A_153 = arith.constant 0 : i32
          %dma_wait3A_154 = tpu.memref_slice %arg4[%mul3A_145, %dma_wait3A_153] : memref<320000x128xf32, #tpu.memory_space<hbm>> -> memref<128x128xf32, #tpu.memory_space<hbm>>
          %dma_wait3A_155 = arith.constant 0 : i32
          %dma_wait3A_156 = arith.constant 0 : i32
          %dma_wait3A_157 = tpu.memref_slice %run_scoped3A_18[%rem3A_143, %dma_wait3A_155, %dma_wait3A_156] : memref<2x128x128xf32, #tpu.memory_space<vmem>> -> memref<1x128x128xf32, #tpu.memory_space<vmem>>
          %dma_wait3A_158 = tpu.memref_squeeze %dma_wait3A_157 : memref<1x128x128xf32, #tpu.memory_space<vmem>> -> memref<128x128xf32, #tpu.memory_space<vmem>>
          tpu.wait_dma2 semaphore(%dma_wait3A_152 : memref<!tpu.dma_semaphore, #tpu.memory_space<semaphore_mem>>) src(%dma_wait3A_158 : memref<128x128xf32, #tpu.memory_space<vmem>>) dst(%dma_wait3A_154 : memref<128x128xf32, #tpu.memory_space<hbm>>)
          "tpu.trace_stop"() : () -> ()
        } else {
        }
      } else {
      }
      tpu.yield
    }) : () -> ()
    return
  }
}

#map = affine_map<(d0, d1) -> (0, 0)>
module attributes {stable_mosaic.version = 14 : i64} {
  func.func @k(%arg0: i32, %arg1: i32, %arg2: memref<20000x128xf32, #tpu.memory_space<hbm>>, %arg3: memref<1x40064xi32, #tpu.memory_space<hbm>>, %arg4: memref<40064x128xf32, #tpu.memory_space<hbm>>) attributes {dimension_semantics = [#tpu.dimension_semantics<core_parallel>, #tpu.dimension_semantics<subcore_parallel>], iteration_bounds = array<i64: 2, 16>, scalar_prefetch = 0 : i64, scratch_operands = 0 : i64, tpu.core_type = #tpu.core_type<sc_vector_subcore>, window_params = [{transform_indices = #map}, {transform_indices = #map}, {transform_indices = #map}]} {
    %mul3A = arith.constant 1 : i32
    %mul3A_0 = arith.muli %arg1, %mul3A : i32
    %add3A = arith.constant 0 : i32
    %add3A_1 = arith.addi %add3A, %mul3A_0 : i32
    %mul3A_2 = arith.constant 16 : i32
    %mul3A_3 = arith.muli %arg0, %mul3A_2 : i32
    %add3A_4 = arith.addi %add3A_1, %mul3A_3 : i32
    %lt3A = arith.constant 25 : i32
    %lt3A_5 = arith.cmpi slt, %add3A_4, %lt3A : i32
    %jit3A = arith.constant 10 : i32
    %jit3A_6 = arith.constant 9 : i32
    %select_n3A = arith.select %lt3A_5, %jit3A, %jit3A_6 : i32
    %lt3A_7 = arith.constant 25 : i32
    %lt3A_8 = arith.cmpi slt, %add3A_4, %lt3A_7 : i32
    %mul3A_9 = arith.muli %add3A_4, %select_n3A : i32
    %mul3A_10 = arith.constant 9 : i32
    %mul3A_11 = arith.muli %add3A_4, %mul3A_10 : i32
    %add3A_12 = arith.constant 25 : i32
    %add3A_13 = arith.addi %mul3A_11, %add3A_12 : i32
    %select_n3A_14 = arith.select %lt3A_8, %mul3A_9, %add3A_13 : i32
    %mul3A_15 = arith.constant 1 : i32
    %mul3A_16 = arith.muli %mul3A_15, %select_n3A : i32
    "tpu.region"() ({
      %run_scoped3A = memref.alloca() : memref<2x1x128xi32, #tpu.memory_space<vmem>>
      %run_scoped3A_17 = tpu.sem_alloc : memref<2x!tpu.dma_semaphore, #tpu.memory_space<semaphore_mem>>
      %run_scoped3A_18 = memref.alloca() : memref<2x128x128xf32, #tpu.memory_space<vmem>>
      %run_scoped3A_19 = tpu.sem_alloc : memref<2x!tpu.dma_semaphore, #tpu.memory_space<semaphore_mem>>
      %gt3A = arith.constant 0 : i32
      %gt3A_20 = arith.cmpi sgt, %mul3A_16, %gt3A : i32
      %convert_element_type3A = arith.extui %gt3A_20 : i1 to i32
      %cond3A = arith.constant 0 : i32
      %cond3A_21 = arith.cmpi ne, %convert_element_type3A, %cond3A : i32
      scf.if %cond3A_21 {
        %mul3A_22 = arith.constant 1 : i32
        %mul3A_23 = arith.muli %mul3A_22, %select_n3A : i32
        %sub3A = arith.constant 1 : i32
        %sub3A_24 = arith.subi %mul3A_23, %sub3A : i32
        %eq3A = arith.constant 0 : i32
        %eq3A_25 = arith.cmpi eq, %sub3A_24, %eq3A : i32
        %add3A_26 = arith.constant 0 : i32
        %add3A_27 = arith.addi %add3A_26, %select_n3A_14 : i32
        %select_n3A_28 = arith.constant true
        %select_n3A_29 = arith.constant 0 : i32
        %select_n3A_30 = arith.constant -1 : i32
        %select_n3A_31 = arith.select %select_n3A_28, %select_n3A_30, %select_n3A_29 : i32
        %eq3A_32 = arith.constant -1 : i32
        %eq3A_33 = arith.cmpi eq, %select_n3A_31, %eq3A_32 : i32
        %sub3A_34 = arith.constant 1 : i32
        %sub3A_35 = arith.subi %select_n3A, %sub3A_34 : i32
        %select_n3A_36 = arith.select %eq3A_33, %sub3A_35, %select_n3A_31 : i32
        %add3A_37 = arith.addi %select_n3A_36, %select_n3A_14 : i32
        %select_n3A_38 = arith.constant true
        %select_n3A_39 = arith.constant 0 : i32
        %select_n3A_40 = arith.constant 1 : i32
        %select_n3A_41 = arith.select %select_n3A_38, %select_n3A_40, %select_n3A_39 : i32
        %eq3A_42 = arith.cmpi eq, %select_n3A_41, %select_n3A : i32
        %select_n3A_43 = arith.constant 0 : i32
        %select_n3A_44 = arith.select %eq3A_42, %select_n3A_43, %select_n3A_41 : i32
        %add3A_45 = arith.addi %select_n3A_44, %select_n3A_14 : i32
        %add3A_46 = arith.constant 1 : i32
        %add3A_47 = arith.addi %select_n3A_44, %add3A_46 : i32
        %select_n3A_48 = arith.constant true
        %select_n3A_49 = arith.select %select_n3A_48, %add3A_47, %select_n3A_44 : i32
        %eq3A_50 = arith.cmpi eq, %select_n3A_49, %select_n3A : i32
        %select_n3A_51 = arith.constant 0 : i32
        %select_n3A_52 = arith.select %eq3A_50, %select_n3A_51, %select_n3A_49 : i32
        %add3A_53 = arith.addi %select_n3A_52, %select_n3A_14 : i32
        "tpu.trace_start"() <{level = 10 : i32, message = "ep_initialize_0"}> : () -> ()
        %rem3A = arith.constant 0 : i32
        %rem3A_54 = arith.constant 2 : i32
        %rem3A_55 = arith.remui %rem3A, %rem3A_54 : i32
        %mul3A_56 = arith.constant 128 : i32
        %mul3A_57 = arith.muli %mul3A_56, %add3A_27 : i32
        %dma_start3A = arith.constant 0 : i32
        %dma_start3A_58 = arith.constant 0 : i32
        %dma_start3A_59 = tpu.memref_slice %run_scoped3A[%rem3A_55, %dma_start3A, %dma_start3A_58] : memref<2x1x128xi32, #tpu.memory_space<vmem>> -> memref<1x1x128xi32, #tpu.memory_space<vmem>>
        %dma_start3A_60 = tpu.memref_squeeze %dma_start3A_59 : memref<1x1x128xi32, #tpu.memory_space<vmem>> -> memref<1x128xi32, #tpu.memory_space<vmem>>
        %dma_start3A_61 = arith.constant 0 : i32
        %dma_start3A_62 = tpu.memref_slice %arg3[%dma_start3A_61, %mul3A_57] : memref<1x40064xi32, #tpu.memory_space<hbm>> -> memref<1x128xi32, #tpu.memory_space<hbm>>
        %dma_start3A_63 = tpu.memref_slice %run_scoped3A_17[%rem3A_55] : memref<2x!tpu.dma_semaphore, #tpu.memory_space<semaphore_mem>> -> memref<1x!tpu.dma_semaphore, #tpu.memory_space<semaphore_mem>>
        %dma_start3A_64 = tpu.memref_squeeze %dma_start3A_63 : memref<1x!tpu.dma_semaphore, #tpu.memory_space<semaphore_mem>> -> memref<!tpu.dma_semaphore, #tpu.memory_space<semaphore_mem>>
        %dma_start3A_65 = arith.constant 0 : i32
        %dma_start3A_66 = arith.constant 0 : i32
        %dma_start3A_67 = tpu.memref_slice %run_scoped3A[%rem3A_55, %dma_start3A_65, %dma_start3A_66] : memref<2x1x128xi32, #tpu.memory_space<vmem>> -> memref<1x1x128xi32, #tpu.memory_space<vmem>>
        %dma_start3A_68 = tpu.memref_squeeze %dma_start3A_67 : memref<1x1x128xi32, #tpu.memory_space<vmem>> -> memref<1x128xi32, #tpu.memory_space<vmem>>
        %dma_start3A_69 = arith.constant 0 : i32
        %dma_start3A_70 = tpu.memref_slice %arg3[%dma_start3A_69, %mul3A_57] : memref<1x40064xi32, #tpu.memory_space<hbm>> -> memref<1x128xi32, #tpu.memory_space<hbm>>
        tpu.enqueue_dma source(%dma_start3A_70 : memref<1x128xi32, #tpu.memory_space<hbm>>) target(%dma_start3A_68 : memref<1x128xi32, #tpu.memory_space<vmem>>) target_semaphore(%dma_start3A_64 : memref<!tpu.dma_semaphore, #tpu.memory_space<semaphore_mem>>)
        %add3A_71 = arith.constant 0 : i32
        %add3A_72 = arith.constant 1 : i32
        %add3A_73 = arith.addi %add3A_71, %add3A_72 : i32
        %select_n3A_74 = arith.constant true
        %select_n3A_75 = arith.constant 0 : i32
        %select_n3A_76 = arith.select %select_n3A_74, %add3A_73, %select_n3A_75 : i32
        %while3A = arith.constant 0 : i32
        %while3A_77 = arith.constant 0 : i32
        %while3A_78 = arith.constant 0 : i32
        %while3A_79 = arith.constant 0 : i32
        %while3A_80 = arith.constant 0 : i32
        "tpu.trace_stop"() : () -> ()
        %while3A_81 = arith.subi %mul3A_16, %while3A : i32
        %while3A_82 = arith.addi %while3A, %while3A_81 : i32
        %while3A_83 = arith.constant 1 : i32
        %while3A_84 = arith.divsi %while3A_81, %while3A_83 : i32
        %while3A_85 = arith.muli %while3A_84, %while3A_83 : i32
        %while3A_86 = arith.addi %while3A, %while3A_85 : i32
        %while3A_87 = arith.constant 1 : i32
        %while3A_88:5 = scf.for %while3A_142 = %while3A to %while3A_86 step %while3A_87 iter_args(%while3A_143 = %select_n3A_76, %while3A_144 = %while3A_77, %while3A_145 = %while3A_78, %while3A_146 = %while3A_79, %while3A_147 = %while3A_80) -> (i32, i32, i32, i32, i32)  : i32 {
          %mul3A_148 = arith.constant 1 : i32
          %mul3A_149 = arith.muli %mul3A_148, %select_n3A : i32
          %eq3A_150 = arith.constant 0 : i32
          %eq3A_151 = arith.cmpi eq, %while3A_142, %eq3A_150 : i32
          %sub3A_152 = arith.constant 1 : i32
          %sub3A_153 = arith.subi %mul3A_149, %sub3A_152 : i32
          %eq3A_154 = arith.cmpi eq, %while3A_142, %sub3A_153 : i32
          %add3A_155 = arith.addi %while3A_147, %select_n3A_14 : i32
          %sub3A_156 = arith.constant 1 : i32
          %sub3A_157 = arith.subi %while3A_147, %sub3A_156 : i32
          %select_n3A_158 = arith.constant true
          %select_n3A_159 = arith.select %select_n3A_158, %sub3A_157, %while3A_147 : i32
          %eq3A_160 = arith.constant -1 : i32
          %eq3A_161 = arith.cmpi eq, %select_n3A_159, %eq3A_160 : i32
          %sub3A_162 = arith.constant 1 : i32
          %sub3A_163 = arith.subi %select_n3A, %sub3A_162 : i32
          %select_n3A_164 = arith.select %eq3A_161, %sub3A_163, %select_n3A_159 : i32
          %add3A_165 = arith.addi %select_n3A_164, %select_n3A_14 : i32
          %add3A_166 = arith.constant 1 : i32
          %add3A_167 = arith.addi %while3A_147, %add3A_166 : i32
          %select_n3A_168 = arith.constant true
          %select_n3A_169 = arith.select %select_n3A_168, %add3A_167, %while3A_147 : i32
          %eq3A_170 = arith.cmpi eq, %select_n3A_169, %select_n3A : i32
          %select_n3A_171 = arith.constant 0 : i32
          %select_n3A_172 = arith.select %eq3A_170, %select_n3A_171, %select_n3A_169 : i32
          %add3A_173 = arith.addi %select_n3A_172, %select_n3A_14 : i32
          %add3A_174 = arith.constant 1 : i32
          %add3A_175 = arith.addi %select_n3A_172, %add3A_174 : i32
          %select_n3A_176 = arith.constant true
          %select_n3A_177 = arith.select %select_n3A_176, %add3A_175, %select_n3A_172 : i32
          %eq3A_178 = arith.cmpi eq, %select_n3A_177, %select_n3A : i32
          %select_n3A_179 = arith.constant 0 : i32
          %select_n3A_180 = arith.select %eq3A_178, %select_n3A_179, %select_n3A_177 : i32
          %add3A_181 = arith.addi %select_n3A_180, %select_n3A_14 : i32
          %ne3A = arith.cmpi ne, %add3A_155, %add3A_173 : i32
          %or3A = arith.constant false
          %or3A_182 = arith.ori %or3A, %ne3A : i1
          %sub3A_183 = arith.constant 2 : i32
          %sub3A_184 = arith.subi %mul3A_149, %sub3A_183 : i32
          %add3A_185 = arith.constant 1 : i32
          %add3A_186 = arith.addi %sub3A_184, %add3A_185 : i32
          %ge3A = arith.cmpi sge, %while3A_142, %add3A_186 : i32
          %not3A = arith.constant true
          %not3A_187 = arith.xori %ge3A, %not3A : i1
          %and3A = arith.andi %or3A_182, %not3A_187 : i1
          %convert_element_type3A_188 = arith.extui %and3A : i1 to i32
          %cond3A_189 = arith.constant 0 : i32
          %cond3A_190 = arith.cmpi ne, %convert_element_type3A_188, %cond3A_189 : i32
          scf.if %cond3A_190 {
            "tpu.trace_start"() <{level = 10 : i32, message = "ep_copy_in"}> : () -> ()
            %rem3A_294 = arith.constant 2 : i32
            %rem3A_295 = arith.remui %while3A_143, %rem3A_294 : i32
            %mul3A_296 = arith.constant 128 : i32
            %mul3A_297 = arith.muli %mul3A_296, %add3A_173 : i32
            %dma_start3A_298 = arith.constant 0 : i32
            %dma_start3A_299 = arith.constant 0 : i32
            %dma_start3A_300 = tpu.memref_slice %run_scoped3A[%rem3A_295, %dma_start3A_298, %dma_start3A_299] : memref<2x1x128xi32, #tpu.memory_space<vmem>> -> memref<1x1x128xi32, #tpu.memory_space<vmem>>
            %dma_start3A_301 = tpu.memref_squeeze %dma_start3A_300 : memref<1x1x128xi32, #tpu.memory_space<vmem>> -> memref<1x128xi32, #tpu.memory_space<vmem>>
            %dma_start3A_302 = arith.constant 0 : i32
            %dma_start3A_303 = tpu.memref_slice %arg3[%dma_start3A_302, %mul3A_297] : memref<1x40064xi32, #tpu.memory_space<hbm>> -> memref<1x128xi32, #tpu.memory_space<hbm>>
            %dma_start3A_304 = tpu.memref_slice %run_scoped3A_17[%rem3A_295] : memref<2x!tpu.dma_semaphore, #tpu.memory_space<semaphore_mem>> -> memref<1x!tpu.dma_semaphore, #tpu.memory_space<semaphore_mem>>
            %dma_start3A_305 = tpu.memref_squeeze %dma_start3A_304 : memref<1x!tpu.dma_semaphore, #tpu.memory_space<semaphore_mem>> -> memref<!tpu.dma_semaphore, #tpu.memory_space<semaphore_mem>>
            %dma_start3A_306 = arith.constant 0 : i32
            %dma_start3A_307 = arith.constant 0 : i32
            %dma_start3A_308 = tpu.memref_slice %run_scoped3A[%rem3A_295, %dma_start3A_306, %dma_start3A_307] : memref<2x1x128xi32, #tpu.memory_space<vmem>> -> memref<1x1x128xi32, #tpu.memory_space<vmem>>
            %dma_start3A_309 = tpu.memref_squeeze %dma_start3A_308 : memref<1x1x128xi32, #tpu.memory_space<vmem>> -> memref<1x128xi32, #tpu.memory_space<vmem>>
            %dma_start3A_310 = arith.constant 0 : i32
            %dma_start3A_311 = tpu.memref_slice %arg3[%dma_start3A_310, %mul3A_297] : memref<1x40064xi32, #tpu.memory_space<hbm>> -> memref<1x128xi32, #tpu.memory_space<hbm>>
            tpu.enqueue_dma source(%dma_start3A_311 : memref<1x128xi32, #tpu.memory_space<hbm>>) target(%dma_start3A_309 : memref<1x128xi32, #tpu.memory_space<vmem>>) target_semaphore(%dma_start3A_305 : memref<!tpu.dma_semaphore, #tpu.memory_space<semaphore_mem>>)
            "tpu.trace_stop"() : () -> ()
          } else {
          }
          %and3A_191 = arith.constant true
          %and3A_192 = arith.andi %and3A, %and3A_191 : i1
          %add3A_193 = arith.constant 1 : i32
          %add3A_194 = arith.addi %while3A_143, %add3A_193 : i32
          %select_n3A_195 = arith.select %and3A_192, %add3A_194, %while3A_143 : i32
          %ne3A_196 = arith.cmpi ne, %add3A_155, %add3A_173 : i32
          %or3A_197 = arith.constant false
          %or3A_198 = arith.ori %or3A_197, %ne3A_196 : i1
          %or3A_199 = arith.constant false
          %or3A_200 = arith.ori %or3A_198, %or3A_199 : i1
          %sub3A_201 = arith.constant 2 : i32
          %sub3A_202 = arith.subi %mul3A_149, %sub3A_201 : i32
          %add3A_203 = arith.constant 1 : i32
          %add3A_204 = arith.addi %sub3A_202, %add3A_203 : i32
          %ge3A_205 = arith.cmpi sge, %while3A_142, %add3A_204 : i32
          %not3A_206 = arith.constant true
          %not3A_207 = arith.xori %ge3A_205, %not3A_206 : i1
          %and3A_208 = arith.andi %or3A_200, %not3A_207 : i1
          %ne3A_209 = arith.cmpi ne, %add3A_155, %add3A_165 : i32
          %or3A_210 = arith.constant false
          %or3A_211 = arith.ori %or3A_210, %ne3A_209 : i1
          %or3A_212 = arith.ori %or3A_211, %eq3A_151 : i1
          %convert_element_type3A_213 = arith.extui %or3A_212 : i1 to i32
          %cond3A_214 = arith.constant 0 : i32
          %cond3A_215 = arith.cmpi ne, %convert_element_type3A_213, %cond3A_214 : i32
          scf.if %cond3A_215 {
            "tpu.trace_start"() <{level = 10 : i32, message = "ep_wait_in"}> : () -> ()
            %mul3A_294 = arith.constant 128 : i32
            %mul3A_295 = arith.muli %mul3A_294, %add3A_155 : i32
            %rem3A_296 = arith.constant 2 : i32
            %rem3A_297 = arith.remui %while3A_144, %rem3A_296 : i32
            %dma_wait3A = arith.constant 0 : i32
            %dma_wait3A_298 = arith.constant 0 : i32
            %dma_wait3A_299 = tpu.memref_slice %run_scoped3A[%rem3A_297, %dma_wait3A, %dma_wait3A_298] : memref<2x1x128xi32, #tpu.memory_space<vmem>> -> memref<1x1x128xi32, #tpu.memory_space<vmem>>
            %dma_wait3A_300 = tpu.memref_squeeze %dma_wait3A_299 : memref<1x1x128xi32, #tpu.memory_space<vmem>> -> memref<1x128xi32, #tpu.memory_space<vmem>>
            %dma_wait3A_301 = arith.constant 0 : i32
            %dma_wait3A_302 = tpu.memref_slice %arg3[%dma_wait3A_301, %mul3A_295] : memref<1x40064xi32, #tpu.memory_space<hbm>> -> memref<1x128xi32, #tpu.memory_space<hbm>>
            %dma_wait3A_303 = tpu.memref_slice %run_scoped3A_17[%rem3A_297] : memref<2x!tpu.dma_semaphore, #tpu.memory_space<semaphore_mem>> -> memref<1x!tpu.dma_semaphore, #tpu.memory_space<semaphore_mem>>
            %dma_wait3A_304 = tpu.memref_squeeze %dma_wait3A_303 : memref<1x!tpu.dma_semaphore, #tpu.memory_space<semaphore_mem>> -> memref<!tpu.dma_semaphore, #tpu.memory_space<semaphore_mem>>
            %dma_wait3A_305 = arith.constant 0 : i32
            %dma_wait3A_306 = arith.constant 0 : i32
            %dma_wait3A_307 = tpu.memref_slice %run_scoped3A[%rem3A_297, %dma_wait3A_305, %dma_wait3A_306] : memref<2x1x128xi32, #tpu.memory_space<vmem>> -> memref<1x1x128xi32, #tpu.memory_space<vmem>>
            %dma_wait3A_308 = tpu.memref_squeeze %dma_wait3A_307 : memref<1x1x128xi32, #tpu.memory_space<vmem>> -> memref<1x128xi32, #tpu.memory_space<vmem>>
            %dma_wait3A_309 = arith.constant 0 : i32
            %dma_wait3A_310 = tpu.memref_slice %arg3[%dma_wait3A_309, %mul3A_295] : memref<1x40064xi32, #tpu.memory_space<hbm>> -> memref<1x128xi32, #tpu.memory_space<hbm>>
            tpu.wait_dma2 semaphore(%dma_wait3A_304 : memref<!tpu.dma_semaphore, #tpu.memory_space<semaphore_mem>>) src(%dma_wait3A_310 : memref<1x128xi32, #tpu.memory_space<hbm>>) dst(%dma_wait3A_308 : memref<1x128xi32, #tpu.memory_space<vmem>>)
            "tpu.trace_stop"() : () -> ()
          } else {
          }
          %ne3A_216 = arith.cmpi ne, %add3A_155, %add3A_165 : i32
          %or3A_217 = arith.constant false
          %or3A_218 = arith.ori %or3A_217, %ne3A_216 : i1
          %or3A_219 = arith.constant false
          %or3A_220 = arith.ori %or3A_218, %or3A_219 : i1
          %or3A_221 = arith.ori %or3A_220, %eq3A_151 : i1
          %convert_element_type3A_222 = arith.extui %or3A_221 : i1 to i32
          %cond3A_223 = arith.constant 0 : i32
          %cond3A_224 = arith.cmpi ne, %convert_element_type3A_222, %cond3A_223 : i32
          scf.if %cond3A_224 {
          } else {
          }
          %rem3A_225 = arith.constant 2 : i32
          %rem3A_226 = arith.remui %while3A_144, %rem3A_225 : i32
          %rem3A_227 = arith.constant 2 : i32
          %rem3A_228 = arith.remui %while3A_145, %rem3A_227 : i32
          %run_scoped3A_229 = arith.constant 0 : i32
          "tpu.trace_start"() <{level = 10 : i32, message = "ep_run_kernel"}> : () -> ()
          "tpu.region"() ({
            %run_scoped3A_294 = tpu.sem_alloc : memref<!tpu.dma_semaphore, #tpu.memory_space<semaphore_mem>>
            %dma_start3A_295 = arith.constant 0 : i32
            %dma_start3A_296 = arith.constant 0 : i32
            %dma_start3A_297 = tpu.memref_slice %run_scoped3A_18[%rem3A_228, %dma_start3A_295, %dma_start3A_296] : memref<2x128x128xf32, #tpu.memory_space<vmem>> -> memref<1x128x128xf32, #tpu.memory_space<vmem>>
            %dma_start3A_298 = tpu.memref_squeeze %dma_start3A_297 : memref<1x128x128xf32, #tpu.memory_space<vmem>> -> memref<128x128xf32, #tpu.memory_space<vmem>>
            %dma_start3A_299 = arith.constant 0 : i32
            %dma_start3A_300 = arith.constant 0 : i32
            %dma_start3A_301 = tpu.memref_slice %run_scoped3A[%rem3A_226, %dma_start3A_299, %dma_start3A_300] : memref<2x1x128xi32, #tpu.memory_space<vmem>> -> memref<1x1x128xi32, #tpu.memory_space<vmem>>
            %dma_start3A_302 = tpu.memref_squeeze %dma_start3A_301 : memref<1x1x128xi32, #tpu.memory_space<vmem>> -> memref<1x128xi32, #tpu.memory_space<vmem>>
            %dma_start3A_303 = arith.constant 0 : i32
            %dma_start3A_304 = tpu.memref_slice %dma_start3A_302[%run_scoped3A_229, %dma_start3A_303] : memref<1x128xi32, #tpu.memory_space<vmem>> -> memref<1x128xi32, #tpu.memory_space<vmem>>
            %dma_start3A_305 = tpu.memref_squeeze %dma_start3A_304 : memref<1x128xi32, #tpu.memory_space<vmem>> -> memref<128xi32, #tpu.memory_space<vmem>>
            %dma_start3A_306 = arith.constant 0 : i32
            %dma_start3A_307 = arith.constant 0 : i32
            %dma_start3A_308 = tpu.memref_slice %arg2[%dma_start3A_306, %dma_start3A_307] : memref<20000x128xf32, #tpu.memory_space<hbm>> -> memref<20000x128xf32, #tpu.memory_space<hbm>>
            tpu.enqueue_indirect_dma source(%dma_start3A_308 : memref<20000x128xf32, #tpu.memory_space<hbm>>) target(%dma_start3A_298 : memref<128x128xf32, #tpu.memory_space<vmem>>) offsets(%dma_start3A_305 : memref<128xi32, #tpu.memory_space<vmem>>) semaphore(%run_scoped3A_294 : memref<!tpu.dma_semaphore, #tpu.memory_space<semaphore_mem>>)
            %dma_wait3A = arith.constant 0 : i32
            %dma_wait3A_309 = arith.constant 0 : i32
            %dma_wait3A_310 = tpu.memref_slice %run_scoped3A_18[%rem3A_228, %dma_wait3A, %dma_wait3A_309] : memref<2x128x128xf32, #tpu.memory_space<vmem>> -> memref<1x128x128xf32, #tpu.memory_space<vmem>>
            %dma_wait3A_311 = tpu.memref_squeeze %dma_wait3A_310 : memref<1x128x128xf32, #tpu.memory_space<vmem>> -> memref<128x128xf32, #tpu.memory_space<vmem>>
            %dma_wait3A_312 = arith.constant 0 : i32
            %dma_wait3A_313 = arith.constant 0 : i32
            %dma_wait3A_314 = tpu.memref_slice %run_scoped3A[%rem3A_226, %dma_wait3A_312, %dma_wait3A_313] : memref<2x1x128xi32, #tpu.memory_space<vmem>> -> memref<1x1x128xi32, #tpu.memory_space<vmem>>
            %dma_wait3A_315 = tpu.memref_squeeze %dma_wait3A_314 : memref<1x1x128xi32, #tpu.memory_space<vmem>> -> memref<1x128xi32, #tpu.memory_space<vmem>>
            %dma_wait3A_316 = arith.constant 0 : i32
            %dma_wait3A_317 = tpu.memref_slice %dma_wait3A_315[%run_scoped3A_229, %dma_wait3A_316] : memref<1x128xi32, #tpu.memory_space<vmem>> -> memref<1x128xi32, #tpu.memory_space<vmem>>
            %dma_wait3A_318 = tpu.memref_squeeze %dma_wait3A_317 : memref<1x128xi32, #tpu.memory_space<vmem>> -> memref<128xi32, #tpu.memory_space<vmem>>
            %dma_wait3A_319 = arith.constant 0 : i32
            %dma_wait3A_320 = arith.constant 0 : i32
            %dma_wait3A_321 = tpu.memref_slice %arg2[%dma_wait3A_319, %dma_wait3A_320] : memref<20000x128xf32, #tpu.memory_space<hbm>> -> memref<20000x128xf32, #tpu.memory_space<hbm>>
            tpu.wait_indirect_dma semaphore(%run_scoped3A_294 : memref<!tpu.dma_semaphore, #tpu.memory_space<semaphore_mem>>) src(%dma_wait3A_321 : memref<20000x128xf32, #tpu.memory_space<hbm>>) dst(%dma_wait3A_311 : memref<128x128xf32, #tpu.memory_space<vmem>>)
            tpu.yield
          }) : () -> ()
          "tpu.trace_stop"() : () -> ()
          %ne3A_230 = arith.cmpi ne, %add3A_155, %add3A_173 : i32
          %or3A_231 = arith.constant false
          %or3A_232 = arith.ori %or3A_231, %ne3A_230 : i1
          %or3A_233 = arith.ori %or3A_232, %eq3A_154 : i1
          %convert_element_type3A_234 = arith.extui %or3A_233 : i1 to i32
          %cond3A_235 = arith.constant 0 : i32
          %cond3A_236 = arith.cmpi ne, %convert_element_type3A_234, %cond3A_235 : i32
          scf.if %cond3A_236 {
          } else {
          }
          %and3A_237 = arith.constant false
          %and3A_238 = arith.andi %or3A_233, %and3A_237 : i1
          %ne3A_239 = arith.cmpi ne, %add3A_155, %add3A_173 : i32
          %or3A_240 = arith.constant false
          %or3A_241 = arith.ori %or3A_240, %ne3A_239 : i1
          %or3A_242 = arith.constant false
          %or3A_243 = arith.ori %or3A_241, %or3A_242 : i1
          %or3A_244 = arith.ori %or3A_243, %eq3A_154 : i1
          %convert_element_type3A_245 = arith.extui %or3A_244 : i1 to i32
          %cond3A_246 = arith.constant 0 : i32
          %cond3A_247 = arith.cmpi ne, %convert_element_type3A_245, %cond3A_246 : i32
          scf.if %cond3A_247 {
            "tpu.trace_start"() <{level = 10 : i32, message = "ep_copy_out"}> : () -> ()
            %rem3A_294 = arith.constant 2 : i32
            %rem3A_295 = arith.remui %while3A_145, %rem3A_294 : i32
            %mul3A_296 = arith.constant 128 : i32
            %mul3A_297 = arith.muli %mul3A_296, %add3A_155 : i32
            %dma_start3A_298 = arith.constant 0 : i32
            %dma_start3A_299 = arith.constant 0 : i32
            %dma_start3A_300 = tpu.memref_slice %run_scoped3A_18[%rem3A_295, %dma_start3A_298, %dma_start3A_299] : memref<2x128x128xf32, #tpu.memory_space<vmem>> -> memref<1x128x128xf32, #tpu.memory_space<vmem>>
            %dma_start3A_301 = tpu.memref_squeeze %dma_start3A_300 : memref<1x128x128xf32, #tpu.memory_space<vmem>> -> memref<128x128xf32, #tpu.memory_space<vmem>>
            %dma_start3A_302 = arith.constant 0 : i32
            %dma_start3A_303 = tpu.memref_slice %arg4[%mul3A_297, %dma_start3A_302] : memref<40064x128xf32, #tpu.memory_space<hbm>> -> memref<128x128xf32, #tpu.memory_space<hbm>>
            %dma_start3A_304 = tpu.memref_slice %run_scoped3A_19[%rem3A_295] : memref<2x!tpu.dma_semaphore, #tpu.memory_space<semaphore_mem>> -> memref<1x!tpu.dma_semaphore, #tpu.memory_space<semaphore_mem>>
            %dma_start3A_305 = tpu.memref_squeeze %dma_start3A_304 : memref<1x!tpu.dma_semaphore, #tpu.memory_space<semaphore_mem>> -> memref<!tpu.dma_semaphore, #tpu.memory_space<semaphore_mem>>
            %dma_start3A_306 = arith.constant 0 : i32
            %dma_start3A_307 = tpu.memref_slice %arg4[%mul3A_297, %dma_start3A_306] : memref<40064x128xf32, #tpu.memory_space<hbm>> -> memref<128x128xf32, #tpu.memory_space<hbm>>
            %dma_start3A_308 = arith.constant 0 : i32
            %dma_start3A_309 = arith.constant 0 : i32
            %dma_start3A_310 = tpu.memref_slice %run_scoped3A_18[%rem3A_295, %dma_start3A_308, %dma_start3A_309] : memref<2x128x128xf32, #tpu.memory_space<vmem>> -> memref<1x128x128xf32, #tpu.memory_space<vmem>>
            %dma_start3A_311 = tpu.memref_squeeze %dma_start3A_310 : memref<1x128x128xf32, #tpu.memory_space<vmem>> -> memref<128x128xf32, #tpu.memory_space<vmem>>
            tpu.enqueue_dma source(%dma_start3A_311 : memref<128x128xf32, #tpu.memory_space<vmem>>) target(%dma_start3A_307 : memref<128x128xf32, #tpu.memory_space<hbm>>) target_semaphore(%dma_start3A_305 : memref<!tpu.dma_semaphore, #tpu.memory_space<semaphore_mem>>)
            "tpu.trace_stop"() : () -> ()
          } else {
          }
          %and3A_248 = arith.constant true
          %and3A_249 = arith.andi %or3A_244, %and3A_248 : i1
          %add3A_250 = arith.constant 1 : i32
          %add3A_251 = arith.addi %while3A_145, %add3A_250 : i32
          %select_n3A_252 = arith.select %and3A_249, %add3A_251, %while3A_145 : i32
          %ne3A_253 = arith.cmpi ne, %add3A_155, %add3A_165 : i32
          %or3A_254 = arith.constant false
          %or3A_255 = arith.ori %or3A_254, %ne3A_253 : i1
          %not3A_256 = arith.constant true
          %not3A_257 = arith.xori %eq3A_151, %not3A_256 : i1
          %and3A_258 = arith.andi %or3A_255, %not3A_257 : i1
          %convert_element_type3A_259 = arith.extui %and3A_258 : i1 to i32
          %cond3A_260 = arith.constant 0 : i32
          %cond3A_261 = arith.cmpi ne, %convert_element_type3A_259, %cond3A_260 : i32
          scf.if %cond3A_261 {
          } else {
          }
          %and3A_262 = arith.constant false
          %and3A_263 = arith.andi %and3A_258, %and3A_262 : i1
          %ne3A_264 = arith.cmpi ne, %add3A_155, %add3A_165 : i32
          %or3A_265 = arith.constant false
          %or3A_266 = arith.ori %or3A_265, %ne3A_264 : i1
          %or3A_267 = arith.constant false
          %or3A_268 = arith.ori %or3A_266, %or3A_267 : i1
          %not3A_269 = arith.constant true
          %not3A_270 = arith.xori %eq3A_151, %not3A_269 : i1
          %and3A_271 = arith.andi %or3A_268, %not3A_270 : i1
          %convert_element_type3A_272 = arith.extui %and3A_271 : i1 to i32
          %cond3A_273 = arith.constant 0 : i32
          %cond3A_274 = arith.cmpi ne, %convert_element_type3A_272, %cond3A_273 : i32
          scf.if %cond3A_274 {
            "tpu.trace_start"() <{level = 10 : i32, message = "ep_wait_out"}> : () -> ()
            %rem3A_294 = arith.constant 2 : i32
            %rem3A_295 = arith.remui %while3A_146, %rem3A_294 : i32
            %mul3A_296 = arith.constant 128 : i32
            %mul3A_297 = arith.muli %mul3A_296, %add3A_165 : i32
            %dma_wait3A = arith.constant 0 : i32
            %dma_wait3A_298 = arith.constant 0 : i32
            %dma_wait3A_299 = tpu.memref_slice %run_scoped3A_18[%rem3A_295, %dma_wait3A, %dma_wait3A_298] : memref<2x128x128xf32, #tpu.memory_space<vmem>> -> memref<1x128x128xf32, #tpu.memory_space<vmem>>
            %dma_wait3A_300 = tpu.memref_squeeze %dma_wait3A_299 : memref<1x128x128xf32, #tpu.memory_space<vmem>> -> memref<128x128xf32, #tpu.memory_space<vmem>>
            %dma_wait3A_301 = arith.constant 0 : i32
            %dma_wait3A_302 = tpu.memref_slice %arg4[%mul3A_297, %dma_wait3A_301] : memref<40064x128xf32, #tpu.memory_space<hbm>> -> memref<128x128xf32, #tpu.memory_space<hbm>>
            %dma_wait3A_303 = tpu.memref_slice %run_scoped3A_19[%rem3A_295] : memref<2x!tpu.dma_semaphore, #tpu.memory_space<semaphore_mem>> -> memref<1x!tpu.dma_semaphore, #tpu.memory_space<semaphore_mem>>
            %dma_wait3A_304 = tpu.memref_squeeze %dma_wait3A_303 : memref<1x!tpu.dma_semaphore, #tpu.memory_space<semaphore_mem>> -> memref<!tpu.dma_semaphore, #tpu.memory_space<semaphore_mem>>
            %dma_wait3A_305 = arith.constant 0 : i32
            %dma_wait3A_306 = tpu.memref_slice %arg4[%mul3A_297, %dma_wait3A_305] : memref<40064x128xf32, #tpu.memory_space<hbm>> -> memref<128x128xf32, #tpu.memory_space<hbm>>
            %dma_wait3A_307 = arith.constant 0 : i32
            %dma_wait3A_308 = arith.constant 0 : i32
            %dma_wait3A_309 = tpu.memref_slice %run_scoped3A_18[%rem3A_295, %dma_wait3A_307, %dma_wait3A_308] : memref<2x128x128xf32, #tpu.memory_space<vmem>> -> memref<1x128x128xf32, #tpu.memory_space<vmem>>
            %dma_wait3A_310 = tpu.memref_squeeze %dma_wait3A_309 : memref<1x128x128xf32, #tpu.memory_space<vmem>> -> memref<128x128xf32, #tpu.memory_space<vmem>>
            tpu.wait_dma2 semaphore(%dma_wait3A_304 : memref<!tpu.dma_semaphore, #tpu.memory_space<semaphore_mem>>) src(%dma_wait3A_310 : memref<128x128xf32, #tpu.memory_space<vmem>>) dst(%dma_wait3A_306 : memref<128x128xf32, #tpu.memory_space<hbm>>)
            "tpu.trace_stop"() : () -> ()
          } else {
          }
          %and3A_275 = arith.constant true
          %and3A_276 = arith.andi %and3A_271, %and3A_275 : i1
          %add3A_277 = arith.constant 1 : i32
          %add3A_278 = arith.addi %while3A_146, %add3A_277 : i32
          %select_n3A_279 = arith.select %and3A_276, %add3A_278, %while3A_146 : i32
          %ne3A_280 = arith.cmpi ne, %add3A_155, %add3A_173 : i32
          %or3A_281 = arith.constant false
          %or3A_282 = arith.ori %or3A_281, %ne3A_280 : i1
          %or3A_283 = arith.ori %or3A_282, %eq3A_154 : i1
          %add3A_284 = arith.constant 1 : i32
          %add3A_285 = arith.addi %while3A_144, %add3A_284 : i32
          %select_n3A_286 = arith.select %or3A_283, %add3A_285, %while3A_144 : i32
          %add3A_287 = arith.constant 1 : i32
          %add3A_288 = arith.addi %while3A_147, %add3A_287 : i32
          %select_n3A_289 = arith.constant true
          %select_n3A_290 = arith.select %select_n3A_289, %add3A_288, %while3A_147 : i32
          %eq3A_291 = arith.cmpi eq, %select_n3A_290, %select_n3A : i32
          %select_n3A_292 = arith.constant 0 : i32
          %select_n3A_293 = arith.select %eq3A_291, %select_n3A_292, %select_n3A_290 : i32
          scf.yield %select_n3A_195, %select_n3A_286, %select_n3A_252, %select_n3A_279, %select_n3A_293 : i32, i32, i32, i32, i32
        }
        %while3A_89 = arith.constant 1 : i32
        %while3A_90:5 = scf.for %while3A_142 = %while3A_86 to %while3A_82 step %while3A_89 iter_args(%while3A_143 = %while3A_88#0, %while3A_144 = %while3A_88#1, %while3A_145 = %while3A_88#2, %while3A_146 = %while3A_88#3, %while3A_147 = %while3A_88#4) -> (i32, i32, i32, i32, i32)  : i32 {
          %mul3A_148 = arith.constant 1 : i32
          %mul3A_149 = arith.muli %mul3A_148, %select_n3A : i32
          %eq3A_150 = arith.constant 0 : i32
          %eq3A_151 = arith.cmpi eq, %while3A_142, %eq3A_150 : i32
          %sub3A_152 = arith.constant 1 : i32
          %sub3A_153 = arith.subi %mul3A_149, %sub3A_152 : i32
          %eq3A_154 = arith.cmpi eq, %while3A_142, %sub3A_153 : i32
          %add3A_155 = arith.addi %while3A_147, %select_n3A_14 : i32
          %sub3A_156 = arith.constant 1 : i32
          %sub3A_157 = arith.subi %while3A_147, %sub3A_156 : i32
          %select_n3A_158 = arith.constant true
          %select_n3A_159 = arith.select %select_n3A_158, %sub3A_157, %while3A_147 : i32
          %eq3A_160 = arith.constant -1 : i32
          %eq3A_161 = arith.cmpi eq, %select_n3A_159, %eq3A_160 : i32
          %sub3A_162 = arith.constant 1 : i32
          %sub3A_163 = arith.subi %select_n3A, %sub3A_162 : i32
          %select_n3A_164 = arith.select %eq3A_161, %sub3A_163, %select_n3A_159 : i32
          %add3A_165 = arith.addi %select_n3A_164, %select_n3A_14 : i32
          %add3A_166 = arith.constant 1 : i32
          %add3A_167 = arith.addi %while3A_147, %add3A_166 : i32
          %select_n3A_168 = arith.constant true
          %select_n3A_169 = arith.select %select_n3A_168, %add3A_167, %while3A_147 : i32
          %eq3A_170 = arith.cmpi eq, %select_n3A_169, %select_n3A : i32
          %select_n3A_171 = arith.constant 0 : i32
          %select_n3A_172 = arith.select %eq3A_170, %select_n3A_171, %select_n3A_169 : i32
          %add3A_173 = arith.addi %select_n3A_172, %select_n3A_14 : i32
          %add3A_174 = arith.constant 1 : i32
          %add3A_175 = arith.addi %select_n3A_172, %add3A_174 : i32
          %select_n3A_176 = arith.constant true
          %select_n3A_177 = arith.select %select_n3A_176, %add3A_175, %select_n3A_172 : i32
          %eq3A_178 = arith.cmpi eq, %select_n3A_177, %select_n3A : i32
          %select_n3A_179 = arith.constant 0 : i32
          %select_n3A_180 = arith.select %eq3A_178, %select_n3A_179, %select_n3A_177 : i32
          %add3A_181 = arith.addi %select_n3A_180, %select_n3A_14 : i32
          %ne3A = arith.cmpi ne, %add3A_155, %add3A_173 : i32
          %or3A = arith.constant false
          %or3A_182 = arith.ori %or3A, %ne3A : i1
          %sub3A_183 = arith.constant 2 : i32
          %sub3A_184 = arith.subi %mul3A_149, %sub3A_183 : i32
          %add3A_185 = arith.constant 1 : i32
          %add3A_186 = arith.addi %sub3A_184, %add3A_185 : i32
          %ge3A = arith.cmpi sge, %while3A_142, %add3A_186 : i32
          %not3A = arith.constant true
          %not3A_187 = arith.xori %ge3A, %not3A : i1
          %and3A = arith.andi %or3A_182, %not3A_187 : i1
          %convert_element_type3A_188 = arith.extui %and3A : i1 to i32
          %cond3A_189 = arith.constant 0 : i32
          %cond3A_190 = arith.cmpi ne, %convert_element_type3A_188, %cond3A_189 : i32
          scf.if %cond3A_190 {
            "tpu.trace_start"() <{level = 10 : i32, message = "ep_copy_in"}> : () -> ()
            %rem3A_294 = arith.constant 2 : i32
            %rem3A_295 = arith.remui %while3A_143, %rem3A_294 : i32
            %mul3A_296 = arith.constant 128 : i32
            %mul3A_297 = arith.muli %mul3A_296, %add3A_173 : i32
            %dma_start3A_298 = arith.constant 0 : i32
            %dma_start3A_299 = arith.constant 0 : i32
            %dma_start3A_300 = tpu.memref_slice %run_scoped3A[%rem3A_295, %dma_start3A_298, %dma_start3A_299] : memref<2x1x128xi32, #tpu.memory_space<vmem>> -> memref<1x1x128xi32, #tpu.memory_space<vmem>>
            %dma_start3A_301 = tpu.memref_squeeze %dma_start3A_300 : memref<1x1x128xi32, #tpu.memory_space<vmem>> -> memref<1x128xi32, #tpu.memory_space<vmem>>
            %dma_start3A_302 = arith.constant 0 : i32
            %dma_start3A_303 = tpu.memref_slice %arg3[%dma_start3A_302, %mul3A_297] : memref<1x40064xi32, #tpu.memory_space<hbm>> -> memref<1x128xi32, #tpu.memory_space<hbm>>
            %dma_start3A_304 = tpu.memref_slice %run_scoped3A_17[%rem3A_295] : memref<2x!tpu.dma_semaphore, #tpu.memory_space<semaphore_mem>> -> memref<1x!tpu.dma_semaphore, #tpu.memory_space<semaphore_mem>>
            %dma_start3A_305 = tpu.memref_squeeze %dma_start3A_304 : memref<1x!tpu.dma_semaphore, #tpu.memory_space<semaphore_mem>> -> memref<!tpu.dma_semaphore, #tpu.memory_space<semaphore_mem>>
            %dma_start3A_306 = arith.constant 0 : i32
            %dma_start3A_307 = arith.constant 0 : i32
            %dma_start3A_308 = tpu.memref_slice %run_scoped3A[%rem3A_295, %dma_start3A_306, %dma_start3A_307] : memref<2x1x128xi32, #tpu.memory_space<vmem>> -> memref<1x1x128xi32, #tpu.memory_space<vmem>>
            %dma_start3A_309 = tpu.memref_squeeze %dma_start3A_308 : memref<1x1x128xi32, #tpu.memory_space<vmem>> -> memref<1x128xi32, #tpu.memory_space<vmem>>
            %dma_start3A_310 = arith.constant 0 : i32
            %dma_start3A_311 = tpu.memref_slice %arg3[%dma_start3A_310, %mul3A_297] : memref<1x40064xi32, #tpu.memory_space<hbm>> -> memref<1x128xi32, #tpu.memory_space<hbm>>
            tpu.enqueue_dma source(%dma_start3A_311 : memref<1x128xi32, #tpu.memory_space<hbm>>) target(%dma_start3A_309 : memref<1x128xi32, #tpu.memory_space<vmem>>) target_semaphore(%dma_start3A_305 : memref<!tpu.dma_semaphore, #tpu.memory_space<semaphore_mem>>)
            "tpu.trace_stop"() : () -> ()
          } else {
          }
          %and3A_191 = arith.constant true
          %and3A_192 = arith.andi %and3A, %and3A_191 : i1
          %add3A_193 = arith.constant 1 : i32
          %add3A_194 = arith.addi %while3A_143, %add3A_193 : i32
          %select_n3A_195 = arith.select %and3A_192, %add3A_194, %while3A_143 : i32
          %ne3A_196 = arith.cmpi ne, %add3A_155, %add3A_173 : i32
          %or3A_197 = arith.constant false
          %or3A_198 = arith.ori %or3A_197, %ne3A_196 : i1
          %or3A_199 = arith.constant false
          %or3A_200 = arith.ori %or3A_198, %or3A_199 : i1
          %sub3A_201 = arith.constant 2 : i32
          %sub3A_202 = arith.subi %mul3A_149, %sub3A_201 : i32
          %add3A_203 = arith.constant 1 : i32
          %add3A_204 = arith.addi %sub3A_202, %add3A_203 : i32
          %ge3A_205 = arith.cmpi sge, %while3A_142, %add3A_204 : i32
          %not3A_206 = arith.constant true
          %not3A_207 = arith.xori %ge3A_205, %not3A_206 : i1
          %and3A_208 = arith.andi %or3A_200, %not3A_207 : i1
          %ne3A_209 = arith.cmpi ne, %add3A_155, %add3A_165 : i32
          %or3A_210 = arith.constant false
          %or3A_211 = arith.ori %or3A_210, %ne3A_209 : i1
          %or3A_212 = arith.ori %or3A_211, %eq3A_151 : i1
          %convert_element_type3A_213 = arith.extui %or3A_212 : i1 to i32
          %cond3A_214 = arith.constant 0 : i32
          %cond3A_215 = arith.cmpi ne, %convert_element_type3A_213, %cond3A_214 : i32
          scf.if %cond3A_215 {
            "tpu.trace_start"() <{level = 10 : i32, message = "ep_wait_in"}> : () -> ()
            %mul3A_294 = arith.constant 128 : i32
            %mul3A_295 = arith.muli %mul3A_294, %add3A_155 : i32
            %rem3A_296 = arith.constant 2 : i32
            %rem3A_297 = arith.remui %while3A_144, %rem3A_296 : i32
            %dma_wait3A = arith.constant 0 : i32
            %dma_wait3A_298 = arith.constant 0 : i32
            %dma_wait3A_299 = tpu.memref_slice %run_scoped3A[%rem3A_297, %dma_wait3A, %dma_wait3A_298] : memref<2x1x128xi32, #tpu.memory_space<vmem>> -> memref<1x1x128xi32, #tpu.memory_space<vmem>>
            %dma_wait3A_300 = tpu.memref_squeeze %dma_wait3A_299 : memref<1x1x128xi32, #tpu.memory_space<vmem>> -> memref<1x128xi32, #tpu.memory_space<vmem>>
            %dma_wait3A_301 = arith.constant 0 : i32
            %dma_wait3A_302 = tpu.memref_slice %arg3[%dma_wait3A_301, %mul3A_295] : memref<1x40064xi32, #tpu.memory_space<hbm>> -> memref<1x128xi32, #tpu.memory_space<hbm>>
            %dma_wait3A_303 = tpu.memref_slice %run_scoped3A_17[%rem3A_297] : memref<2x!tpu.dma_semaphore, #tpu.memory_space<semaphore_mem>> -> memref<1x!tpu.dma_semaphore, #tpu.memory_space<semaphore_mem>>
            %dma_wait3A_304 = tpu.memref_squeeze %dma_wait3A_303 : memref<1x!tpu.dma_semaphore, #tpu.memory_space<semaphore_mem>> -> memref<!tpu.dma_semaphore, #tpu.memory_space<semaphore_mem>>
            %dma_wait3A_305 = arith.constant 0 : i32
            %dma_wait3A_306 = arith.constant 0 : i32
            %dma_wait3A_307 = tpu.memref_slice %run_scoped3A[%rem3A_297, %dma_wait3A_305, %dma_wait3A_306] : memref<2x1x128xi32, #tpu.memory_space<vmem>> -> memref<1x1x128xi32, #tpu.memory_space<vmem>>
            %dma_wait3A_308 = tpu.memref_squeeze %dma_wait3A_307 : memref<1x1x128xi32, #tpu.memory_space<vmem>> -> memref<1x128xi32, #tpu.memory_space<vmem>>
            %dma_wait3A_309 = arith.constant 0 : i32
            %dma_wait3A_310 = tpu.memref_slice %arg3[%dma_wait3A_309, %mul3A_295] : memref<1x40064xi32, #tpu.memory_space<hbm>> -> memref<1x128xi32, #tpu.memory_space<hbm>>
            tpu.wait_dma2 semaphore(%dma_wait3A_304 : memref<!tpu.dma_semaphore, #tpu.memory_space<semaphore_mem>>) src(%dma_wait3A_310 : memref<1x128xi32, #tpu.memory_space<hbm>>) dst(%dma_wait3A_308 : memref<1x128xi32, #tpu.memory_space<vmem>>)
            "tpu.trace_stop"() : () -> ()
          } else {
          }
          %ne3A_216 = arith.cmpi ne, %add3A_155, %add3A_165 : i32
          %or3A_217 = arith.constant false
          %or3A_218 = arith.ori %or3A_217, %ne3A_216 : i1
          %or3A_219 = arith.constant false
          %or3A_220 = arith.ori %or3A_218, %or3A_219 : i1
          %or3A_221 = arith.ori %or3A_220, %eq3A_151 : i1
          %convert_element_type3A_222 = arith.extui %or3A_221 : i1 to i32
          %cond3A_223 = arith.constant 0 : i32
          %cond3A_224 = arith.cmpi ne, %convert_element_type3A_222, %cond3A_223 : i32
          scf.if %cond3A_224 {
          } else {
          }
          %rem3A_225 = arith.constant 2 : i32
          %rem3A_226 = arith.remui %while3A_144, %rem3A_225 : i32
          %rem3A_227 = arith.constant 2 : i32
          %rem3A_228 = arith.remui %while3A_145, %rem3A_227 : i32
          %run_scoped3A_229 = arith.constant 0 : i32
          "tpu.trace_start"() <{level = 10 : i32, message = "ep_run_kernel"}> : () -> ()
          "tpu.region"() ({
            %run_scoped3A_294 = tpu.sem_alloc : memref<!tpu.dma_semaphore, #tpu.memory_space<semaphore_mem>>
            %dma_start3A_295 = arith.constant 0 : i32
            %dma_start3A_296 = arith.constant 0 : i32
            %dma_start3A_297 = tpu.memref_slice %run_scoped3A_18[%rem3A_228, %dma_start3A_295, %dma_start3A_296] : memref<2x128x128xf32, #tpu.memory_space<vmem>> -> memref<1x128x128xf32, #tpu.memory_space<vmem>>
            %dma_start3A_298 = tpu.memref_squeeze %dma_start3A_297 : memref<1x128x128xf32, #tpu.memory_space<vmem>> -> memref<128x128xf32, #tpu.memory_space<vmem>>
            %dma_start3A_299 = arith.constant 0 : i32
            %dma_start3A_300 = arith.constant 0 : i32
            %dma_start3A_301 = tpu.memref_slice %run_scoped3A[%rem3A_226, %dma_start3A_299, %dma_start3A_300] : memref<2x1x128xi32, #tpu.memory_space<vmem>> -> memref<1x1x128xi32, #tpu.memory_space<vmem>>
            %dma_start3A_302 = tpu.memref_squeeze %dma_start3A_301 : memref<1x1x128xi32, #tpu.memory_space<vmem>> -> memref<1x128xi32, #tpu.memory_space<vmem>>
            %dma_start3A_303 = arith.constant 0 : i32
            %dma_start3A_304 = tpu.memref_slice %dma_start3A_302[%run_scoped3A_229, %dma_start3A_303] : memref<1x128xi32, #tpu.memory_space<vmem>> -> memref<1x128xi32, #tpu.memory_space<vmem>>
            %dma_start3A_305 = tpu.memref_squeeze %dma_start3A_304 : memref<1x128xi32, #tpu.memory_space<vmem>> -> memref<128xi32, #tpu.memory_space<vmem>>
            %dma_start3A_306 = arith.constant 0 : i32
            %dma_start3A_307 = arith.constant 0 : i32
            %dma_start3A_308 = tpu.memref_slice %arg2[%dma_start3A_306, %dma_start3A_307] : memref<20000x128xf32, #tpu.memory_space<hbm>> -> memref<20000x128xf32, #tpu.memory_space<hbm>>
            tpu.enqueue_indirect_dma source(%dma_start3A_308 : memref<20000x128xf32, #tpu.memory_space<hbm>>) target(%dma_start3A_298 : memref<128x128xf32, #tpu.memory_space<vmem>>) offsets(%dma_start3A_305 : memref<128xi32, #tpu.memory_space<vmem>>) semaphore(%run_scoped3A_294 : memref<!tpu.dma_semaphore, #tpu.memory_space<semaphore_mem>>)
            %dma_wait3A = arith.constant 0 : i32
            %dma_wait3A_309 = arith.constant 0 : i32
            %dma_wait3A_310 = tpu.memref_slice %run_scoped3A_18[%rem3A_228, %dma_wait3A, %dma_wait3A_309] : memref<2x128x128xf32, #tpu.memory_space<vmem>> -> memref<1x128x128xf32, #tpu.memory_space<vmem>>
            %dma_wait3A_311 = tpu.memref_squeeze %dma_wait3A_310 : memref<1x128x128xf32, #tpu.memory_space<vmem>> -> memref<128x128xf32, #tpu.memory_space<vmem>>
            %dma_wait3A_312 = arith.constant 0 : i32
            %dma_wait3A_313 = arith.constant 0 : i32
            %dma_wait3A_314 = tpu.memref_slice %run_scoped3A[%rem3A_226, %dma_wait3A_312, %dma_wait3A_313] : memref<2x1x128xi32, #tpu.memory_space<vmem>> -> memref<1x1x128xi32, #tpu.memory_space<vmem>>
            %dma_wait3A_315 = tpu.memref_squeeze %dma_wait3A_314 : memref<1x1x128xi32, #tpu.memory_space<vmem>> -> memref<1x128xi32, #tpu.memory_space<vmem>>
            %dma_wait3A_316 = arith.constant 0 : i32
            %dma_wait3A_317 = tpu.memref_slice %dma_wait3A_315[%run_scoped3A_229, %dma_wait3A_316] : memref<1x128xi32, #tpu.memory_space<vmem>> -> memref<1x128xi32, #tpu.memory_space<vmem>>
            %dma_wait3A_318 = tpu.memref_squeeze %dma_wait3A_317 : memref<1x128xi32, #tpu.memory_space<vmem>> -> memref<128xi32, #tpu.memory_space<vmem>>
            %dma_wait3A_319 = arith.constant 0 : i32
            %dma_wait3A_320 = arith.constant 0 : i32
            %dma_wait3A_321 = tpu.memref_slice %arg2[%dma_wait3A_319, %dma_wait3A_320] : memref<20000x128xf32, #tpu.memory_space<hbm>> -> memref<20000x128xf32, #tpu.memory_space<hbm>>
            tpu.wait_indirect_dma semaphore(%run_scoped3A_294 : memref<!tpu.dma_semaphore, #tpu.memory_space<semaphore_mem>>) src(%dma_wait3A_321 : memref<20000x128xf32, #tpu.memory_space<hbm>>) dst(%dma_wait3A_311 : memref<128x128xf32, #tpu.memory_space<vmem>>)
            tpu.yield
          }) : () -> ()
          "tpu.trace_stop"() : () -> ()
          %ne3A_230 = arith.cmpi ne, %add3A_155, %add3A_173 : i32
          %or3A_231 = arith.constant false
          %or3A_232 = arith.ori %or3A_231, %ne3A_230 : i1
          %or3A_233 = arith.ori %or3A_232, %eq3A_154 : i1
          %convert_element_type3A_234 = arith.extui %or3A_233 : i1 to i32
          %cond3A_235 = arith.constant 0 : i32
          %cond3A_236 = arith.cmpi ne, %convert_element_type3A_234, %cond3A_235 : i32
          scf.if %cond3A_236 {
          } else {
          }
          %and3A_237 = arith.constant false
          %and3A_238 = arith.andi %or3A_233, %and3A_237 : i1
          %ne3A_239 = arith.cmpi ne, %add3A_155, %add3A_173 : i32
          %or3A_240 = arith.constant false
          %or3A_241 = arith.ori %or3A_240, %ne3A_239 : i1
          %or3A_242 = arith.constant false
          %or3A_243 = arith.ori %or3A_241, %or3A_242 : i1
          %or3A_244 = arith.ori %or3A_243, %eq3A_154 : i1
          %convert_element_type3A_245 = arith.extui %or3A_244 : i1 to i32
          %cond3A_246 = arith.constant 0 : i32
          %cond3A_247 = arith.cmpi ne, %convert_element_type3A_245, %cond3A_246 : i32
          scf.if %cond3A_247 {
            "tpu.trace_start"() <{level = 10 : i32, message = "ep_copy_out"}> : () -> ()
            %rem3A_294 = arith.constant 2 : i32
            %rem3A_295 = arith.remui %while3A_145, %rem3A_294 : i32
            %mul3A_296 = arith.constant 128 : i32
            %mul3A_297 = arith.muli %mul3A_296, %add3A_155 : i32
            %dma_start3A_298 = arith.constant 0 : i32
            %dma_start3A_299 = arith.constant 0 : i32
            %dma_start3A_300 = tpu.memref_slice %run_scoped3A_18[%rem3A_295, %dma_start3A_298, %dma_start3A_299] : memref<2x128x128xf32, #tpu.memory_space<vmem>> -> memref<1x128x128xf32, #tpu.memory_space<vmem>>
            %dma_start3A_301 = tpu.memref_squeeze %dma_start3A_300 : memref<1x128x128xf32, #tpu.memory_space<vmem>> -> memref<128x128xf32, #tpu.memory_space<vmem>>
            %dma_start3A_302 = arith.constant 0 : i32
            %dma_start3A_303 = tpu.memref_slice %arg4[%mul3A_297, %dma_start3A_302] : memref<40064x128xf32, #tpu.memory_space<hbm>> -> memref<128x128xf32, #tpu.memory_space<hbm>>
            %dma_start3A_304 = tpu.memref_slice %run_scoped3A_19[%rem3A_295] : memref<2x!tpu.dma_semaphore, #tpu.memory_space<semaphore_mem>> -> memref<1x!tpu.dma_semaphore, #tpu.memory_space<semaphore_mem>>
            %dma_start3A_305 = tpu.memref_squeeze %dma_start3A_304 : memref<1x!tpu.dma_semaphore, #tpu.memory_space<semaphore_mem>> -> memref<!tpu.dma_semaphore, #tpu.memory_space<semaphore_mem>>
            %dma_start3A_306 = arith.constant 0 : i32
            %dma_start3A_307 = tpu.memref_slice %arg4[%mul3A_297, %dma_start3A_306] : memref<40064x128xf32, #tpu.memory_space<hbm>> -> memref<128x128xf32, #tpu.memory_space<hbm>>
            %dma_start3A_308 = arith.constant 0 : i32
            %dma_start3A_309 = arith.constant 0 : i32
            %dma_start3A_310 = tpu.memref_slice %run_scoped3A_18[%rem3A_295, %dma_start3A_308, %dma_start3A_309] : memref<2x128x128xf32, #tpu.memory_space<vmem>> -> memref<1x128x128xf32, #tpu.memory_space<vmem>>
            %dma_start3A_311 = tpu.memref_squeeze %dma_start3A_310 : memref<1x128x128xf32, #tpu.memory_space<vmem>> -> memref<128x128xf32, #tpu.memory_space<vmem>>
            tpu.enqueue_dma source(%dma_start3A_311 : memref<128x128xf32, #tpu.memory_space<vmem>>) target(%dma_start3A_307 : memref<128x128xf32, #tpu.memory_space<hbm>>) target_semaphore(%dma_start3A_305 : memref<!tpu.dma_semaphore, #tpu.memory_space<semaphore_mem>>)
            "tpu.trace_stop"() : () -> ()
          } else {
          }
          %and3A_248 = arith.constant true
          %and3A_249 = arith.andi %or3A_244, %and3A_248 : i1
          %add3A_250 = arith.constant 1 : i32
          %add3A_251 = arith.addi %while3A_145, %add3A_250 : i32
          %select_n3A_252 = arith.select %and3A_249, %add3A_251, %while3A_145 : i32
          %ne3A_253 = arith.cmpi ne, %add3A_155, %add3A_165 : i32
          %or3A_254 = arith.constant false
          %or3A_255 = arith.ori %or3A_254, %ne3A_253 : i1
          %not3A_256 = arith.constant true
          %not3A_257 = arith.xori %eq3A_151, %not3A_256 : i1
          %and3A_258 = arith.andi %or3A_255, %not3A_257 : i1
          %convert_element_type3A_259 = arith.extui %and3A_258 : i1 to i32
          %cond3A_260 = arith.constant 0 : i32
          %cond3A_261 = arith.cmpi ne, %convert_element_type3A_259, %cond3A_260 : i32
          scf.if %cond3A_261 {
          } else {
          }
          %and3A_262 = arith.constant false
          %and3A_263 = arith.andi %and3A_258, %and3A_262 : i1
          %ne3A_264 = arith.cmpi ne, %add3A_155, %add3A_165 : i32
          %or3A_265 = arith.constant false
          %or3A_266 = arith.ori %or3A_265, %ne3A_264 : i1
          %or3A_267 = arith.constant false
          %or3A_268 = arith.ori %or3A_266, %or3A_267 : i1
          %not3A_269 = arith.constant true
          %not3A_270 = arith.xori %eq3A_151, %not3A_269 : i1
          %and3A_271 = arith.andi %or3A_268, %not3A_270 : i1
          %convert_element_type3A_272 = arith.extui %and3A_271 : i1 to i32
          %cond3A_273 = arith.constant 0 : i32
          %cond3A_274 = arith.cmpi ne, %convert_element_type3A_272, %cond3A_273 : i32
          scf.if %cond3A_274 {
            "tpu.trace_start"() <{level = 10 : i32, message = "ep_wait_out"}> : () -> ()
            %rem3A_294 = arith.constant 2 : i32
            %rem3A_295 = arith.remui %while3A_146, %rem3A_294 : i32
            %mul3A_296 = arith.constant 128 : i32
            %mul3A_297 = arith.muli %mul3A_296, %add3A_165 : i32
            %dma_wait3A = arith.constant 0 : i32
            %dma_wait3A_298 = arith.constant 0 : i32
            %dma_wait3A_299 = tpu.memref_slice %run_scoped3A_18[%rem3A_295, %dma_wait3A, %dma_wait3A_298] : memref<2x128x128xf32, #tpu.memory_space<vmem>> -> memref<1x128x128xf32, #tpu.memory_space<vmem>>
            %dma_wait3A_300 = tpu.memref_squeeze %dma_wait3A_299 : memref<1x128x128xf32, #tpu.memory_space<vmem>> -> memref<128x128xf32, #tpu.memory_space<vmem>>
            %dma_wait3A_301 = arith.constant 0 : i32
            %dma_wait3A_302 = tpu.memref_slice %arg4[%mul3A_297, %dma_wait3A_301] : memref<40064x128xf32, #tpu.memory_space<hbm>> -> memref<128x128xf32, #tpu.memory_space<hbm>>
            %dma_wait3A_303 = tpu.memref_slice %run_scoped3A_19[%rem3A_295] : memref<2x!tpu.dma_semaphore, #tpu.memory_space<semaphore_mem>> -> memref<1x!tpu.dma_semaphore, #tpu.memory_space<semaphore_mem>>
            %dma_wait3A_304 = tpu.memref_squeeze %dma_wait3A_303 : memref<1x!tpu.dma_semaphore, #tpu.memory_space<semaphore_mem>> -> memref<!tpu.dma_semaphore, #tpu.memory_space<semaphore_mem>>
            %dma_wait3A_305 = arith.constant 0 : i32
            %dma_wait3A_306 = tpu.memref_slice %arg4[%mul3A_297, %dma_wait3A_305] : memref<40064x128xf32, #tpu.memory_space<hbm>> -> memref<128x128xf32, #tpu.memory_space<hbm>>
            %dma_wait3A_307 = arith.constant 0 : i32
            %dma_wait3A_308 = arith.constant 0 : i32
            %dma_wait3A_309 = tpu.memref_slice %run_scoped3A_18[%rem3A_295, %dma_wait3A_307, %dma_wait3A_308] : memref<2x128x128xf32, #tpu.memory_space<vmem>> -> memref<1x128x128xf32, #tpu.memory_space<vmem>>
            %dma_wait3A_310 = tpu.memref_squeeze %dma_wait3A_309 : memref<1x128x128xf32, #tpu.memory_space<vmem>> -> memref<128x128xf32, #tpu.memory_space<vmem>>
            tpu.wait_dma2 semaphore(%dma_wait3A_304 : memref<!tpu.dma_semaphore, #tpu.memory_space<semaphore_mem>>) src(%dma_wait3A_310 : memref<128x128xf32, #tpu.memory_space<vmem>>) dst(%dma_wait3A_306 : memref<128x128xf32, #tpu.memory_space<hbm>>)
            "tpu.trace_stop"() : () -> ()
          } else {
          }
          %and3A_275 = arith.constant true
          %and3A_276 = arith.andi %and3A_271, %and3A_275 : i1
          %add3A_277 = arith.constant 1 : i32
          %add3A_278 = arith.addi %while3A_146, %add3A_277 : i32
          %select_n3A_279 = arith.select %and3A_276, %add3A_278, %while3A_146 : i32
          %ne3A_280 = arith.cmpi ne, %add3A_155, %add3A_173 : i32
          %or3A_281 = arith.constant false
          %or3A_282 = arith.ori %or3A_281, %ne3A_280 : i1
          %or3A_283 = arith.ori %or3A_282, %eq3A_154 : i1
          %add3A_284 = arith.constant 1 : i32
          %add3A_285 = arith.addi %while3A_144, %add3A_284 : i32
          %select_n3A_286 = arith.select %or3A_283, %add3A_285, %while3A_144 : i32
          %add3A_287 = arith.constant 1 : i32
          %add3A_288 = arith.addi %while3A_147, %add3A_287 : i32
          %select_n3A_289 = arith.constant true
          %select_n3A_290 = arith.select %select_n3A_289, %add3A_288, %while3A_147 : i32
          %eq3A_291 = arith.cmpi eq, %select_n3A_290, %select_n3A : i32
          %select_n3A_292 = arith.constant 0 : i32
          %select_n3A_293 = arith.select %eq3A_291, %select_n3A_292, %select_n3A_290 : i32
          scf.yield %select_n3A_195, %select_n3A_286, %select_n3A_252, %select_n3A_279, %select_n3A_293 : i32, i32, i32, i32, i32
        }
        %sub3A_91 = arith.constant 1 : i32
        %sub3A_92 = arith.subi %while3A_90#4, %sub3A_91 : i32
        %select_n3A_93 = arith.constant true
        %select_n3A_94 = arith.select %select_n3A_93, %sub3A_92, %while3A_90#4 : i32
        %eq3A_95 = arith.constant -1 : i32
        %eq3A_96 = arith.cmpi eq, %select_n3A_94, %eq3A_95 : i32
        %sub3A_97 = arith.constant 1 : i32
        %sub3A_98 = arith.subi %select_n3A, %sub3A_97 : i32
        %select_n3A_99 = arith.select %eq3A_96, %sub3A_98, %select_n3A_94 : i32
        %sub3A_100 = arith.constant 1 : i32
        %sub3A_101 = arith.subi %mul3A_16, %sub3A_100 : i32
        %mul3A_102 = arith.constant 1 : i32
        %mul3A_103 = arith.muli %mul3A_102, %select_n3A : i32
        %eq3A_104 = arith.constant 0 : i32
        %eq3A_105 = arith.cmpi eq, %sub3A_101, %eq3A_104 : i32
        %sub3A_106 = arith.constant 1 : i32
        %sub3A_107 = arith.subi %mul3A_103, %sub3A_106 : i32
        %eq3A_108 = arith.cmpi eq, %sub3A_101, %sub3A_107 : i32
        %add3A_109 = arith.addi %select_n3A_99, %select_n3A_14 : i32
        %sub3A_110 = arith.constant 1 : i32
        %sub3A_111 = arith.subi %select_n3A_99, %sub3A_110 : i32
        %select_n3A_112 = arith.constant true
        %select_n3A_113 = arith.select %select_n3A_112, %sub3A_111, %select_n3A_99 : i32
        %eq3A_114 = arith.constant -1 : i32
        %eq3A_115 = arith.cmpi eq, %select_n3A_113, %eq3A_114 : i32
        %sub3A_116 = arith.constant 1 : i32
        %sub3A_117 = arith.subi %select_n3A, %sub3A_116 : i32
        %select_n3A_118 = arith.select %eq3A_115, %sub3A_117, %select_n3A_113 : i32
        %add3A_119 = arith.addi %select_n3A_118, %select_n3A_14 : i32
        %add3A_120 = arith.constant 1 : i32
        %add3A_121 = arith.addi %select_n3A_99, %add3A_120 : i32
        %select_n3A_122 = arith.constant true
        %select_n3A_123 = arith.select %select_n3A_122, %add3A_121, %select_n3A_99 : i32
        %eq3A_124 = arith.cmpi eq, %select_n3A_123, %select_n3A : i32
        %select_n3A_125 = arith.constant 0 : i32
        %select_n3A_126 = arith.select %eq3A_124, %select_n3A_125, %select_n3A_123 : i32
        %add3A_127 = arith.addi %select_n3A_126, %select_n3A_14 : i32
        %add3A_128 = arith.constant 1 : i32
        %add3A_129 = arith.addi %select_n3A_126, %add3A_128 : i32
        %select_n3A_130 = arith.constant true
        %select_n3A_131 = arith.select %select_n3A_130, %add3A_129, %select_n3A_126 : i32
        %eq3A_132 = arith.cmpi eq, %select_n3A_131, %select_n3A : i32
        %select_n3A_133 = arith.constant 0 : i32
        %select_n3A_134 = arith.select %eq3A_132, %select_n3A_133, %select_n3A_131 : i32
        %add3A_135 = arith.addi %select_n3A_134, %select_n3A_14 : i32
        %convert_element_type3A_136 = arith.extui %eq3A_108 : i1 to i32
        %cond3A_137 = arith.constant 0 : i32
        %cond3A_138 = arith.cmpi ne, %convert_element_type3A_136, %cond3A_137 : i32
        scf.if %cond3A_138 {
        } else {
        }
        %convert_element_type3A_139 = arith.extui %eq3A_108 : i1 to i32
        %cond3A_140 = arith.constant 0 : i32
        %cond3A_141 = arith.cmpi ne, %convert_element_type3A_139, %cond3A_140 : i32
        scf.if %cond3A_141 {
          "tpu.trace_start"() <{level = 10 : i32, message = "ep_finalize"}> : () -> ()
          %rem3A_142 = arith.constant 2 : i32
          %rem3A_143 = arith.remui %while3A_90#3, %rem3A_142 : i32
          %mul3A_144 = arith.constant 128 : i32
          %mul3A_145 = arith.muli %mul3A_144, %add3A_109 : i32
          %dma_wait3A = arith.constant 0 : i32
          %dma_wait3A_146 = arith.constant 0 : i32
          %dma_wait3A_147 = tpu.memref_slice %run_scoped3A_18[%rem3A_143, %dma_wait3A, %dma_wait3A_146] : memref<2x128x128xf32, #tpu.memory_space<vmem>> -> memref<1x128x128xf32, #tpu.memory_space<vmem>>
          %dma_wait3A_148 = tpu.memref_squeeze %dma_wait3A_147 : memref<1x128x128xf32, #tpu.memory_space<vmem>> -> memref<128x128xf32, #tpu.memory_space<vmem>>
          %dma_wait3A_149 = arith.constant 0 : i32
          %dma_wait3A_150 = tpu.memref_slice %arg4[%mul3A_145, %dma_wait3A_149] : memref<40064x128xf32, #tpu.memory_space<hbm>> -> memref<128x128xf32, #tpu.memory_space<hbm>>
          %dma_wait3A_151 = tpu.memref_slice %run_scoped3A_19[%rem3A_143] : memref<2x!tpu.dma_semaphore, #tpu.memory_space<semaphore_mem>> -> memref<1x!tpu.dma_semaphore, #tpu.memory_space<semaphore_mem>>
          %dma_wait3A_152 = tpu.memref_squeeze %dma_wait3A_151 : memref<1x!tpu.dma_semaphore, #tpu.memory_space<semaphore_mem>> -> memref<!tpu.dma_semaphore, #tpu.memory_space<semaphore_mem>>
          %dma_wait3A_153 = arith.constant 0 : i32
          %dma_wait3A_154 = tpu.memref_slice %arg4[%mul3A_145, %dma_wait3A_153] : memref<40064x128xf32, #tpu.memory_space<hbm>> -> memref<128x128xf32, #tpu.memory_space<hbm>>
          %dma_wait3A_155 = arith.constant 0 : i32
          %dma_wait3A_156 = arith.constant 0 : i32
          %dma_wait3A_157 = tpu.memref_slice %run_scoped3A_18[%rem3A_143, %dma_wait3A_155, %dma_wait3A_156] : memref<2x128x128xf32, #tpu.memory_space<vmem>> -> memref<1x128x128xf32, #tpu.memory_space<vmem>>
          %dma_wait3A_158 = tpu.memref_squeeze %dma_wait3A_157 : memref<1x128x128xf32, #tpu.memory_space<vmem>> -> memref<128x128xf32, #tpu.memory_space<vmem>>
          tpu.wait_dma2 semaphore(%dma_wait3A_152 : memref<!tpu.dma_semaphore, #tpu.memory_space<semaphore_mem>>) src(%dma_wait3A_158 : memref<128x128xf32, #tpu.memory_space<vmem>>) dst(%dma_wait3A_154 : memref<128x128xf32, #tpu.memory_space<hbm>>)
          "tpu.trace_stop"() : () -> ()
        } else {
        }
      } else {
      }
      tpu.yield
    }) : () -> ()
    return
  }
}

module attributes {stable_mosaic.version = 14 : i64} {
  func.func @_gn_plain_body(%arg0: memref<10000x128xf32, #tpu.memory_space<vmem>>, %arg1: memref<10000x1xf32, #tpu.memory_space<vmem>>, %arg2: memref<1x128xf32, #tpu.memory_space<vmem>>, %arg3: memref<1x128xf32, #tpu.memory_space<vmem>>, %arg4: memref<1x128xf32, #tpu.memory_space<vmem>>, %arg5: memref<10000x128xf32, #tpu.memory_space<vmem>>) attributes {dimension_semantics = [], scalar_prefetch = 0 : i64, scratch_operands = 0 : i64, tpu.core_type = #tpu.core_type<tc>} {
    %get3A = arith.constant 0 : index
    %get3A_0 = arith.constant 0 : index
    %get3A_1 = vector.load %arg0[%get3A, %get3A_0] : memref<10000x128xf32, #tpu.memory_space<vmem>>, vector<10000x128xf32>
    %get3A_2 = arith.constant 0 : index
    %get3A_3 = arith.constant 0 : index
    %get3A_4 = vector.load %arg1[%get3A_2, %get3A_3] : memref<10000x1xf32, #tpu.memory_space<vmem>>, vector<10000x1xf32>
    %get3A_5 = arith.constant 0 : index
    %get3A_6 = arith.constant 0 : index
    %get3A_7 = vector.load %arg2[%get3A_5, %get3A_6] : memref<1x128xf32, #tpu.memory_space<vmem>>, vector<1x128xf32>
    %get3A_8 = arith.constant 0 : index
    %get3A_9 = arith.constant 0 : index
    %get3A_10 = vector.load %arg3[%get3A_8, %get3A_9] : memref<1x128xf32, #tpu.memory_space<vmem>>, vector<1x128xf32>
    %get3A_11 = arith.constant 0 : index
    %get3A_12 = arith.constant 0 : index
    %get3A_13 = vector.load %arg4[%get3A_11, %get3A_12] : memref<1x128xf32, #tpu.memory_space<vmem>>, vector<1x128xf32>
    %iota3A = tpu.iota {dimensions = array<i32: 1>} : vector<10000x128xi32>
    %convert_element_type3A = arith.sitofp %iota3A : vector<10000x128xi32> to vector<10000x128xf32>
    %eq3A = vector.broadcast %get3A_4 : vector<10000x1xf32> to vector<10000x128xf32>
    %eq3A_14 = arith.cmpf oeq, %eq3A, %convert_element_type3A : vector<10000x128xf32>
    %jit3A = arith.constant 1.000000e+00 : f32
    %jit3A_15 = arith.constant 0.000000e+00 : f32
    %broadcast_in_dim3A = vector.broadcast %jit3A : f32 to vector<10000x128xf32>
    %broadcast_in_dim3A_16 = vector.broadcast %jit3A_15 : f32 to vector<10000x128xf32>
    %select_n3A = arith.select %eq3A_14, %broadcast_in_dim3A, %broadcast_in_dim3A_16 : vector<10000x128xi1>, vector<10000x128xf32>
    %broadcast_in_dim3A_17 = arith.constant 1.000000e+00 : f32
    %broadcast_in_dim3A_18 = vector.broadcast %broadcast_in_dim3A_17 : f32 to vector<10000x1xf32>
    %dot_general3A = arith.constant dense<0.000000e+00> : vector<128x1xf32>
    %dot_general3A_19 = tpu.matmul %select_n3A, %broadcast_in_dim3A_18, %dot_general3A {dimension_numbers = #tpu.dot_dimension_numbers<[0], [0], [1], [1], [0, 1, 1, 1], [], []>, transpose_lhs_hint = false} : vector<10000x128xf32>, vector<10000x1xf32>, vector<128x1xf32> -> vector<128x1xf32>
    %max3A = arith.constant 1.000000e+00 : f32
    %max3A_20 = vector.broadcast %max3A : f32 to vector<128x1xf32>
    %max3A_21 = arith.maximumf %dot_general3A_19, %max3A_20 : vector<128x1xf32>
    %dot_general3A_22 = arith.constant dense<0.000000e+00> : vector<128x128xf32>
    %dot_general3A_23 = tpu.matmul %select_n3A, %get3A_1, %dot_general3A_22 {dimension_numbers = #tpu.dot_dimension_numbers<[0], [0], [1], [1], [0, 1, 1, 1], [], []>, transpose_lhs_hint = false} : vector<10000x128xf32>, vector<10000x128xf32>, vector<128x128xf32> -> vector<128x128xf32>
    %div3A = vector.broadcast %max3A_21 : vector<128x1xf32> to vector<128x128xf32>
    %div3A_24 = arith.divf %dot_general3A_23, %div3A : vector<128x128xf32>
    %dot_general3A_25 = arith.constant dense<0.000000e+00> : vector<10000x128xf32>
    %dot_general3A_26 = tpu.matmul %select_n3A, %div3A_24, %dot_general3A_25 {dimension_numbers = #tpu.dot_dimension_numbers<[1], [0], [0], [1], [0, 0, 1, 1], [], []>, transpose_lhs_hint = false} : vector<10000x128xf32>, vector<128x128xf32>, vector<10000x128xf32> -> vector<10000x128xf32>
    %mul3A = vector.broadcast %get3A_13 : vector<1x128xf32> to vector<10000x128xf32>
    %mul3A_27 = arith.mulf %dot_general3A_26, %mul3A : vector<10000x128xf32>
    %sub3A = arith.subf %get3A_1, %mul3A_27 : vector<10000x128xf32>
    %mul3A_28 = arith.mulf %sub3A, %sub3A : vector<10000x128xf32>
    %dot_general3A_29 = arith.constant dense<0.000000e+00> : vector<128x128xf32>
    %dot_general3A_30 = tpu.matmul %select_n3A, %mul3A_28, %dot_general3A_29 {dimension_numbers = #tpu.dot_dimension_numbers<[0], [0], [1], [1], [0, 1, 1, 1], [], []>, transpose_lhs_hint = false} : vector<10000x128xf32>, vector<10000x128xf32>, vector<128x128xf32> -> vector<128x128xf32>
    %div3A_31 = vector.broadcast %max3A_21 : vector<128x1xf32> to vector<128x128xf32>
    %div3A_32 = arith.divf %dot_general3A_30, %div3A_31 : vector<128x128xf32>
    %add3A = arith.constant 9.99999974E-6 : f32
    %add3A_33 = vector.broadcast %add3A : f32 to vector<128x128xf32>
    %add3A_34 = arith.addf %div3A_32, %add3A_33 : vector<128x128xf32>
    %sqrt3A = math.sqrt %add3A_34 : vector<128x128xf32>
    %dot_general3A_35 = arith.constant dense<0.000000e+00> : vector<10000x128xf32>
    %dot_general3A_36 = tpu.matmul %select_n3A, %sqrt3A, %dot_general3A_35 {dimension_numbers = #tpu.dot_dimension_numbers<[1], [0], [0], [1], [0, 0, 1, 1], [], []>, transpose_lhs_hint = false} : vector<10000x128xf32>, vector<128x128xf32>, vector<10000x128xf32> -> vector<10000x128xf32>
    %mul3A_37 = vector.broadcast %get3A_7 : vector<1x128xf32> to vector<10000x128xf32>
    %mul3A_38 = arith.mulf %mul3A_37, %sub3A : vector<10000x128xf32>
    %div3A_39 = arith.divf %mul3A_38, %dot_general3A_36 : vector<10000x128xf32>
    %add3A_40 = vector.broadcast %get3A_10 : vector<1x128xf32> to vector<10000x128xf32>
    %add3A_41 = arith.addf %div3A_39, %add3A_40 : vector<10000x128xf32>
    %swap3A = arith.constant 0 : index
    %swap3A_42 = arith.constant 0 : index
    %swap3A_43 = vector.load %arg5[%swap3A, %swap3A_42] : memref<10000x128xf32, #tpu.memory_space<vmem>>, vector<10000x128xf32>
    tpu.vector_store %arg5[%swap3A, %swap3A_42], %add3A_41 {strides = array<i32>} : memref<10000x128xf32, #tpu.memory_space<vmem>>, vector<10000x128xf32>,
    return
  }
}

module attributes {stable_mosaic.version = 14 : i64} {
  func.func @_pre1_body(%arg0: memref<10000x128xf32, #tpu.memory_space<vmem>>, %arg1: memref<128x128xf32, #tpu.memory_space<vmem>>, %arg2: memref<128x128xf32, #tpu.memory_space<vmem>>, %arg3: memref<20000x128xf32, #tpu.memory_space<vmem>>) attributes {dimension_semantics = [], scalar_prefetch = 0 : i64, scratch_operands = 0 : i64, tpu.core_type = #tpu.core_type<tc>} {
    %get3A = arith.constant 0 : index
    %get3A_0 = arith.constant 0 : index
    %get3A_1 = vector.load %arg0[%get3A, %get3A_0] : memref<10000x128xf32, #tpu.memory_space<vmem>>, vector<10000x128xf32>
    %get3A_2 = arith.constant 0 : index
    %get3A_3 = arith.constant 0 : index
    %get3A_4 = vector.load %arg1[%get3A_2, %get3A_3] : memref<128x128xf32, #tpu.memory_space<vmem>>, vector<128x128xf32>
    %dot_general3A = arith.constant dense<0.000000e+00> : vector<10000x128xf32>
    %dot_general3A_5 = tpu.matmul %get3A_1, %get3A_4, %dot_general3A {dimension_numbers = #tpu.dot_dimension_numbers<[1], [0], [0], [1], [0, 0, 1, 1], [], []>, transpose_lhs_hint = false} : vector<10000x128xf32>, vector<128x128xf32>, vector<10000x128xf32> -> vector<10000x128xf32>
    %swap3A = arith.constant 0 : index
    %swap3A_6 = arith.constant 0 : index
    %swap3A_7 = vector.load %arg3[%swap3A, %swap3A_6] : memref<20000x128xf32, #tpu.memory_space<vmem>>, vector<10000x128xf32>
    tpu.vector_store %arg3[%swap3A, %swap3A_6], %dot_general3A_5 {strides = array<i32>} : memref<20000x128xf32, #tpu.memory_space<vmem>>, vector<10000x128xf32>,
    %get3A_8 = arith.constant 0 : index
    %get3A_9 = arith.constant 0 : index
    %get3A_10 = vector.load %arg2[%get3A_8, %get3A_9] : memref<128x128xf32, #tpu.memory_space<vmem>>, vector<128x128xf32>
    %dot_general3A_11 = arith.constant dense<0.000000e+00> : vector<10000x128xf32>
    %dot_general3A_12 = tpu.matmul %get3A_1, %get3A_10, %dot_general3A_11 {dimension_numbers = #tpu.dot_dimension_numbers<[1], [0], [0], [1], [0, 0, 1, 1], [], []>, transpose_lhs_hint = false} : vector<10000x128xf32>, vector<128x128xf32>, vector<10000x128xf32> -> vector<10000x128xf32>
    %swap3A_13 = arith.constant 10000 : index
    %swap3A_14 = arith.constant 0 : index
    %swap3A_15 = vector.load %arg3[%swap3A_13, %swap3A_14] : memref<20000x128xf32, #tpu.memory_space<vmem>>, vector<10000x128xf32>
    tpu.vector_store %arg3[%swap3A_13, %swap3A_14], %dot_general3A_12 {strides = array<i32>} : memref<20000x128xf32, #tpu.memory_space<vmem>>, vector<10000x128xf32>,
    return
  }
}

module attributes {stable_mosaic.version = 14 : i64} {
  func.func @_bounds_body(%arg0: memref<10240x1xf32, #tpu.memory_space<vmem>>, %arg1: memref<40x1xi32, #tpu.memory_space<vmem>>, %arg2: memref<40x1xi32, #tpu.memory_space<vmem>>) attributes {dimension_semantics = [], scalar_prefetch = 0 : i64, scratch_operands = 0 : i64, tpu.core_type = #tpu.core_type<tc>} {
    %get3A = arith.constant 0 : index
    %get3A_0 = arith.constant 0 : index
    %get3A_1 = vector.load %arg0[%get3A, %get3A_0] : memref<10240x1xf32, #tpu.memory_space<vmem>>, vector<10240x1xf32>
    %iota3A = tpu.iota {dimensions = array<i32: 1>} : vector<10240x128xi32>
    %convert_element_type3A = arith.sitofp %iota3A : vector<10240x128xi32> to vector<10240x128xf32>
    %eq3A = vector.broadcast %get3A_1 : vector<10240x1xf32> to vector<10240x128xf32>
    %eq3A_2 = arith.cmpf oeq, %eq3A, %convert_element_type3A : vector<10240x128xf32>
    %jit3A = arith.constant 1.000000e+00 : f32
    %jit3A_3 = arith.constant 0.000000e+00 : f32
    %broadcast_in_dim3A = vector.broadcast %jit3A : f32 to vector<10240x128xf32>
    %broadcast_in_dim3A_4 = vector.broadcast %jit3A_3 : f32 to vector<10240x128xf32>
    %select_n3A = arith.select %eq3A_2, %broadcast_in_dim3A, %broadcast_in_dim3A_4 : vector<10240x128xi1>, vector<10240x128xf32>
    %broadcast_in_dim3A_5 = arith.constant 1.000000e+00 : f32
    %broadcast_in_dim3A_6 = vector.broadcast %broadcast_in_dim3A_5 : f32 to vector<10240x1xf32>
    %dot_general3A = arith.constant dense<0.000000e+00> : vector<128x1xf32>
    %dot_general3A_7 = tpu.matmul %select_n3A, %broadcast_in_dim3A_6, %dot_general3A {dimension_numbers = #tpu.dot_dimension_numbers<[0], [0], [1], [1], [0, 1, 1, 1], [], []>, transpose_lhs_hint = false} : vector<10240x128xf32>, vector<10240x1xf32>, vector<128x1xf32> -> vector<128x1xf32>
    %iota3A_8 = tpu.iota {dimensions = array<i32: 0>} : vector<128x128xi32>
    %iota3A_9 = tpu.iota {dimensions = array<i32: 1>} : vector<128x128xi32>
    %lt3A = arith.cmpi slt, %iota3A_8, %iota3A_9 : vector<128x128xi32>
    %jit3A_10 = arith.constant 1.000000e+00 : f32
    %jit3A_11 = arith.constant 0.000000e+00 : f32
    %broadcast_in_dim3A_12 = vector.broadcast %jit3A_10 : f32 to vector<128x128xf32>
    %broadcast_in_dim3A_13 = vector.broadcast %jit3A_11 : f32 to vector<128x128xf32>
    %select_n3A_14 = arith.select %lt3A, %broadcast_in_dim3A_12, %broadcast_in_dim3A_13 : vector<128x128xi1>, vector<128x128xf32>
    %dot_general3A_15 = arith.constant dense<0.000000e+00> : vector<128x1xf32>
    %dot_general3A_16 = tpu.matmul %select_n3A_14, %dot_general3A_7, %dot_general3A_15 {dimension_numbers = #tpu.dot_dimension_numbers<[0], [0], [1], [1], [0, 1, 1, 1], [], []>, transpose_lhs_hint = false} : vector<128x128xf32>, vector<128x1xf32>, vector<128x1xf32> -> vector<128x1xf32>
    %add3A = arith.addf %dot_general3A_16, %dot_general3A_7 : vector<128x1xf32>
    %iota3A_17 = tpu.iota {dimensions = array<i32: 1>} : vector<40x10240xi32>
    %iota3A_18 = tpu.iota {dimensions = array<i32: 0>} : vector<40x10240xi32>
    %mul3A = arith.constant 256 : i32
    %mul3A_19 = vector.broadcast %mul3A : i32 to vector<40x10240xi32>
    %mul3A_20 = arith.muli %iota3A_18, %mul3A_19 : vector<40x10240xi32>
    %eq3A_21 = arith.cmpi eq, %iota3A_17, %mul3A_20 : vector<40x10240xi32>
    %jit3A_22 = arith.constant 1.000000e+00 : f32
    %jit3A_23 = arith.constant 0.000000e+00 : f32
    %broadcast_in_dim3A_24 = vector.broadcast %jit3A_22 : f32 to vector<40x10240xf32>
    %broadcast_in_dim3A_25 = vector.broadcast %jit3A_23 : f32 to vector<40x10240xf32>
    %select_n3A_26 = arith.select %eq3A_21, %broadcast_in_dim3A_24, %broadcast_in_dim3A_25 : vector<40x10240xi1>, vector<40x10240xf32>
    %mul3A_27 = arith.constant 256 : i32
    %mul3A_28 = vector.broadcast %mul3A_27 : i32 to vector<40x10240xi32>
    %mul3A_29 = arith.muli %iota3A_18, %mul3A_28 : vector<40x10240xi32>
    %add3A_30 = arith.constant 255 : i32
    %add3A_31 = vector.broadcast %add3A_30 : i32 to vector<40x10240xi32>
    %add3A_32 = arith.addi %mul3A_29, %add3A_31 : vector<40x10240xi32>
    %eq3A_33 = arith.cmpi eq, %iota3A_17, %add3A_32 : vector<40x10240xi32>
    %jit3A_34 = arith.constant 1.000000e+00 : f32
    %jit3A_35 = arith.constant 0.000000e+00 : f32
    %broadcast_in_dim3A_36 = vector.broadcast %jit3A_34 : f32 to vector<40x10240xf32>
    %broadcast_in_dim3A_37 = vector.broadcast %jit3A_35 : f32 to vector<40x10240xf32>
    %select_n3A_38 = arith.select %eq3A_33, %broadcast_in_dim3A_36, %broadcast_in_dim3A_37 : vector<40x10240xi1>, vector<40x10240xf32>
    %dot_general3A_39 = arith.constant dense<0.000000e+00> : vector<40x1xf32>
    %dot_general3A_40 = tpu.matmul %select_n3A_26, %get3A_1, %dot_general3A_39 {dimension_numbers = #tpu.dot_dimension_numbers<[1], [0], [0], [1], [0, 0, 1, 1], [], []>, transpose_lhs_hint = false} : vector<40x10240xf32>, vector<10240x1xf32>, vector<40x1xf32> -> vector<40x1xf32>
    %dot_general3A_41 = arith.constant dense<0.000000e+00> : vector<40x1xf32>
    %dot_general3A_42 = tpu.matmul %select_n3A_38, %get3A_1, %dot_general3A_41 {dimension_numbers = #tpu.dot_dimension_numbers<[1], [0], [0], [1], [0, 0, 1, 1], [], []>, transpose_lhs_hint = false} : vector<40x10240xf32>, vector<10240x1xf32>, vector<40x1xf32> -> vector<40x1xf32>
    %iota3A_43 = tpu.iota {dimensions = array<i32: 1>} : vector<40x128xi32>
    %convert_element_type3A_44 = arith.sitofp %iota3A_43 : vector<40x128xi32> to vector<40x128xf32>
    %eq3A_45 = vector.broadcast %dot_general3A_40 : vector<40x1xf32> to vector<40x128xf32>
    %eq3A_46 = arith.cmpf oeq, %eq3A_45, %convert_element_type3A_44 : vector<40x128xf32>
    %jit3A_47 = arith.constant 1.000000e+00 : f32
    %jit3A_48 = arith.constant 0.000000e+00 : f32
    %broadcast_in_dim3A_49 = vector.broadcast %jit3A_47 : f32 to vector<40x128xf32>
    %broadcast_in_dim3A_50 = vector.broadcast %jit3A_48 : f32 to vector<40x128xf32>
    %select_n3A_51 = arith.select %eq3A_46, %broadcast_in_dim3A_49, %broadcast_in_dim3A_50 : vector<40x128xi1>, vector<40x128xf32>
    %iota3A_52 = tpu.iota {dimensions = array<i32: 1>} : vector<40x128xi32>
    %convert_element_type3A_53 = arith.sitofp %iota3A_52 : vector<40x128xi32> to vector<40x128xf32>
    %eq3A_54 = vector.broadcast %dot_general3A_42 : vector<40x1xf32> to vector<40x128xf32>
    %eq3A_55 = arith.cmpf oeq, %eq3A_54, %convert_element_type3A_53 : vector<40x128xf32>
    %jit3A_56 = arith.constant 1.000000e+00 : f32
    %jit3A_57 = arith.constant 0.000000e+00 : f32
    %broadcast_in_dim3A_58 = vector.broadcast %jit3A_56 : f32 to vector<40x128xf32>
    %broadcast_in_dim3A_59 = vector.broadcast %jit3A_57 : f32 to vector<40x128xf32>
    %select_n3A_60 = arith.select %eq3A_55, %broadcast_in_dim3A_58, %broadcast_in_dim3A_59 : vector<40x128xi1>, vector<40x128xf32>
    %dot_general3A_61 = arith.constant dense<0.000000e+00> : vector<40x1xf32>
    %dot_general3A_62 = tpu.matmul %select_n3A_51, %dot_general3A_16, %dot_general3A_61 {dimension_numbers = #tpu.dot_dimension_numbers<[1], [0], [0], [1], [0, 0, 1, 1], [], []>, transpose_lhs_hint = false} : vector<40x128xf32>, vector<128x1xf32>, vector<40x1xf32> -> vector<40x1xf32>
    %dot_general3A_63 = arith.constant dense<0.000000e+00> : vector<40x1xf32>
    %dot_general3A_64 = tpu.matmul %select_n3A_60, %add3A, %dot_general3A_63 {dimension_numbers = #tpu.dot_dimension_numbers<[1], [0], [0], [1], [0, 0, 1, 1], [], []>, transpose_lhs_hint = false} : vector<40x128xf32>, vector<128x1xf32>, vector<40x1xf32> -> vector<40x1xf32>
    %convert_element_type3A_65 = arith.fptosi %dot_general3A_62 : vector<40x1xf32> to vector<40x1xi32>
    %swap3A = arith.constant 0 : index
    %swap3A_66 = arith.constant 0 : index
    %swap3A_67 = vector.load %arg1[%swap3A, %swap3A_66] : memref<40x1xi32, #tpu.memory_space<vmem>>, vector<40x1xi32>
    tpu.vector_store %arg1[%swap3A, %swap3A_66], %convert_element_type3A_65 {strides = array<i32>} : memref<40x1xi32, #tpu.memory_space<vmem>>, vector<40x1xi32>,
    %convert_element_type3A_68 = arith.fptosi %dot_general3A_64 : vector<40x1xf32> to vector<40x1xi32>
    %swap3A_69 = arith.constant 0 : index
    %swap3A_70 = arith.constant 0 : index
    %swap3A_71 = vector.load %arg2[%swap3A_69, %swap3A_70] : memref<40x1xi32, #tpu.memory_space<vmem>>, vector<40x1xi32>
    tpu.vector_store %arg2[%swap3A_69, %swap3A_70], %convert_element_type3A_68 {strides = array<i32>} : memref<40x1xi32, #tpu.memory_space<vmem>>, vector<40x1xi32>,
    return
  }
}

module attributes {stable_mosaic.version = 14 : i64} {
  func.func @_edge_mlp_body(%arg0: i32, %arg1: memref<2000x128xf32, #tpu.memory_space<vmem>>, %arg2: memref<2000x128xf32, #tpu.memory_space<vmem>>, %arg3: memref<1x128xf32, #tpu.memory_space<vmem>>, %arg4: memref<128x128xf32, #tpu.memory_space<vmem>>, %arg5: memref<1x128xf32, #tpu.memory_space<vmem>>, %arg6: memref<128x128xf32, #tpu.memory_space<vmem>>, %arg7: memref<1x128xf32, #tpu.memory_space<vmem>>, %arg8: memref<2000x128xf32, #tpu.memory_space<vmem>>) attributes {dimension_semantics = [#tpu.dimension_semantics<arbitrary>], iteration_bounds = array<i64: 80>, scalar_prefetch = 0 : i64, scratch_operands = 0 : i64, tpu.core_type = #tpu.core_type<tc>, window_params = [{transform_indices = @transform_0, window_bounds = array<i64: 2000, 128>}, {transform_indices = @transform_1, window_bounds = array<i64: 2000, 128>}, {pipeline_mode = #tpu.pipeline_mode<synchronous>, transform_indices = @transform_2, window_bounds = array<i64: 1, 128>}, {pipeline_mode = #tpu.pipeline_mode<synchronous>, transform_indices = @transform_3, window_bounds = array<i64: 128, 128>}, {pipeline_mode = #tpu.pipeline_mode<synchronous>, transform_indices = @transform_4, window_bounds = array<i64: 1, 128>}, {pipeline_mode = #tpu.pipeline_mode<synchronous>, transform_indices = @transform_5, window_bounds = array<i64: 128, 128>}, {pipeline_mode = #tpu.pipeline_mode<synchronous>, transform_indices = @transform_6, window_bounds = array<i64: 1, 128>}, {transform_indices = @transform_7, window_bounds = array<i64: 2000, 128>}]} {
    %get3A = arith.constant 0 : index
    %get3A_0 = arith.constant 0 : index
    %get3A_1 = vector.load %arg1[%get3A, %get3A_0] : memref<2000x128xf32, #tpu.memory_space<vmem>>, vector<2000x128xf32>
    %get3A_2 = arith.constant 0 : index
    %get3A_3 = arith.constant 0 : index
    %get3A_4 = vector.load %arg2[%get3A_2, %get3A_3] : memref<2000x128xf32, #tpu.memory_space<vmem>>, vector<2000x128xf32>
    %add3A = arith.addf %get3A_1, %get3A_4 : vector<2000x128xf32>
    %get3A_5 = arith.constant 0 : index
    %get3A_6 = arith.constant 0 : index
    %get3A_7 = vector.load %arg3[%get3A_5, %get3A_6] : memref<1x128xf32, #tpu.memory_space<vmem>>, vector<1x128xf32>
    %add3A_8 = vector.broadcast %get3A_7 : vector<1x128xf32> to vector<2000x128xf32>
    %add3A_9 = arith.addf %add3A, %add3A_8 : vector<2000x128xf32>
    %max3A = arith.constant 0.000000e+00 : f32
    %max3A_10 = vector.broadcast %max3A : f32 to vector<2000x128xf32>
    %max3A_11 = arith.maximumf %add3A_9, %max3A_10 : vector<2000x128xf32>
    %mul3A = arith.constant 0.999994993 : f32
    %mul3A_12 = vector.broadcast %mul3A : f32 to vector<2000x128xf32>
    %mul3A_13 = arith.mulf %max3A_11, %mul3A_12 : vector<2000x128xf32>
    %get3A_14 = arith.constant 0 : index
    %get3A_15 = arith.constant 0 : index
    %get3A_16 = vector.load %arg4[%get3A_14, %get3A_15] : memref<128x128xf32, #tpu.memory_space<vmem>>, vector<128x128xf32>
    %get3A_17 = arith.constant 0 : index
    %get3A_18 = arith.constant 0 : index
    %get3A_19 = vector.load %arg5[%get3A_17, %get3A_18] : memref<1x128xf32, #tpu.memory_space<vmem>>, vector<1x128xf32>
    %get3A_20 = arith.constant 0 : index
    %get3A_21 = arith.constant 0 : index
    %get3A_22 = vector.load %arg6[%get3A_20, %get3A_21] : memref<128x128xf32, #tpu.memory_space<vmem>>, vector<128x128xf32>
    %get3A_23 = arith.constant 0 : index
    %get3A_24 = arith.constant 0 : index
    %get3A_25 = vector.load %arg7[%get3A_23, %get3A_24] : memref<1x128xf32, #tpu.memory_space<vmem>>, vector<1x128xf32>
    %dot_general3A = arith.constant dense<0.000000e+00> : vector<2000x128xf32>
    %dot_general3A_26 = tpu.matmul %mul3A_13, %get3A_16, %dot_general3A {dimension_numbers = #tpu.dot_dimension_numbers<[1], [0], [0], [1], [0, 0, 1, 1], [], []>, transpose_lhs_hint = false} : vector<2000x128xf32>, vector<128x128xf32>, vector<2000x128xf32> -> vector<2000x128xf32>
    %add3A_27 = vector.broadcast %get3A_19 : vector<1x128xf32> to vector<2000x128xf32>
    %add3A_28 = arith.addf %dot_general3A_26, %add3A_27 : vector<2000x128xf32>
    %max3A_29 = arith.constant 0.000000e+00 : f32
    %max3A_30 = vector.broadcast %max3A_29 : f32 to vector<2000x128xf32>
    %max3A_31 = arith.maximumf %add3A_28, %max3A_30 : vector<2000x128xf32>
    %mul3A_32 = arith.constant 0.999994993 : f32
    %mul3A_33 = vector.broadcast %mul3A_32 : f32 to vector<2000x128xf32>
    %mul3A_34 = arith.mulf %max3A_31, %mul3A_33 : vector<2000x128xf32>
    %dot_general3A_35 = arith.constant dense<0.000000e+00> : vector<2000x128xf32>
    %dot_general3A_36 = tpu.matmul %mul3A_34, %get3A_22, %dot_general3A_35 {dimension_numbers = #tpu.dot_dimension_numbers<[1], [0], [0], [1], [0, 0, 1, 1], [], []>, transpose_lhs_hint = false} : vector<2000x128xf32>, vector<128x128xf32>, vector<2000x128xf32> -> vector<2000x128xf32>
    %add3A_37 = vector.broadcast %get3A_25 : vector<1x128xf32> to vector<2000x128xf32>
    %add3A_38 = arith.addf %dot_general3A_36, %add3A_37 : vector<2000x128xf32>
    %max3A_39 = arith.constant 0.000000e+00 : f32
    %max3A_40 = vector.broadcast %max3A_39 : f32 to vector<2000x128xf32>
    %max3A_41 = arith.maximumf %add3A_38, %max3A_40 : vector<2000x128xf32>
    %mul3A_42 = arith.constant 0.999994993 : f32
    %mul3A_43 = vector.broadcast %mul3A_42 : f32 to vector<2000x128xf32>
    %mul3A_44 = arith.mulf %max3A_41, %mul3A_43 : vector<2000x128xf32>
    %swap3A = arith.constant 0 : index
    %swap3A_45 = arith.constant 0 : index
    %swap3A_46 = vector.load %arg8[%swap3A, %swap3A_45] : memref<2000x128xf32, #tpu.memory_space<vmem>>, vector<2000x128xf32>
    tpu.vector_store %arg8[%swap3A, %swap3A_45], %mul3A_44 {strides = array<i32>} : memref<2000x128xf32, #tpu.memory_space<vmem>>, vector<2000x128xf32>,
    return
  }
  func.func @transform_0(%arg0: i32) -> (i32, i32) {
    %c0_i32 = arith.constant 0 : i32
    %c0_i32_0 = arith.constant 0 : i32
    return %arg0, %c0_i32 : i32, i32
  }
  func.func @transform_1(%arg0: i32) -> (i32, i32) {
    %add3A = arith.constant 80 : i32
    %add3A_0 = arith.addi %arg0, %add3A : i32
    %c0_i32 = arith.constant 0 : i32
    %c0_i32_1 = arith.constant 0 : i32
    return %add3A_0, %c0_i32 : i32, i32
  }
  func.func @transform_2(%arg0: i32) -> (i32, i32) {
    %c0_i32 = arith.constant 0 : i32
    %c0_i32_0 = arith.constant 0 : i32
    %c0_i32_1 = arith.constant 0 : i32
    return %c0_i32, %c0_i32_0 : i32, i32
  }
  func.func @transform_3(%arg0: i32) -> (i32, i32) {
    %c0_i32 = arith.constant 0 : i32
    %c0_i32_0 = arith.constant 0 : i32
    %c0_i32_1 = arith.constant 0 : i32
    return %c0_i32, %c0_i32_0 : i32, i32
  }
  func.func @transform_4(%arg0: i32) -> (i32, i32) {
    %c0_i32 = arith.constant 0 : i32
    %c0_i32_0 = arith.constant 0 : i32
    %c0_i32_1 = arith.constant 0 : i32
    return %c0_i32, %c0_i32_0 : i32, i32
  }
  func.func @transform_5(%arg0: i32) -> (i32, i32) {
    %c0_i32 = arith.constant 0 : i32
    %c0_i32_0 = arith.constant 0 : i32
    %c0_i32_1 = arith.constant 0 : i32
    return %c0_i32, %c0_i32_0 : i32, i32
  }
  func.func @transform_6(%arg0: i32) -> (i32, i32) {
    %c0_i32 = arith.constant 0 : i32
    %c0_i32_0 = arith.constant 0 : i32
    %c0_i32_1 = arith.constant 0 : i32
    return %c0_i32, %c0_i32_0 : i32, i32
  }
  func.func @transform_7(%arg0: i32) -> (i32, i32) {
    %c0_i32 = arith.constant 0 : i32
    %c0_i32_0 = arith.constant 0 : i32
    return %arg0, %c0_i32 : i32, i32
  }
}

module attributes {stable_mosaic.version = 14 : i64} {
  func.func @_segmax_body(%arg0: i32, %arg1: memref<1x1x2000xi32, #tpu.memory_space<smem>>, %arg2: memref<2000x128xf32, #tpu.memory_space<vmem>>, %arg3: memref<10000x128xf32, #tpu.memory_space<vmem>>) attributes {dimension_semantics = [#tpu.dimension_semantics<arbitrary>], iteration_bounds = array<i64: 80>, scalar_prefetch = 0 : i64, scratch_operands = 0 : i64, tpu.core_type = #tpu.core_type<tc>, window_params = [{transform_indices = @transform_0, window_bounds = array<i64: 1, 1, 2000>}, {transform_indices = @transform_1, window_bounds = array<i64: 2000, 128>}, {pipeline_mode = #tpu.pipeline_mode<synchronous>, transform_indices = @transform_2, window_bounds = array<i64: 10000, 128>}]} {
    %eq3A = arith.constant 0 : i32
    %eq3A_0 = arith.cmpi eq, %arg0, %eq3A : i32
    %convert_element_type3A = arith.extui %eq3A_0 : i1 to i32
    %cond3A = arith.constant 0 : i32
    %cond3A_1 = arith.cmpi ne, %convert_element_type3A, %cond3A : i32
    scf.if %cond3A_1 {
      %broadcast_in_dim3A = arith.constant 0xFF800000 : f32
      %broadcast_in_dim3A_6 = vector.broadcast %broadcast_in_dim3A : f32 to vector<10000x128xf32>
      %swap3A = arith.constant 0 : index
      %swap3A_7 = arith.constant 0 : index
      %swap3A_8 = vector.load %arg3[%swap3A, %swap3A_7] : memref<10000x128xf32, #tpu.memory_space<vmem>>, vector<10000x128xf32>
      tpu.vector_store %arg3[%swap3A, %swap3A_7], %broadcast_in_dim3A_6 {strides = array<i32>} : memref<10000x128xf32, #tpu.memory_space<vmem>>, vector<10000x128xf32>,
    } else {
    }
    %scan3A = arith.constant 0 : i32
    %scan3A_2 = arith.constant 500 : i32
    %scan3A_3 = arith.addi %scan3A, %scan3A_2 : i32
    %scan3A_4 = arith.constant 1 : i32
    scf.for %scan3A_6 = %scan3A to %scan3A_3 step %scan3A_4  : i32 {
      %mul3A = arith.constant 4 : i32
      %mul3A_7 = arith.muli %mul3A, %scan3A_6 : i32
      %add3A = arith.constant 0 : i32
      %add3A_8 = arith.addi %mul3A_7, %add3A : i32
      %get3A = arith.constant 0 : index
      %get3A_9 = arith.constant 0 : index
      %get3A_10 = arith.index_cast %add3A_8 : i32 to index
      %get3A_11 = memref.load %arg1[%get3A, %get3A_9, %get3A_10] : memref<1x1x2000xi32, #tpu.memory_space<smem>>
      %add3A_12 = arith.constant 1 : i32
      %add3A_13 = arith.addi %mul3A_7, %add3A_12 : i32
      %get3A_14 = arith.constant 0 : index
      %get3A_15 = arith.constant 0 : index
      %get3A_16 = arith.index_cast %add3A_13 : i32 to index
      %get3A_17 = memref.load %arg1[%get3A_14, %get3A_15, %get3A_16] : memref<1x1x2000xi32, #tpu.memory_space<smem>>
      %add3A_18 = arith.constant 2 : i32
      %add3A_19 = arith.addi %mul3A_7, %add3A_18 : i32
      %get3A_20 = arith.constant 0 : index
      %get3A_21 = arith.constant 0 : index
      %get3A_22 = arith.index_cast %add3A_19 : i32 to index
      %get3A_23 = memref.load %arg1[%get3A_20, %get3A_21, %get3A_22] : memref<1x1x2000xi32, #tpu.memory_space<smem>>
      %add3A_24 = arith.constant 3 : i32
      %add3A_25 = arith.addi %mul3A_7, %add3A_24 : i32
      %get3A_26 = arith.constant 0 : index
      %get3A_27 = arith.constant 0 : index
      %get3A_28 = arith.index_cast %add3A_25 : i32 to index
      %get3A_29 = memref.load %arg1[%get3A_26, %get3A_27, %get3A_28] : memref<1x1x2000xi32, #tpu.memory_space<smem>>
      %add3A_30 = arith.constant 0 : i32
      %add3A_31 = arith.addi %mul3A_7, %add3A_30 : i32
      %get3A_32 = arith.index_cast %add3A_31 : i32 to index
      %get3A_33 = arith.constant 0 : index
      %get3A_34 = vector.load %arg2[%get3A_32, %get3A_33] : memref<2000x128xf32, #tpu.memory_space<vmem>>, vector<1x128xf32>
      %add3A_35 = arith.constant 1 : i32
      %add3A_36 = arith.addi %mul3A_7, %add3A_35 : i32
      %get3A_37 = arith.index_cast %add3A_36 : i32 to index
      %get3A_38 = arith.constant 0 : index
      %get3A_39 = vector.load %arg2[%get3A_37, %get3A_38] : memref<2000x128xf32, #tpu.memory_space<vmem>>, vector<1x128xf32>
      %add3A_40 = arith.constant 2 : i32
      %add3A_41 = arith.addi %mul3A_7, %add3A_40 : i32
      %get3A_42 = arith.index_cast %add3A_41 : i32 to index
      %get3A_43 = arith.constant 0 : index
      %get3A_44 = vector.load %arg2[%get3A_42, %get3A_43] : memref<2000x128xf32, #tpu.memory_space<vmem>>, vector<1x128xf32>
      %add3A_45 = arith.constant 3 : i32
      %add3A_46 = arith.addi %mul3A_7, %add3A_45 : i32
      %get3A_47 = arith.index_cast %add3A_46 : i32 to index
      %get3A_48 = arith.constant 0 : index
      %get3A_49 = vector.load %arg2[%get3A_47, %get3A_48] : memref<2000x128xf32, #tpu.memory_space<vmem>>, vector<1x128xf32>
      %get3A_50 = arith.index_cast %get3A_11 : i32 to index
      %get3A_51 = arith.constant 0 : index
      %get3A_52 = vector.load %arg3[%get3A_50, %get3A_51] : memref<10000x128xf32, #tpu.memory_space<vmem>>, vector<1x128xf32>
      %get3A_53 = arith.index_cast %get3A_17 : i32 to index
      %get3A_54 = arith.constant 0 : index
      %get3A_55 = vector.load %arg3[%get3A_53, %get3A_54] : memref<10000x128xf32, #tpu.memory_space<vmem>>, vector<1x128xf32>
      %get3A_56 = arith.index_cast %get3A_23 : i32 to index
      %get3A_57 = arith.constant 0 : index
      %get3A_58 = vector.load %arg3[%get3A_56, %get3A_57] : memref<10000x128xf32, #tpu.memory_space<vmem>>, vector<1x128xf32>
      %get3A_59 = arith.index_cast %get3A_29 : i32 to index
      %get3A_60 = arith.constant 0 : index
      %get3A_61 = vector.load %arg3[%get3A_59, %get3A_60] : memref<10000x128xf32, #tpu.memory_space<vmem>>, vector<1x128xf32>
      %max3A = arith.maximumf %get3A_52, %get3A_34 : vector<1x128xf32>
      %swap3A = arith.index_cast %get3A_11 : i32 to index
      %swap3A_62 = arith.constant 0 : index
      %swap3A_63 = vector.load %arg3[%swap3A, %swap3A_62] : memref<10000x128xf32, #tpu.memory_space<vmem>>, vector<1x128xf32>
      tpu.vector_store %arg3[%swap3A, %swap3A_62], %max3A {strides = array<i32>} : memref<10000x128xf32, #tpu.memory_space<vmem>>, vector<1x128xf32>,
      %eq3A_64 = arith.cmpi eq, %get3A_11, %get3A_17 : i32
      %max3A_65 = arith.maximumf %get3A_55, %get3A_34 : vector<1x128xf32>
      %select_n3A = arith.select %eq3A_64, %max3A_65, %get3A_55 : vector<1x128xf32>
      %max3A_66 = arith.maximumf %select_n3A, %get3A_39 : vector<1x128xf32>
      %swap3A_67 = arith.index_cast %get3A_17 : i32 to index
      %swap3A_68 = arith.constant 0 : index
      %swap3A_69 = vector.load %arg3[%swap3A_67, %swap3A_68] : memref<10000x128xf32, #tpu.memory_space<vmem>>, vector<1x128xf32>
      tpu.vector_store %arg3[%swap3A_67, %swap3A_68], %max3A_66 {strides = array<i32>} : memref<10000x128xf32, #tpu.memory_space<vmem>>, vector<1x128xf32>,
      %eq3A_70 = arith.cmpi eq, %get3A_11, %get3A_23 : i32
      %max3A_71 = arith.maximumf %get3A_58, %get3A_34 : vector<1x128xf32>
      %select_n3A_72 = arith.select %eq3A_70, %max3A_71, %get3A_58 : vector<1x128xf32>
      %eq3A_73 = arith.cmpi eq, %get3A_17, %get3A_23 : i32
      %max3A_74 = arith.maximumf %select_n3A_72, %get3A_39 : vector<1x128xf32>
      %select_n3A_75 = arith.select %eq3A_73, %max3A_74, %select_n3A_72 : vector<1x128xf32>
      %max3A_76 = arith.maximumf %select_n3A_75, %get3A_44 : vector<1x128xf32>
      %swap3A_77 = arith.index_cast %get3A_23 : i32 to index
      %swap3A_78 = arith.constant 0 : index
      %swap3A_79 = vector.load %arg3[%swap3A_77, %swap3A_78] : memref<10000x128xf32, #tpu.memory_space<vmem>>, vector<1x128xf32>
      tpu.vector_store %arg3[%swap3A_77, %swap3A_78], %max3A_76 {strides = array<i32>} : memref<10000x128xf32, #tpu.memory_space<vmem>>, vector<1x128xf32>,
      %eq3A_80 = arith.cmpi eq, %get3A_11, %get3A_29 : i32
      %max3A_81 = arith.maximumf %get3A_61, %get3A_34 : vector<1x128xf32>
      %select_n3A_82 = arith.select %eq3A_80, %max3A_81, %get3A_61 : vector<1x128xf32>
      %eq3A_83 = arith.cmpi eq, %get3A_17, %get3A_29 : i32
      %max3A_84 = arith.maximumf %select_n3A_82, %get3A_39 : vector<1x128xf32>
      %select_n3A_85 = arith.select %eq3A_83, %max3A_84, %select_n3A_82 : vector<1x128xf32>
      %eq3A_86 = arith.cmpi eq, %get3A_23, %get3A_29 : i32
      %max3A_87 = arith.maximumf %select_n3A_85, %get3A_44 : vector<1x128xf32>
      %select_n3A_88 = arith.select %eq3A_86, %max3A_87, %select_n3A_85 : vector<1x128xf32>
      %max3A_89 = arith.maximumf %select_n3A_88, %get3A_49 : vector<1x128xf32>
      %swap3A_90 = arith.index_cast %get3A_29 : i32 to index
      %swap3A_91 = arith.constant 0 : index
      %swap3A_92 = vector.load %arg3[%swap3A_90, %swap3A_91] : memref<10000x128xf32, #tpu.memory_space<vmem>>, vector<1x128xf32>
      tpu.vector_store %arg3[%swap3A_90, %swap3A_91], %max3A_89 {strides = array<i32>} : memref<10000x128xf32, #tpu.memory_space<vmem>>, vector<1x128xf32>,
    }
    %scan3A_5 = arith.constant 500 : i32
    return
  }
  func.func @transform_0(%arg0: i32) -> (i32, i32, i32) {
    %c0_i32 = arith.constant 0 : i32
    %c0_i32_0 = arith.constant 0 : i32
    %c0_i32_1 = arith.constant 0 : i32
    return %arg0, %c0_i32, %c0_i32_0 : i32, i32, i32
  }
  func.func @transform_1(%arg0: i32) -> (i32, i32) {
    %c0_i32 = arith.constant 0 : i32
    %c0_i32_0 = arith.constant 0 : i32
    return %arg0, %c0_i32 : i32, i32
  }
  func.func @transform_2(%arg0: i32) -> (i32, i32) {
    %c0_i32 = arith.constant 0 : i32
    %c0_i32_0 = arith.constant 0 : i32
    %c0_i32_1 = arith.constant 0 : i32
    return %c0_i32, %c0_i32_0 : i32, i32
  }
}

module attributes {stable_mosaic.version = 14 : i64} {
  func.func @_gn_conv_body(%arg0: memref<10000x128xf32, #tpu.memory_space<vmem>>, %arg1: memref<10000x128xf32, #tpu.memory_space<vmem>>, %arg2: memref<128x128xf32, #tpu.memory_space<vmem>>, %arg3: memref<1x128xf32, #tpu.memory_space<vmem>>, %arg4: memref<10000x1xf32, #tpu.memory_space<vmem>>, %arg5: memref<1x128xf32, #tpu.memory_space<vmem>>, %arg6: memref<1x128xf32, #tpu.memory_space<vmem>>, %arg7: memref<1x128xf32, #tpu.memory_space<vmem>>, %arg8: memref<10000x128xf32, #tpu.memory_space<vmem>>) attributes {dimension_semantics = [], scalar_prefetch = 0 : i64, scratch_operands = 0 : i64, tpu.core_type = #tpu.core_type<tc>} {
    %get3A = arith.constant 0 : index
    %get3A_0 = arith.constant 0 : index
    %get3A_1 = vector.load %arg0[%get3A, %get3A_0] : memref<10000x128xf32, #tpu.memory_space<vmem>>, vector<10000x128xf32>
    %eq3A = arith.constant 0xFF800000 : f32
    %eq3A_2 = vector.broadcast %eq3A : f32 to vector<10000x128xf32>
    %eq3A_3 = arith.cmpf oeq, %get3A_1, %eq3A_2 : vector<10000x128xf32>
    %jit3A = arith.constant 0.000000e+00 : f32
    %broadcast_in_dim3A = vector.broadcast %jit3A : f32 to vector<10000x128xf32>
    %select_n3A = arith.select %eq3A_3, %broadcast_in_dim3A, %get3A_1 : vector<10000x128xi1>, vector<10000x128xf32>
    %get3A_4 = arith.constant 0 : index
    %get3A_5 = arith.constant 0 : index
    %get3A_6 = vector.load %arg1[%get3A_4, %get3A_5] : memref<10000x128xf32, #tpu.memory_space<vmem>>, vector<10000x128xf32>
    %get3A_7 = arith.constant 0 : index
    %get3A_8 = arith.constant 0 : index
    %get3A_9 = vector.load %arg2[%get3A_7, %get3A_8] : memref<128x128xf32, #tpu.memory_space<vmem>>, vector<128x128xf32>
    %dot_general3A = arith.constant dense<0.000000e+00> : vector<10000x128xf32>
    %dot_general3A_10 = tpu.matmul %get3A_6, %get3A_9, %dot_general3A {dimension_numbers = #tpu.dot_dimension_numbers<[1], [0], [0], [1], [0, 0, 1, 1], [], []>, transpose_lhs_hint = false} : vector<10000x128xf32>, vector<128x128xf32>, vector<10000x128xf32> -> vector<10000x128xf32>
    %get3A_11 = arith.constant 0 : index
    %get3A_12 = arith.constant 0 : index
    %get3A_13 = vector.load %arg3[%get3A_11, %get3A_12] : memref<1x128xf32, #tpu.memory_space<vmem>>, vector<1x128xf32>
    %add3A = vector.broadcast %get3A_13 : vector<1x128xf32> to vector<10000x128xf32>
    %add3A_14 = arith.addf %dot_general3A_10, %add3A : vector<10000x128xf32>
    %mul3A = arith.constant 0.999994993 : f32
    %mul3A_15 = vector.broadcast %mul3A : f32 to vector<10000x128xf32>
    %mul3A_16 = arith.mulf %add3A_14, %mul3A_15 : vector<10000x128xf32>
    %add3A_17 = arith.addf %select_n3A, %mul3A_16 : vector<10000x128xf32>
    %get3A_18 = arith.constant 0 : index
    %get3A_19 = arith.constant 0 : index
    %get3A_20 = vector.load %arg4[%get3A_18, %get3A_19] : memref<10000x1xf32, #tpu.memory_space<vmem>>, vector<10000x1xf32>
    %get3A_21 = arith.constant 0 : index
    %get3A_22 = arith.constant 0 : index
    %get3A_23 = vector.load %arg5[%get3A_21, %get3A_22] : memref<1x128xf32, #tpu.memory_space<vmem>>, vector<1x128xf32>
    %get3A_24 = arith.constant 0 : index
    %get3A_25 = arith.constant 0 : index
    %get3A_26 = vector.load %arg6[%get3A_24, %get3A_25] : memref<1x128xf32, #tpu.memory_space<vmem>>, vector<1x128xf32>
    %get3A_27 = arith.constant 0 : index
    %get3A_28 = arith.constant 0 : index
    %get3A_29 = vector.load %arg7[%get3A_27, %get3A_28] : memref<1x128xf32, #tpu.memory_space<vmem>>, vector<1x128xf32>
    %iota3A = tpu.iota {dimensions = array<i32: 1>} : vector<10000x128xi32>
    %convert_element_type3A = arith.sitofp %iota3A : vector<10000x128xi32> to vector<10000x128xf32>
    %eq3A_30 = vector.broadcast %get3A_20 : vector<10000x1xf32> to vector<10000x128xf32>
    %eq3A_31 = arith.cmpf oeq, %eq3A_30, %convert_element_type3A : vector<10000x128xf32>
    %jit3A_32 = arith.constant 1.000000e+00 : f32
    %jit3A_33 = arith.constant 0.000000e+00 : f32
    %broadcast_in_dim3A_34 = vector.broadcast %jit3A_32 : f32 to vector<10000x128xf32>
    %broadcast_in_dim3A_35 = vector.broadcast %jit3A_33 : f32 to vector<10000x128xf32>
    %select_n3A_36 = arith.select %eq3A_31, %broadcast_in_dim3A_34, %broadcast_in_dim3A_35 : vector<10000x128xi1>, vector<10000x128xf32>
    %broadcast_in_dim3A_37 = arith.constant 1.000000e+00 : f32
    %broadcast_in_dim3A_38 = vector.broadcast %broadcast_in_dim3A_37 : f32 to vector<10000x1xf32>
    %dot_general3A_39 = arith.constant dense<0.000000e+00> : vector<128x1xf32>
    %dot_general3A_40 = tpu.matmul %select_n3A_36, %broadcast_in_dim3A_38, %dot_general3A_39 {dimension_numbers = #tpu.dot_dimension_numbers<[0], [0], [1], [1], [0, 1, 1, 1], [], []>, transpose_lhs_hint = false} : vector<10000x128xf32>, vector<10000x1xf32>, vector<128x1xf32> -> vector<128x1xf32>
    %max3A = arith.constant 1.000000e+00 : f32
    %max3A_41 = vector.broadcast %max3A : f32 to vector<128x1xf32>
    %max3A_42 = arith.maximumf %dot_general3A_40, %max3A_41 : vector<128x1xf32>
    %dot_general3A_43 = arith.constant dense<0.000000e+00> : vector<128x128xf32>
    %dot_general3A_44 = tpu.matmul %select_n3A_36, %add3A_17, %dot_general3A_43 {dimension_numbers = #tpu.dot_dimension_numbers<[0], [0], [1], [1], [0, 1, 1, 1], [], []>, transpose_lhs_hint = false} : vector<10000x128xf32>, vector<10000x128xf32>, vector<128x128xf32> -> vector<128x128xf32>
    %div3A = vector.broadcast %max3A_42 : vector<128x1xf32> to vector<128x128xf32>
    %div3A_45 = arith.divf %dot_general3A_44, %div3A : vector<128x128xf32>
    %dot_general3A_46 = arith.constant dense<0.000000e+00> : vector<10000x128xf32>
    %dot_general3A_47 = tpu.matmul %select_n3A_36, %div3A_45, %dot_general3A_46 {dimension_numbers = #tpu.dot_dimension_numbers<[1], [0], [0], [1], [0, 0, 1, 1], [], []>, transpose_lhs_hint = false} : vector<10000x128xf32>, vector<128x128xf32>, vector<10000x128xf32> -> vector<10000x128xf32>
    %mul3A_48 = vector.broadcast %get3A_29 : vector<1x128xf32> to vector<10000x128xf32>
    %mul3A_49 = arith.mulf %dot_general3A_47, %mul3A_48 : vector<10000x128xf32>
    %sub3A = arith.subf %add3A_17, %mul3A_49 : vector<10000x128xf32>
    %mul3A_50 = arith.mulf %sub3A, %sub3A : vector<10000x128xf32>
    %dot_general3A_51 = arith.constant dense<0.000000e+00> : vector<128x128xf32>
    %dot_general3A_52 = tpu.matmul %select_n3A_36, %mul3A_50, %dot_general3A_51 {dimension_numbers = #tpu.dot_dimension_numbers<[0], [0], [1], [1], [0, 1, 1, 1], [], []>, transpose_lhs_hint = false} : vector<10000x128xf32>, vector<10000x128xf32>, vector<128x128xf32> -> vector<128x128xf32>
    %div3A_53 = vector.broadcast %max3A_42 : vector<128x1xf32> to vector<128x128xf32>
    %div3A_54 = arith.divf %dot_general3A_52, %div3A_53 : vector<128x128xf32>
    %add3A_55 = arith.constant 9.99999974E-6 : f32
    %add3A_56 = vector.broadcast %add3A_55 : f32 to vector<128x128xf32>
    %add3A_57 = arith.addf %div3A_54, %add3A_56 : vector<128x128xf32>
    %sqrt3A = math.sqrt %add3A_57 : vector<128x128xf32>
    %dot_general3A_58 = arith.constant dense<0.000000e+00> : vector<10000x128xf32>
    %dot_general3A_59 = tpu.matmul %select_n3A_36, %sqrt3A, %dot_general3A_58 {dimension_numbers = #tpu.dot_dimension_numbers<[1], [0], [0], [1], [0, 0, 1, 1], [], []>, transpose_lhs_hint = false} : vector<10000x128xf32>, vector<128x128xf32>, vector<10000x128xf32> -> vector<10000x128xf32>
    %mul3A_60 = vector.broadcast %get3A_23 : vector<1x128xf32> to vector<10000x128xf32>
    %mul3A_61 = arith.mulf %mul3A_60, %sub3A : vector<10000x128xf32>
    %div3A_62 = arith.divf %mul3A_61, %dot_general3A_59 : vector<10000x128xf32>
    %add3A_63 = vector.broadcast %get3A_26 : vector<1x128xf32> to vector<10000x128xf32>
    %add3A_64 = arith.addf %div3A_62, %add3A_63 : vector<10000x128xf32>
    %swap3A = arith.constant 0 : index
    %swap3A_65 = arith.constant 0 : index
    %swap3A_66 = vector.load %arg8[%swap3A, %swap3A_65] : memref<10000x128xf32, #tpu.memory_space<vmem>>, vector<10000x128xf32>
    tpu.vector_store %arg8[%swap3A, %swap3A_65], %add3A_64 {strides = array<i32>} : memref<10000x128xf32, #tpu.memory_space<vmem>>, vector<10000x128xf32>,
    return
  }
}

module attributes {stable_mosaic.version = 14 : i64} {
  func.func @_knn_body(%arg0: i32, %arg1: memref<40x1xi32, #tpu.memory_space<smem>>, %arg2: memref<40x1xi32, #tpu.memory_space<smem>>, %arg3: memref<256x128xf32, #tpu.memory_space<vmem>>, %arg4: memref<256x1xf32, #tpu.memory_space<vmem>>, %arg5: memref<10240x128xf32, #tpu.memory_space<vmem>>, %arg6: memref<40x256xf32, #tpu.memory_space<vmem>>, %arg7: memref<256x4xi32, #tpu.memory_space<vmem>>) attributes {dimension_semantics = [#tpu.dimension_semantics<arbitrary>], iteration_bounds = array<i64: 40>, scalar_prefetch = 0 : i64, scratch_operands = 0 : i64, tpu.core_type = #tpu.core_type<tc>, window_params = [{transform_indices = @transform_0, window_bounds = array<i64: 40, 1>}, {transform_indices = @transform_1, window_bounds = array<i64: 40, 1>}, {transform_indices = @transform_2, window_bounds = array<i64: 256, 128>}, {transform_indices = @transform_3, window_bounds = array<i64: 256, 1>}, {pipeline_mode = #tpu.pipeline_mode<synchronous>, transform_indices = @transform_4, window_bounds = array<i64: 10240, 128>}, {pipeline_mode = #tpu.pipeline_mode<synchronous>, transform_indices = @transform_5, window_bounds = array<i64: 40, 256>}, {transform_indices = @transform_6, window_bounds = array<i64: 256, 4>}]} {
    %get3A = arith.constant 0 : index
    %get3A_0 = arith.constant 0 : index
    %get3A_1 = vector.load %arg3[%get3A, %get3A_0] : memref<256x128xf32, #tpu.memory_space<vmem>>, vector<256x128xf32>
    %get3A_2 = arith.constant 0 : index
    %get3A_3 = arith.constant 0 : index
    %get3A_4 = vector.load %arg4[%get3A_2, %get3A_3] : memref<256x1xf32, #tpu.memory_space<vmem>>, vector<256x1xf32>
    %mul3A = arith.constant 256 : i32
    %mul3A_5 = arith.muli %arg0, %mul3A : i32
    %iota3A = tpu.iota {dimensions = array<i32: 0>} : vector<256x1xi32>
    %add3A = vector.broadcast %mul3A_5 : i32 to vector<256x1xi32>
    %add3A_6 = arith.addi %add3A, %iota3A : vector<256x1xi32>
    %mul3A_7 = arith.mulf %get3A_1, %get3A_1 : vector<256x128xf32>
    %reduce_sum3A = arith.constant dense<0.000000e+00> : vector<256xf32>
    %reduce_sum3A_8 = vector.multi_reduction <add>, %mul3A_7, %reduce_sum3A [1] : vector<256x128xf32> to vector<256xf32>
    %broadcast_in_dim3A = vector.shape_cast %reduce_sum3A_8 : vector<256xf32> to vector<256x1xf32>
    %mul3A_9 = arith.constant -2.000000e+00 : f32
    %mul3A_10 = vector.broadcast %mul3A_9 : f32 to vector<256x128xf32>
    %mul3A_11 = arith.mulf %mul3A_10, %get3A_1 : vector<256x128xf32>
    %broadcast_in_dim3A_12 = arith.constant 1.000000e+00 : f32
    %broadcast_in_dim3A_13 = vector.broadcast %broadcast_in_dim3A_12 : f32 to vector<256x1xf32>
    %concatenate3A = tpu.concatenate %mul3A_11, %broadcast_in_dim3A_13 in 1 : vector<256x128xf32>, vector<256x1xf32> -> vector<256x129xf32>
    %get3A_14 = arith.index_cast %arg0 : i32 to index
    %get3A_15 = arith.constant 0 : index
    %get3A_16 = memref.load %arg1[%get3A_14, %get3A_15] : memref<40x1xi32, #tpu.memory_space<smem>>
    %get3A_17 = arith.index_cast %arg0 : i32 to index
    %get3A_18 = arith.constant 0 : index
    %get3A_19 = memref.load %arg2[%get3A_17, %get3A_18] : memref<40x1xi32, #tpu.memory_space<smem>>
    %jit3A = arith.constant 256 : i32
    %div3A = arith.divsi %get3A_16, %jit3A : i32
    %sign3A = arith.constant 0 : i32
    %sign3A_20 = arith.cmpi sgt, %get3A_16, %sign3A : i32
    %sign3A_21 = arith.extui %sign3A_20 : i1 to i32
    %sign3A_22 = arith.constant 0 : i32
    %sign3A_23 = arith.cmpi slt, %get3A_16, %sign3A_22 : i32
    %sign3A_24 = arith.extui %sign3A_23 : i1 to i32
    %sign3A_25 = arith.subi %sign3A_21, %sign3A_24 : i32
    %sign3A_26 = arith.constant 0 : i32
    %sign3A_27 = arith.cmpi sgt, %jit3A, %sign3A_26 : i32
    %sign3A_28 = arith.extui %sign3A_27 : i1 to i32
    %sign3A_29 = arith.constant 0 : i32
    %sign3A_30 = arith.cmpi slt, %jit3A, %sign3A_29 : i32
    %sign3A_31 = arith.extui %sign3A_30 : i1 to i32
    %sign3A_32 = arith.subi %sign3A_28, %sign3A_31 : i32
    %ne3A = arith.cmpi ne, %sign3A_25, %sign3A_32 : i32
    %rem3A = arith.remsi %get3A_16, %jit3A : i32
    %ne3A_33 = arith.constant 0 : i32
    %ne3A_34 = arith.cmpi ne, %rem3A, %ne3A_33 : i32
    %and3A = arith.andi %ne3A, %ne3A_34 : i1
    %sub3A = arith.constant 1 : i32
    %sub3A_35 = arith.subi %div3A, %sub3A : i32
    %select_n3A = arith.select %and3A, %sub3A_35, %div3A : i32
    %add3A_36 = arith.constant 256 : i32
    %add3A_37 = arith.addi %get3A_19, %add3A_36 : i32
    %sub3A_38 = arith.constant 1 : i32
    %sub3A_39 = arith.subi %add3A_37, %sub3A_38 : i32
    %jit3A_40 = arith.constant 256 : i32
    %div3A_41 = arith.divsi %sub3A_39, %jit3A_40 : i32
    %sign3A_42 = arith.constant 0 : i32
    %sign3A_43 = arith.cmpi sgt, %sub3A_39, %sign3A_42 : i32
    %sign3A_44 = arith.extui %sign3A_43 : i1 to i32
    %sign3A_45 = arith.constant 0 : i32
    %sign3A_46 = arith.cmpi slt, %sub3A_39, %sign3A_45 : i32
    %sign3A_47 = arith.extui %sign3A_46 : i1 to i32
    %sign3A_48 = arith.subi %sign3A_44, %sign3A_47 : i32
    %sign3A_49 = arith.constant 0 : i32
    %sign3A_50 = arith.cmpi sgt, %jit3A_40, %sign3A_49 : i32
    %sign3A_51 = arith.extui %sign3A_50 : i1 to i32
    %sign3A_52 = arith.constant 0 : i32
    %sign3A_53 = arith.cmpi slt, %jit3A_40, %sign3A_52 : i32
    %sign3A_54 = arith.extui %sign3A_53 : i1 to i32
    %sign3A_55 = arith.subi %sign3A_51, %sign3A_54 : i32
    %ne3A_56 = arith.cmpi ne, %sign3A_48, %sign3A_55 : i32
    %rem3A_57 = arith.remsi %sub3A_39, %jit3A_40 : i32
    %ne3A_58 = arith.constant 0 : i32
    %ne3A_59 = arith.cmpi ne, %rem3A_57, %ne3A_58 : i32
    %and3A_60 = arith.andi %ne3A_56, %ne3A_59 : i1
    %sub3A_61 = arith.constant 1 : i32
    %sub3A_62 = arith.subi %div3A_41, %sub3A_61 : i32
    %select_n3A_63 = arith.select %and3A_60, %sub3A_62, %div3A_41 : i32
    %iota3A_64 = tpu.iota {dimensions = array<i32: 1>} : vector<256x256xi32>
    %iota3A_65 = tpu.iota {dimensions = array<i32: 1>} : vector<256x8xi32>
    %broadcast_in_dim3A_66 = arith.constant 0x7F800000 : f32
    %broadcast_in_dim3A_67 = vector.broadcast %broadcast_in_dim3A_66 : f32 to vector<256x4xf32>
    %broadcast_in_dim3A_68 = arith.constant 0 : i32
    %broadcast_in_dim3A_69 = vector.broadcast %broadcast_in_dim3A_68 : i32 to vector<256x4xi32>
    %while3A = arith.subi %select_n3A_63, %select_n3A : i32
    %while3A_70 = arith.addi %select_n3A, %while3A : i32
    %while3A_71 = arith.constant 1 : i32
    %while3A_72 = arith.divsi %while3A, %while3A_71 : i32
    %while3A_73 = arith.muli %while3A_72, %while3A_71 : i32
    %while3A_74 = arith.addi %select_n3A, %while3A_73 : i32
    %while3A_75 = arith.constant 1 : i32
    %while3A_76:2 = scf.for %while3A_81 = %select_n3A to %while3A_74 step %while3A_75 iter_args(%while3A_82 = %broadcast_in_dim3A_67, %while3A_83 = %broadcast_in_dim3A_69) -> (vector<256x4xf32>, vector<256x4xi32>)  : i32 {
      %mul3A_84 = arith.constant 256 : i32
      %mul3A_85 = arith.muli %while3A_81, %mul3A_84 : i32
      %get3A_86 = arith.index_cast %mul3A_85 : i32 to index
      %get3A_87 = arith.constant 0 : index
      %get3A_88 = vector.load %arg5[%get3A_86, %get3A_87] : memref<10240x128xf32, #tpu.memory_space<vmem>>, vector<256x128xf32>
      %get3A_89 = arith.index_cast %while3A_81 : i32 to index
      %get3A_90 = arith.constant 0 : index
      %get3A_91 = vector.load %arg6[%get3A_89, %get3A_90] : memref<40x256xf32, #tpu.memory_space<vmem>>, vector<1x256xf32>
      %mul3A_92 = arith.mulf %get3A_88, %get3A_88 : vector<256x128xf32>
      %reduce_sum3A_93 = arith.constant dense<0.000000e+00> : vector<256xf32>
      %reduce_sum3A_94 = vector.multi_reduction <add>, %mul3A_92, %reduce_sum3A_93 [1] : vector<256x128xf32> to vector<256xf32>
      %broadcast_in_dim3A_95 = vector.shape_cast %reduce_sum3A_94 : vector<256xf32> to vector<256x1xf32>
      %concatenate3A_96 = tpu.concatenate %get3A_88, %broadcast_in_dim3A_95 in 1 : vector<256x128xf32>, vector<256x1xf32> -> vector<256x129xf32>
      %dot_general3A = arith.constant dense<0.000000e+00> : vector<256x256xf32>
      %dot_general3A_97 = tpu.matmul %concatenate3A, %concatenate3A_96, %dot_general3A {dimension_numbers = #tpu.dot_dimension_numbers<[1], [1], [0], [0], [0, 0, 1, 0], [], []>, transpose_lhs_hint = false} : vector<256x129xf32>, vector<256x129xf32>, vector<256x256xf32> -> vector<256x256xf32>
      %add3A_98 = vector.broadcast %broadcast_in_dim3A : vector<256x1xf32> to vector<256x256xf32>
      %add3A_99 = arith.addf %add3A_98, %dot_general3A_97 : vector<256x256xf32>
      %ne3A_100 = vector.broadcast %get3A_4 : vector<256x1xf32> to vector<256x256xf32>
      %ne3A_101 = vector.broadcast %get3A_91 : vector<1x256xf32> to vector<256x256xf32>
      %ne3A_102 = arith.cmpf one, %ne3A_100, %ne3A_101 : vector<256x256xf32>
      %jit3A_103 = arith.constant 0x7F800000 : f32
      %broadcast_in_dim3A_104 = vector.broadcast %jit3A_103 : f32 to vector<256x256xf32>
      %select_n3A_105 = arith.select %ne3A_102, %broadcast_in_dim3A_104, %add3A_99 : vector<256x256xi1>, vector<256x256xf32>
      %iota3A_106 = tpu.iota {dimensions = array<i32: 1>} : vector<1x256xi32>
      %add3A_107 = vector.broadcast %mul3A_85 : i32 to vector<1x256xi32>
      %add3A_108 = arith.addi %add3A_107, %iota3A_106 : vector<1x256xi32>
      %eq3A = vector.broadcast %add3A_6 : vector<256x1xi32> to vector<256x256xi32>
      %eq3A_109 = vector.broadcast %add3A_108 : vector<1x256xi32> to vector<256x256xi32>
      %eq3A_110 = arith.cmpi eq, %eq3A, %eq3A_109 : vector<256x256xi32>
      %jit3A_111 = arith.constant 0x7F800000 : f32
      %broadcast_in_dim3A_112 = vector.broadcast %jit3A_111 : f32 to vector<256x256xf32>
      %select_n3A_113 = arith.select %eq3A_110, %broadcast_in_dim3A_112, %select_n3A_105 : vector<256x256xi1>, vector<256x256xf32>
      %reduce_min3A = arith.constant dense<0x7F800000> : vector<256xf32>
      %reduce_min3A_114 = vector.multi_reduction <minimumf>, %select_n3A_113, %reduce_min3A [1] : vector<256x256xf32> to vector<256xf32>
      %broadcast_in_dim3A_115 = vector.shape_cast %reduce_min3A_114 : vector<256xf32> to vector<256x1xf32>
      %eq3A_116 = vector.broadcast %broadcast_in_dim3A_115 : vector<256x1xf32> to vector<256x256xf32>
      %eq3A_117 = arith.cmpf oeq, %select_n3A_113, %eq3A_116 : vector<256x256xf32>
      %jit3A_118 = arith.constant 1073741824 : i32
      %broadcast_in_dim3A_119 = vector.broadcast %jit3A_118 : i32 to vector<256x256xi32>
      %select_n3A_120 = arith.select %eq3A_117, %iota3A_64, %broadcast_in_dim3A_119 : vector<256x256xi1>, vector<256x256xi32>
      %reduce_min3A_121 = arith.constant dense<2147483647> : vector<256xi32>
      %reduce_min3A_122 = vector.multi_reduction <minsi>, %select_n3A_120, %reduce_min3A_121 [1] : vector<256x256xi32> to vector<256xi32>
      %broadcast_in_dim3A_123 = vector.shape_cast %reduce_min3A_122 : vector<256xi32> to vector<256x1xi32>
      %add3A_124 = vector.broadcast %mul3A_85 : i32 to vector<256x1xi32>
      %add3A_125 = arith.addi %broadcast_in_dim3A_123, %add3A_124 : vector<256x1xi32>
      %eq3A_126 = vector.broadcast %broadcast_in_dim3A_123 : vector<256x1xi32> to vector<256x256xi32>
      %eq3A_127 = arith.cmpi eq, %iota3A_64, %eq3A_126 : vector<256x256xi32>
      %jit3A_128 = arith.constant 0x7F800000 : f32
      %broadcast_in_dim3A_129 = vector.broadcast %jit3A_128 : f32 to vector<256x256xf32>
      %select_n3A_130 = arith.select %eq3A_127, %broadcast_in_dim3A_129, %select_n3A_113 : vector<256x256xi1>, vector<256x256xf32>
      %reduce_min3A_131 = arith.constant dense<0x7F800000> : vector<256xf32>
      %reduce_min3A_132 = vector.multi_reduction <minimumf>, %select_n3A_130, %reduce_min3A_131 [1] : vector<256x256xf32> to vector<256xf32>
      %broadcast_in_dim3A_133 = vector.shape_cast %reduce_min3A_132 : vector<256xf32> to vector<256x1xf32>
      %eq3A_134 = vector.broadcast %broadcast_in_dim3A_133 : vector<256x1xf32> to vector<256x256xf32>
      %eq3A_135 = arith.cmpf oeq, %select_n3A_130, %eq3A_134 : vector<256x256xf32>
      %jit3A_136 = arith.constant 1073741824 : i32
      %broadcast_in_dim3A_137 = vector.broadcast %jit3A_136 : i32 to vector<256x256xi32>
      %select_n3A_138 = arith.select %eq3A_135, %iota3A_64, %broadcast_in_dim3A_137 : vector<256x256xi1>, vector<256x256xi32>
      %reduce_min3A_139 = arith.constant dense<2147483647> : vector<256xi32>
      %reduce_min3A_140 = vector.multi_reduction <minsi>, %select_n3A_138, %reduce_min3A_139 [1] : vector<256x256xi32> to vector<256xi32>
      %broadcast_in_dim3A_141 = vector.shape_cast %reduce_min3A_140 : vector<256xi32> to vector<256x1xi32>
      %add3A_142 = vector.broadcast %mul3A_85 : i32 to vector<256x1xi32>
      %add3A_143 = arith.addi %broadcast_in_dim3A_141, %add3A_142 : vector<256x1xi32>
      %eq3A_144 = vector.broadcast %broadcast_in_dim3A_141 : vector<256x1xi32> to vector<256x256xi32>
      %eq3A_145 = arith.cmpi eq, %iota3A_64, %eq3A_144 : vector<256x256xi32>
      %jit3A_146 = arith.constant 0x7F800000 : f32
      %broadcast_in_dim3A_147 = vector.broadcast %jit3A_146 : f32 to vector<256x256xf32>
      %select_n3A_148 = arith.select %eq3A_145, %broadcast_in_dim3A_147, %select_n3A_130 : vector<256x256xi1>, vector<256x256xf32>
      %reduce_min3A_149 = arith.constant dense<0x7F800000> : vector<256xf32>
      %reduce_min3A_150 = vector.multi_reduction <minimumf>, %select_n3A_148, %reduce_min3A_149 [1] : vector<256x256xf32> to vector<256xf32>
      %broadcast_in_dim3A_151 = vector.shape_cast %reduce_min3A_150 : vector<256xf32> to vector<256x1xf32>
      %eq3A_152 = vector.broadcast %broadcast_in_dim3A_151 : vector<256x1xf32> to vector<256x256xf32>
      %eq3A_153 = arith.cmpf oeq, %select_n3A_148, %eq3A_152 : vector<256x256xf32>
      %jit3A_154 = arith.constant 1073741824 : i32
      %broadcast_in_dim3A_155 = vector.broadcast %jit3A_154 : i32 to vector<256x256xi32>
      %select_n3A_156 = arith.select %eq3A_153, %iota3A_64, %broadcast_in_dim3A_155 : vector<256x256xi1>, vector<256x256xi32>
      %reduce_min3A_157 = arith.constant dense<2147483647> : vector<256xi32>
      %reduce_min3A_158 = vector.multi_reduction <minsi>, %select_n3A_156, %reduce_min3A_157 [1] : vector<256x256xi32> to vector<256xi32>
      %broadcast_in_dim3A_159 = vector.shape_cast %reduce_min3A_158 : vector<256xi32> to vector<256x1xi32>
      %add3A_160 = vector.broadcast %mul3A_85 : i32 to vector<256x1xi32>
      %add3A_161 = arith.addi %broadcast_in_dim3A_159, %add3A_160 : vector<256x1xi32>
      %eq3A_162 = vector.broadcast %broadcast_in_dim3A_159 : vector<256x1xi32> to vector<256x256xi32>
      %eq3A_163 = arith.cmpi eq, %iota3A_64, %eq3A_162 : vector<256x256xi32>
      %jit3A_164 = arith.constant 0x7F800000 : f32
      %broadcast_in_dim3A_165 = vector.broadcast %jit3A_164 : f32 to vector<256x256xf32>
      %select_n3A_166 = arith.select %eq3A_163, %broadcast_in_dim3A_165, %select_n3A_148 : vector<256x256xi1>, vector<256x256xf32>
      %reduce_min3A_167 = arith.constant dense<0x7F800000> : vector<256xf32>
      %reduce_min3A_168 = vector.multi_reduction <minimumf>, %select_n3A_166, %reduce_min3A_167 [1] : vector<256x256xf32> to vector<256xf32>
      %broadcast_in_dim3A_169 = vector.shape_cast %reduce_min3A_168 : vector<256xf32> to vector<256x1xf32>
      %eq3A_170 = vector.broadcast %broadcast_in_dim3A_169 : vector<256x1xf32> to vector<256x256xf32>
      %eq3A_171 = arith.cmpf oeq, %select_n3A_166, %eq3A_170 : vector<256x256xf32>
      %jit3A_172 = arith.constant 1073741824 : i32
      %broadcast_in_dim3A_173 = vector.broadcast %jit3A_172 : i32 to vector<256x256xi32>
      %select_n3A_174 = arith.select %eq3A_171, %iota3A_64, %broadcast_in_dim3A_173 : vector<256x256xi1>, vector<256x256xi32>
      %reduce_min3A_175 = arith.constant dense<2147483647> : vector<256xi32>
      %reduce_min3A_176 = vector.multi_reduction <minsi>, %select_n3A_174, %reduce_min3A_175 [1] : vector<256x256xi32> to vector<256xi32>
      %broadcast_in_dim3A_177 = vector.shape_cast %reduce_min3A_176 : vector<256xi32> to vector<256x1xi32>
      %add3A_178 = vector.broadcast %mul3A_85 : i32 to vector<256x1xi32>
      %add3A_179 = arith.addi %broadcast_in_dim3A_177, %add3A_178 : vector<256x1xi32>
      %eq3A_180 = vector.broadcast %broadcast_in_dim3A_177 : vector<256x1xi32> to vector<256x256xi32>
      %eq3A_181 = arith.cmpi eq, %iota3A_64, %eq3A_180 : vector<256x256xi32>
      %jit3A_182 = arith.constant 0x7F800000 : f32
      %broadcast_in_dim3A_183 = vector.broadcast %jit3A_182 : f32 to vector<256x256xf32>
      %select_n3A_184 = arith.select %eq3A_181, %broadcast_in_dim3A_183, %select_n3A_166 : vector<256x256xi1>, vector<256x256xf32>
      %concatenate3A_185 = tpu.concatenate %while3A_82, %broadcast_in_dim3A_115, %broadcast_in_dim3A_133, %broadcast_in_dim3A_151, %broadcast_in_dim3A_169 in 1 : vector<256x4xf32>, vector<256x1xf32>, vector<256x1xf32>, vector<256x1xf32>, vector<256x1xf32> -> vector<256x8xf32>
      %concatenate3A_186 = tpu.concatenate %while3A_83, %add3A_125, %add3A_143, %add3A_161, %add3A_179 in 1 : vector<256x4xi32>, vector<256x1xi32>, vector<256x1xi32>, vector<256x1xi32>, vector<256x1xi32> -> vector<256x8xi32>
      %reduce_min3A_187 = arith.constant dense<0x7F800000> : vector<256xf32>
      %reduce_min3A_188 = vector.multi_reduction <minimumf>, %concatenate3A_185, %reduce_min3A_187 [1] : vector<256x8xf32> to vector<256xf32>
      %broadcast_in_dim3A_189 = vector.shape_cast %reduce_min3A_188 : vector<256xf32> to vector<256x1xf32>
      %eq3A_190 = vector.broadcast %broadcast_in_dim3A_189 : vector<256x1xf32> to vector<256x8xf32>
      %eq3A_191 = arith.cmpf oeq, %concatenate3A_185, %eq3A_190 : vector<256x8xf32>
      %jit3A_192 = arith.constant 1073741824 : i32
      %broadcast_in_dim3A_193 = vector.broadcast %jit3A_192 : i32 to vector<256x8xi32>
      %select_n3A_194 = arith.select %eq3A_191, %iota3A_65, %broadcast_in_dim3A_193 : vector<256x8xi1>, vector<256x8xi32>
      %reduce_min3A_195 = arith.constant dense<2147483647> : vector<256xi32>
      %reduce_min3A_196 = vector.multi_reduction <minsi>, %select_n3A_194, %reduce_min3A_195 [1] : vector<256x8xi32> to vector<256xi32>
      %broadcast_in_dim3A_197 = vector.shape_cast %reduce_min3A_196 : vector<256xi32> to vector<256x1xi32>
      %eq3A_198 = vector.broadcast %broadcast_in_dim3A_197 : vector<256x1xi32> to vector<256x8xi32>
      %eq3A_199 = arith.cmpi eq, %iota3A_65, %eq3A_198 : vector<256x8xi32>
      %jit3A_200 = arith.constant 0 : i32
      %broadcast_in_dim3A_201 = vector.broadcast %jit3A_200 : i32 to vector<256x8xi32>
      %select_n3A_202 = arith.select %eq3A_199, %concatenate3A_186, %broadcast_in_dim3A_201 : vector<256x8xi1>, vector<256x8xi32>
      %reduce_sum3A_203 = arith.constant dense<0> : vector<256xi32>
      %reduce_sum3A_204 = vector.multi_reduction <add>, %select_n3A_202, %reduce_sum3A_203 [1] : vector<256x8xi32> to vector<256xi32>
      %broadcast_in_dim3A_205 = vector.shape_cast %reduce_sum3A_204 : vector<256xi32> to vector<256x1xi32>
      %eq3A_206 = vector.broadcast %broadcast_in_dim3A_197 : vector<256x1xi32> to vector<256x8xi32>
      %eq3A_207 = arith.cmpi eq, %iota3A_65, %eq3A_206 : vector<256x8xi32>
      %jit3A_208 = arith.constant 0x7F800000 : f32
      %broadcast_in_dim3A_209 = vector.broadcast %jit3A_208 : f32 to vector<256x8xf32>
      %select_n3A_210 = arith.select %eq3A_207, %broadcast_in_dim3A_209, %concatenate3A_185 : vector<256x8xi1>, vector<256x8xf32>
      %reduce_min3A_211 = arith.constant dense<0x7F800000> : vector<256xf32>
      %reduce_min3A_212 = vector.multi_reduction <minimumf>, %select_n3A_210, %reduce_min3A_211 [1] : vector<256x8xf32> to vector<256xf32>
      %broadcast_in_dim3A_213 = vector.shape_cast %reduce_min3A_212 : vector<256xf32> to vector<256x1xf32>
      %eq3A_214 = vector.broadcast %broadcast_in_dim3A_213 : vector<256x1xf32> to vector<256x8xf32>
      %eq3A_215 = arith.cmpf oeq, %select_n3A_210, %eq3A_214 : vector<256x8xf32>
      %jit3A_216 = arith.constant 1073741824 : i32
      %broadcast_in_dim3A_217 = vector.broadcast %jit3A_216 : i32 to vector<256x8xi32>
      %select_n3A_218 = arith.select %eq3A_215, %iota3A_65, %broadcast_in_dim3A_217 : vector<256x8xi1>, vector<256x8xi32>
      %reduce_min3A_219 = arith.constant dense<2147483647> : vector<256xi32>
      %reduce_min3A_220 = vector.multi_reduction <minsi>, %select_n3A_218, %reduce_min3A_219 [1] : vector<256x8xi32> to vector<256xi32>
      %broadcast_in_dim3A_221 = vector.shape_cast %reduce_min3A_220 : vector<256xi32> to vector<256x1xi32>
      %eq3A_222 = vector.broadcast %broadcast_in_dim3A_221 : vector<256x1xi32> to vector<256x8xi32>
      %eq3A_223 = arith.cmpi eq, %iota3A_65, %eq3A_222 : vector<256x8xi32>
      %jit3A_224 = arith.constant 0 : i32
      %broadcast_in_dim3A_225 = vector.broadcast %jit3A_224 : i32 to vector<256x8xi32>
      %select_n3A_226 = arith.select %eq3A_223, %concatenate3A_186, %broadcast_in_dim3A_225 : vector<256x8xi1>, vector<256x8xi32>
      %reduce_sum3A_227 = arith.constant dense<0> : vector<256xi32>
      %reduce_sum3A_228 = vector.multi_reduction <add>, %select_n3A_226, %reduce_sum3A_227 [1] : vector<256x8xi32> to vector<256xi32>
      %broadcast_in_dim3A_229 = vector.shape_cast %reduce_sum3A_228 : vector<256xi32> to vector<256x1xi32>
      %eq3A_230 = vector.broadcast %broadcast_in_dim3A_221 : vector<256x1xi32> to vector<256x8xi32>
      %eq3A_231 = arith.cmpi eq, %iota3A_65, %eq3A_230 : vector<256x8xi32>
      %jit3A_232 = arith.constant 0x7F800000 : f32
      %broadcast_in_dim3A_233 = vector.broadcast %jit3A_232 : f32 to vector<256x8xf32>
      %select_n3A_234 = arith.select %eq3A_231, %broadcast_in_dim3A_233, %select_n3A_210 : vector<256x8xi1>, vector<256x8xf32>
      %reduce_min3A_235 = arith.constant dense<0x7F800000> : vector<256xf32>
      %reduce_min3A_236 = vector.multi_reduction <minimumf>, %select_n3A_234, %reduce_min3A_235 [1] : vector<256x8xf32> to vector<256xf32>
      %broadcast_in_dim3A_237 = vector.shape_cast %reduce_min3A_236 : vector<256xf32> to vector<256x1xf32>
      %eq3A_238 = vector.broadcast %broadcast_in_dim3A_237 : vector<256x1xf32> to vector<256x8xf32>
      %eq3A_239 = arith.cmpf oeq, %select_n3A_234, %eq3A_238 : vector<256x8xf32>
      %jit3A_240 = arith.constant 1073741824 : i32
      %broadcast_in_dim3A_241 = vector.broadcast %jit3A_240 : i32 to vector<256x8xi32>
      %select_n3A_242 = arith.select %eq3A_239, %iota3A_65, %broadcast_in_dim3A_241 : vector<256x8xi1>, vector<256x8xi32>
      %reduce_min3A_243 = arith.constant dense<2147483647> : vector<256xi32>
      %reduce_min3A_244 = vector.multi_reduction <minsi>, %select_n3A_242, %reduce_min3A_243 [1] : vector<256x8xi32> to vector<256xi32>
      %broadcast_in_dim3A_245 = vector.shape_cast %reduce_min3A_244 : vector<256xi32> to vector<256x1xi32>
      %eq3A_246 = vector.broadcast %broadcast_in_dim3A_245 : vector<256x1xi32> to vector<256x8xi32>
      %eq3A_247 = arith.cmpi eq, %iota3A_65, %eq3A_246 : vector<256x8xi32>
      %jit3A_248 = arith.constant 0 : i32
      %broadcast_in_dim3A_249 = vector.broadcast %jit3A_248 : i32 to vector<256x8xi32>
      %select_n3A_250 = arith.select %eq3A_247, %concatenate3A_186, %broadcast_in_dim3A_249 : vector<256x8xi1>, vector<256x8xi32>
      %reduce_sum3A_251 = arith.constant dense<0> : vector<256xi32>
      %reduce_sum3A_252 = vector.multi_reduction <add>, %select_n3A_250, %reduce_sum3A_251 [1] : vector<256x8xi32> to vector<256xi32>
      %broadcast_in_dim3A_253 = vector.shape_cast %reduce_sum3A_252 : vector<256xi32> to vector<256x1xi32>
      %eq3A_254 = vector.broadcast %broadcast_in_dim3A_245 : vector<256x1xi32> to vector<256x8xi32>
      %eq3A_255 = arith.cmpi eq, %iota3A_65, %eq3A_254 : vector<256x8xi32>
      %jit3A_256 = arith.constant 0x7F800000 : f32
      %broadcast_in_dim3A_257 = vector.broadcast %jit3A_256 : f32 to vector<256x8xf32>
      %select_n3A_258 = arith.select %eq3A_255, %broadcast_in_dim3A_257, %select_n3A_234 : vector<256x8xi1>, vector<256x8xf32>
      %reduce_min3A_259 = arith.constant dense<0x7F800000> : vector<256xf32>
      %reduce_min3A_260 = vector.multi_reduction <minimumf>, %select_n3A_258, %reduce_min3A_259 [1] : vector<256x8xf32> to vector<256xf32>
      %broadcast_in_dim3A_261 = vector.shape_cast %reduce_min3A_260 : vector<256xf32> to vector<256x1xf32>
      %eq3A_262 = vector.broadcast %broadcast_in_dim3A_261 : vector<256x1xf32> to vector<256x8xf32>
      %eq3A_263 = arith.cmpf oeq, %select_n3A_258, %eq3A_262 : vector<256x8xf32>
      %jit3A_264 = arith.constant 1073741824 : i32
      %broadcast_in_dim3A_265 = vector.broadcast %jit3A_264 : i32 to vector<256x8xi32>
      %select_n3A_266 = arith.select %eq3A_263, %iota3A_65, %broadcast_in_dim3A_265 : vector<256x8xi1>, vector<256x8xi32>
      %reduce_min3A_267 = arith.constant dense<2147483647> : vector<256xi32>
      %reduce_min3A_268 = vector.multi_reduction <minsi>, %select_n3A_266, %reduce_min3A_267 [1] : vector<256x8xi32> to vector<256xi32>
      %broadcast_in_dim3A_269 = vector.shape_cast %reduce_min3A_268 : vector<256xi32> to vector<256x1xi32>
      %eq3A_270 = vector.broadcast %broadcast_in_dim3A_269 : vector<256x1xi32> to vector<256x8xi32>
      %eq3A_271 = arith.cmpi eq, %iota3A_65, %eq3A_270 : vector<256x8xi32>
      %jit3A_272 = arith.constant 0 : i32
      %broadcast_in_dim3A_273 = vector.broadcast %jit3A_272 : i32 to vector<256x8xi32>
      %select_n3A_274 = arith.select %eq3A_271, %concatenate3A_186, %broadcast_in_dim3A_273 : vector<256x8xi1>, vector<256x8xi32>
      %reduce_sum3A_275 = arith.constant dense<0> : vector<256xi32>
      %reduce_sum3A_276 = vector.multi_reduction <add>, %select_n3A_274, %reduce_sum3A_275 [1] : vector<256x8xi32> to vector<256xi32>
      %broadcast_in_dim3A_277 = vector.shape_cast %reduce_sum3A_276 : vector<256xi32> to vector<256x1xi32>
      %eq3A_278 = vector.broadcast %broadcast_in_dim3A_269 : vector<256x1xi32> to vector<256x8xi32>
      %eq3A_279 = arith.cmpi eq, %iota3A_65, %eq3A_278 : vector<256x8xi32>
      %jit3A_280 = arith.constant 0x7F800000 : f32
      %broadcast_in_dim3A_281 = vector.broadcast %jit3A_280 : f32 to vector<256x8xf32>
      %select_n3A_282 = arith.select %eq3A_279, %broadcast_in_dim3A_281, %select_n3A_258 : vector<256x8xi1>, vector<256x8xf32>
      %concatenate3A_283 = tpu.concatenate %broadcast_in_dim3A_189, %broadcast_in_dim3A_213, %broadcast_in_dim3A_237, %broadcast_in_dim3A_261 in 1 : vector<256x1xf32>, vector<256x1xf32>, vector<256x1xf32>, vector<256x1xf32> -> vector<256x4xf32>
      %concatenate3A_284 = tpu.concatenate %broadcast_in_dim3A_205, %broadcast_in_dim3A_229, %broadcast_in_dim3A_253, %broadcast_in_dim3A_277 in 1 : vector<256x1xi32>, vector<256x1xi32>, vector<256x1xi32>, vector<256x1xi32> -> vector<256x4xi32>
      scf.yield %concatenate3A_283, %concatenate3A_284 : vector<256x4xf32>, vector<256x4xi32>
    }
    %while3A_77 = arith.constant 1 : i32
    %while3A_78:2 = scf.for %while3A_81 = %while3A_74 to %while3A_70 step %while3A_77 iter_args(%while3A_82 = %while3A_76#0, %while3A_83 = %while3A_76#1) -> (vector<256x4xf32>, vector<256x4xi32>)  : i32 {
      %mul3A_84 = arith.constant 256 : i32
      %mul3A_85 = arith.muli %while3A_81, %mul3A_84 : i32
      %get3A_86 = arith.index_cast %mul3A_85 : i32 to index
      %get3A_87 = arith.constant 0 : index
      %get3A_88 = vector.load %arg5[%get3A_86, %get3A_87] : memref<10240x128xf32, #tpu.memory_space<vmem>>, vector<256x128xf32>
      %get3A_89 = arith.index_cast %while3A_81 : i32 to index
      %get3A_90 = arith.constant 0 : index
      %get3A_91 = vector.load %arg6[%get3A_89, %get3A_90] : memref<40x256xf32, #tpu.memory_space<vmem>>, vector<1x256xf32>
      %mul3A_92 = arith.mulf %get3A_88, %get3A_88 : vector<256x128xf32>
      %reduce_sum3A_93 = arith.constant dense<0.000000e+00> : vector<256xf32>
      %reduce_sum3A_94 = vector.multi_reduction <add>, %mul3A_92, %reduce_sum3A_93 [1] : vector<256x128xf32> to vector<256xf32>
      %broadcast_in_dim3A_95 = vector.shape_cast %reduce_sum3A_94 : vector<256xf32> to vector<256x1xf32>
      %concatenate3A_96 = tpu.concatenate %get3A_88, %broadcast_in_dim3A_95 in 1 : vector<256x128xf32>, vector<256x1xf32> -> vector<256x129xf32>
      %dot_general3A = arith.constant dense<0.000000e+00> : vector<256x256xf32>
      %dot_general3A_97 = tpu.matmul %concatenate3A, %concatenate3A_96, %dot_general3A {dimension_numbers = #tpu.dot_dimension_numbers<[1], [1], [0], [0], [0, 0, 1, 0], [], []>, transpose_lhs_hint = false} : vector<256x129xf32>, vector<256x129xf32>, vector<256x256xf32> -> vector<256x256xf32>
      %add3A_98 = vector.broadcast %broadcast_in_dim3A : vector<256x1xf32> to vector<256x256xf32>
      %add3A_99 = arith.addf %add3A_98, %dot_general3A_97 : vector<256x256xf32>
      %ne3A_100 = vector.broadcast %get3A_4 : vector<256x1xf32> to vector<256x256xf32>
      %ne3A_101 = vector.broadcast %get3A_91 : vector<1x256xf32> to vector<256x256xf32>
      %ne3A_102 = arith.cmpf one, %ne3A_100, %ne3A_101 : vector<256x256xf32>
      %jit3A_103 = arith.constant 0x7F800000 : f32
      %broadcast_in_dim3A_104 = vector.broadcast %jit3A_103 : f32 to vector<256x256xf32>
      %select_n3A_105 = arith.select %ne3A_102, %broadcast_in_dim3A_104, %add3A_99 : vector<256x256xi1>, vector<256x256xf32>
      %iota3A_106 = tpu.iota {dimensions = array<i32: 1>} : vector<1x256xi32>
      %add3A_107 = vector.broadcast %mul3A_85 : i32 to vector<1x256xi32>
      %add3A_108 = arith.addi %add3A_107, %iota3A_106 : vector<1x256xi32>
      %eq3A = vector.broadcast %add3A_6 : vector<256x1xi32> to vector<256x256xi32>
      %eq3A_109 = vector.broadcast %add3A_108 : vector<1x256xi32> to vector<256x256xi32>
      %eq3A_110 = arith.cmpi eq, %eq3A, %eq3A_109 : vector<256x256xi32>
      %jit3A_111 = arith.constant 0x7F800000 : f32
      %broadcast_in_dim3A_112 = vector.broadcast %jit3A_111 : f32 to vector<256x256xf32>
      %select_n3A_113 = arith.select %eq3A_110, %broadcast_in_dim3A_112, %select_n3A_105 : vector<256x256xi1>, vector<256x256xf32>
      %reduce_min3A = arith.constant dense<0x7F800000> : vector<256xf32>
      %reduce_min3A_114 = vector.multi_reduction <minimumf>, %select_n3A_113, %reduce_min3A [1] : vector<256x256xf32> to vector<256xf32>
      %broadcast_in_dim3A_115 = vector.shape_cast %reduce_min3A_114 : vector<256xf32> to vector<256x1xf32>
      %eq3A_116 = vector.broadcast %broadcast_in_dim3A_115 : vector<256x1xf32> to vector<256x256xf32>
      %eq3A_117 = arith.cmpf oeq, %select_n3A_113, %eq3A_116 : vector<256x256xf32>
      %jit3A_118 = arith.constant 1073741824 : i32
      %broadcast_in_dim3A_119 = vector.broadcast %jit3A_118 : i32 to vector<256x256xi32>
      %select_n3A_120 = arith.select %eq3A_117, %iota3A_64, %broadcast_in_dim3A_119 : vector<256x256xi1>, vector<256x256xi32>
      %reduce_min3A_121 = arith.constant dense<2147483647> : vector<256xi32>
      %reduce_min3A_122 = vector.multi_reduction <minsi>, %select_n3A_120, %reduce_min3A_121 [1] : vector<256x256xi32> to vector<256xi32>
      %broadcast_in_dim3A_123 = vector.shape_cast %reduce_min3A_122 : vector<256xi32> to vector<256x1xi32>
      %add3A_124 = vector.broadcast %mul3A_85 : i32 to vector<256x1xi32>
      %add3A_125 = arith.addi %broadcast_in_dim3A_123, %add3A_124 : vector<256x1xi32>
      %eq3A_126 = vector.broadcast %broadcast_in_dim3A_123 : vector<256x1xi32> to vector<256x256xi32>
      %eq3A_127 = arith.cmpi eq, %iota3A_64, %eq3A_126 : vector<256x256xi32>
      %jit3A_128 = arith.constant 0x7F800000 : f32
      %broadcast_in_dim3A_129 = vector.broadcast %jit3A_128 : f32 to vector<256x256xf32>
      %select_n3A_130 = arith.select %eq3A_127, %broadcast_in_dim3A_129, %select_n3A_113 : vector<256x256xi1>, vector<256x256xf32>
      %reduce_min3A_131 = arith.constant dense<0x7F800000> : vector<256xf32>
      %reduce_min3A_132 = vector.multi_reduction <minimumf>, %select_n3A_130, %reduce_min3A_131 [1] : vector<256x256xf32> to vector<256xf32>
      %broadcast_in_dim3A_133 = vector.shape_cast %reduce_min3A_132 : vector<256xf32> to vector<256x1xf32>
      %eq3A_134 = vector.broadcast %broadcast_in_dim3A_133 : vector<256x1xf32> to vector<256x256xf32>
      %eq3A_135 = arith.cmpf oeq, %select_n3A_130, %eq3A_134 : vector<256x256xf32>
      %jit3A_136 = arith.constant 1073741824 : i32
      %broadcast_in_dim3A_137 = vector.broadcast %jit3A_136 : i32 to vector<256x256xi32>
      %select_n3A_138 = arith.select %eq3A_135, %iota3A_64, %broadcast_in_dim3A_137 : vector<256x256xi1>, vector<256x256xi32>
      %reduce_min3A_139 = arith.constant dense<2147483647> : vector<256xi32>
      %reduce_min3A_140 = vector.multi_reduction <minsi>, %select_n3A_138, %reduce_min3A_139 [1] : vector<256x256xi32> to vector<256xi32>
      %broadcast_in_dim3A_141 = vector.shape_cast %reduce_min3A_140 : vector<256xi32> to vector<256x1xi32>
      %add3A_142 = vector.broadcast %mul3A_85 : i32 to vector<256x1xi32>
      %add3A_143 = arith.addi %broadcast_in_dim3A_141, %add3A_142 : vector<256x1xi32>
      %eq3A_144 = vector.broadcast %broadcast_in_dim3A_141 : vector<256x1xi32> to vector<256x256xi32>
      %eq3A_145 = arith.cmpi eq, %iota3A_64, %eq3A_144 : vector<256x256xi32>
      %jit3A_146 = arith.constant 0x7F800000 : f32
      %broadcast_in_dim3A_147 = vector.broadcast %jit3A_146 : f32 to vector<256x256xf32>
      %select_n3A_148 = arith.select %eq3A_145, %broadcast_in_dim3A_147, %select_n3A_130 : vector<256x256xi1>, vector<256x256xf32>
      %reduce_min3A_149 = arith.constant dense<0x7F800000> : vector<256xf32>
      %reduce_min3A_150 = vector.multi_reduction <minimumf>, %select_n3A_148, %reduce_min3A_149 [1] : vector<256x256xf32> to vector<256xf32>
      %broadcast_in_dim3A_151 = vector.shape_cast %reduce_min3A_150 : vector<256xf32> to vector<256x1xf32>
      %eq3A_152 = vector.broadcast %broadcast_in_dim3A_151 : vector<256x1xf32> to vector<256x256xf32>
      %eq3A_153 = arith.cmpf oeq, %select_n3A_148, %eq3A_152 : vector<256x256xf32>
      %jit3A_154 = arith.constant 1073741824 : i32
      %broadcast_in_dim3A_155 = vector.broadcast %jit3A_154 : i32 to vector<256x256xi32>
      %select_n3A_156 = arith.select %eq3A_153, %iota3A_64, %broadcast_in_dim3A_155 : vector<256x256xi1>, vector<256x256xi32>
      %reduce_min3A_157 = arith.constant dense<2147483647> : vector<256xi32>
      %reduce_min3A_158 = vector.multi_reduction <minsi>, %select_n3A_156, %reduce_min3A_157 [1] : vector<256x256xi32> to vector<256xi32>
      %broadcast_in_dim3A_159 = vector.shape_cast %reduce_min3A_158 : vector<256xi32> to vector<256x1xi32>
      %add3A_160 = vector.broadcast %mul3A_85 : i32 to vector<256x1xi32>
      %add3A_161 = arith.addi %broadcast_in_dim3A_159, %add3A_160 : vector<256x1xi32>
      %eq3A_162 = vector.broadcast %broadcast_in_dim3A_159 : vector<256x1xi32> to vector<256x256xi32>
      %eq3A_163 = arith.cmpi eq, %iota3A_64, %eq3A_162 : vector<256x256xi32>
      %jit3A_164 = arith.constant 0x7F800000 : f32
      %broadcast_in_dim3A_165 = vector.broadcast %jit3A_164 : f32 to vector<256x256xf32>
      %select_n3A_166 = arith.select %eq3A_163, %broadcast_in_dim3A_165, %select_n3A_148 : vector<256x256xi1>, vector<256x256xf32>
      %reduce_min3A_167 = arith.constant dense<0x7F800000> : vector<256xf32>
      %reduce_min3A_168 = vector.multi_reduction <minimumf>, %select_n3A_166, %reduce_min3A_167 [1] : vector<256x256xf32> to vector<256xf32>
      %broadcast_in_dim3A_169 = vector.shape_cast %reduce_min3A_168 : vector<256xf32> to vector<256x1xf32>
      %eq3A_170 = vector.broadcast %broadcast_in_dim3A_169 : vector<256x1xf32> to vector<256x256xf32>
      %eq3A_171 = arith.cmpf oeq, %select_n3A_166, %eq3A_170 : vector<256x256xf32>
      %jit3A_172 = arith.constant 1073741824 : i32
      %broadcast_in_dim3A_173 = vector.broadcast %jit3A_172 : i32 to vector<256x256xi32>
      %select_n3A_174 = arith.select %eq3A_171, %iota3A_64, %broadcast_in_dim3A_173 : vector<256x256xi1>, vector<256x256xi32>
      %reduce_min3A_175 = arith.constant dense<2147483647> : vector<256xi32>
      %reduce_min3A_176 = vector.multi_reduction <minsi>, %select_n3A_174, %reduce_min3A_175 [1] : vector<256x256xi32> to vector<256xi32>
      %broadcast_in_dim3A_177 = vector.shape_cast %reduce_min3A_176 : vector<256xi32> to vector<256x1xi32>
      %add3A_178 = vector.broadcast %mul3A_85 : i32 to vector<256x1xi32>
      %add3A_179 = arith.addi %broadcast_in_dim3A_177, %add3A_178 : vector<256x1xi32>
      %eq3A_180 = vector.broadcast %broadcast_in_dim3A_177 : vector<256x1xi32> to vector<256x256xi32>
      %eq3A_181 = arith.cmpi eq, %iota3A_64, %eq3A_180 : vector<256x256xi32>
      %jit3A_182 = arith.constant 0x7F800000 : f32
      %broadcast_in_dim3A_183 = vector.broadcast %jit3A_182 : f32 to vector<256x256xf32>
      %select_n3A_184 = arith.select %eq3A_181, %broadcast_in_dim3A_183, %select_n3A_166 : vector<256x256xi1>, vector<256x256xf32>
      %concatenate3A_185 = tpu.concatenate %while3A_82, %broadcast_in_dim3A_115, %broadcast_in_dim3A_133, %broadcast_in_dim3A_151, %broadcast_in_dim3A_169 in 1 : vector<256x4xf32>, vector<256x1xf32>, vector<256x1xf32>, vector<256x1xf32>, vector<256x1xf32> -> vector<256x8xf32>
      %concatenate3A_186 = tpu.concatenate %while3A_83, %add3A_125, %add3A_143, %add3A_161, %add3A_179 in 1 : vector<256x4xi32>, vector<256x1xi32>, vector<256x1xi32>, vector<256x1xi32>, vector<256x1xi32> -> vector<256x8xi32>
      %reduce_min3A_187 = arith.constant dense<0x7F800000> : vector<256xf32>
      %reduce_min3A_188 = vector.multi_reduction <minimumf>, %concatenate3A_185, %reduce_min3A_187 [1] : vector<256x8xf32> to vector<256xf32>
      %broadcast_in_dim3A_189 = vector.shape_cast %reduce_min3A_188 : vector<256xf32> to vector<256x1xf32>
      %eq3A_190 = vector.broadcast %broadcast_in_dim3A_189 : vector<256x1xf32> to vector<256x8xf32>
      %eq3A_191 = arith.cmpf oeq, %concatenate3A_185, %eq3A_190 : vector<256x8xf32>
      %jit3A_192 = arith.constant 1073741824 : i32
      %broadcast_in_dim3A_193 = vector.broadcast %jit3A_192 : i32 to vector<256x8xi32>
      %select_n3A_194 = arith.select %eq3A_191, %iota3A_65, %broadcast_in_dim3A_193 : vector<256x8xi1>, vector<256x8xi32>
      %reduce_min3A_195 = arith.constant dense<2147483647> : vector<256xi32>
      %reduce_min3A_196 = vector.multi_reduction <minsi>, %select_n3A_194, %reduce_min3A_195 [1] : vector<256x8xi32> to vector<256xi32>
      %broadcast_in_dim3A_197 = vector.shape_cast %reduce_min3A_196 : vector<256xi32> to vector<256x1xi32>
      %eq3A_198 = vector.broadcast %broadcast_in_dim3A_197 : vector<256x1xi32> to vector<256x8xi32>
      %eq3A_199 = arith.cmpi eq, %iota3A_65, %eq3A_198 : vector<256x8xi32>
      %jit3A_200 = arith.constant 0 : i32
      %broadcast_in_dim3A_201 = vector.broadcast %jit3A_200 : i32 to vector<256x8xi32>
      %select_n3A_202 = arith.select %eq3A_199, %concatenate3A_186, %broadcast_in_dim3A_201 : vector<256x8xi1>, vector<256x8xi32>
      %reduce_sum3A_203 = arith.constant dense<0> : vector<256xi32>
      %reduce_sum3A_204 = vector.multi_reduction <add>, %select_n3A_202, %reduce_sum3A_203 [1] : vector<256x8xi32> to vector<256xi32>
      %broadcast_in_dim3A_205 = vector.shape_cast %reduce_sum3A_204 : vector<256xi32> to vector<256x1xi32>
      %eq3A_206 = vector.broadcast %broadcast_in_dim3A_197 : vector<256x1xi32> to vector<256x8xi32>
      %eq3A_207 = arith.cmpi eq, %iota3A_65, %eq3A_206 : vector<256x8xi32>
      %jit3A_208 = arith.constant 0x7F800000 : f32
      %broadcast_in_dim3A_209 = vector.broadcast %jit3A_208 : f32 to vector<256x8xf32>
      %select_n3A_210 = arith.select %eq3A_207, %broadcast_in_dim3A_209, %concatenate3A_185 : vector<256x8xi1>, vector<256x8xf32>
      %reduce_min3A_211 = arith.constant dense<0x7F800000> : vector<256xf32>
      %reduce_min3A_212 = vector.multi_reduction <minimumf>, %select_n3A_210, %reduce_min3A_211 [1] : vector<256x8xf32> to vector<256xf32>
      %broadcast_in_dim3A_213 = vector.shape_cast %reduce_min3A_212 : vector<256xf32> to vector<256x1xf32>
      %eq3A_214 = vector.broadcast %broadcast_in_dim3A_213 : vector<256x1xf32> to vector<256x8xf32>
      %eq3A_215 = arith.cmpf oeq, %select_n3A_210, %eq3A_214 : vector<256x8xf32>
      %jit3A_216 = arith.constant 1073741824 : i32
      %broadcast_in_dim3A_217 = vector.broadcast %jit3A_216 : i32 to vector<256x8xi32>
      %select_n3A_218 = arith.select %eq3A_215, %iota3A_65, %broadcast_in_dim3A_217 : vector<256x8xi1>, vector<256x8xi32>
      %reduce_min3A_219 = arith.constant dense<2147483647> : vector<256xi32>
      %reduce_min3A_220 = vector.multi_reduction <minsi>, %select_n3A_218, %reduce_min3A_219 [1] : vector<256x8xi32> to vector<256xi32>
      %broadcast_in_dim3A_221 = vector.shape_cast %reduce_min3A_220 : vector<256xi32> to vector<256x1xi32>
      %eq3A_222 = vector.broadcast %broadcast_in_dim3A_221 : vector<256x1xi32> to vector<256x8xi32>
      %eq3A_223 = arith.cmpi eq, %iota3A_65, %eq3A_222 : vector<256x8xi32>
      %jit3A_224 = arith.constant 0 : i32
      %broadcast_in_dim3A_225 = vector.broadcast %jit3A_224 : i32 to vector<256x8xi32>
      %select_n3A_226 = arith.select %eq3A_223, %concatenate3A_186, %broadcast_in_dim3A_225 : vector<256x8xi1>, vector<256x8xi32>
      %reduce_sum3A_227 = arith.constant dense<0> : vector<256xi32>
      %reduce_sum3A_228 = vector.multi_reduction <add>, %select_n3A_226, %reduce_sum3A_227 [1] : vector<256x8xi32> to vector<256xi32>
      %broadcast_in_dim3A_229 = vector.shape_cast %reduce_sum3A_228 : vector<256xi32> to vector<256x1xi32>
      %eq3A_230 = vector.broadcast %broadcast_in_dim3A_221 : vector<256x1xi32> to vector<256x8xi32>
      %eq3A_231 = arith.cmpi eq, %iota3A_65, %eq3A_230 : vector<256x8xi32>
      %jit3A_232 = arith.constant 0x7F800000 : f32
      %broadcast_in_dim3A_233 = vector.broadcast %jit3A_232 : f32 to vector<256x8xf32>
      %select_n3A_234 = arith.select %eq3A_231, %broadcast_in_dim3A_233, %select_n3A_210 : vector<256x8xi1>, vector<256x8xf32>
      %reduce_min3A_235 = arith.constant dense<0x7F800000> : vector<256xf32>
      %reduce_min3A_236 = vector.multi_reduction <minimumf>, %select_n3A_234, %reduce_min3A_235 [1] : vector<256x8xf32> to vector<256xf32>
      %broadcast_in_dim3A_237 = vector.shape_cast %reduce_min3A_236 : vector<256xf32> to vector<256x1xf32>
      %eq3A_238 = vector.broadcast %broadcast_in_dim3A_237 : vector<256x1xf32> to vector<256x8xf32>
      %eq3A_239 = arith.cmpf oeq, %select_n3A_234, %eq3A_238 : vector<256x8xf32>
      %jit3A_240 = arith.constant 1073741824 : i32
      %broadcast_in_dim3A_241 = vector.broadcast %jit3A_240 : i32 to vector<256x8xi32>
      %select_n3A_242 = arith.select %eq3A_239, %iota3A_65, %broadcast_in_dim3A_241 : vector<256x8xi1>, vector<256x8xi32>
      %reduce_min3A_243 = arith.constant dense<2147483647> : vector<256xi32>
      %reduce_min3A_244 = vector.multi_reduction <minsi>, %select_n3A_242, %reduce_min3A_243 [1] : vector<256x8xi32> to vector<256xi32>
      %broadcast_in_dim3A_245 = vector.shape_cast %reduce_min3A_244 : vector<256xi32> to vector<256x1xi32>
      %eq3A_246 = vector.broadcast %broadcast_in_dim3A_245 : vector<256x1xi32> to vector<256x8xi32>
      %eq3A_247 = arith.cmpi eq, %iota3A_65, %eq3A_246 : vector<256x8xi32>
      %jit3A_248 = arith.constant 0 : i32
      %broadcast_in_dim3A_249 = vector.broadcast %jit3A_248 : i32 to vector<256x8xi32>
      %select_n3A_250 = arith.select %eq3A_247, %concatenate3A_186, %broadcast_in_dim3A_249 : vector<256x8xi1>, vector<256x8xi32>
      %reduce_sum3A_251 = arith.constant dense<0> : vector<256xi32>
      %reduce_sum3A_252 = vector.multi_reduction <add>, %select_n3A_250, %reduce_sum3A_251 [1] : vector<256x8xi32> to vector<256xi32>
      %broadcast_in_dim3A_253 = vector.shape_cast %reduce_sum3A_252 : vector<256xi32> to vector<256x1xi32>
      %eq3A_254 = vector.broadcast %broadcast_in_dim3A_245 : vector<256x1xi32> to vector<256x8xi32>
      %eq3A_255 = arith.cmpi eq, %iota3A_65, %eq3A_254 : vector<256x8xi32>
      %jit3A_256 = arith.constant 0x7F800000 : f32
      %broadcast_in_dim3A_257 = vector.broadcast %jit3A_256 : f32 to vector<256x8xf32>
      %select_n3A_258 = arith.select %eq3A_255, %broadcast_in_dim3A_257, %select_n3A_234 : vector<256x8xi1>, vector<256x8xf32>
      %reduce_min3A_259 = arith.constant dense<0x7F800000> : vector<256xf32>
      %reduce_min3A_260 = vector.multi_reduction <minimumf>, %select_n3A_258, %reduce_min3A_259 [1] : vector<256x8xf32> to vector<256xf32>
      %broadcast_in_dim3A_261 = vector.shape_cast %reduce_min3A_260 : vector<256xf32> to vector<256x1xf32>
      %eq3A_262 = vector.broadcast %broadcast_in_dim3A_261 : vector<256x1xf32> to vector<256x8xf32>
      %eq3A_263 = arith.cmpf oeq, %select_n3A_258, %eq3A_262 : vector<256x8xf32>
      %jit3A_264 = arith.constant 1073741824 : i32
      %broadcast_in_dim3A_265 = vector.broadcast %jit3A_264 : i32 to vector<256x8xi32>
      %select_n3A_266 = arith.select %eq3A_263, %iota3A_65, %broadcast_in_dim3A_265 : vector<256x8xi1>, vector<256x8xi32>
      %reduce_min3A_267 = arith.constant dense<2147483647> : vector<256xi32>
      %reduce_min3A_268 = vector.multi_reduction <minsi>, %select_n3A_266, %reduce_min3A_267 [1] : vector<256x8xi32> to vector<256xi32>
      %broadcast_in_dim3A_269 = vector.shape_cast %reduce_min3A_268 : vector<256xi32> to vector<256x1xi32>
      %eq3A_270 = vector.broadcast %broadcast_in_dim3A_269 : vector<256x1xi32> to vector<256x8xi32>
      %eq3A_271 = arith.cmpi eq, %iota3A_65, %eq3A_270 : vector<256x8xi32>
      %jit3A_272 = arith.constant 0 : i32
      %broadcast_in_dim3A_273 = vector.broadcast %jit3A_272 : i32 to vector<256x8xi32>
      %select_n3A_274 = arith.select %eq3A_271, %concatenate3A_186, %broadcast_in_dim3A_273 : vector<256x8xi1>, vector<256x8xi32>
      %reduce_sum3A_275 = arith.constant dense<0> : vector<256xi32>
      %reduce_sum3A_276 = vector.multi_reduction <add>, %select_n3A_274, %reduce_sum3A_275 [1] : vector<256x8xi32> to vector<256xi32>
      %broadcast_in_dim3A_277 = vector.shape_cast %reduce_sum3A_276 : vector<256xi32> to vector<256x1xi32>
      %eq3A_278 = vector.broadcast %broadcast_in_dim3A_269 : vector<256x1xi32> to vector<256x8xi32>
      %eq3A_279 = arith.cmpi eq, %iota3A_65, %eq3A_278 : vector<256x8xi32>
      %jit3A_280 = arith.constant 0x7F800000 : f32
      %broadcast_in_dim3A_281 = vector.broadcast %jit3A_280 : f32 to vector<256x8xf32>
      %select_n3A_282 = arith.select %eq3A_279, %broadcast_in_dim3A_281, %select_n3A_258 : vector<256x8xi1>, vector<256x8xf32>
      %concatenate3A_283 = tpu.concatenate %broadcast_in_dim3A_189, %broadcast_in_dim3A_213, %broadcast_in_dim3A_237, %broadcast_in_dim3A_261 in 1 : vector<256x1xf32>, vector<256x1xf32>, vector<256x1xf32>, vector<256x1xf32> -> vector<256x4xf32>
      %concatenate3A_284 = tpu.concatenate %broadcast_in_dim3A_205, %broadcast_in_dim3A_229, %broadcast_in_dim3A_253, %broadcast_in_dim3A_277 in 1 : vector<256x1xi32>, vector<256x1xi32>, vector<256x1xi32>, vector<256x1xi32> -> vector<256x4xi32>
      scf.yield %concatenate3A_283, %concatenate3A_284 : vector<256x4xf32>, vector<256x4xi32>
    }
    %swap3A = arith.constant 0 : index
    %swap3A_79 = arith.constant 0 : index
    %swap3A_80 = vector.load %arg7[%swap3A, %swap3A_79] : memref<256x4xi32, #tpu.memory_space<vmem>>, vector<256x4xi32>
    tpu.vector_store %arg7[%swap3A, %swap3A_79], %while3A_78#1 {strides = array<i32>} : memref<256x4xi32, #tpu.memory_space<vmem>>, vector<256x4xi32>,
    return
  }
  func.func @transform_0(%arg0: i32) -> (i32, i32) {
    %c0_i32 = arith.constant 0 : i32
    %c0_i32_0 = arith.constant 0 : i32
    %c0_i32_1 = arith.constant 0 : i32
    return %c0_i32, %c0_i32_0 : i32, i32
  }
  func.func @transform_1(%arg0: i32) -> (i32, i32) {
    %c0_i32 = arith.constant 0 : i32
    %c0_i32_0 = arith.constant 0 : i32
    %c0_i32_1 = arith.constant 0 : i32
    return %c0_i32, %c0_i32_0 : i32, i32
  }
  func.func @transform_2(%arg0: i32) -> (i32, i32) {
    %c0_i32 = arith.constant 0 : i32
    %c0_i32_0 = arith.constant 0 : i32
    return %arg0, %c0_i32 : i32, i32
  }
  func.func @transform_3(%arg0: i32) -> (i32, i32) {
    %c0_i32 = arith.constant 0 : i32
    %c0_i32_0 = arith.constant 0 : i32
    return %arg0, %c0_i32 : i32, i32
  }
  func.func @transform_4(%arg0: i32) -> (i32, i32) {
    %c0_i32 = arith.constant 0 : i32
    %c0_i32_0 = arith.constant 0 : i32
    %c0_i32_1 = arith.constant 0 : i32
    return %c0_i32, %c0_i32_0 : i32, i32
  }
  func.func @transform_5(%arg0: i32) -> (i32, i32) {
    %c0_i32 = arith.constant 0 : i32
    %c0_i32_0 = arith.constant 0 : i32
    %c0_i32_1 = arith.constant 0 : i32
    return %c0_i32, %c0_i32_0 : i32, i32
  }
  func.func @transform_6(%arg0: i32) -> (i32, i32) {
    %c0_i32 = arith.constant 0 : i32
    %c0_i32_0 = arith.constant 0 : i32
    return %arg0, %c0_i32 : i32, i32
  }
}

module attributes {stable_mosaic.version = 14 : i64} {
  func.func @_knn_conv_body(%arg0: i32, %arg1: memref<1000x128xf32, #tpu.memory_space<vmem>>, %arg2: memref<1000x128xf32, #tpu.memory_space<vmem>>, %arg3: memref<4000x128xf32, #tpu.memory_space<vmem>>, %arg4: memref<1x128xf32, #tpu.memory_space<vmem>>, %arg5: memref<128x128xf32, #tpu.memory_space<vmem>>, %arg6: memref<1x128xf32, #tpu.memory_space<vmem>>, %arg7: memref<128x128xf32, #tpu.memory_space<vmem>>, %arg8: memref<1x128xf32, #tpu.memory_space<vmem>>, %arg9: memref<128x128xf32, #tpu.memory_space<vmem>>, %arg10: memref<1x128xf32, #tpu.memory_space<vmem>>, %arg11: memref<1000x128xf32, #tpu.memory_space<vmem>>) attributes {dimension_semantics = [#tpu.dimension_semantics<arbitrary>], iteration_bounds = array<i64: 10>, scalar_prefetch = 0 : i64, scratch_operands = 0 : i64, tpu.core_type = #tpu.core_type<tc>, window_params = [{transform_indices = @transform_0, window_bounds = array<i64: 1000, 128>}, {transform_indices = @transform_1, window_bounds = array<i64: 1000, 128>}, {transform_indices = @transform_2, window_bounds = array<i64: 4000, 128>}, {pipeline_mode = #tpu.pipeline_mode<synchronous>, transform_indices = @transform_3, window_bounds = array<i64: 1, 128>}, {pipeline_mode = #tpu.pipeline_mode<synchronous>, transform_indices = @transform_4, window_bounds = array<i64: 128, 128>}, {pipeline_mode = #tpu.pipeline_mode<synchronous>, transform_indices = @transform_5, window_bounds = array<i64: 1, 128>}, {pipeline_mode = #tpu.pipeline_mode<synchronous>, transform_indices = @transform_6, window_bounds = array<i64: 128, 128>}, {pipeline_mode = #tpu.pipeline_mode<synchronous>, transform_indices = @transform_7, window_bounds = array<i64: 1, 128>}, {pipeline_mode = #tpu.pipeline_mode<synchronous>, transform_indices = @transform_8, window_bounds = array<i64: 128, 128>}, {pipeline_mode = #tpu.pipeline_mode<synchronous>, transform_indices = @transform_9, window_bounds = array<i64: 1, 128>}, {transform_indices = @transform_10, window_bounds = array<i64: 1000, 128>}]} {
    %get3A = arith.constant 0 : index
    %get3A_0 = arith.constant 0 : index
    %get3A_1 = vector.load %arg1[%get3A, %get3A_0] : memref<1000x128xf32, #tpu.memory_space<vmem>>, vector<1000x128xf32>
    %get3A_2 = arith.constant 0 : index
    %get3A_3 = arith.constant 0 : index
    %get3A_4 = vector.load %arg2[%get3A_2, %get3A_3] : memref<1000x128xf32, #tpu.memory_space<vmem>>, vector<1000x128xf32>
    %get3A_5 = arith.constant 0 : index
    %get3A_6 = arith.constant 0 : index
    %get3A_7 = vector.load %arg3[%get3A_5, %get3A_6] : memref<4000x128xf32, #tpu.memory_space<vmem>>, vector<4000x128xf32>
    %broadcast_in_dim3A = vector.shape_cast %get3A_4 : vector<1000x128xf32> to vector<1000x1x128xf32>
    %broadcast_in_dim3A_8 = vector.shape_cast %broadcast_in_dim3A : vector<1000x1x128xf32> to vector<1000x1x128xf32>
    %broadcast_in_dim3A_9 = vector.broadcast %broadcast_in_dim3A_8 : vector<1000x1x128xf32> to vector<1000x4x128xf32>
    %reshape3A = vector.shape_cast %broadcast_in_dim3A_9 : vector<1000x4x128xf32> to vector<4000x128xf32>
    %add3A = arith.addf %reshape3A, %get3A_7 : vector<4000x128xf32>
    %get3A_10 = arith.constant 0 : index
    %get3A_11 = arith.constant 0 : index
    %get3A_12 = vector.load %arg4[%get3A_10, %get3A_11] : memref<1x128xf32, #tpu.memory_space<vmem>>, vector<1x128xf32>
    %add3A_13 = vector.broadcast %get3A_12 : vector<1x128xf32> to vector<4000x128xf32>
    %add3A_14 = arith.addf %add3A, %add3A_13 : vector<4000x128xf32>
    %max3A = arith.constant 0.000000e+00 : f32
    %max3A_15 = vector.broadcast %max3A : f32 to vector<4000x128xf32>
    %max3A_16 = arith.maximumf %add3A_14, %max3A_15 : vector<4000x128xf32>
    %mul3A = arith.constant 0.999994993 : f32
    %mul3A_17 = vector.broadcast %mul3A : f32 to vector<4000x128xf32>
    %mul3A_18 = arith.mulf %max3A_16, %mul3A_17 : vector<4000x128xf32>
    %get3A_19 = arith.constant 0 : index
    %get3A_20 = arith.constant 0 : index
    %get3A_21 = vector.load %arg5[%get3A_19, %get3A_20] : memref<128x128xf32, #tpu.memory_space<vmem>>, vector<128x128xf32>
    %get3A_22 = arith.constant 0 : index
    %get3A_23 = arith.constant 0 : index
    %get3A_24 = vector.load %arg6[%get3A_22, %get3A_23] : memref<1x128xf32, #tpu.memory_space<vmem>>, vector<1x128xf32>
    %get3A_25 = arith.constant 0 : index
    %get3A_26 = arith.constant 0 : index
    %get3A_27 = vector.load %arg7[%get3A_25, %get3A_26] : memref<128x128xf32, #tpu.memory_space<vmem>>, vector<128x128xf32>
    %get3A_28 = arith.constant 0 : index
    %get3A_29 = arith.constant 0 : index
    %get3A_30 = vector.load %arg8[%get3A_28, %get3A_29] : memref<1x128xf32, #tpu.memory_space<vmem>>, vector<1x128xf32>
    %dot_general3A = arith.constant dense<0.000000e+00> : vector<4000x128xf32>
    %dot_general3A_31 = tpu.matmul %mul3A_18, %get3A_21, %dot_general3A {dimension_numbers = #tpu.dot_dimension_numbers<[1], [0], [0], [1], [0, 0, 1, 1], [], []>, transpose_lhs_hint = false} : vector<4000x128xf32>, vector<128x128xf32>, vector<4000x128xf32> -> vector<4000x128xf32>
    %add3A_32 = vector.broadcast %get3A_24 : vector<1x128xf32> to vector<4000x128xf32>
    %add3A_33 = arith.addf %dot_general3A_31, %add3A_32 : vector<4000x128xf32>
    %max3A_34 = arith.constant 0.000000e+00 : f32
    %max3A_35 = vector.broadcast %max3A_34 : f32 to vector<4000x128xf32>
    %max3A_36 = arith.maximumf %add3A_33, %max3A_35 : vector<4000x128xf32>
    %mul3A_37 = arith.constant 0.999994993 : f32
    %mul3A_38 = vector.broadcast %mul3A_37 : f32 to vector<4000x128xf32>
    %mul3A_39 = arith.mulf %max3A_36, %mul3A_38 : vector<4000x128xf32>
    %dot_general3A_40 = arith.constant dense<0.000000e+00> : vector<4000x128xf32>
    %dot_general3A_41 = tpu.matmul %mul3A_39, %get3A_27, %dot_general3A_40 {dimension_numbers = #tpu.dot_dimension_numbers<[1], [0], [0], [1], [0, 0, 1, 1], [], []>, transpose_lhs_hint = false} : vector<4000x128xf32>, vector<128x128xf32>, vector<4000x128xf32> -> vector<4000x128xf32>
    %add3A_42 = vector.broadcast %get3A_30 : vector<1x128xf32> to vector<4000x128xf32>
    %add3A_43 = arith.addf %dot_general3A_41, %add3A_42 : vector<4000x128xf32>
    %max3A_44 = arith.constant 0.000000e+00 : f32
    %max3A_45 = vector.broadcast %max3A_44 : f32 to vector<4000x128xf32>
    %max3A_46 = arith.maximumf %add3A_43, %max3A_45 : vector<4000x128xf32>
    %mul3A_47 = arith.constant 0.999994993 : f32
    %mul3A_48 = vector.broadcast %mul3A_47 : f32 to vector<4000x128xf32>
    %mul3A_49 = arith.mulf %max3A_46, %mul3A_48 : vector<4000x128xf32>
    %reshape3A_50 = vector.shape_cast %mul3A_49 : vector<4000x128xf32> to vector<1000x4x128xf32>
    %reduce_max3A = arith.constant dense<0xFF800000> : vector<1000x128xf32>
    %reduce_max3A_51 = vector.multi_reduction <maximumf>, %reshape3A_50, %reduce_max3A [1] : vector<1000x4x128xf32> to vector<1000x128xf32>
    %get3A_52 = arith.constant 0 : index
    %get3A_53 = arith.constant 0 : index
    %get3A_54 = vector.load %arg9[%get3A_52, %get3A_53] : memref<128x128xf32, #tpu.memory_space<vmem>>, vector<128x128xf32>
    %dot_general3A_55 = arith.constant dense<0.000000e+00> : vector<1000x128xf32>
    %dot_general3A_56 = tpu.matmul %get3A_1, %get3A_54, %dot_general3A_55 {dimension_numbers = #tpu.dot_dimension_numbers<[1], [0], [0], [1], [0, 0, 1, 1], [], []>, transpose_lhs_hint = false} : vector<1000x128xf32>, vector<128x128xf32>, vector<1000x128xf32> -> vector<1000x128xf32>
    %get3A_57 = arith.constant 0 : index
    %get3A_58 = arith.constant 0 : index
    %get3A_59 = vector.load %arg10[%get3A_57, %get3A_58] : memref<1x128xf32, #tpu.memory_space<vmem>>, vector<1x128xf32>
    %add3A_60 = vector.broadcast %get3A_59 : vector<1x128xf32> to vector<1000x128xf32>
    %add3A_61 = arith.addf %dot_general3A_56, %add3A_60 : vector<1000x128xf32>
    %mul3A_62 = arith.constant 0.999994993 : f32
    %mul3A_63 = vector.broadcast %mul3A_62 : f32 to vector<1000x128xf32>
    %mul3A_64 = arith.mulf %add3A_61, %mul3A_63 : vector<1000x128xf32>
    %add3A_65 = arith.addf %reduce_max3A_51, %mul3A_64 : vector<1000x128xf32>
    %swap3A = arith.constant 0 : index
    %swap3A_66 = arith.constant 0 : index
    %swap3A_67 = vector.load %arg11[%swap3A, %swap3A_66] : memref<1000x128xf32, #tpu.memory_space<vmem>>, vector<1000x128xf32>
    tpu.vector_store %arg11[%swap3A, %swap3A_66], %add3A_65 {strides = array<i32>} : memref<1000x128xf32, #tpu.memory_space<vmem>>, vector<1000x128xf32>,
    return
  }
  func.func @transform_0(%arg0: i32) -> (i32, i32) {
    %c0_i32 = arith.constant 0 : i32
    %c0_i32_0 = arith.constant 0 : i32
    return %arg0, %c0_i32 : i32, i32
  }
  func.func @transform_1(%arg0: i32) -> (i32, i32) {
    %c0_i32 = arith.constant 0 : i32
    %c0_i32_0 = arith.constant 0 : i32
    return %arg0, %c0_i32 : i32, i32
  }
  func.func @transform_2(%arg0: i32) -> (i32, i32) {
    %c0_i32 = arith.constant 0 : i32
    %c0_i32_0 = arith.constant 0 : i32
    return %arg0, %c0_i32 : i32, i32
  }
  func.func @transform_3(%arg0: i32) -> (i32, i32) {
    %c0_i32 = arith.constant 0 : i32
    %c0_i32_0 = arith.constant 0 : i32
    %c0_i32_1 = arith.constant 0 : i32
    return %c0_i32, %c0_i32_0 : i32, i32
  }
  func.func @transform_4(%arg0: i32) -> (i32, i32) {
    %c0_i32 = arith.constant 0 : i32
    %c0_i32_0 = arith.constant 0 : i32
    %c0_i32_1 = arith.constant 0 : i32
    return %c0_i32, %c0_i32_0 : i32, i32
  }
  func.func @transform_5(%arg0: i32) -> (i32, i32) {
    %c0_i32 = arith.constant 0 : i32
    %c0_i32_0 = arith.constant 0 : i32
    %c0_i32_1 = arith.constant 0 : i32
    return %c0_i32, %c0_i32_0 : i32, i32
  }
  func.func @transform_6(%arg0: i32) -> (i32, i32) {
    %c0_i32 = arith.constant 0 : i32
    %c0_i32_0 = arith.constant 0 : i32
    %c0_i32_1 = arith.constant 0 : i32
    return %c0_i32, %c0_i32_0 : i32, i32
  }
  func.func @transform_7(%arg0: i32) -> (i32, i32) {
    %c0_i32 = arith.constant 0 : i32
    %c0_i32_0 = arith.constant 0 : i32
    %c0_i32_1 = arith.constant 0 : i32
    return %c0_i32, %c0_i32_0 : i32, i32
  }
  func.func @transform_8(%arg0: i32) -> (i32, i32) {
    %c0_i32 = arith.constant 0 : i32
    %c0_i32_0 = arith.constant 0 : i32
    %c0_i32_1 = arith.constant 0 : i32
    return %c0_i32, %c0_i32_0 : i32, i32
  }
  func.func @transform_9(%arg0: i32) -> (i32, i32) {
    %c0_i32 = arith.constant 0 : i32
    %c0_i32_0 = arith.constant 0 : i32
    %c0_i32_1 = arith.constant 0 : i32
    return %c0_i32, %c0_i32_0 : i32, i32
  }
  func.func @transform_10(%arg0: i32) -> (i32, i32) {
    %c0_i32 = arith.constant 0 : i32
    %c0_i32_0 = arith.constant 0 : i32
    return %arg0, %c0_i32 : i32, i32
  }
}

module attributes {stable_mosaic.version = 14 : i64} {
  func.func @_head_body(%arg0: memref<10000x128xf32, #tpu.memory_space<vmem>>, %arg1: memref<10000x128xf32, #tpu.memory_space<vmem>>, %arg2: memref<10000x128xf32, #tpu.memory_space<vmem>>, %arg3: memref<10000x1xf32, #tpu.memory_space<vmem>>, %arg4: memref<64x16xf32, #tpu.memory_space<vmem>>, %arg5: memref<144x128xf32, #tpu.memory_space<vmem>>, %arg6: memref<1x128xf32, #tpu.memory_space<vmem>>, %arg7: memref<128x128xf32, #tpu.memory_space<vmem>>, %arg8: memref<1x128xf32, #tpu.memory_space<vmem>>, %arg9: memref<128x10xf32, #tpu.memory_space<vmem>>, %arg10: memref<1x10xf32, #tpu.memory_space<vmem>>, %arg11: memref<64x10xf32, #tpu.memory_space<vmem>>) attributes {dimension_semantics = [], scalar_prefetch = 0 : i64, scratch_operands = 0 : i64, tpu.core_type = #tpu.core_type<tc>} {
    %get3A = arith.constant 0 : index
    %get3A_0 = arith.constant 0 : index
    %get3A_1 = vector.load %arg0[%get3A, %get3A_0] : memref<10000x128xf32, #tpu.memory_space<vmem>>, vector<10000x128xf32>
    %get3A_2 = arith.constant 0 : index
    %get3A_3 = arith.constant 0 : index
    %get3A_4 = vector.load %arg1[%get3A_2, %get3A_3] : memref<10000x128xf32, #tpu.memory_space<vmem>>, vector<10000x128xf32>
    %add3A = arith.addf %get3A_1, %get3A_4 : vector<10000x128xf32>
    %get3A_5 = arith.constant 0 : index
    %get3A_6 = arith.constant 0 : index
    %get3A_7 = vector.load %arg2[%get3A_5, %get3A_6] : memref<10000x128xf32, #tpu.memory_space<vmem>>, vector<10000x128xf32>
    %add3A_8 = arith.addf %add3A, %get3A_7 : vector<10000x128xf32>
    %get3A_9 = arith.constant 0 : index
    %get3A_10 = arith.constant 0 : index
    %get3A_11 = vector.load %arg3[%get3A_9, %get3A_10] : memref<10000x1xf32, #tpu.memory_space<vmem>>, vector<10000x1xf32>
    %iota3A = tpu.iota {dimensions = array<i32: 1>} : vector<10000x128xi32>
    %convert_element_type3A = arith.sitofp %iota3A : vector<10000x128xi32> to vector<10000x128xf32>
    %eq3A = vector.broadcast %get3A_11 : vector<10000x1xf32> to vector<10000x128xf32>
    %eq3A_12 = arith.cmpf oeq, %eq3A, %convert_element_type3A : vector<10000x128xf32>
    %jit3A = arith.constant 1.000000e+00 : f32
    %jit3A_13 = arith.constant 0.000000e+00 : f32
    %broadcast_in_dim3A = vector.broadcast %jit3A : f32 to vector<10000x128xf32>
    %broadcast_in_dim3A_14 = vector.broadcast %jit3A_13 : f32 to vector<10000x128xf32>
    %select_n3A = arith.select %eq3A_12, %broadcast_in_dim3A, %broadcast_in_dim3A_14 : vector<10000x128xi1>, vector<10000x128xf32>
    %broadcast_in_dim3A_15 = arith.constant 1.000000e+00 : f32
    %broadcast_in_dim3A_16 = vector.broadcast %broadcast_in_dim3A_15 : f32 to vector<10000x1xf32>
    %dot_general3A = arith.constant dense<0.000000e+00> : vector<128x1xf32>
    %dot_general3A_17 = tpu.matmul %select_n3A, %broadcast_in_dim3A_16, %dot_general3A {dimension_numbers = #tpu.dot_dimension_numbers<[0], [0], [1], [1], [0, 1, 1, 1], [], []>, transpose_lhs_hint = false} : vector<10000x128xf32>, vector<10000x1xf32>, vector<128x1xf32> -> vector<128x1xf32>
    %max3A = arith.constant 1.000000e+00 : f32
    %max3A_18 = vector.broadcast %max3A : f32 to vector<128x1xf32>
    %max3A_19 = arith.maximumf %dot_general3A_17, %max3A_18 : vector<128x1xf32>
    %dot_general3A_20 = arith.constant dense<0.000000e+00> : vector<128x128xf32>
    %dot_general3A_21 = tpu.matmul %select_n3A, %add3A_8, %dot_general3A_20 {dimension_numbers = #tpu.dot_dimension_numbers<[0], [0], [1], [1], [0, 1, 1, 1], [], []>, transpose_lhs_hint = false} : vector<10000x128xf32>, vector<10000x128xf32>, vector<128x128xf32> -> vector<128x128xf32>
    %div3A = vector.broadcast %max3A_19 : vector<128x1xf32> to vector<128x128xf32>
    %div3A_22 = arith.divf %dot_general3A_21, %div3A : vector<128x128xf32>
    %slice3A = vector.extract_strided_slice %div3A_22 {offsets = [0, 0], sizes = [64, 128], strides = [1, 1]} : vector<128x128xf32> to vector<64x128xf32>
    %get3A_23 = arith.constant 0 : index
    %get3A_24 = arith.constant 0 : index
    %get3A_25 = vector.load %arg4[%get3A_23, %get3A_24] : memref<64x16xf32, #tpu.memory_space<vmem>>, vector<64x16xf32>
    %concatenate3A = tpu.concatenate %slice3A, %get3A_25 in 1 : vector<64x128xf32>, vector<64x16xf32> -> vector<64x144xf32>
    %mul3A = arith.constant 0.999994993 : f32
    %mul3A_26 = vector.broadcast %mul3A : f32 to vector<64x144xf32>
    %mul3A_27 = arith.mulf %concatenate3A, %mul3A_26 : vector<64x144xf32>
    %get3A_28 = arith.constant 0 : index
    %get3A_29 = arith.constant 0 : index
    %get3A_30 = vector.load %arg5[%get3A_28, %get3A_29] : memref<144x128xf32, #tpu.memory_space<vmem>>, vector<144x128xf32>
    %dot_general3A_31 = arith.constant dense<0.000000e+00> : vector<64x128xf32>
    %dot_general3A_32 = tpu.matmul %mul3A_27, %get3A_30, %dot_general3A_31 {dimension_numbers = #tpu.dot_dimension_numbers<[1], [0], [0], [1], [0, 0, 1, 1], [], []>, transpose_lhs_hint = false} : vector<64x144xf32>, vector<144x128xf32>, vector<64x128xf32> -> vector<64x128xf32>
    %get3A_33 = arith.constant 0 : index
    %get3A_34 = arith.constant 0 : index
    %get3A_35 = vector.load %arg6[%get3A_33, %get3A_34] : memref<1x128xf32, #tpu.memory_space<vmem>>, vector<1x128xf32>
    %add3A_36 = vector.broadcast %get3A_35 : vector<1x128xf32> to vector<64x128xf32>
    %add3A_37 = arith.addf %dot_general3A_32, %add3A_36 : vector<64x128xf32>
    %max3A_38 = arith.constant 0.000000e+00 : f32
    %max3A_39 = vector.broadcast %max3A_38 : f32 to vector<64x128xf32>
    %max3A_40 = arith.maximumf %add3A_37, %max3A_39 : vector<64x128xf32>
    %mul3A_41 = arith.constant 0.999994993 : f32
    %mul3A_42 = vector.broadcast %mul3A_41 : f32 to vector<64x128xf32>
    %mul3A_43 = arith.mulf %max3A_40, %mul3A_42 : vector<64x128xf32>
    %get3A_44 = arith.constant 0 : index
    %get3A_45 = arith.constant 0 : index
    %get3A_46 = vector.load %arg7[%get3A_44, %get3A_45] : memref<128x128xf32, #tpu.memory_space<vmem>>, vector<128x128xf32>
    %dot_general3A_47 = arith.constant dense<0.000000e+00> : vector<64x128xf32>
    %dot_general3A_48 = tpu.matmul %mul3A_43, %get3A_46, %dot_general3A_47 {dimension_numbers = #tpu.dot_dimension_numbers<[1], [0], [0], [1], [0, 0, 1, 1], [], []>, transpose_lhs_hint = false} : vector<64x128xf32>, vector<128x128xf32>, vector<64x128xf32> -> vector<64x128xf32>
    %get3A_49 = arith.constant 0 : index
    %get3A_50 = arith.constant 0 : index
    %get3A_51 = vector.load %arg8[%get3A_49, %get3A_50] : memref<1x128xf32, #tpu.memory_space<vmem>>, vector<1x128xf32>
    %add3A_52 = vector.broadcast %get3A_51 : vector<1x128xf32> to vector<64x128xf32>
    %add3A_53 = arith.addf %dot_general3A_48, %add3A_52 : vector<64x128xf32>
    %max3A_54 = arith.constant 0.000000e+00 : f32
    %max3A_55 = vector.broadcast %max3A_54 : f32 to vector<64x128xf32>
    %max3A_56 = arith.maximumf %add3A_53, %max3A_55 : vector<64x128xf32>
    %mul3A_57 = arith.constant 0.999994993 : f32
    %mul3A_58 = vector.broadcast %mul3A_57 : f32 to vector<64x128xf32>
    %mul3A_59 = arith.mulf %max3A_56, %mul3A_58 : vector<64x128xf32>
    %get3A_60 = arith.constant 0 : index
    %get3A_61 = arith.constant 0 : index
    %get3A_62 = vector.load %arg9[%get3A_60, %get3A_61] : memref<128x10xf32, #tpu.memory_space<vmem>>, vector<128x10xf32>
    %dot_general3A_63 = arith.constant dense<0.000000e+00> : vector<64x10xf32>
    %dot_general3A_64 = tpu.matmul %mul3A_59, %get3A_62, %dot_general3A_63 {dimension_numbers = #tpu.dot_dimension_numbers<[1], [0], [0], [1], [0, 0, 1, 1], [], []>, transpose_lhs_hint = false} : vector<64x128xf32>, vector<128x10xf32>, vector<64x10xf32> -> vector<64x10xf32>
    %get3A_65 = arith.constant 0 : index
    %get3A_66 = arith.constant 0 : index
    %get3A_67 = vector.load %arg10[%get3A_65, %get3A_66] : memref<1x10xf32, #tpu.memory_space<vmem>>, vector<1x10xf32>
    %add3A_68 = vector.broadcast %get3A_67 : vector<1x10xf32> to vector<64x10xf32>
    %add3A_69 = arith.addf %dot_general3A_64, %add3A_68 : vector<64x10xf32>
    %swap3A = arith.constant 0 : index
    %swap3A_70 = arith.constant 0 : index
    %swap3A_71 = vector.load %arg11[%swap3A, %swap3A_70] : memref<64x10xf32, #tpu.memory_space<vmem>>, vector<64x10xf32>
    tpu.vector_store %arg11[%swap3A, %swap3A_70], %add3A_69 {strides = array<i32>} : memref<64x10xf32, #tpu.memory_space<vmem>>, vector<64x10xf32>,
    return
  }
}

</mosaic_0001>

<sc_bundles>
// kernel: kernel.20.cloned.1.call-start
scs
__scs_entry_jumppad:
0x0: {  	(pc) =	sbr.rel $0x88, $3  }
0x1: {  	(tag) =	ssettag $0x0;
	lr =	simm.s32 $0x1  }
0x2: {  	[smem:$0x3F73] =	sst lr;
	_ =	strace $0xD0000000  }
0x3: {  	_ = 	snop  }
0x4: {  	_ = 	snop  }
0x5: {  	_ = 	snop  }
0x6: {  	_ = 	snop  }
0x7: {  	_ = 	snop  }
__scs_overlays_trampoline_lowered:
0x8: {  	[smem:$0x3F82] =	sst s0  }
0x9: {  	[smem:$0x3F83] =	sst s1  }
0xa: {  	[smem:$0x3F84] =	sst s2  }
0xb: {  	[smem:$0x3F85] =	sst s3  }
0xc: {  	[smem:$0x3F86] =	sst s4  }
0xd: {  	[smem:$0x3F87] =	sst s5  }
0xe: {  	[smem:$0x3F88] =	sst s6  }
0xf: {  	[smem:$0x3F89] =	sst s7  }
0x10: {  	[smem:$0x3F8A] =	sst s8  }
0x11: {  	[smem:$0x3F8B] =	sst s9;
	s0 =	simm.s32 @!p0 $0x0  }
0x12: {  	s1 =	sld [smem:$0x3F71];
	s0 =	simm.s32 @p0 $0x1  }
0x13: {  	[smem:$0x3F8C] =	sst s0;
	s0 =	simm.s32 @!p1 $0x0  }
0x14: {  	s2 =	sld [smem:$0x3F70];
	s0 =	simm.s32 @p1 $0x1  }
0x15: {  	[smem:$0x3F8D] =	sst s0;
	s0 =	simm.s32 @!p2 $0x0  }
0x16: {  	s3 =	sld [smem:$0x3FDB];
	s0 =	simm.s32 @p2 $0x1  }
0x17: {  	s4 =	simm.s32 $0x1BF5;
	[smem:$0x3F8F] =	sst s0  }
0x18: {  	s0 =	sld [smem:$0x3F72];
	_ =	swait.ge [sflag:s4], $0x0  }
0x19: {  	s7 =	sld [smem:$0x3F73]  }
0x1a: {  	s8 =	sadd.s32 $0xFFFFE003, lr  }
0x1b: {  	s9 =	sadd.s32 $0xFFFFFEF7, lr;
	s5 =	simm.s32 $0xFFFFFFFF;
	p2 =	slt.u32 s8, $0xFFFFF086  }
0x1c: {  	p1 =	slt.u32 s9, $0xF7A;
	s5 =	simm.s32 @!p2 $0x0  }
0x1d: {  	s5 =	simm.s32 @p1 $0x1;
	p0 =	seq.s32 s7, s2  }
0x1e: {  	s7 =	smul.u32 @!p0 $0xF7A, s2;
	p2 =	seq.s32 @!p0 s5, $0x0  }
0x1f: {  	s9 =	smul.u32 $0xF7A, s1;
	s8 =	simm.s32 @!p0 $0x1BF5;
	p2 =	por !p2, p0  }
0x20: {  	[sflag:s8] =	ssyncset.s32 @!p0 $0xFFFFF086;
	s6 =	sadd.s32 @!p0 s3, s7;
	s7 =	simm.s32 @!p0 $0x108  }
0x21: {  	s3 =	sadd.s32 s3, s9;
	s6 =	sadd.s32 @!p0 $0x88, s6;
	s7 =	simm.s32 @p2 $0x1082  }
0x22: {  	[simem:s7], [sflag:s8] =	dma.local @!p0 [hbm:s6], $0xF7A  }
0x23: {  	s9 =	sor.u32 $0xD0000000, s2;
	s6 =	simm.s32 $0x108;
	_ =	swait.ge @!p0 [sflag:s8], $0x0  }
0x24: {  	s3 =	sadd.s32 $0x88, s3;
	s6 =	simm.s32 @!p1 $0x1082;
	[sflag:s4] =	ssyncset.s32 $0xFFFFF086  }
0x25: {  	[simem:s6], [sflag:s4] =	dma.local [hbm:s3], $0xF7A  }
0x26: {  	[smem:$0x3F73] =	sst s1;
	(tag) =	ssettag s2;
	_ =	strace s9  }
0x27: {  	s1 =	sld [smem:$0x3F83]  }
0x28: {  	s2 =	sld [smem:$0x3F84]  }
0x29: {  	s4 =	sld [smem:$0x3F86]  }
0x2a: {  	p0 =	seq.s32 s5, $0x0;
	s5 =	sld [smem:$0x3F87]  }
0x2b: {  	s6 =	sld [smem:$0x3F88]  }
0x2c: {  	s7 =	sld [smem:$0x3F89]  }
0x2d: {  	s3 =	simm.s32 $0x108;
	s8 =	sld [smem:$0x3F8A]  }
0x2e: {  	s3 =	simm.s32 @!p0 $0x1082;
	s9 =	sld [smem:$0x3F8B]  }
0x2f: {  	lr =	sadd.s32 s0, s3;
	s0 =	sld [smem:$0x3F82]  }
0x30: {  	s3 =	sld [smem:$0x3F85]  }
0x31: {  	[smem:$0x3F8E] =	sst s10  }
0x32: {  	s10 =	sld [smem:$0x3F8C];
	_ =	sdelay $0x3  }
0x33: {  	p0 =	seq.s32 s10, $0x1;
	s10 =	sld [smem:$0x3F8E];
	_ =	sdelay $0x3  }
0x34: {  	[smem:$0x3F8E] =	sst s10  }
0x35: {  	s10 =	sld [smem:$0x3F8D];
	_ =	sdelay $0x3  }
0x36: {  	p1 =	seq.s32 s10, $0x1;
	s10 =	sld [smem:$0x3F8E];
	_ =	sdelay $0x3  }
0x37: {  	[smem:$0x3F8E] =	sst s10  }
0x38: {  	s10 =	sld [smem:$0x3F8F]  }
0x39: {  	_ = 	snop;
	(pc) =	sbr.ind lr, $3  }
0x3a: {  	_ = 	snop  }
0x3b: {  	_ = 	snop  }
0x3c: {  	p2 =	seq.s32 s10, $0x1;
	s10 =	sld [smem:$0x3F8E]  }
0x3d: {  	_ =	shalt  }
0x3e: {  	_ =	shalt  }
0x3f: {  	_ =	shalt  }
0x40: {  	_ =	shalt  }
0x41: {  	_ =	shalt  }
0x42: {  	_ =	shalt  }
0x43: {  	_ =	shalt  }
0x44: {  	_ =	shalt  }
0x45: {  	_ =	shalt  }
0x46: {  	_ =	shalt  }
0x47: {  	_ =	shalt  }
0x48: {  	_ =	shalt  }
0x49: {  	_ =	shalt  }
0x4a: {  	_ =	shalt  }
0x4b: {  	_ =	shalt  }
0x4c: {  	_ =	shalt  }
0x4d: {  	_ =	shalt  }
0x4e: {  	_ =	shalt  }
0x4f: {  	_ =	shalt  }
0x50: {  	_ =	shalt  }
0x51: {  	_ =	shalt  }
0x52: {  	_ =	shalt  }
0x53: {  	_ =	shalt  }
0x54: {  	_ =	shalt  }
0x55: {  	_ =	shalt  }
0x56: {  	_ =	shalt  }
0x57: {  	_ =	shalt  }
0x58: {  	_ =	shalt  }
0x59: {  	_ =	shalt  }
0x5a: {  	_ =	shalt  }
0x5b: {  	_ =	shalt  }
0x5c: {  	_ =	shalt  }
0x5d: {  	_ =	shalt  }
0x5e: {  	_ =	shalt  }
0x5f: {  	_ =	shalt  }
0x60: {  	_ =	shalt  }
0x61: {  	_ =	shalt  }
0x62: {  	_ =	shalt  }
0x63: {  	_ =	shalt  }
0x64: {  	_ =	shalt  }
0x65: {  	_ =	shalt  }
0x66: {  	_ =	shalt  }
0x67: {  	_ =	shalt  }
0x68: {  	_ =	shalt  }
0x69: {  	_ =	shalt  }
0x6a: {  	_ =	shalt  }
0x6b: {  	_ =	shalt  }
0x6c: {  	_ =	shalt  }
0x6d: {  	_ =	shalt  }
0x6e: {  	_ =	shalt  }
0x6f: {  	_ =	shalt  }
0x70: {  	_ =	shalt  }
0x71: {  	_ =	shalt  }
0x72: {  	_ =	shalt  }
0x73: {  	_ =	shalt  }
0x74: {  	_ =	shalt  }
0x75: {  	_ =	shalt  }
0x76: {  	_ =	shalt  }
0x77: {  	_ =	shalt  }
0x78: {  	_ =	shalt  }
0x79: {  	_ =	shalt  }
0x7a: {  	_ =	shalt  }
0x7b: {  	_ =	shalt  }
0x7c: {  	_ =	shalt  }
0x7d: {  	_ =	shalt  }
0x7e: {  	_ =	shalt  }
0x7f: {  	_ =	shalt  }
0x80: {  	_ =	shalt  }
0x81: {  	_ =	shalt  }
0x82: {  	_ =	shalt  }
0x83: {  	_ =	shalt  }
0x84: {  	_ =	shalt  }
0x85: {  	_ =	shalt  }
0x86: {  	_ =	shalt  }
0x87: {  	_ =	shalt  }
.Lfunc_end0:
.L_simem_size_0:
called_computation_lowered:
.L_overlay_start_0:
0x88: {  	s2 =	sld [smem:$0x3FD9]  }
0x89: {  	s3 =	sld [smem:$0x3FFE];
	_ =	sdelay $0x1  }
0x8a: {  	s1 =	srdreg.scid  }
0x8b: {  	s0 =	sand.u32 $0x1, s1  }
0x8c: {  	s16 =	sshll.u32 s0, $0xA;
	s2 =	sadd.s32 s3, s2  }
0x8d: {  	s2 =	sadd.s32 s2, s16  }
0x8e: {  	[smem:$0x3F9A] =	sst s2  }
0x8f: {  	_ = 	snop  }
0x90: {  	(tm) =	ssettm $0x1  }
0x91: {  	s17 =	sld [smem:$0x3FFB];
	_ =	sdelay $0x3  }
0x92: {  	_ =	strace s17  }
0x93: {  	s2 =	sld [smem:$0x3FFC];
	_ =	sdelay $0x3  }
0x94: {  	_ =	strace s2  }
0x95: {  	s2 =	sld [smem:$0x3FFD];
	_ =	sdelay $0x3  }
0x96: {  	_ =	strace s2  }
0x97: {  	_ =	strace $0x8FFFFFFF  }
0x98: {  	s18 =	sld [smem:$0x3FDB];
	_ =	sdelay $0x1  }
0x99: {  	s19 =	simm.s32 $_scs_section_size  }
0x9a: {  	s4 =	simm.s32 $_size__tile_overlayer_lowered;
	s5 =	simm.s32 $_tile_overlayer_lowered  }
0x9b: {  	s22 =	simm.s32 $0x1BFF;
	s21 =	sshll.u32 s5, $0x1;
	s2 =	sadd.s32 s19, s18  }
0x9c: {  	s6 =	simm.s32 $0x0;
	s20 =	sshll.u32 s4, $0x1;
	s4 =	sadd.s32 s21, s2  }
0x9d: {  	[timem:s6], [sflag:s22] =	dma.local [hbm:s4], s20  }
0x9e: {  	_ =	swait.ge [sflag:s22], s20  }
0x9f: {  	s3 =	ssub.s32 $0x0, s20;
	[sflag:s22] =	ssyncset.done $0x0  }
0xa0: {  	[sflag:s22] =	ssyncadd.s32 s3;
	_ =	sdelay $0x1  }
0xa1: {  	s23 =	simm.s32 $0x1B8B  }
0xa2: {  	_ =	swait.ge [sflag:s23], $0x1  }
0xa3: {  	[sflag:s23] =	ssyncset.done $0x0  }
0xa4: {  	s25 =	simm.s32 $0x1B8E;
	s24 =	sld [smem:$0x3FFE];
	[sflag:s23] =	ssyncadd.s32 $0xFFFFFFFF  }
0xa5: {  	s26 =	simm.s32 $execute0_lowered;
	[smem:$0x3FD2] =	sst s25  }
0xa6: {  	s4 =	sshll.u32 s26, $0x1;
	_ =	strace $0x80000046;
	[dreg:$0x1] =	wrdreg $0xFFFFFFFF  }
0xa7: {  	s28 =	simm.s32 $_size_execute0_lowered;
	s2 =	sadd.s32 s2, s4;
	[dreg:$0x0] =	wrdreg $0x0  }
0xa8: {  	s4 =	sshll.u32 s28, $0x1;
	[dreg:$0x2] =	wrdreg s2  }
0xa9: {  	[dreg:$0x3] =	wrdreg s4  }
0xaa: {  	[dreg:$0x4] =	wrdreg $0xC0  }
0xab: {  	_ =	task [dreg:s6], $0x5FFFF  }
0xac: {  	[dreg:$0x1] =	wrdreg $0xFFFFFFFF  }
0xad: {  	[dreg:$0x0] =	wrdreg $0x60  }
0xae: {  	[dreg:$0x2] =	wrdreg s24  }
0xaf: {  	[dreg:$0x3] =	wrdreg $0x9  }
0xb0: {  	_ =	task.clear_ibuf [dreg:s6], $0x4FFFF;
	_ =	strace $0x90000046  }
0xb1: {  	s29 =	simm.s32 $0x9;
	_ =	strace $0x8000004F  }
0xb2: {  	_ =	swait.ge [sflag:s29], $0x1  }
0xb3: {  	[sflag:s29] =	ssyncadd.s32 $0xFFFFFFFF  }
0xb4: {  	_ =	strace $0x9000004F  }
0xb5: {  	_ =	sfence  }
0xb6: {  	s30 =	sld [smem:$0x0];
	_ =	sdelay $0x2  }
0xb7: {  	s31 =	sshll.u32 s1, $0xD;
	s1 =	sshrl.u32 s1, $0x2  }
0xb8: {  	s3 =	sand.u32 $0x4000, s31;
	s1 =	sadd.s32 s1, s30  }
0xb9: {  	s0 =	sor.u32 s3, s0;
	s1 =	sshll.u32 s1, $0x11  }
0xba: {  	s0 =	sor.u32 s1, s0  }
0xbb: {  	s0 =	sadd.s32 $0x8F2B, s0  }
0xbc: {  	[sflag:s0] =	ssyncadd.remote.s32 $0x1  }
0xbd: {  	_ =	sfence.sel $0xFFFF  }
0xbe: {  	[dreg:$0x0] =	wrdreg $0xFFFFFFFF;
	(pc) =	sbr.abs _section_cstart, $3  }
0xbf: {  	[dreg:$0x1] =	wrdreg $0xFFFFFFFF  }
0xc0: {  	_ =	task.clear_ibuf [dreg:s6], $0x2FFFF;
	_ =	strace $0x9FFFFFFF  }
0xc1: {  	(tm) =	ssettm $0x7FFFFFFF  }
tec
execute0_lowered:
.L_overlay_start_1:
0x0: {  	(tag) =	ssettag $0x1  }
0x1: {  	s4 =	rddreg [dreg:$0x0];
	s1 =	srdreg.scid  }
0x2: {  	s0 =	rddreg [dreg:$0x1];
	s2 =	simm.s32 $0x0;
	s9 =	simm.s32 $0x1  }
0x3: {  	s10 =	simm.s32 $0x80;
	s11 =	simm.s32 $0x0;
	s5 =	sand.u32 $0x1, s1  }
0x4: {  	s1 =	stileid.u32;
	[smem:$0x7FF] =	sst s2;
	s3 =	sshll.u32 s5, $0x4  }
0x5: {  	s6 =	sadd.s32 $0x68800, s4;
	s8 =	sadd.s32 $0xB6A00, s4;
	s3 =	sor.u32 s1, s3  }
0x6: {  	_ =	strace $0x80000047;
	[dreg:$0x2] =	wrdreg s6;
	s7 =	smul.u32 $0x4E, s3  }
0x7: {  	s4 =	sadd.s32 $0x37800, s4;
	[dreg:$0x4] =	wrdreg s8;
	s6 =	smul.u32 $0x4F, s3  }
0x8: {  	s29 =	ssub.s32 $0x2, s5;
	p0 =	slt.u32 s3, $0x4;
	s3 =	sadd.s32 $0x4, s7  }
0x9: {  	s5 =	simm.s32 $0x4F;
	[dreg:$0x3] =	wrdreg s10;
	s3 =	smov.u32 @p0 s6  }
0xa: {  	s10 =	simm.s32 $0x5;
	s31 =	sshrl.u32 s29, $0x1;
	s30 =	sshll.u32 s3, $0x4  }
0xb: {  	s8 =	ssub.s32 s29, s31;
	s5 =	simm.s32 @!p0 $0x4E;
	s7 =	sand.u32 $0x1FFFFFF0, s30  }
0xc: {  	s8 =	smax.u32 s8, $0x1;
	s6 =	sadd.s32 s4, s7;
	s7 =	sadd.s32 $0xFFFFFFFF, s5  }
.LBB2_1:
0xd: {  	_ =	strace $0x80000048;
	p2 =	sne.s32 s5, $0x1  }
.Ltmp0:
0xe: {  	p0 =	seq.s32 s5, $0x1;
	s13 =	simm.s32 $0x1;
	(pc) =	sbr.rel @!p2 .LBB2_2-.Ltmp0, $4  }
0xf: {  	[tilespmem:s2], [sflag:$0x1] =	stream.linear.gather [hbm4b:s6+s2], $0x80, $0x200038;
	[tilespmem:$0x8100] =	vst v63  }
0x10: {  	s12 =	simm.s32 $0x1;
	p1 =	por $0x1, $0x1;
	s13 =	simm.s32 @p0 $0x0  }
0x11: {  	p6 =	sgt.u32 s7, $0x0;
	p4 =	por p1, p1;
	p3 =	sne.s32 s13, $0x0  }
0x12: {  	_ =	strace $0x90000048;
	p5 =	por !p6, !p3;
	p6 =	por $0x0, $0x0  }
0x13: {  	p2 =	por !p5, !p5  }
0x14: {  	s21 =	sand.u32 $0x1, s2;
	s19 =	simm.s32 $0x2;
	s14 =	sadd.s32 @p2 s3, s13  }
0x15: {  	p1 =	por p3, p3;
	s15 =	sand.u32 @p2 $0x1, s9;
	s14 =	sshll.u32 @p2 s14, $0x4  }
0x16: {  	_ =	strace @p2 $0x80000049;
	s17 =	simm.s32 @p2 $0x0;
	s14 =	sand.u32 @p2 $0x1FFFFFF0, s14  }
0x17: {  	s16 =	sshll.u32 @p2 s15, $0x7;
	s15 =	sadd.s32 @p2 $0x1, s15;
	s14 =	sadd.s32 @p2 s4, s14  }
0x18: {  	[tilespmem:s16], [sflag:s15] =	stream.linear.gather @p2 [hbm4b:s14+s17], $0x80, $0x200038;
	[tilespmem:$0x8100] =	vst v63  }
0x19: {  	s30 =	simm.s32 $0x0;
	p6 =	por $0x0, $0x0;
	_ =	strace @p2 $0x90000049  }
0x1a: {  	p0 =	sne.s32 s5, $0x2;
	s29 =	sadd.s32 $0x1, s21;
	_ =	strace $0x8000004A  }
0x1b: {  	s24 =	sadd.s32 $0x0, s3;
	p5 =	sgt.u32 s7, $0x1;
	_ =	swait.ge [sflag:s29], $0x80  }
0x1c: {  	s23 =	simm.s32 $0x1;
	s22 =	sshll.u32 s21, $0xE;
	[sflag:s29] =	ssyncset.done $0x0  }
0x1d: {  	s22 =	sor.u32 $0x100, s22;
	s16 =	sand.u32 @!p4 $0x1, s2;
	[sflag:s29] =	ssyncadd.s32 $0xFFFFFF80  }
0x1e: {  	s15 =	simm.s32 $0x1;
	s17 =	sadd.s32 $0x1, s13;
	_ =	strace $0x9000004A  }
0x1f: {  	s14 =	sand.u32 $0x80, s30;
	s15 =	simm.s32 @!p2 $0x0;
	_ =	strace $0x8000004B  }
0x20: {  	p2 =	por p4, p4;
	p4 =	por p6, p6;
	s20 =	rddreg [dreg:$0x3]  }
0x21: {  	p3 =	seq.s32 s17, s5;
	p6 =	seq.s32 s7, $0x0;
	s31 =	rddreg [dreg:$0x2]  }
0x22: {  	[tilespmem:s22], [sflag:$0x5] =	stream.indirect.gather [hbm4b:s31+s20], $0x80, s14, s20, $0x2000b8;
	[tilespmem:$0x8100] =	vst v63  }
.Ltmp1:
0x23: {  	s18 =	sadd.s32 $0x1, s15;
	s17 =	simm.s32 @p3 $0x0;
	(pc) =	sbr.rel @!p0 .LBB2_4-.Ltmp1, $4  }
0x24: {  	p1 =	por p6, p1;
	p6 =	por $0x0, $0x0;
	_ =	swait.ge [sflag:s10], $0x4000  }
0x25: {  	s15 =	simm.s32 $0x0;
	p3 =	sne.s32 s13, s17;
	[sflag:s10] =	ssyncset.done $0x0  }
0x26: {  	s23 =	simm.s32 @!p6 $0x0;
	p5 =	por !p5, !p3;
	[sflag:s10] =	ssyncadd.s32 $0xFFFFC000  }
0x27: {  	s14 =	simm.s32 $0x0;
	s20 =	simm.s32 $0x0;
	_ =	strace $0x9000004B  }
.LBB2_5:
0x28: {  	_ =	strace @p1 $0x8000004C;
	s14 =	sadd.s32 s23, s14;
	s23 =	smov.u32 s12  }
0x29: {  	s12 =	smov.u32 s19;
	s19 =	sadd.s32 $0x1, s19;
	p0 =	por p3, p3  }
0x2a: {  	s29 =	sshll.u32 @p1 s24, $0xB;
	s21 =	sadd.s32 @p1 $0x3, s21;
	s25 =	simm.s32 @!p0 $0x0  }
0x2b: {  	s26 =	rddreg [dreg:$0x4];
	s29 =	sand.u32 @p1 $0x1FFFF800, s29;
	s25 =	simm.s32 @p0 $0x1  }
0x2c: {  	s26 =	sadd.s32 @p1 s26, s29;
	s29 =	simm.s32 @p1 $0x0;
	p0 =	sne.s32 s5, s19  }
0x2d: {  	[hbm4b:s26+s29] =	stream.linear.scatter @p1 [tilespmem:s22], [sflag:s21], $0x4000, $0x200038;
	[tilespmem:$0x8100] =	vst v63  }
0x2e: {  	s21 =	sadd.s32 @!p2 $0x3, s16;
	s16 =	simm.s32 @!p0 $0x0  }
0x2f: {  	s28 =	simm.s32 $0x1;
	[smem:$0x7FC] =	sst s25;
	s16 =	simm.s32 @p0 $0x1  }
0x30: {  	s28 =	simm.s32 @!p1 $0x0;
	_ =	strace @p1 $0x9000004C;
	[smem:$0x7FD] =	sst s16  }
0x31: {  	s20 =	sadd.s32 s28, s20;
	s25 =	sand.u32 @!p4 $0x1, s14;
	_ =	strace @!p2 $0x8000004D  }
0x32: {  	p1 =	por !p5, !p5;
	s16 =	smov.u32 s25;
	_ =	swait.ge @!p2 [sflag:s21], $0x4000  }
0x33: {  	s22 =	sand.u32 @p1 $0x1, s18;
	s25 =	sadd.s32 @p1 s3, s17;
	[sflag:s21] =	ssyncset.done @!p2 $0x0  }
0x34: {  	s26 =	sshll.u32 @p1 s22, $0x7;
	s25 =	sshll.u32 @p1 s25, $0x4;
	[sflag:s21] =	ssyncadd.s32 @!p2 $0xFFFFC000  }
0x35: {  	s21 =	sadd.s32 @p1 $0x1, s22;
	s22 =	sand.u32 @p1 $0x1FFFFFF0, s25;
	_ =	strace @!p2 $0x9000004D  }
0x36: {  	s25 =	simm.s32 @p1 $0x0;
	s22 =	sadd.s32 @p1 s4, s22;
	_ =	strace @p1 $0x80000049  }
0x37: {  	[tilespmem:s26], [sflag:s21] =	stream.linear.gather @p1 [hbm4b:s22+s25], $0x80, $0x200038;
	[tilespmem:$0x8100] =	vst v63  }
0x38: {  	s15 =	sadd.s32 s28, s15;
	s28 =	sand.u32 $0x1, s20;
	_ =	strace @p1 $0x90000049  }
0x39: {  	s28 =	sadd.s32 $0x1, s28;
	_ =	strace $0x8000004A  }
0x3a: {  	_ =	swait.ge [sflag:s28], $0x80  }
0x3b: {  	[sflag:s28] =	ssyncset.done $0x0  }
0x3c: {  	s21 =	simm.s32 $0x1;
	[sflag:s28] =	ssyncadd.s32 $0xFFFFFF80  }
0x3d: {  	s21 =	simm.s32 @!p1 $0x0;
	_ =	strace $0x9000004A  }
0x3e: {  	s18 =	sadd.s32 s21, s18;
	s21 =	sand.u32 $0x1, s15;
	_ =	strace $0x8000004B  }
0x3f: {  	s31 =	sshll.u32 s20, $0x7;
	s29 =	sshll.u32 s21, $0xE;
	s25 =	rddreg [dreg:$0x3]  }
0x40: {  	s31 =	sand.u32 $0x80, s31;
	s22 =	sor.u32 $0x100, s29;
	s26 =	rddreg [dreg:$0x2]  }
0x41: {  	[tilespmem:s22], [sflag:$0x5] =	stream.indirect.gather [hbm4b:s26+s25], $0x80, s31, s25, $0x2000b8;
	[tilespmem:$0x8100] =	vst v63  }
0x42: {  	_ =	swait.ge [sflag:s10], $0x4000  }
0x43: {  	[sflag:s10] =	ssyncset.done $0x0  }
0x44: {  	[sflag:s10] =	ssyncadd.s32 $0xFFFFC000  }
0x45: {  	s30 =	sadd.s32 $0x1, s17;
	_ =	strace $0x9000004B  }
0x46: {  	s24 =	sadd.s32 s3, s13;
	s13 =	smov.u32 s17;
	s31 =	sld [smem:$0x7FD]  }
0x47: {  	p0 =	sne.s32 s23, $0x0;
	s17 =	smov.u32 s30;
	p1 =	seq.s32 s30, s5  }
0x48: {  	s17 =	simm.s32 @p1 $0x0;
	p1 =	seq.s32 s7, s23;
	s23 =	simm.s32 $0x1  }
0x49: {  	s23 =	simm.s32 @!p0 $0x0;
	p0 =	seq.s32 s31, $0x1  }
.Ltmp2:
0x4a: {  	s30 =	sld [smem:$0x7FC];
	(pc) =	sbr.rel @p0 .LBB2_5-.Ltmp2, $4  }
0x4b: {  	p3 =	seq.s32 s12, $0x0  }
0x4c: {  	p6 =	por p3, p3;
	p5 =	slt.u32 s12, s7  }
0x4d: {  	p2 =	por p4, p4;
	p3 =	sne.s32 s13, s17;
	p4 =	seq.s32 s30, $0x1  }
0x4e: {  	p5 =	por !p5, !p3;
	p1 =	por p1, p4;
	p4 =	por p6, p6  }
0x4f: {  	p6 =	por $0x1, $0x1  }
.LBB2_7:
0x50: {  	p0 =	por !p1, !p6  }
0x51: {  	s25 =	simm.s32 $0x1;
	_ =	strace @!p0 $0x8000004C;
	s24 =	sshll.u32 @!p0 s24, $0xB  }
0x52: {  	p2 =	por p2, !p6;
	s19 =	rddreg [dreg:$0x4];
	s24 =	sand.u32 @!p0 $0x1FFFF800, s24  }
0x53: {  	s21 =	sadd.s32 @!p0 $0x3, s21;
	s19 =	sadd.s32 @!p0 s19, s24;
	s24 =	simm.s32 @!p0 $0x0  }
0x54: {  	[hbm4b:s19+s24] =	stream.linear.scatter @!p0 [tilespmem:s22], [sflag:s21], $0x4000, $0x200038;
	[tilespmem:$0x8100] =	vst v63  }
0x55: {  	p1 =	por !p5, !p5;
	s25 =	simm.s32 @p0 $0x0;
	_ =	strace @!p0 $0x9000004C  }
0x56: {  	s16 =	sadd.s32 @!p2 $0x3, s16;
	s17 =	sadd.s32 @p1 s3, s17;
	_ =	strace @!p2 $0x8000004D  }
0x57: {  	s18 =	sand.u32 @p1 $0x1, s18;
	s17 =	sshll.u32 @p1 s17, $0x4;
	_ =	swait.ge @!p2 [sflag:s16], $0x4000  }
0x58: {  	s17 =	sand.u32 @p1 $0x1FFFFFF0, s17;
	s19 =	sadd.s32 @p6 s25, s20;
	[sflag:s16] =	ssyncset.done @!p2 $0x0  }
0x59: {  	s20 =	simm.s32 $0x0;
	s17 =	sadd.s32 @p1 s4, s17;
	[sflag:s16] =	ssyncadd.s32 @!p2 $0xFFFFC000  }
0x5a: {  	s20 =	smov.u32 @p6 s19;
	s19 =	sshll.u32 @p1 s18, $0x7;
	_ =	strace @!p2 $0x9000004D  }
0x5b: {  	s16 =	sadd.s32 @p1 $0x1, s18;
	s18 =	simm.s32 @p1 $0x0;
	_ =	strace @p1 $0x80000049  }
0x5c: {  	[tilespmem:s19], [sflag:s16] =	stream.linear.gather @p1 [hbm4b:s17+s18], $0x80, $0x200038;
	[tilespmem:$0x8100] =	vst v63  }
0x5d: {  	s26 =	sand.u32 $0x1, s20;
	_ =	strace @p1 $0x90000049  }
0x5e: {  	s16 =	sadd.s32 $0x1, s26;
	_ =	strace $0x8000004A  }
0x5f: {  	_ =	swait.ge [sflag:s16], $0x80  }
0x60: {  	[sflag:s16] =	ssyncset.done $0x0  }
0x61: {  	s15 =	sadd.s32 @p6 s25, s15;
	[sflag:s16] =	ssyncadd.s32 $0xFFFFFF80;
	s16 =	simm.s32 $0x0  }
0x62: {  	_ =	strace $0x9000004A;
	s16 =	smov.u32 @p6 s15  }
0x63: {  	_ =	strace $0x8000004B;
	s16 =	sand.u32 $0x1, s16  }
0x64: {  	s30 =	sshll.u32 s20, $0x7;
	s28 =	rddreg [dreg:$0x3];
	s31 =	sshll.u32 s16, $0xE  }
0x65: {  	s18 =	sand.u32 $0x80, s30;
	s29 =	rddreg [dreg:$0x2];
	s19 =	sor.u32 $0x100, s31  }
0x66: {  	[tilespmem:s19], [sflag:$0x5] =	stream.indirect.gather [hbm4b:s29+s28], $0x80, s18, s28, $0x2000b8;
	[tilespmem:$0x8100] =	vst v63  }
0x67: {  	_ =	swait.ge [sflag:s10], $0x4000  }
0x68: {  	p3 =	por p3, p3;
	[sflag:s10] =	ssyncset.done $0x0  }
0x69: {  	p5 =	seq.s32 s7, s12;
	s13 =	sadd.s32 s3, s13;
	[sflag:s10] =	ssyncadd.s32 $0xFFFFC000  }
0x6a: {  	s14 =	sadd.s32 @p6 s23, s14;
	p1 =	por p5, p3;
	_ =	strace $0x9000004B  }
0x6b: {  	s17 =	simm.s32 $0x0;
	s13 =	sshll.u32 @p1 s13, $0xB;
	_ =	strace @p1 $0x8000004C  }
0x6c: {  	s17 =	smov.u32 @p6 s14;
	s13 =	sand.u32 @p1 $0x1FFFF800, s13;
	s15 =	rddreg [dreg:$0x4]  }
0x6d: {  	s14 =	sadd.s32 @p1 $0x3, s16;
	s13 =	sadd.s32 @p1 s15, s13;
	s15 =	simm.s32 @p1 $0x0  }
0x6e: {  	[hbm4b:s13+s15] =	stream.linear.scatter @p1 [tilespmem:s19], [sflag:s14], $0x4000, $0x200038;
	[tilespmem:$0x8100] =	vst v63  }
0x6f: {  	p0 =	por p4, p4;
	s13 =	sand.u32 @!p4 $0x1, s17;
	_ =	strace @p1 $0x9000004C  }
0x70: {  	s13 =	sadd.s32 @!p0 $0x3, s13;
	_ =	strace @!p0 $0x8000004D  }
0x71: {  	p1 =	sne.s32 s12, $0x0;
	s12 =	simm.s32 $0x1;
	_ =	swait.ge @!p0 [sflag:s13], $0x4000  }
0x72: {  	s12 =	simm.s32 @!p1 $0x0;
	[sflag:s13] =	ssyncset.done @!p0 $0x0  }
0x73: {  	s11 =	sadd.s32 $0x1, s11;
	s12 =	sadd.s32 s12, s17;
	[sflag:s13] =	ssyncadd.s32 @!p0 $0xFFFFC000  }
0x74: {  	s12 =	sand.u32 $0x1, s12;
	_ =	strace @!p0 $0x9000004D;
	p0 =	sne.s32 s11, s8  }
.Ltmp3:
0x75: {  	s12 =	sadd.s32 $0x3, s12;
	_ =	strace $0x8000004E;
	(pc) =	sbr.rel @p0 .LBB2_1-.Ltmp3, $4  }
.Ltmp4:
0x76: {  	_ =	swait.ge [sflag:s12], $0x4000;
	(pc) =	sbr.rel @!p0 .LBB2_8-.Ltmp4, $4  }
0x77: {  	[sflag:s12] =	ssyncset.done $0x0  }
0x78: {  	[sflag:s12] =	ssyncadd.s32 $0xFFFFC000  }
0x79: {  	_ =	strace $0x9000004E  }
0x7a: {  	_ = 	snop  }
.LBB2_2:
.Ltmp5:
0x7b: {  	(pc) =	sbr.rel .LBB2_7-.Ltmp5, $4  }
0x7c: {  	_ = 	snop  }
0x7d: {  	s14 =	simm.s32 $0x0  }
0x7e: {  	s12 =	simm.s32 $0x0;
	s15 =	simm.s32 $0x0;
	s17 =	smov.u32 s13  }
0x7f: {  	s20 =	simm.s32 $0x0;
	s18 =	simm.s32 $0x1;
	s13 =	simm.s32 $0x0  }
.LBB2_4:
.Ltmp6:
0x80: {  	(pc) =	sbr.rel .LBB2_7-.Ltmp6, $3  }
0x81: {  	_ =	sdelay $0x1  }
0x82: {  	s14 =	simm.s32 $0x0  }
0x83: {  	s15 =	simm.s32 $0x0;
	s20 =	simm.s32 $0x0;
	p6 =	por $0x1, $0x1  }
.LBB2_8:
0x84: {  	_ =	sfence.sel $0x180000  }
0x85: {  	[bflag:$0x0] =	sbarrier.arrive $0xFFFF  }
0x86: {  	p0 =	sne.s32 s1, $0x0;
	_ =	strace $0x90000047  }
0x87: {  	s0 =	sadd.s32 @!p0 $0x100000, s0;
	[bflag:$0x2] =	sbarrier.arrive $0xFFFF  }
0x88: {  	[sflag:s0] =	ssyncadd.tile.s32 @!p0 $0x1;
	_ =	shalt  }
.Lfunc_end2:
_tile_overlayer_lowered:
.L_overlay_start_2:
0x89: {  	(tag) =	ssettag $0x2  }
0x8a: {  	s0 =	rddreg [dreg:$0x0];
	s2 =	stileid.u32  }
0x8b: {  	s1 =	rddreg [dreg:$0x1];
	p0 =	sne.s32 s2, $0x0  }
0x8c: {  	s3 =	rddreg [dreg:$0x2];
	[bflag:$0x3] =	sbarrier.arrive $0xFFFF;
	s2 =	simm.s32 @!p0 $0x1C01  }
0x8d: {  	[timem:s3], [sflag:s2] =	dma.local @!p0 [hbm:s0], s1  }
0x8e: {  	s0 =	simm.s32 @!p0 $0x1  }
0x8f: {  	_ =	swait.ge @!p0 [sflag:s0], s1  }
0x90: {  	s1 =	ssub.s32 @!p0 $0x0, s1;
	[sflag:s0] =	ssyncset.done @!p0 $0x0  }
0x91: {  	[sflag:s0] =	ssyncadd.s32 @!p0 s1  }
0x92: {  	[bflag:$0x3] =	sbarrier.arrive $0xFFFF  }
0x93: {  	_ =	shalt  }

// kernel: kernel.23.cloned.1.call-start
scs
__scs_entry_jumppad:
0x0: {  	(pc) =	sbr.rel $0x88, $3  }
0x1: {  	(tag) =	ssettag $0x0;
	lr =	simm.s32 $0x1  }
0x2: {  	[smem:$0x3F73] =	sst lr;
	_ =	strace $0xD0000000  }
0x3: {  	_ = 	snop  }
0x4: {  	_ = 	snop  }
0x5: {  	_ = 	snop  }
0x6: {  	_ = 	snop  }
0x7: {  	_ = 	snop  }
__scs_overlays_trampoline_lowered:
0x8: {  	[smem:$0x3F82] =	sst s0  }
0x9: {  	[smem:$0x3F83] =	sst s1  }
0xa: {  	[smem:$0x3F84] =	sst s2  }
0xb: {  	[smem:$0x3F85] =	sst s3  }
0xc: {  	[smem:$0x3F86] =	sst s4  }
0xd: {  	[smem:$0x3F87] =	sst s5  }
0xe: {  	[smem:$0x3F88] =	sst s6  }
0xf: {  	[smem:$0x3F89] =	sst s7  }
0x10: {  	[smem:$0x3F8A] =	sst s8  }
0x11: {  	[smem:$0x3F8B] =	sst s9;
	s0 =	simm.s32 @!p0 $0x0  }
0x12: {  	s1 =	sld [smem:$0x3F71];
	s0 =	simm.s32 @p0 $0x1  }
0x13: {  	[smem:$0x3F8C] =	sst s0;
	s0 =	simm.s32 @!p1 $0x0  }
0x14: {  	s2 =	sld [smem:$0x3F70];
	s0 =	simm.s32 @p1 $0x1  }
0x15: {  	[smem:$0x3F8D] =	sst s0;
	s0 =	simm.s32 @!p2 $0x0  }
0x16: {  	s3 =	sld [smem:$0x3FDB];
	s0 =	simm.s32 @p2 $0x1  }
0x17: {  	s4 =	simm.s32 $0x1BF5;
	[smem:$0x3F8F] =	sst s0  }
0x18: {  	s0 =	sld [smem:$0x3F72];
	_ =	swait.ge [sflag:s4], $0x0  }
0x19: {  	s7 =	sld [smem:$0x3F73]  }
0x1a: {  	s8 =	sadd.s32 $0xFFFFE003, lr  }
0x1b: {  	s9 =	sadd.s32 $0xFFFFFEF7, lr;
	s5 =	simm.s32 $0xFFFFFFFF;
	p2 =	slt.u32 s8, $0xFFFFF086  }
0x1c: {  	p1 =	slt.u32 s9, $0xF7A;
	s5 =	simm.s32 @!p2 $0x0  }
0x1d: {  	s5 =	simm.s32 @p1 $0x1;
	p0 =	seq.s32 s7, s2  }
0x1e: {  	s7 =	smul.u32 @!p0 $0xF7A, s2;
	p2 =	seq.s32 @!p0 s5, $0x0  }
0x1f: {  	s9 =	smul.u32 $0xF7A, s1;
	s8 =	simm.s32 @!p0 $0x1BF5;
	p2 =	por !p2, p0  }
0x20: {  	[sflag:s8] =	ssyncset.s32 @!p0 $0xFFFFF086;
	s6 =	sadd.s32 @!p0 s3, s7;
	s7 =	simm.s32 @!p0 $0x108  }
0x21: {  	s3 =	sadd.s32 s3, s9;
	s6 =	sadd.s32 @!p0 $0x88, s6;
	s7 =	simm.s32 @p2 $0x1082  }
0x22: {  	[simem:s7], [sflag:s8] =	dma.local @!p0 [hbm:s6], $0xF7A  }
0x23: {  	s9 =	sor.u32 $0xD0000000, s2;
	s6 =	simm.s32 $0x108;
	_ =	swait.ge @!p0 [sflag:s8], $0x0  }
0x24: {  	s3 =	sadd.s32 $0x88, s3;
	s6 =	simm.s32 @!p1 $0x1082;
	[sflag:s4] =	ssyncset.s32 $0xFFFFF086  }
0x25: {  	[simem:s6], [sflag:s4] =	dma.local [hbm:s3], $0xF7A  }
0x26: {  	[smem:$0x3F73] =	sst s1;
	(tag) =	ssettag s2;
	_ =	strace s9  }
0x27: {  	s1 =	sld [smem:$0x3F83]  }
0x28: {  	s2 =	sld [smem:$0x3F84]  }
0x29: {  	s4 =	sld [smem:$0x3F86]  }
0x2a: {  	p0 =	seq.s32 s5, $0x0;
	s5 =	sld [smem:$0x3F87]  }
0x2b: {  	s6 =	sld [smem:$0x3F88]  }
0x2c: {  	s7 =	sld [smem:$0x3F89]  }
0x2d: {  	s3 =	simm.s32 $0x108;
	s8 =	sld [smem:$0x3F8A]  }
0x2e: {  	s3 =	simm.s32 @!p0 $0x1082;
	s9 =	sld [smem:$0x3F8B]  }
0x2f: {  	lr =	sadd.s32 s0, s3;
	s0 =	sld [smem:$0x3F82]  }
0x30: {  	s3 =	sld [smem:$0x3F85]  }
0x31: {  	[smem:$0x3F8E] =	sst s10  }
0x32: {  	s10 =	sld [smem:$0x3F8C];
	_ =	sdelay $0x3  }
0x33: {  	p0 =	seq.s32 s10, $0x1;
	s10 =	sld [smem:$0x3F8E];
	_ =	sdelay $0x3  }
0x34: {  	[smem:$0x3F8E] =	sst s10  }
0x35: {  	s10 =	sld [smem:$0x3F8D];
	_ =	sdelay $0x3  }
0x36: {  	p1 =	seq.s32 s10, $0x1;
	s10 =	sld [smem:$0x3F8E];
	_ =	sdelay $0x3  }
0x37: {  	[smem:$0x3F8E] =	sst s10  }
0x38: {  	s10 =	sld [smem:$0x3F8F]  }
0x39: {  	_ = 	snop;
	(pc) =	sbr.ind lr, $3  }
0x3a: {  	_ = 	snop  }
0x3b: {  	_ = 	snop  }
0x3c: {  	p2 =	seq.s32 s10, $0x1;
	s10 =	sld [smem:$0x3F8E]  }
0x3d: {  	_ =	shalt  }
0x3e: {  	_ =	shalt  }
0x3f: {  	_ =	shalt  }
0x40: {  	_ =	shalt  }
0x41: {  	_ =	shalt  }
0x42: {  	_ =	shalt  }
0x43: {  	_ =	shalt  }
0x44: {  	_ =	shalt  }
0x45: {  	_ =	shalt  }
0x46: {  	_ =	shalt  }
0x47: {  	_ =	shalt  }
0x48: {  	_ =	shalt  }
0x49: {  	_ =	shalt  }
0x4a: {  	_ =	shalt  }
0x4b: {  	_ =	shalt  }
0x4c: {  	_ =	shalt  }
0x4d: {  	_ =	shalt  }
0x4e: {  	_ =	shalt  }
0x4f: {  	_ =	shalt  }
0x50: {  	_ =	shalt  }
0x51: {  	_ =	shalt  }
0x52: {  	_ =	shalt  }
0x53: {  	_ =	shalt  }
0x54: {  	_ =	shalt  }
0x55: {  	_ =	shalt  }
0x56: {  	_ =	shalt  }
0x57: {  	_ =	shalt  }
0x58: {  	_ =	shalt  }
0x59: {  	_ =	shalt  }
0x5a: {  	_ =	shalt  }
0x5b: {  	_ =	shalt  }
0x5c: {  	_ =	shalt  }
0x5d: {  	_ =	shalt  }
0x5e: {  	_ =	shalt  }
0x5f: {  	_ =	shalt  }
0x60: {  	_ =	shalt  }
0x61: {  	_ =	shalt  }
0x62: {  	_ =	shalt  }
0x63: {  	_ =	shalt  }
0x64: {  	_ =	shalt  }
0x65: {  	_ =	shalt  }
0x66: {  	_ =	shalt  }
0x67: {  	_ =	shalt  }
0x68: {  	_ =	shalt  }
0x69: {  	_ =	shalt  }
0x6a: {  	_ =	shalt  }
0x6b: {  	_ =	shalt  }
0x6c: {  	_ =	shalt  }
0x6d: {  	_ =	shalt  }
0x6e: {  	_ =	shalt  }
0x6f: {  	_ =	shalt  }
0x70: {  	_ =	shalt  }
0x71: {  	_ =	shalt  }
0x72: {  	_ =	shalt  }
0x73: {  	_ =	shalt  }
0x74: {  	_ =	shalt  }
0x75: {  	_ =	shalt  }
0x76: {  	_ =	shalt  }
0x77: {  	_ =	shalt  }
0x78: {  	_ =	shalt  }
0x79: {  	_ =	shalt  }
0x7a: {  	_ =	shalt  }
0x7b: {  	_ =	shalt  }
0x7c: {  	_ =	shalt  }
0x7d: {  	_ =	shalt  }
0x7e: {  	_ =	shalt  }
0x7f: {  	_ =	shalt  }
0x80: {  	_ =	shalt  }
0x81: {  	_ =	shalt  }
0x82: {  	_ =	shalt  }
0x83: {  	_ =	shalt  }
0x84: {  	_ =	shalt  }
0x85: {  	_ =	shalt  }
0x86: {  	_ =	shalt  }
0x87: {  	_ =	shalt  }
.Lfunc_end0:
.L_simem_size_0:
called_computation.1_lowered:
.L_overlay_start_0:
0x88: {  	s2 =	sld [smem:$0x3FD9]  }
0x89: {  	s3 =	sld [smem:$0x3FFE];
	_ =	sdelay $0x1  }
0x8a: {  	s1 =	srdreg.scid  }
0x8b: {  	s0 =	sand.u32 $0x1, s1  }
0x8c: {  	s16 =	sshll.u32 s0, $0xA;
	s2 =	sadd.s32 s3, s2  }
0x8d: {  	s2 =	sadd.s32 s2, s16  }
0x8e: {  	[smem:$0x3F9A] =	sst s2  }
0x8f: {  	_ = 	snop  }
0x90: {  	(tm) =	ssettm $0x1  }
0x91: {  	s17 =	sld [smem:$0x3FFB];
	_ =	sdelay $0x3  }
0x92: {  	_ =	strace s17  }
0x93: {  	s2 =	sld [smem:$0x3FFC];
	_ =	sdelay $0x3  }
0x94: {  	_ =	strace s2  }
0x95: {  	s2 =	sld [smem:$0x3FFD];
	_ =	sdelay $0x3  }
0x96: {  	_ =	strace s2  }
0x97: {  	_ =	strace $0x8FFFFFFF  }
0x98: {  	s18 =	sld [smem:$0x3FDB];
	_ =	sdelay $0x1  }
0x99: {  	s19 =	simm.s32 $_scs_section_size  }
0x9a: {  	s4 =	simm.s32 $_size__tile_overlayer_lowered;
	s5 =	simm.s32 $_tile_overlayer_lowered  }
0x9b: {  	s22 =	simm.s32 $0x1BFF;
	s21 =	sshll.u32 s5, $0x1;
	s2 =	sadd.s32 s19, s18  }
0x9c: {  	s6 =	simm.s32 $0x0;
	s20 =	sshll.u32 s4, $0x1;
	s4 =	sadd.s32 s21, s2  }
0x9d: {  	[timem:s6], [sflag:s22] =	dma.local [hbm:s4], s20  }
0x9e: {  	_ =	swait.ge [sflag:s22], s20  }
0x9f: {  	s3 =	ssub.s32 $0x0, s20;
	[sflag:s22] =	ssyncset.done $0x0  }
0xa0: {  	[sflag:s22] =	ssyncadd.s32 s3;
	_ =	sdelay $0x1  }
0xa1: {  	s23 =	simm.s32 $0x1B8B  }
0xa2: {  	_ =	swait.ge [sflag:s23], $0x1  }
0xa3: {  	[sflag:s23] =	ssyncset.done $0x0  }
0xa4: {  	s25 =	simm.s32 $0x1B8E;
	s24 =	sld [smem:$0x3FFE];
	[sflag:s23] =	ssyncadd.s32 $0xFFFFFFFF  }
0xa5: {  	s26 =	simm.s32 $execute0_lowered;
	[smem:$0x3FD2] =	sst s25  }
0xa6: {  	s4 =	sshll.u32 s26, $0x1;
	_ =	strace $0x80000050;
	[dreg:$0x1] =	wrdreg $0xFFFFFFFF  }
0xa7: {  	s28 =	simm.s32 $_size_execute0_lowered;
	s2 =	sadd.s32 s2, s4;
	[dreg:$0x0] =	wrdreg $0x0  }
0xa8: {  	s4 =	sshll.u32 s28, $0x1;
	[dreg:$0x2] =	wrdreg s2  }
0xa9: {  	[dreg:$0x3] =	wrdreg s4  }
0xaa: {  	[dreg:$0x4] =	wrdreg $0xC0  }
0xab: {  	_ =	task [dreg:s6], $0x5FFFF  }
0xac: {  	[dreg:$0x1] =	wrdreg $0xFFFFFFFF  }
0xad: {  	[dreg:$0x0] =	wrdreg $0x60  }
0xae: {  	[dreg:$0x2] =	wrdreg s24  }
0xaf: {  	[dreg:$0x3] =	wrdreg $0x9  }
0xb0: {  	_ =	task.clear_ibuf [dreg:s6], $0x4FFFF;
	_ =	strace $0x90000050  }
0xb1: {  	s29 =	simm.s32 $0x9;
	_ =	strace $0x80000059  }
0xb2: {  	_ =	swait.ge [sflag:s29], $0x1  }
0xb3: {  	[sflag:s29] =	ssyncadd.s32 $0xFFFFFFFF  }
0xb4: {  	_ =	strace $0x90000059  }
0xb5: {  	_ =	sfence  }
0xb6: {  	s30 =	sld [smem:$0x0];
	_ =	sdelay $0x2  }
0xb7: {  	s31 =	sshll.u32 s1, $0xD;
	s1 =	sshrl.u32 s1, $0x2  }
0xb8: {  	s3 =	sand.u32 $0x4000, s31;
	s1 =	sadd.s32 s1, s30  }
0xb9: {  	s0 =	sor.u32 s3, s0;
	s1 =	sshll.u32 s1, $0x11  }
0xba: {  	s0 =	sor.u32 s1, s0  }
0xbb: {  	s0 =	sadd.s32 $0x8F2B, s0  }
0xbc: {  	[sflag:s0] =	ssyncadd.remote.s32 $0x1  }
0xbd: {  	_ =	sfence.sel $0xFFFF  }
0xbe: {  	[dreg:$0x0] =	wrdreg $0xFFFFFFFF;
	(pc) =	sbr.abs _section_cstart, $3  }
0xbf: {  	[dreg:$0x1] =	wrdreg $0xFFFFFFFF  }
0xc0: {  	_ =	task.clear_ibuf [dreg:s6], $0x2FFFF;
	_ =	strace $0x9FFFFFFF  }
0xc1: {  	(tm) =	ssettm $0x7FFFFFFF  }
tec
execute0_lowered:
.L_overlay_start_1:
0x0: {  	(tag) =	ssettag $0x1  }
0x1: {  	s4 =	rddreg [dreg:$0x0];
	s1 =	srdreg.scid  }
0x2: {  	s0 =	rddreg [dreg:$0x1];
	s2 =	simm.s32 $0x0;
	s9 =	simm.s32 $0x1  }
0x3: {  	s10 =	simm.s32 $0x80;
	s11 =	simm.s32 $0x0;
	s5 =	sand.u32 $0x1, s1  }
0x4: {  	s1 =	stileid.u32;
	[smem:$0x7FF] =	sst s2;
	s3 =	sshll.u32 s5, $0x4  }
0x5: {  	s6 =	sadd.s32 $0x35200, s4;
	s8 =	sadd.s32 $0x83400, s4;
	s3 =	sor.u32 s1, s3  }
0x6: {  	_ =	strace $0x80000051;
	[dreg:$0x2] =	wrdreg s6;
	s7 =	smul.u32 $0x9, s3  }
0x7: {  	s4 =	sadd.s32 $0x33E00, s4;
	[dreg:$0x4] =	wrdreg s8;
	s6 =	smul.u32 $0xA, s3  }
0x8: {  	s29 =	ssub.s32 $0x2, s5;
	p0 =	slt.u32 s3, $0x19;
	s3 =	sadd.s32 $0x19, s7  }
0x9: {  	s5 =	simm.s32 $0xA;
	[dreg:$0x3] =	wrdreg s10;
	s3 =	smov.u32 @p0 s6  }
0xa: {  	s10 =	simm.s32 $0x5;
	s31 =	sshrl.u32 s29, $0x1;
	s30 =	sshll.u32 s3, $0x4  }
0xb: {  	s8 =	ssub.s32 s29, s31;
	s5 =	simm.s32 @!p0 $0x9;
	s7 =	sand.u32 $0x1FFFFFF0, s30  }
0xc: {  	s8 =	smax.u32 s8, $0x1;
	s6 =	sadd.s32 s4, s7;
	s7 =	sadd.s32 $0xFFFFFFFF, s5  }
.LBB2_1:
0xd: {  	_ =	strace $0x80000052;
	p2 =	sne.s32 s5, $0x1  }
.Ltmp0:
0xe: {  	p0 =	seq.s32 s5, $0x1;
	s13 =	simm.s32 $0x1;
	(pc) =	sbr.rel @!p2 .LBB2_2-.Ltmp0, $4  }
0xf: {  	[tilespmem:s2], [sflag:$0x1] =	stream.linear.gather [hbm4b:s6+s2], $0x80, $0x200038;
	[tilespmem:$0x8100] =	vst v63  }
0x10: {  	s12 =	simm.s32 $0x1;
	p1 =	por $0x1, $0x1;
	s13 =	simm.s32 @p0 $0x0  }
0x11: {  	p6 =	sgt.u32 s7, $0x0;
	p4 =	por p1, p1;
	p3 =	sne.s32 s13, $0x0  }
0x12: {  	_ =	strace $0x90000052;
	p5 =	por !p6, !p3;
	p6 =	por $0x0, $0x0  }
0x13: {  	p2 =	por !p5, !p5  }
0x14: {  	s21 =	sand.u32 $0x1, s2;
	s19 =	simm.s32 $0x2;
	s14 =	sadd.s32 @p2 s3, s13  }
0x15: {  	p1 =	por p3, p3;
	s15 =	sand.u32 @p2 $0x1, s9;
	s14 =	sshll.u32 @p2 s14, $0x4  }
0x16: {  	_ =	strace @p2 $0x80000053;
	s17 =	simm.s32 @p2 $0x0;
	s14 =	sand.u32 @p2 $0x1FFFFFF0, s14  }
0x17: {  	s16 =	sshll.u32 @p2 s15, $0x7;
	s15 =	sadd.s32 @p2 $0x1, s15;
	s14 =	sadd.s32 @p2 s4, s14  }
0x18: {  	[tilespmem:s16], [sflag:s15] =	stream.linear.gather @p2 [hbm4b:s14+s17], $0x80, $0x200038;
	[tilespmem:$0x8100] =	vst v63  }
0x19: {  	s30 =	simm.s32 $0x0;
	p6 =	por $0x0, $0x0;
	_ =	strace @p2 $0x90000053  }
0x1a: {  	p0 =	sne.s32 s5, $0x2;
	s29 =	sadd.s32 $0x1, s21;
	_ =	strace $0x80000054  }
0x1b: {  	s24 =	sadd.s32 $0x0, s3;
	p5 =	sgt.u32 s7, $0x1;
	_ =	swait.ge [sflag:s29], $0x80  }
0x1c: {  	s23 =	simm.s32 $0x1;
	s22 =	sshll.u32 s21, $0xE;
	[sflag:s29] =	ssyncset.done $0x0  }
0x1d: {  	s22 =	sor.u32 $0x100, s22;
	s16 =	sand.u32 @!p4 $0x1, s2;
	[sflag:s29] =	ssyncadd.s32 $0xFFFFFF80  }
0x1e: {  	s15 =	simm.s32 $0x1;
	s17 =	sadd.s32 $0x1, s13;
	_ =	strace $0x90000054  }
0x1f: {  	s14 =	sand.u32 $0x80, s30;
	s15 =	simm.s32 @!p2 $0x0;
	_ =	strace $0x80000055  }
0x20: {  	p2 =	por p4, p4;
	p4 =	por p6, p6;
	s20 =	rddreg [dreg:$0x3]  }
0x21: {  	p3 =	seq.s32 s17, s5;
	p6 =	seq.s32 s7, $0x0;
	s31 =	rddreg [dreg:$0x2]  }
0x22: {  	[tilespmem:s22], [sflag:$0x5] =	stream.indirect.gather [hbm4b:s31+s20], $0x80, s14, s20, $0x2000b8;
	[tilespmem:$0x8100] =	vst v63  }
.Ltmp1:
0x23: {  	s18 =	sadd.s32 $0x1, s15;
	s17 =	simm.s32 @p3 $0x0;
	(pc) =	sbr.rel @!p0 .LBB2_4-.Ltmp1, $4  }
0x24: {  	p1 =	por p6, p1;
	p6 =	por $0x0, $0x0;
	_ =	swait.ge [sflag:s10], $0x4000  }
0x25: {  	s15 =	simm.s32 $0x0;
	p3 =	sne.s32 s13, s17;
	[sflag:s10] =	ssyncset.done $0x0  }
0x26: {  	s23 =	simm.s32 @!p6 $0x0;
	p5 =	por !p5, !p3;
	[sflag:s10] =	ssyncadd.s32 $0xFFFFC000  }
0x27: {  	s14 =	simm.s32 $0x0;
	s20 =	simm.s32 $0x0;
	_ =	strace $0x90000055  }
.LBB2_5:
0x28: {  	_ =	strace @p1 $0x80000056;
	s14 =	sadd.s32 s23, s14;
	s23 =	smov.u32 s12  }
0x29: {  	s12 =	smov.u32 s19;
	s19 =	sadd.s32 $0x1, s19;
	p0 =	por p3, p3  }
0x2a: {  	s29 =	sshll.u32 @p1 s24, $0xB;
	s21 =	sadd.s32 @p1 $0x3, s21;
	s25 =	simm.s32 @!p0 $0x0  }
0x2b: {  	s26 =	rddreg [dreg:$0x4];
	s29 =	sand.u32 @p1 $0x1FFFF800, s29;
	s25 =	simm.s32 @p0 $0x1  }
0x2c: {  	s26 =	sadd.s32 @p1 s26, s29;
	s29 =	simm.s32 @p1 $0x0;
	p0 =	sne.s32 s5, s19  }
0x2d: {  	[hbm4b:s26+s29] =	stream.linear.scatter @p1 [tilespmem:s22], [sflag:s21], $0x4000, $0x200038;
	[tilespmem:$0x8100] =	vst v63  }
0x2e: {  	s21 =	sadd.s32 @!p2 $0x3, s16;
	s16 =	simm.s32 @!p0 $0x0  }
0x2f: {  	s28 =	simm.s32 $0x1;
	[smem:$0x7FC] =	sst s25;
	s16 =	simm.s32 @p0 $0x1  }
0x30: {  	s28 =	simm.s32 @!p1 $0x0;
	_ =	strace @p1 $0x90000056;
	[smem:$0x7FD] =	sst s16  }
0x31: {  	s20 =	sadd.s32 s28, s20;
	s25 =	sand.u32 @!p4 $0x1, s14;
	_ =	strace @!p2 $0x80000057  }
0x32: {  	p1 =	por !p5, !p5;
	s16 =	smov.u32 s25;
	_ =	swait.ge @!p2 [sflag:s21], $0x4000  }
0x33: {  	s22 =	sand.u32 @p1 $0x1, s18;
	s25 =	sadd.s32 @p1 s3, s17;
	[sflag:s21] =	ssyncset.done @!p2 $0x0  }
0x34: {  	s26 =	sshll.u32 @p1 s22, $0x7;
	s25 =	sshll.u32 @p1 s25, $0x4;
	[sflag:s21] =	ssyncadd.s32 @!p2 $0xFFFFC000  }
0x35: {  	s21 =	sadd.s32 @p1 $0x1, s22;
	s22 =	sand.u32 @p1 $0x1FFFFFF0, s25;
	_ =	strace @!p2 $0x90000057  }
0x36: {  	s25 =	simm.s32 @p1 $0x0;
	s22 =	sadd.s32 @p1 s4, s22;
	_ =	strace @p1 $0x80000053  }
0x37: {  	[tilespmem:s26], [sflag:s21] =	stream.linear.gather @p1 [hbm4b:s22+s25], $0x80, $0x200038;
	[tilespmem:$0x8100] =	vst v63  }
0x38: {  	s15 =	sadd.s32 s28, s15;
	s28 =	sand.u32 $0x1, s20;
	_ =	strace @p1 $0x90000053  }
0x39: {  	s28 =	sadd.s32 $0x1, s28;
	_ =	strace $0x80000054  }
0x3a: {  	_ =	swait.ge [sflag:s28], $0x80  }
0x3b: {  	[sflag:s28] =	ssyncset.done $0x0  }
0x3c: {  	s21 =	simm.s32 $0x1;
	[sflag:s28] =	ssyncadd.s32 $0xFFFFFF80  }
0x3d: {  	s21 =	simm.s32 @!p1 $0x0;
	_ =	strace $0x90000054  }
0x3e: {  	s18 =	sadd.s32 s21, s18;
	s21 =	sand.u32 $0x1, s15;
	_ =	strace $0x80000055  }
0x3f: {  	s31 =	sshll.u32 s20, $0x7;
	s29 =	sshll.u32 s21, $0xE;
	s25 =	rddreg [dreg:$0x3]  }
0x40: {  	s31 =	sand.u32 $0x80, s31;
	s22 =	sor.u32 $0x100, s29;
	s26 =	rddreg [dreg:$0x2]  }
0x41: {  	[tilespmem:s22], [sflag:$0x5] =	stream.indirect.gather [hbm4b:s26+s25], $0x80, s31, s25, $0x2000b8;
	[tilespmem:$0x8100] =	vst v63  }
0x42: {  	_ =	swait.ge [sflag:s10], $0x4000  }
0x43: {  	[sflag:s10] =	ssyncset.done $0x0  }
0x44: {  	[sflag:s10] =	ssyncadd.s32 $0xFFFFC000  }
0x45: {  	s30 =	sadd.s32 $0x1, s17;
	_ =	strace $0x90000055  }
0x46: {  	s24 =	sadd.s32 s3, s13;
	s13 =	smov.u32 s17;
	s31 =	sld [smem:$0x7FD]  }
0x47: {  	p0 =	sne.s32 s23, $0x0;
	s17 =	smov.u32 s30;
	p1 =	seq.s32 s30, s5  }
0x48: {  	s17 =	simm.s32 @p1 $0x0;
	p1 =	seq.s32 s7, s23;
	s23 =	simm.s32 $0x1  }
0x49: {  	s23 =	simm.s32 @!p0 $0x0;
	p0 =	seq.s32 s31, $0x1  }
.Ltmp2:
0x4a: {  	s30 =	sld [smem:$0x7FC];
	(pc) =	sbr.rel @p0 .LBB2_5-.Ltmp2, $4  }
0x4b: {  	p3 =	seq.s32 s12, $0x0  }
0x4c: {  	p6 =	por p3, p3;
	p5 =	slt.u32 s12, s7  }
0x4d: {  	p2 =	por p4, p4;
	p3 =	sne.s32 s13, s17;
	p4 =	seq.s32 s30, $0x1  }
0x4e: {  	p5 =	por !p5, !p3;
	p1 =	por p1, p4;
	p4 =	por p6, p6  }
0x4f: {  	p6 =	por $0x1, $0x1  }
.LBB2_7:
0x50: {  	p0 =	por !p1, !p6  }
0x51: {  	s25 =	simm.s32 $0x1;
	_ =	strace @!p0 $0x80000056;
	s24 =	sshll.u32 @!p0 s24, $0xB  }
0x52: {  	p2 =	por p2, !p6;
	s19 =	rddreg [dreg:$0x4];
	s24 =	sand.u32 @!p0 $0x1FFFF800, s24  }
0x53: {  	s21 =	sadd.s32 @!p0 $0x3, s21;
	s19 =	sadd.s32 @!p0 s19, s24;
	s24 =	simm.s32 @!p0 $0x0  }
0x54: {  	[hbm4b:s19+s24] =	stream.linear.scatter @!p0 [tilespmem:s22], [sflag:s21], $0x4000, $0x200038;
	[tilespmem:$0x8100] =	vst v63  }
0x55: {  	p1 =	por !p5, !p5;
	s25 =	simm.s32 @p0 $0x0;
	_ =	strace @!p0 $0x90000056  }
0x56: {  	s16 =	sadd.s32 @!p2 $0x3, s16;
	s17 =	sadd.s32 @p1 s3, s17;
	_ =	strace @!p2 $0x80000057  }
0x57: {  	s18 =	sand.u32 @p1 $0x1, s18;
	s17 =	sshll.u32 @p1 s17, $0x4;
	_ =	swait.ge @!p2 [sflag:s16], $0x4000  }
0x58: {  	s17 =	sand.u32 @p1 $0x1FFFFFF0, s17;
	s19 =	sadd.s32 @p6 s25, s20;
	[sflag:s16] =	ssyncset.done @!p2 $0x0  }
0x59: {  	s20 =	simm.s32 $0x0;
	s17 =	sadd.s32 @p1 s4, s17;
	[sflag:s16] =	ssyncadd.s32 @!p2 $0xFFFFC000  }
0x5a: {  	s20 =	smov.u32 @p6 s19;
	s19 =	sshll.u32 @p1 s18, $0x7;
	_ =	strace @!p2 $0x90000057  }
0x5b: {  	s16 =	sadd.s32 @p1 $0x1, s18;
	s18 =	simm.s32 @p1 $0x0;
	_ =	strace @p1 $0x80000053  }
0x5c: {  	[tilespmem:s19], [sflag:s16] =	stream.linear.gather @p1 [hbm4b:s17+s18], $0x80, $0x200038;
	[tilespmem:$0x8100] =	vst v63  }
0x5d: {  	s26 =	sand.u32 $0x1, s20;
	_ =	strace @p1 $0x90000053  }
0x5e: {  	s16 =	sadd.s32 $0x1, s26;
	_ =	strace $0x80000054  }
0x5f: {  	_ =	swait.ge [sflag:s16], $0x80  }
0x60: {  	[sflag:s16] =	ssyncset.done $0x0  }
0x61: {  	s15 =	sadd.s32 @p6 s25, s15;
	[sflag:s16] =	ssyncadd.s32 $0xFFFFFF80;
	s16 =	simm.s32 $0x0  }
0x62: {  	_ =	strace $0x90000054;
	s16 =	smov.u32 @p6 s15  }
0x63: {  	_ =	strace $0x80000055;
	s16 =	sand.u32 $0x1, s16  }
0x64: {  	s30 =	sshll.u32 s20, $0x7;
	s28 =	rddreg [dreg:$0x3];
	s31 =	sshll.u32 s16, $0xE  }
0x65: {  	s18 =	sand.u32 $0x80, s30;
	s29 =	rddreg [dreg:$0x2];
	s19 =	sor.u32 $0x100, s31  }
0x66: {  	[tilespmem:s19], [sflag:$0x5] =	stream.indirect.gather [hbm4b:s29+s28], $0x80, s18, s28, $0x2000b8;
	[tilespmem:$0x8100] =	vst v63  }
0x67: {  	_ =	swait.ge [sflag:s10], $0x4000  }
0x68: {  	p3 =	por p3, p3;
	[sflag:s10] =	ssyncset.done $0x0  }
0x69: {  	p5 =	seq.s32 s7, s12;
	s13 =	sadd.s32 s3, s13;
	[sflag:s10] =	ssyncadd.s32 $0xFFFFC000  }
0x6a: {  	s14 =	sadd.s32 @p6 s23, s14;
	p1 =	por p5, p3;
	_ =	strace $0x90000055  }
0x6b: {  	s17 =	simm.s32 $0x0;
	s13 =	sshll.u32 @p1 s13, $0xB;
	_ =	strace @p1 $0x80000056  }
0x6c: {  	s17 =	smov.u32 @p6 s14;
	s13 =	sand.u32 @p1 $0x1FFFF800, s13;
	s15 =	rddreg [dreg:$0x4]  }
0x6d: {  	s14 =	sadd.s32 @p1 $0x3, s16;
	s13 =	sadd.s32 @p1 s15, s13;
	s15 =	simm.s32 @p1 $0x0  }
0x6e: {  	[hbm4b:s13+s15] =	stream.linear.scatter @p1 [tilespmem:s19], [sflag:s14], $0x4000, $0x200038;
	[tilespmem:$0x8100] =	vst v63  }
0x6f: {  	p0 =	por p4, p4;
	s13 =	sand.u32 @!p4 $0x1, s17;
	_ =	strace @p1 $0x90000056  }
0x70: {  	s13 =	sadd.s32 @!p0 $0x3, s13;
	_ =	strace @!p0 $0x80000057  }
0x71: {  	p1 =	sne.s32 s12, $0x0;
	s12 =	simm.s32 $0x1;
	_ =	swait.ge @!p0 [sflag:s13], $0x4000  }
0x72: {  	s12 =	simm.s32 @!p1 $0x0;
	[sflag:s13] =	ssyncset.done @!p0 $0x0  }
0x73: {  	s11 =	sadd.s32 $0x1, s11;
	s12 =	sadd.s32 s12, s17;
	[sflag:s13] =	ssyncadd.s32 @!p0 $0xFFFFC000  }
0x74: {  	s12 =	sand.u32 $0x1, s12;
	_ =	strace @!p0 $0x90000057;
	p0 =	sne.s32 s11, s8  }
.Ltmp3:
0x75: {  	s12 =	sadd.s32 $0x3, s12;
	_ =	strace $0x80000058;
	(pc) =	sbr.rel @p0 .LBB2_1-.Ltmp3, $4  }
.Ltmp4:
0x76: {  	_ =	swait.ge [sflag:s12], $0x4000;
	(pc) =	sbr.rel @!p0 .LBB2_8-.Ltmp4, $4  }
0x77: {  	[sflag:s12] =	ssyncset.done $0x0  }
0x78: {  	[sflag:s12] =	ssyncadd.s32 $0xFFFFC000  }
0x79: {  	_ =	strace $0x90000058  }
0x7a: {  	_ = 	snop  }
.LBB2_2:
.Ltmp5:
0x7b: {  	(pc) =	sbr.rel .LBB2_7-.Ltmp5, $4  }
0x7c: {  	_ = 	snop  }
0x7d: {  	s14 =	simm.s32 $0x0  }
0x7e: {  	s12 =	simm.s32 $0x0;
	s15 =	simm.s32 $0x0;
	s17 =	smov.u32 s13  }
0x7f: {  	s20 =	simm.s32 $0x0;
	s18 =	simm.s32 $0x1;
	s13 =	simm.s32 $0x0  }
.LBB2_4:
.Ltmp6:
0x80: {  	(pc) =	sbr.rel .LBB2_7-.Ltmp6, $3  }
0x81: {  	_ =	sdelay $0x1  }
0x82: {  	s14 =	simm.s32 $0x0  }
0x83: {  	s15 =	simm.s32 $0x0;
	s20 =	simm.s32 $0x0;
	p6 =	por $0x1, $0x1  }
.LBB2_8:
0x84: {  	_ =	sfence.sel $0x180000  }
0x85: {  	[bflag:$0x0] =	sbarrier.arrive $0xFFFF  }
0x86: {  	p0 =	sne.s32 s1, $0x0;
	_ =	strace $0x90000051  }
0x87: {  	s0 =	sadd.s32 @!p0 $0x100000, s0;
	[bflag:$0x2] =	sbarrier.arrive $0xFFFF  }
0x88: {  	[sflag:s0] =	ssyncadd.tile.s32 @!p0 $0x1;
	_ =	shalt  }
.Lfunc_end2:
_tile_overlayer_lowered:
.L_overlay_start_2:
0x89: {  	(tag) =	ssettag $0x2  }
0x8a: {  	s0 =	rddreg [dreg:$0x0];
	s2 =	stileid.u32  }
0x8b: {  	s1 =	rddreg [dreg:$0x1];
	p0 =	sne.s32 s2, $0x0  }
0x8c: {  	s3 =	rddreg [dreg:$0x2];
	[bflag:$0x3] =	sbarrier.arrive $0xFFFF;
	s2 =	simm.s32 @!p0 $0x1C01  }
0x8d: {  	[timem:s3], [sflag:s2] =	dma.local @!p0 [hbm:s0], s1  }
0x8e: {  	s0 =	simm.s32 @!p0 $0x1  }
0x8f: {  	_ =	swait.ge @!p0 [sflag:s0], s1  }
0x90: {  	s1 =	ssub.s32 @!p0 $0x0, s1;
	[sflag:s0] =	ssyncset.done @!p0 $0x0  }
0x91: {  	[sflag:s0] =	ssyncadd.s32 @!p0 s1  }
0x92: {  	[bflag:$0x3] =	sbarrier.arrive $0xFFFF  }
0x93: {  	_ =	shalt  }

// kernel: kernel.26.cloned.1.call-start
scs
__scs_entry_jumppad:
0x0: {  	(pc) =	sbr.rel $0x88, $3  }
0x1: {  	(tag) =	ssettag $0x0;
	lr =	simm.s32 $0x1  }
0x2: {  	[smem:$0x3F73] =	sst lr;
	_ =	strace $0xD0000000  }
0x3: {  	_ = 	snop  }
0x4: {  	_ = 	snop  }
0x5: {  	_ = 	snop  }
0x6: {  	_ = 	snop  }
0x7: {  	_ = 	snop  }
__scs_overlays_trampoline_lowered:
0x8: {  	[smem:$0x3F82] =	sst s0  }
0x9: {  	[smem:$0x3F83] =	sst s1  }
0xa: {  	[smem:$0x3F84] =	sst s2  }
0xb: {  	[smem:$0x3F85] =	sst s3  }
0xc: {  	[smem:$0x3F86] =	sst s4  }
0xd: {  	[smem:$0x3F87] =	sst s5  }
0xe: {  	[smem:$0x3F88] =	sst s6  }
0xf: {  	[smem:$0x3F89] =	sst s7  }
0x10: {  	[smem:$0x3F8A] =	sst s8  }
0x11: {  	[smem:$0x3F8B] =	sst s9;
	s0 =	simm.s32 @!p0 $0x0  }
0x12: {  	s1 =	sld [smem:$0x3F71];
	s0 =	simm.s32 @p0 $0x1  }
0x13: {  	[smem:$0x3F8C] =	sst s0;
	s0 =	simm.s32 @!p1 $0x0  }
0x14: {  	s2 =	sld [smem:$0x3F70];
	s0 =	simm.s32 @p1 $0x1  }
0x15: {  	[smem:$0x3F8D] =	sst s0;
	s0 =	simm.s32 @!p2 $0x0  }
0x16: {  	s3 =	sld [smem:$0x3FDB];
	s0 =	simm.s32 @p2 $0x1  }
0x17: {  	s4 =	simm.s32 $0x1BF5;
	[smem:$0x3F8F] =	sst s0  }
0x18: {  	s0 =	sld [smem:$0x3F72];
	_ =	swait.ge [sflag:s4], $0x0  }
0x19: {  	s7 =	sld [smem:$0x3F73]  }
0x1a: {  	s8 =	sadd.s32 $0xFFFFE003, lr  }
0x1b: {  	s9 =	sadd.s32 $0xFFFFFEF7, lr;
	s5 =	simm.s32 $0xFFFFFFFF;
	p2 =	slt.u32 s8, $0xFFFFF086  }
0x1c: {  	p1 =	slt.u32 s9, $0xF7A;
	s5 =	simm.s32 @!p2 $0x0  }
0x1d: {  	s5 =	simm.s32 @p1 $0x1;
	p0 =	seq.s32 s7, s2  }
0x1e: {  	s7 =	smul.u32 @!p0 $0xF7A, s2;
	p2 =	seq.s32 @!p0 s5, $0x0  }
0x1f: {  	s9 =	smul.u32 $0xF7A, s1;
	s8 =	simm.s32 @!p0 $0x1BF5;
	p2 =	por !p2, p0  }
0x20: {  	[sflag:s8] =	ssyncset.s32 @!p0 $0xFFFFF086;
	s6 =	sadd.s32 @!p0 s3, s7;
	s7 =	simm.s32 @!p0 $0x108  }
0x21: {  	s3 =	sadd.s32 s3, s9;
	s6 =	sadd.s32 @!p0 $0x88, s6;
	s7 =	simm.s32 @p2 $0x1082  }
0x22: {  	[simem:s7], [sflag:s8] =	dma.local @!p0 [hbm:s6], $0xF7A  }
0x23: {  	s9 =	sor.u32 $0xD0000000, s2;
	s6 =	simm.s32 $0x108;
	_ =	swait.ge @!p0 [sflag:s8], $0x0  }
0x24: {  	s3 =	sadd.s32 $0x88, s3;
	s6 =	simm.s32 @!p1 $0x1082;
	[sflag:s4] =	ssyncset.s32 $0xFFFFF086  }
0x25: {  	[simem:s6], [sflag:s4] =	dma.local [hbm:s3], $0xF7A  }
0x26: {  	[smem:$0x3F73] =	sst s1;
	(tag) =	ssettag s2;
	_ =	strace s9  }
0x27: {  	s1 =	sld [smem:$0x3F83]  }
0x28: {  	s2 =	sld [smem:$0x3F84]  }
0x29: {  	s4 =	sld [smem:$0x3F86]  }
0x2a: {  	p0 =	seq.s32 s5, $0x0;
	s5 =	sld [smem:$0x3F87]  }
0x2b: {  	s6 =	sld [smem:$0x3F88]  }
0x2c: {  	s7 =	sld [smem:$0x3F89]  }
0x2d: {  	s3 =	simm.s32 $0x108;
	s8 =	sld [smem:$0x3F8A]  }
0x2e: {  	s3 =	simm.s32 @!p0 $0x1082;
	s9 =	sld [smem:$0x3F8B]  }
0x2f: {  	lr =	sadd.s32 s0, s3;
	s0 =	sld [smem:$0x3F82]  }
0x30: {  	s3 =	sld [smem:$0x3F85]  }
0x31: {  	[smem:$0x3F8E] =	sst s10  }
0x32: {  	s10 =	sld [smem:$0x3F8C];
	_ =	sdelay $0x3  }
0x33: {  	p0 =	seq.s32 s10, $0x1;
	s10 =	sld [smem:$0x3F8E];
	_ =	sdelay $0x3  }
0x34: {  	[smem:$0x3F8E] =	sst s10  }
0x35: {  	s10 =	sld [smem:$0x3F8D];
	_ =	sdelay $0x3  }
0x36: {  	p1 =	seq.s32 s10, $0x1;
	s10 =	sld [smem:$0x3F8E];
	_ =	sdelay $0x3  }
0x37: {  	[smem:$0x3F8E] =	sst s10  }
0x38: {  	s10 =	sld [smem:$0x3F8F]  }
0x39: {  	_ = 	snop;
	(pc) =	sbr.ind lr, $3  }
0x3a: {  	_ = 	snop  }
0x3b: {  	_ = 	snop  }
0x3c: {  	p2 =	seq.s32 s10, $0x1;
	s10 =	sld [smem:$0x3F8E]  }
0x3d: {  	_ =	shalt  }
0x3e: {  	_ =	shalt  }
0x3f: {  	_ =	shalt  }
0x40: {  	_ =	shalt  }
0x41: {  	_ =	shalt  }
0x42: {  	_ =	shalt  }
0x43: {  	_ =	shalt  }
0x44: {  	_ =	shalt  }
0x45: {  	_ =	shalt  }
0x46: {  	_ =	shalt  }
0x47: {  	_ =	shalt  }
0x48: {  	_ =	shalt  }
0x49: {  	_ =	shalt  }
0x4a: {  	_ =	shalt  }
0x4b: {  	_ =	shalt  }
0x4c: {  	_ =	shalt  }
0x4d: {  	_ =	shalt  }
0x4e: {  	_ =	shalt  }
0x4f: {  	_ =	shalt  }
0x50: {  	_ =	shalt  }
0x51: {  	_ =	shalt  }
0x52: {  	_ =	shalt  }
0x53: {  	_ =	shalt  }
0x54: {  	_ =	shalt  }
0x55: {  	_ =	shalt  }
0x56: {  	_ =	shalt  }
0x57: {  	_ =	shalt  }
0x58: {  	_ =	shalt  }
0x59: {  	_ =	shalt  }
0x5a: {  	_ =	shalt  }
0x5b: {  	_ =	shalt  }
0x5c: {  	_ =	shalt  }
0x5d: {  	_ =	shalt  }
0x5e: {  	_ =	shalt  }
0x5f: {  	_ =	shalt  }
0x60: {  	_ =	shalt  }
0x61: {  	_ =	shalt  }
0x62: {  	_ =	shalt  }
0x63: {  	_ =	shalt  }
0x64: {  	_ =	shalt  }
0x65: {  	_ =	shalt  }
0x66: {  	_ =	shalt  }
0x67: {  	_ =	shalt  }
0x68: {  	_ =	shalt  }
0x69: {  	_ =	shalt  }
0x6a: {  	_ =	shalt  }
0x6b: {  	_ =	shalt  }
0x6c: {  	_ =	shalt  }
0x6d: {  	_ =	shalt  }
0x6e: {  	_ =	shalt  }
0x6f: {  	_ =	shalt  }
0x70: {  	_ =	shalt  }
0x71: {  	_ =	shalt  }
0x72: {  	_ =	shalt  }
0x73: {  	_ =	shalt  }
0x74: {  	_ =	shalt  }
0x75: {  	_ =	shalt  }
0x76: {  	_ =	shalt  }
0x77: {  	_ =	shalt  }
0x78: {  	_ =	shalt  }
0x79: {  	_ =	shalt  }
0x7a: {  	_ =	shalt  }
0x7b: {  	_ =	shalt  }
0x7c: {  	_ =	shalt  }
0x7d: {  	_ =	shalt  }
0x7e: {  	_ =	shalt  }
0x7f: {  	_ =	shalt  }
0x80: {  	_ =	shalt  }
0x81: {  	_ =	shalt  }
0x82: {  	_ =	shalt  }
0x83: {  	_ =	shalt  }
0x84: {  	_ =	shalt  }
0x85: {  	_ =	shalt  }
0x86: {  	_ =	shalt  }
0x87: {  	_ =	shalt  }
.Lfunc_end0:
.L_simem_size_0:
called_computation.2_lowered:
.L_overlay_start_0:
0x88: {  	s2 =	sld [smem:$0x3FD9]  }
0x89: {  	s3 =	sld [smem:$0x3FFE];
	_ =	sdelay $0x1  }
0x8a: {  	s1 =	srdreg.scid  }
0x8b: {  	s0 =	sand.u32 $0x1, s1  }
0x8c: {  	s16 =	sshll.u32 s0, $0xA;
	s2 =	sadd.s32 s3, s2  }
0x8d: {  	s2 =	sadd.s32 s2, s16  }
0x8e: {  	[smem:$0x3F9A] =	sst s2  }
0x8f: {  	_ = 	snop  }
0x90: {  	(tm) =	ssettm $0x1  }
0x91: {  	s17 =	sld [smem:$0x3FFB];
	_ =	sdelay $0x3  }
0x92: {  	_ =	strace s17  }
0x93: {  	s2 =	sld [smem:$0x3FFC];
	_ =	sdelay $0x3  }
0x94: {  	_ =	strace s2  }
0x95: {  	s2 =	sld [smem:$0x3FFD];
	_ =	sdelay $0x3  }
0x96: {  	_ =	strace s2  }
0x97: {  	_ =	strace $0x8FFFFFFF  }
0x98: {  	s18 =	sld [smem:$0x3FDB];
	_ =	sdelay $0x1  }
0x99: {  	s19 =	simm.s32 $_scs_section_size  }
0x9a: {  	s4 =	simm.s32 $_size__tile_overlayer_lowered;
	s5 =	simm.s32 $_tile_overlayer_lowered  }
0x9b: {  	s22 =	simm.s32 $0x1BFF;
	s21 =	sshll.u32 s5, $0x1;
	s2 =	sadd.s32 s19, s18  }
0x9c: {  	s6 =	simm.s32 $0x0;
	s20 =	sshll.u32 s4, $0x1;
	s4 =	sadd.s32 s21, s2  }
0x9d: {  	[timem:s6], [sflag:s22] =	dma.local [hbm:s4], s20  }
0x9e: {  	_ =	swait.ge [sflag:s22], s20  }
0x9f: {  	s3 =	ssub.s32 $0x0, s20;
	[sflag:s22] =	ssyncset.done $0x0  }
0xa0: {  	[sflag:s22] =	ssyncadd.s32 s3;
	_ =	sdelay $0x1  }
0xa1: {  	s23 =	simm.s32 $0x1B8B  }
0xa2: {  	_ =	swait.ge [sflag:s23], $0x1  }
0xa3: {  	[sflag:s23] =	ssyncset.done $0x0  }
0xa4: {  	s25 =	simm.s32 $0x1B8E;
	s24 =	sld [smem:$0x3FFE];
	[sflag:s23] =	ssyncadd.s32 $0xFFFFFFFF  }
0xa5: {  	s26 =	simm.s32 $execute0_lowered;
	[smem:$0x3FD2] =	sst s25  }
0xa6: {  	s4 =	sshll.u32 s26, $0x1;
	_ =	strace $0x8000005A;
	[dreg:$0x1] =	wrdreg $0xFFFFFFFF  }
0xa7: {  	s28 =	simm.s32 $_size_execute0_lowered;
	s2 =	sadd.s32 s2, s4;
	[dreg:$0x0] =	wrdreg $0x0  }
0xa8: {  	s4 =	sshll.u32 s28, $0x1;
	[dreg:$0x2] =	wrdreg s2  }
0xa9: {  	[dreg:$0x3] =	wrdreg s4  }
0xaa: {  	[dreg:$0x4] =	wrdreg $0xC0  }
0xab: {  	_ =	task [dreg:s6], $0x5FFFF  }
0xac: {  	[dreg:$0x1] =	wrdreg $0xFFFFFFFF  }
0xad: {  	[dreg:$0x0] =	wrdreg $0x60  }
0xae: {  	[dreg:$0x2] =	wrdreg s24  }
0xaf: {  	[dreg:$0x3] =	wrdreg $0x9  }
0xb0: {  	_ =	task.clear_ibuf [dreg:s6], $0x4FFFF;
	_ =	strace $0x9000005A  }
0xb1: {  	s29 =	simm.s32 $0x9;
	_ =	strace $0x80000063  }
0xb2: {  	_ =	swait.ge [sflag:s29], $0x1  }
0xb3: {  	[sflag:s29] =	ssyncadd.s32 $0xFFFFFFFF  }
0xb4: {  	_ =	strace $0x90000063  }
0xb5: {  	_ =	sfence  }
0xb6: {  	s30 =	sld [smem:$0x0];
	_ =	sdelay $0x2  }
0xb7: {  	s31 =	sshll.u32 s1, $0xD;
	s1 =	sshrl.u32 s1, $0x2  }
0xb8: {  	s3 =	sand.u32 $0x4000, s31;
	s1 =	sadd.s32 s1, s30  }
0xb9: {  	s0 =	sor.u32 s3, s0;
	s1 =	sshll.u32 s1, $0x11  }
0xba: {  	s0 =	sor.u32 s1, s0  }
0xbb: {  	s0 =	sadd.s32 $0x8F2B, s0  }
0xbc: {  	[sflag:s0] =	ssyncadd.remote.s32 $0x1  }
0xbd: {  	_ =	sfence.sel $0xFFFF  }
0xbe: {  	[dreg:$0x0] =	wrdreg $0xFFFFFFFF;
	(pc) =	sbr.abs _section_cstart, $3  }
0xbf: {  	[dreg:$0x1] =	wrdreg $0xFFFFFFFF  }
0xc0: {  	_ =	task.clear_ibuf [dreg:s6], $0x2FFFF;
	_ =	strace $0x9FFFFFFF  }
0xc1: {  	(tm) =	ssettm $0x7FFFFFFF  }
tec
execute0_lowered:
.L_overlay_start_1:
0x0: {  	(tag) =	ssettag $0x1  }
0x1: {  	s4 =	rddreg [dreg:$0x0];
	s1 =	srdreg.scid  }
0x2: {  	s0 =	rddreg [dreg:$0x1];
	s2 =	simm.s32 $0x0;
	s9 =	simm.s32 $0x1  }
0x3: {  	s10 =	simm.s32 $0x80;
	s11 =	simm.s32 $0x0;
	s5 =	sand.u32 $0x1, s1  }
0x4: {  	s1 =	stileid.u32;
	[smem:$0x7FF] =	sst s2;
	s3 =	sshll.u32 s5, $0x4  }
0x5: {  	s6 =	sadd.s32 $0x33C00, s4;
	s8 =	sadd.s32 $0x81E00, s4;
	s3 =	sor.u32 s1, s3  }
0x6: {  	_ =	strace $0x8000005B;
	[dreg:$0x2] =	wrdreg s6;
	s7 =	smul.u32 $0x9, s3  }
0x7: {  	s4 =	sadd.s32 $0x32800, s4;
	[dreg:$0x4] =	wrdreg s8;
	s6 =	smul.u32 $0xA, s3  }
0x8: {  	s29 =	ssub.s32 $0x2, s5;
	p0 =	slt.u32 s3, $0x19;
	s3 =	sadd.s32 $0x19, s7  }
0x9: {  	s5 =	simm.s32 $0xA;
	[dreg:$0x3] =	wrdreg s10;
	s3 =	smov.u32 @p0 s6  }
0xa: {  	s10 =	simm.s32 $0x5;
	s31 =	sshrl.u32 s29, $0x1;
	s30 =	sshll.u32 s3, $0x4  }
0xb: {  	s8 =	ssub.s32 s29, s31;
	s5 =	simm.s32 @!p0 $0x9;
	s7 =	sand.u32 $0x1FFFFFF0, s30  }
0xc: {  	s8 =	smax.u32 s8, $0x1;
	s6 =	sadd.s32 s4, s7;
	s7 =	sadd.s32 $0xFFFFFFFF, s5  }
.LBB2_1:
0xd: {  	_ =	strace $0x8000005C;
	p2 =	sne.s32 s5, $0x1  }
.Ltmp0:
0xe: {  	p0 =	seq.s32 s5, $0x1;
	s13 =	simm.s32 $0x1;
	(pc) =	sbr.rel @!p2 .LBB2_2-.Ltmp0, $4  }
0xf: {  	[tilespmem:s2], [sflag:$0x1] =	stream.linear.gather [hbm4b:s6+s2], $0x80, $0x200038;
	[tilespmem:$0x8100] =	vst v63  }
0x10: {  	s12 =	simm.s32 $0x1;
	p1 =	por $0x1, $0x1;
	s13 =	simm.s32 @p0 $0x0  }
0x11: {  	p6 =	sgt.u32 s7, $0x0;
	p4 =	por p1, p1;
	p3 =	sne.s32 s13, $0x0  }
0x12: {  	_ =	strace $0x9000005C;
	p5 =	por !p6, !p3;
	p6 =	por $0x0, $0x0  }
0x13: {  	p2 =	por !p5, !p5  }
0x14: {  	s21 =	sand.u32 $0x1, s2;
	s19 =	simm.s32 $0x2;
	s14 =	sadd.s32 @p2 s3, s13  }
0x15: {  	p1 =	por p3, p3;
	s15 =	sand.u32 @p2 $0x1, s9;
	s14 =	sshll.u32 @p2 s14, $0x4  }
0x16: {  	_ =	strace @p2 $0x8000005D;
	s17 =	simm.s32 @p2 $0x0;
	s14 =	sand.u32 @p2 $0x1FFFFFF0, s14  }
0x17: {  	s16 =	sshll.u32 @p2 s15, $0x7;
	s15 =	sadd.s32 @p2 $0x1, s15;
	s14 =	sadd.s32 @p2 s4, s14  }
0x18: {  	[tilespmem:s16], [sflag:s15] =	stream.linear.gather @p2 [hbm4b:s14+s17], $0x80, $0x200038;
	[tilespmem:$0x8100] =	vst v63  }
0x19: {  	s30 =	simm.s32 $0x0;
	p6 =	por $0x0, $0x0;
	_ =	strace @p2 $0x9000005D  }
0x1a: {  	p0 =	sne.s32 s5, $0x2;
	s29 =	sadd.s32 $0x1, s21;
	_ =	strace $0x8000005E  }
0x1b: {  	s24 =	sadd.s32 $0x0, s3;
	p5 =	sgt.u32 s7, $0x1;
	_ =	swait.ge [sflag:s29], $0x80  }
0x1c: {  	s23 =	simm.s32 $0x1;
	s22 =	sshll.u32 s21, $0xE;
	[sflag:s29] =	ssyncset.done $0x0  }
0x1d: {  	s22 =	sor.u32 $0x100, s22;
	s16 =	sand.u32 @!p4 $0x1, s2;
	[sflag:s29] =	ssyncadd.s32 $0xFFFFFF80  }
0x1e: {  	s15 =	simm.s32 $0x1;
	s17 =	sadd.s32 $0x1, s13;
	_ =	strace $0x9000005E  }
0x1f: {  	s14 =	sand.u32 $0x80, s30;
	s15 =	simm.s32 @!p2 $0x0;
	_ =	strace $0x8000005F  }
0x20: {  	p2 =	por p4, p4;
	p4 =	por p6, p6;
	s20 =	rddreg [dreg:$0x3]  }
0x21: {  	p3 =	seq.s32 s17, s5;
	p6 =	seq.s32 s7, $0x0;
	s31 =	rddreg [dreg:$0x2]  }
0x22: {  	[tilespmem:s22], [sflag:$0x5] =	stream.indirect.gather [hbm4b:s31+s20], $0x80, s14, s20, $0x2000b8;
	[tilespmem:$0x8100] =	vst v63  }
.Ltmp1:
0x23: {  	s18 =	sadd.s32 $0x1, s15;
	s17 =	simm.s32 @p3 $0x0;
	(pc) =	sbr.rel @!p0 .LBB2_4-.Ltmp1, $4  }
0x24: {  	p1 =	por p6, p1;
	p6 =	por $0x0, $0x0;
	_ =	swait.ge [sflag:s10], $0x4000  }
0x25: {  	s15 =	simm.s32 $0x0;
	p3 =	sne.s32 s13, s17;
	[sflag:s10] =	ssyncset.done $0x0  }
0x26: {  	s23 =	simm.s32 @!p6 $0x0;
	p5 =	por !p5, !p3;
	[sflag:s10] =	ssyncadd.s32 $0xFFFFC000  }
0x27: {  	s14 =	simm.s32 $0x0;
	s20 =	simm.s32 $0x0;
	_ =	strace $0x9000005F  }
.LBB2_5:
0x28: {  	_ =	strace @p1 $0x80000060;
	s14 =	sadd.s32 s23, s14;
	s23 =	smov.u32 s12  }
0x29: {  	s12 =	smov.u32 s19;
	s19 =	sadd.s32 $0x1, s19;
	p0 =	por p3, p3  }
0x2a: {  	s29 =	sshll.u32 @p1 s24, $0xB;
	s21 =	sadd.s32 @p1 $0x3, s21;
	s25 =	simm.s32 @!p0 $0x0  }
0x2b: {  	s26 =	rddreg [dreg:$0x4];
	s29 =	sand.u32 @p1 $0x1FFFF800, s29;
	s25 =	simm.s32 @p0 $0x1  }
0x2c: {  	s26 =	sadd.s32 @p1 s26, s29;
	s29 =	simm.s32 @p1 $0x0;
	p0 =	sne.s32 s5, s19  }
0x2d: {  	[hbm4b:s26+s29] =	stream.linear.scatter @p1 [tilespmem:s22], [sflag:s21], $0x4000, $0x200038;
	[tilespmem:$0x8100] =	vst v63  }
0x2e: {  	s21 =	sadd.s32 @!p2 $0x3, s16;
	s16 =	simm.s32 @!p0 $0x0  }
0x2f: {  	s28 =	simm.s32 $0x1;
	[smem:$0x7FC] =	sst s25;
	s16 =	simm.s32 @p0 $0x1  }
0x30: {  	s28 =	simm.s32 @!p1 $0x0;
	_ =	strace @p1 $0x90000060;
	[smem:$0x7FD] =	sst s16  }
0x31: {  	s20 =	sadd.s32 s28, s20;
	s25 =	sand.u32 @!p4 $0x1, s14;
	_ =	strace @!p2 $0x80000061  }
0x32: {  	p1 =	por !p5, !p5;
	s16 =	smov.u32 s25;
	_ =	swait.ge @!p2 [sflag:s21], $0x4000  }
0x33: {  	s22 =	sand.u32 @p1 $0x1, s18;
	s25 =	sadd.s32 @p1 s3, s17;
	[sflag:s21] =	ssyncset.done @!p2 $0x0  }
0x34: {  	s26 =	sshll.u32 @p1 s22, $0x7;
	s25 =	sshll.u32 @p1 s25, $0x4;
	[sflag:s21] =	ssyncadd.s32 @!p2 $0xFFFFC000  }
0x35: {  	s21 =	sadd.s32 @p1 $0x1, s22;
	s22 =	sand.u32 @p1 $0x1FFFFFF0, s25;
	_ =	strace @!p2 $0x90000061  }
0x36: {  	s25 =	simm.s32 @p1 $0x0;
	s22 =	sadd.s32 @p1 s4, s22;
	_ =	strace @p1 $0x8000005D  }
0x37: {  	[tilespmem:s26], [sflag:s21] =	stream.linear.gather @p1 [hbm4b:s22+s25], $0x80, $0x200038;
	[tilespmem:$0x8100] =	vst v63  }
0x38: {  	s15 =	sadd.s32 s28, s15;
	s28 =	sand.u32 $0x1, s20;
	_ =	strace @p1 $0x9000005D  }
0x39: {  	s28 =	sadd.s32 $0x1, s28;
	_ =	strace $0x8000005E  }
0x3a: {  	_ =	swait.ge [sflag:s28], $0x80  }
0x3b: {  	[sflag:s28] =	ssyncset.done $0x0  }
0x3c: {  	s21 =	simm.s32 $0x1;
	[sflag:s28] =	ssyncadd.s32 $0xFFFFFF80  }
0x3d: {  	s21 =	simm.s32 @!p1 $0x0;
	_ =	strace $0x9000005E  }
0x3e: {  	s18 =	sadd.s32 s21, s18;
	s21 =	sand.u32 $0x1, s15;
	_ =	strace $0x8000005F  }
0x3f: {  	s31 =	sshll.u32 s20, $0x7;
	s29 =	sshll.u32 s21, $0xE;
	s25 =	rddreg [dreg:$0x3]  }
0x40: {  	s31 =	sand.u32 $0x80, s31;
	s22 =	sor.u32 $0x100, s29;
	s26 =	rddreg [dreg:$0x2]  }
0x41: {  	[tilespmem:s22], [sflag:$0x5] =	stream.indirect.gather [hbm4b:s26+s25], $0x80, s31, s25, $0x2000b8;
	[tilespmem:$0x8100] =	vst v63  }
0x42: {  	_ =	swait.ge [sflag:s10], $0x4000  }
0x43: {  	[sflag:s10] =	ssyncset.done $0x0  }
0x44: {  	[sflag:s10] =	ssyncadd.s32 $0xFFFFC000  }
0x45: {  	s30 =	sadd.s32 $0x1, s17;
	_ =	strace $0x9000005F  }
0x46: {  	s24 =	sadd.s32 s3, s13;
	s13 =	smov.u32 s17;
	s31 =	sld [smem:$0x7FD]  }
0x47: {  	p0 =	sne.s32 s23, $0x0;
	s17 =	smov.u32 s30;
	p1 =	seq.s32 s30, s5  }
0x48: {  	s17 =	simm.s32 @p1 $0x0;
	p1 =	seq.s32 s7, s23;
	s23 =	simm.s32 $0x1  }
0x49: {  	s23 =	simm.s32 @!p0 $0x0;
	p0 =	seq.s32 s31, $0x1  }
.Ltmp2:
0x4a: {  	s30 =	sld [smem:$0x7FC];
	(pc) =	sbr.rel @p0 .LBB2_5-.Ltmp2, $4  }
0x4b: {  	p3 =	seq.s32 s12, $0x0  }
0x4c: {  	p6 =	por p3, p3;
	p5 =	slt.u32 s12, s7  }
0x4d: {  	p2 =	por p4, p4;
	p3 =	sne.s32 s13, s17;
	p4 =	seq.s32 s30, $0x1  }
0x4e: {  	p5 =	por !p5, !p3;
	p1 =	por p1, p4;
	p4 =	por p6, p6  }
0x4f: {  	p6 =	por $0x1, $0x1  }
.LBB2_7:
0x50: {  	p0 =	por !p1, !p6  }
0x51: {  	s25 =	simm.s32 $0x1;
	_ =	strace @!p0 $0x80000060;
	s24 =	sshll.u32 @!p0 s24, $0xB  }
0x52: {  	p2 =	por p2, !p6;
	s19 =	rddreg [dreg:$0x4];
	s24 =	sand.u32 @!p0 $0x1FFFF800, s24  }
0x53: {  	s21 =	sadd.s32 @!p0 $0x3, s21;
	s19 =	sadd.s32 @!p0 s19, s24;
	s24 =	simm.s32 @!p0 $0x0  }
0x54: {  	[hbm4b:s19+s24] =	stream.linear.scatter @!p0 [tilespmem:s22], [sflag:s21], $0x4000, $0x200038;
	[tilespmem:$0x8100] =	vst v63  }
0x55: {  	p1 =	por !p5, !p5;
	s25 =	simm.s32 @p0 $0x0;
	_ =	strace @!p0 $0x90000060  }
0x56: {  	s16 =	sadd.s32 @!p2 $0x3, s16;
	s17 =	sadd.s32 @p1 s3, s17;
	_ =	strace @!p2 $0x80000061  }
0x57: {  	s18 =	sand.u32 @p1 $0x1, s18;
	s17 =	sshll.u32 @p1 s17, $0x4;
	_ =	swait.ge @!p2 [sflag:s16], $0x4000  }
0x58: {  	s17 =	sand.u32 @p1 $0x1FFFFFF0, s17;
	s19 =	sadd.s32 @p6 s25, s20;
	[sflag:s16] =	ssyncset.done @!p2 $0x0  }
0x59: {  	s20 =	simm.s32 $0x0;
	s17 =	sadd.s32 @p1 s4, s17;
	[sflag:s16] =	ssyncadd.s32 @!p2 $0xFFFFC000  }
0x5a: {  	s20 =	smov.u32 @p6 s19;
	s19 =	sshll.u32 @p1 s18, $0x7;
	_ =	strace @!p2 $0x90000061  }
0x5b: {  	s16 =	sadd.s32 @p1 $0x1, s18;
	s18 =	simm.s32 @p1 $0x0;
	_ =	strace @p1 $0x8000005D  }
0x5c: {  	[tilespmem:s19], [sflag:s16] =	stream.linear.gather @p1 [hbm4b:s17+s18], $0x80, $0x200038;
	[tilespmem:$0x8100] =	vst v63  }
0x5d: {  	s26 =	sand.u32 $0x1, s20;
	_ =	strace @p1 $0x9000005D  }
0x5e: {  	s16 =	sadd.s32 $0x1, s26;
	_ =	strace $0x8000005E  }
0x5f: {  	_ =	swait.ge [sflag:s16], $0x80  }
0x60: {  	[sflag:s16] =	ssyncset.done $0x0  }
0x61: {  	s15 =	sadd.s32 @p6 s25, s15;
	[sflag:s16] =	ssyncadd.s32 $0xFFFFFF80;
	s16 =	simm.s32 $0x0  }
0x62: {  	_ =	strace $0x9000005E;
	s16 =	smov.u32 @p6 s15  }
0x63: {  	_ =	strace $0x8000005F;
	s16 =	sand.u32 $0x1, s16  }
0x64: {  	s30 =	sshll.u32 s20, $0x7;
	s28 =	rddreg [dreg:$0x3];
	s31 =	sshll.u32 s16, $0xE  }
0x65: {  	s18 =	sand.u32 $0x80, s30;
	s29 =	rddreg [dreg:$0x2];
	s19 =	sor.u32 $0x100, s31  }
0x66: {  	[tilespmem:s19], [sflag:$0x5] =	stream.indirect.gather [hbm4b:s29+s28], $0x80, s18, s28, $0x2000b8;
	[tilespmem:$0x8100] =	vst v63  }
0x67: {  	_ =	swait.ge [sflag:s10], $0x4000  }
0x68: {  	p3 =	por p3, p3;
	[sflag:s10] =	ssyncset.done $0x0  }
0x69: {  	p5 =	seq.s32 s7, s12;
	s13 =	sadd.s32 s3, s13;
	[sflag:s10] =	ssyncadd.s32 $0xFFFFC000  }
0x6a: {  	s14 =	sadd.s32 @p6 s23, s14;
	p1 =	por p5, p3;
	_ =	strace $0x9000005F  }
0x6b: {  	s17 =	simm.s32 $0x0;
	s13 =	sshll.u32 @p1 s13, $0xB;
	_ =	strace @p1 $0x80000060  }
0x6c: {  	s17 =	smov.u32 @p6 s14;
	s13 =	sand.u32 @p1 $0x1FFFF800, s13;
	s15 =	rddreg [dreg:$0x4]  }
0x6d: {  	s14 =	sadd.s32 @p1 $0x3, s16;
	s13 =	sadd.s32 @p1 s15, s13;
	s15 =	simm.s32 @p1 $0x0  }
0x6e: {  	[hbm4b:s13+s15] =	stream.linear.scatter @p1 [tilespmem:s19], [sflag:s14], $0x4000, $0x200038;
	[tilespmem:$0x8100] =	vst v63  }
0x6f: {  	p0 =	por p4, p4;
	s13 =	sand.u32 @!p4 $0x1, s17;
	_ =	strace @p1 $0x90000060  }
0x70: {  	s13 =	sadd.s32 @!p0 $0x3, s13;
	_ =	strace @!p0 $0x80000061  }
0x71: {  	p1 =	sne.s32 s12, $0x0;
	s12 =	simm.s32 $0x1;
	_ =	swait.ge @!p0 [sflag:s13], $0x4000  }
0x72: {  	s12 =	simm.s32 @!p1 $0x0;
	[sflag:s13] =	ssyncset.done @!p0 $0x0  }
0x73: {  	s11 =	sadd.s32 $0x1, s11;
	s12 =	sadd.s32 s12, s17;
	[sflag:s13] =	ssyncadd.s32 @!p0 $0xFFFFC000  }
0x74: {  	s12 =	sand.u32 $0x1, s12;
	_ =	strace @!p0 $0x90000061;
	p0 =	sne.s32 s11, s8  }
.Ltmp3:
0x75: {  	s12 =	sadd.s32 $0x3, s12;
	_ =	strace $0x80000062;
	(pc) =	sbr.rel @p0 .LBB2_1-.Ltmp3, $4  }
.Ltmp4:
0x76: {  	_ =	swait.ge [sflag:s12], $0x4000;
	(pc) =	sbr.rel @!p0 .LBB2_8-.Ltmp4, $4  }
0x77: {  	[sflag:s12] =	ssyncset.done $0x0  }
0x78: {  	[sflag:s12] =	ssyncadd.s32 $0xFFFFC000  }
0x79: {  	_ =	strace $0x90000062  }
0x7a: {  	_ = 	snop  }
.LBB2_2:
.Ltmp5:
0x7b: {  	(pc) =	sbr.rel .LBB2_7-.Ltmp5, $4  }
0x7c: {  	_ = 	snop  }
0x7d: {  	s14 =	simm.s32 $0x0  }
0x7e: {  	s12 =	simm.s32 $0x0;
	s15 =	simm.s32 $0x0;
	s17 =	smov.u32 s13  }
0x7f: {  	s20 =	simm.s32 $0x0;
	s18 =	simm.s32 $0x1;
	s13 =	simm.s32 $0x0  }
.LBB2_4:
.Ltmp6:
0x80: {  	(pc) =	sbr.rel .LBB2_7-.Ltmp6, $3  }
0x81: {  	_ =	sdelay $0x1  }
0x82: {  	s14 =	simm.s32 $0x0  }
0x83: {  	s15 =	simm.s32 $0x0;
	s20 =	simm.s32 $0x0;
	p6 =	por $0x1, $0x1  }
.LBB2_8:
0x84: {  	_ =	sfence.sel $0x180000  }
0x85: {  	[bflag:$0x0] =	sbarrier.arrive $0xFFFF  }
0x86: {  	p0 =	sne.s32 s1, $0x0;
	_ =	strace $0x9000005B  }
0x87: {  	s0 =	sadd.s32 @!p0 $0x100000, s0;
	[bflag:$0x2] =	sbarrier.arrive $0xFFFF  }
0x88: {  	[sflag:s0] =	ssyncadd.tile.s32 @!p0 $0x1;
	_ =	shalt  }
.Lfunc_end2:
_tile_overlayer_lowered:
.L_overlay_start_2:
0x89: {  	(tag) =	ssettag $0x2  }
0x8a: {  	s0 =	rddreg [dreg:$0x0];
	s2 =	stileid.u32  }
0x8b: {  	s1 =	rddreg [dreg:$0x1];
	p0 =	sne.s32 s2, $0x0  }
0x8c: {  	s3 =	rddreg [dreg:$0x2];
	[bflag:$0x3] =	sbarrier.arrive $0xFFFF;
	s2 =	simm.s32 @!p0 $0x1C01  }
0x8d: {  	[timem:s3], [sflag:s2] =	dma.local @!p0 [hbm:s0], s1  }
0x8e: {  	s0 =	simm.s32 @!p0 $0x1  }
0x8f: {  	_ =	swait.ge @!p0 [sflag:s0], s1  }
0x90: {  	s1 =	ssub.s32 @!p0 $0x0, s1;
	[sflag:s0] =	ssyncset.done @!p0 $0x0  }
0x91: {  	[sflag:s0] =	ssyncadd.s32 @!p0 s1  }
0x92: {  	[bflag:$0x3] =	sbarrier.arrive $0xFFFF  }
0x93: {  	_ =	shalt  }

</sc_bundles>
